<compile_context>
chip_gen: v7x
topology: tpu7x:2x2x1
jax: 0.10.2.dev20260603
libtpu: 0.0.44.dev20260713+nightly
codegen_flags: <defaults>
</compile_context>

<pallas_src>
import functools

import jax
import jax.numpy as jnp
from jax import lax
from jax.experimental import pallas as pl
from jax.experimental.pallas import tpu as pltpu
from jax.experimental.pallas import tpu_sc as plsc

EMBED = 256
HEADS = 8
HD = EMBED // HEADS
KC = 128
KF = 512
B = 8

_PREC = lax.Precision.DEFAULT


def _dot(a, b):
    return lax.dot_general(a, b, (((1,), (0,)), ((), ())),
                           preferred_element_type=jnp.float32, precision=_PREC)


def _dotT(a, b):
    return lax.dot_general(a, b, (((1,), (1,)), ((), ())),
                           preferred_element_type=jnp.float32, precision=_PREC)


def _dotL(a, b):
    return lax.dot_general(a, b, (((0,), (1,)), ((), ())),
                           preferred_element_type=jnp.float32, precision=_PREC)


def _ln_rows(x, w, b):
    m = jnp.mean(x, axis=-1, keepdims=True)
    v = jnp.mean((x - m) ** 2, axis=-1, keepdims=True)
    return (x - m) / jnp.sqrt(v + 1e-5) * w + b


def _silu(x):
    return x * jax.nn.sigmoid(x)



def _tok_body(x_ref, win_ref, nw_ref, nb_ref, w1_ref, b1_ref, w2_ref, b2_ref,
              tlo_ref, thi_ref, s_ref):
    x = x_ref[0]
    t = _dotL(x, win_ref[...])
    tlo_ref[...] = t[:, :128]
    thi_ref[...] = t[:, 128:]
    m = jnp.sum(t, axis=-1, keepdims=True) * (1.0 / EMBED)
    v = jnp.sum(t * t, axis=-1, keepdims=True) * (1.0 / EMBED) - m * m
    inv = 1.0 / jnp.sqrt(v + 1e-5)
    nt = (t - m) * inv * nw_ref[...] + nb_ref[...]
    h = _silu(_dotT(nt, w1_ref[...]) + b1_ref[...])
    hb = h.astype(jnp.bfloat16).astype(jnp.float32)
    wb = w2_ref[...].astype(jnp.bfloat16).astype(jnp.float32)
    s = jnp.sum(hb * wb, axis=-1) + b2_ref[0, 0]
    s_ref[0, 0, 0] = s


def _tokenize(x, win, nw, nb, w1, b1, w2, b2, chunk):
    Bx, C, S = x.shape
    grid = (Bx, S // chunk)
    return pl.pallas_call(
        _tok_body,
        grid=grid,
        in_specs=[
            pl.BlockSpec((1, C, chunk), lambda b, s: (b, 0, s)),
            pl.BlockSpec((EMBED, C), lambda b, s: (0, 0)),
            pl.BlockSpec((1, EMBED), lambda b, s: (0, 0)),
            pl.BlockSpec((1, EMBED), lambda b, s: (0, 0)),
            pl.BlockSpec((64, EMBED), lambda b, s: (0, 0)),
            pl.BlockSpec((1, 64), lambda b, s: (0, 0)),
            pl.BlockSpec((1, 64), lambda b, s: (0, 0)),
            pl.BlockSpec((1, 1), lambda b, s: (0, 0), memory_space=pltpu.SMEM),
        ],
        out_specs=[
            pl.BlockSpec((chunk, 128),
                         lambda b, s, n=S // chunk: (b * n + s, 0)),
            pl.BlockSpec((chunk, 128),
                         lambda b, s, n=S // chunk: (b * n + s, 0)),
            pl.BlockSpec((1, 1, 1, chunk), lambda b, s: (b, s, 0, 0)),
        ],
        out_shape=[
            jax.ShapeDtypeStruct((Bx * S, 128), jnp.float32),
            jax.ShapeDtypeStruct((Bx * S, 128), jnp.float32),
            jax.ShapeDtypeStruct((Bx, S // chunk, 1, chunk), jnp.float32),
        ],
    )(x, win, nw, nb, w1, b1, w2, b2)



def _monotone_u32(s):
    raw = lax.bitcast_convert_type(s, jnp.uint32)
    top = jnp.uint32(0x80000000)
    return jnp.where(raw >= top, ~raw, raw | top)


def _cumsum_lanes(x):
    Bx, S = x.shape
    d = 1
    while d < S:
        sh = jnp.concatenate([jnp.zeros((Bx, d), x.dtype), x[:, :-d]], axis=1)
        x = x + sh
        d *= 2
    return x


def _kth_threshold(u, k):
    Bx = u.shape[0]
    T0 = jnp.zeros((Bx, 1), jnp.uint32)

    def body(i, T):
        bit = lax.shift_left(jnp.uint32(1), jnp.uint32(31) - i.astype(jnp.uint32))
        Ttry = T | bit
        c = jnp.sum((u >= Ttry).astype(jnp.int32), axis=1, keepdims=True)
        return jnp.where(c >= k, Ttry, T)

    return lax.fori_loop(0, 32, body, T0)


def _select_mask(u, k):
    T = _kth_threshold(u, k)
    gt = u > T
    eq = u == T
    n_gt = jnp.sum(gt.astype(jnp.int32), axis=1, keepdims=True)
    need = k - n_gt
    excl = _cumsum_lanes(eq.astype(jnp.int32)) - eq.astype(jnp.int32)
    return gt | (eq & (excl < need))


def _compact(sel, k, s_chunk):
    Bx, S = sel.shape
    c = _cumsum_lanes(sel.astype(jnp.float32))
    jg = lax.broadcasted_iota(jnp.int32, (1, 1, k), 2).astype(jnp.float32)
    acc = jnp.zeros((Bx, k), jnp.float32)
    for s0 in range(0, S, s_chunk):
        cc = c[:, s0:s0 + s_chunk, None]
        acc = acc + jnp.sum((cc <= jg).astype(jnp.float32), axis=1)
    return acc.astype(jnp.int32)


def _select_body(ks, s_ref, *out_refs):
    s = s_ref[...]
    u = _monotone_u32(s)
    Bx, S = s.shape
    for k, ref in zip(ks, out_refs):
        sel = _select_mask(u, k)
        loc = _compact(sel, k, min(S, 512))
        ref[...] = loc + S * lax.broadcasted_iota(jnp.int32, (Bx, k), 0)


def _topk_idx(scores, ks):
    Bx, S = scores.shape
    return pl.pallas_call(
        functools.partial(_select_body, ks),
        in_specs=[pl.BlockSpec((Bx, S), lambda: (0, 0))],
        out_specs=[pl.BlockSpec((Bx, k), lambda: (0, 0)) for k in ks],
        out_shape=[jax.ShapeDtypeStruct((Bx, k), jnp.int32) for k in ks],
    )(scores)



_SC_MESH = plsc.VectorSubcoreMesh(core_axis_name="c", subcore_axis_name="s")


def _gather_all(tabs, ic0, ic1, ic2, fi0, fi1):
    CPER = B * KC // 32
    FPER = B * KF // 32

    (t0l, t0h), (t1l, t1h), (t2l, t2h) = tabs
    pln = jax.ShapeDtypeStruct

    @functools.partial(
        pl.kernel,
        out_type=(pln((B * 3 * KC, 128), jnp.float32),
                  pln((B * 3 * KC, 128), jnp.float32),
                  pln((B * KF, 128), jnp.float32),
                  pln((B * KF, 128), jnp.float32),
                  pln((B * KF, 128), jnp.float32),
                  pln((B * KF, 128), jnp.float32)),
        mesh=_SC_MESH,
        scratch_types=[
            pltpu.VMEM((CPER,), jnp.int32),
            pltpu.VMEM((CPER, 128), jnp.float32),
            pltpu.VMEM((FPER,), jnp.int32),
            pltpu.VMEM((FPER, 128), jnp.float32),
            pltpu.SemaphoreType.DMA,
        ],
    )
    def k(t0l_h, t0h_h, t1l_h, t1h_h, t2l_h, t2h_h,
          i0_h, i1_h, i2_h, f0_h, f1_h,
          gl_h, gh_h, o0l_h, o0h_h, o1l_h, o1h_h,
          ci_v, cr_v, fi_v, fr_v, sem):
        w = lax.axis_index("s") * 2 + lax.axis_index("c")
        b = w // 4
        q = w % 4
        cb_in = w * CPER
        for L, (tl, th, ih) in enumerate(((t0l_h, t0h_h, i0_h),
                                          (t1l_h, t1h_h, i1_h),
                                          (t2l_h, t2h_h, i2_h))):
            cb_out = b * 3 * KC + L * KC + q * CPER
            pltpu.sync_copy(ih.at[pl.ds(cb_in, CPER)], ci_v)
            pltpu.async_copy(tl.at[ci_v], cr_v, sem).wait()
            pltpu.sync_copy(cr_v, gl_h.at[pl.ds(cb_out, CPER)])
            pltpu.async_copy(th.at[ci_v], cr_v, sem).wait()
            pltpu.sync_copy(cr_v, gh_h.at[pl.ds(cb_out, CPER)])
        fbase = w * FPER
        for tl, th, fh, ol, oh in ((t0l_h, t0h_h, f0_h, o0l_h, o0h_h),
                                   (t1l_h, t1h_h, f1_h, o1l_h, o1h_h)):
            pltpu.sync_copy(fh.at[pl.ds(fbase, FPER)], fi_v)
            pltpu.async_copy(tl.at[fi_v], fr_v, sem).wait()
            pltpu.sync_copy(fr_v, ol.at[pl.ds(fbase, FPER)])
            pltpu.async_copy(th.at[fi_v], fr_v, sem).wait()
            pltpu.sync_copy(fr_v, oh.at[pl.ds(fbase, FPER)])

    return k(t0l, t0h, t1l, t1h, t2l, t2h, ic0, ic1, ic2, fi0, fi1)


def _scatter_rows(t0, fi0, rows0, S0, t1, fi1, rows1, S1):
    SCAT = 4 * KF // 16
    pln = jax.ShapeDtypeStruct

    @functools.partial(
        pl.kernel,
        out_type=(pln((B * S0, 128), jnp.float32),
                  pln((B * S0, 128), jnp.float32),
                  pln((B * S1, 128), jnp.float32),
                  pln((B * S1, 128), jnp.float32)),
        mesh=_SC_MESH,
        scratch_types=[
            pltpu.VMEM((SCAT,), jnp.int32),
            pltpu.VMEM((SCAT, 128), jnp.float32),
            pltpu.VMEM((128, 128), jnp.float32),
            pltpu.SemaphoreType.DMA,
        ],
    )
    def k(t0l_h, t0h_h, f0_h, r0l_h, r0h_h, t1l_h, t1h_h, f1_h, r1l_h, r1h_h,
          o0l_h, o0h_h, o1l_h, o1h_h, idx_v, rbuf_v, buf_v, sem):
        cid = lax.axis_index("c")
        sid = lax.axis_index("s")
        for S, t_h, o_h in ((S0, t0l_h, o0l_h), (S0, t0h_h, o0h_h),
                            (S1, t1l_h, o1l_h), (S1, t1h_h, o1h_h)):
            cp = S // 4
            cbase = cid * (4 * S) + sid * cp
            for j in range(cp // 128):
                pltpu.sync_copy(t_h.at[pl.ds(cbase + j * 128, 128)], buf_v)
                pltpu.sync_copy(buf_v, o_h.at[pl.ds(cbase + j * 128, 128)])
        plsc.subcore_barrier()
        sbase = cid * (4 * KF) + sid * SCAT
        for f_h, r_h, o_h in ((f0_h, r0l_h, o0l_h), (f0_h, r0h_h, o0h_h),
                              (f1_h, r1l_h, o1l_h), (f1_h, r1h_h, o1h_h)):
            pltpu.sync_copy(f_h.at[pl.ds(sbase, SCAT)], idx_v)
            pltpu.sync_copy(r_h.at[pl.ds(sbase, SCAT)], rbuf_v)
            pltpu.async_copy(rbuf_v, o_h.at[idx_v], sem).wait()

    return k(*(t0 + (fi0,) + rows0 + t1 + (fi1,) + rows1))



def _attn(q, k, v):
    o = []
    sc = HD ** (-0.5)
    for h in range(HEADS):
        qh = q[:, h * HD:(h + 1) * HD]
        kh = k[:, h * HD:(h + 1) * HD]
        vh = v[:, h * HD:(h + 1) * HD]
        e = jnp.exp(_dotT(qh, kh) * sc)
        r = 1.0 / jnp.sum(e, axis=-1, keepdims=True)
        o.append(_dot(e, vh) * r)
    return jnp.concatenate(o, axis=-1)


def _coarse_body(cl_ref, ch_ref, wq, bq, wk, bk, wv, bv, wp, bp, nw, nb,
                 fw1, fb1, fw2, fb2, cu_ref):
    X = jnp.concatenate([cl_ref[...], ch_ref[...]], axis=1)
    q = _dotT(X, wq[...]) + bq[...]
    k = _dotT(X, wk[...]) + bk[...]
    v = _dotT(X, wv[...]) + bv[...]
    o = _attn(q, k, v)
    cu0 = _dotT(o, wp[...]) + bp[...]
    f = _silu(_dotT(_ln_rows(cu0, nw[...], nb[...]), fw1[...]) + fb1[...])
    cu_ref[0] = _dotT(f, fw2[...]) + fb2[...] + cu0


def _coarse_attn(cl, ch, ws):
    N = cl.shape[0] // B
    specs = [pl.BlockSpec((N, 128), lambda b: (b, 0)),
             pl.BlockSpec((N, 128), lambda b: (b, 0))]
    for w in ws:
        sh = w.shape
        specs.append(pl.BlockSpec(sh, lambda b: (0,) * len(sh)))
    return pl.pallas_call(
        _coarse_body,
        grid=(B,),
        in_specs=specs,
        out_specs=pl.BlockSpec((1, N, EMBED), lambda b: (b, 0, 0)),
        out_shape=jax.ShapeDtypeStruct((B, N, EMBED), jnp.float32),
    )(cl, ch, *ws)



def _cross_body(fl_ref, fh_ref, cu_ref, wq, bq, wk, bk, wv, bv, wp, bp,
                nw, nb, fw1, fb1, fw2, fb2, ol_ref, oh_ref):
    F = jnp.concatenate([fl_ref[...], fh_ref[...]], axis=1)
    CU = cu_ref[0]
    q = _dotT(F, wq[...]) + bq[...]
    k = _dotT(CU, wk[...]) + bk[...]
    v = _dotT(CU, wv[...]) + bv[...]
    o = _attn(q, k, v)
    up0 = _dotT(o, wp[...]) + bp[...]
    f = _silu(_dotT(_ln_rows(up0, nw[...], nb[...]), fw1[...]) + fb1[...])
    up = _dotT(f, fw2[...]) + fb2[...] + up0
    new = F + up
    ol_ref[...] = new[:, :128]
    oh_ref[...] = new[:, 128:]


def _cross_attn(fl, fh, cu, ws):
    N = fl.shape[0] // B
    M = cu.shape[1]
    specs = [pl.BlockSpec((N, 128), lambda b: (b, 0)),
             pl.BlockSpec((N, 128), lambda b: (b, 0)),
             pl.BlockSpec((1, M, EMBED), lambda b: (b, 0, 0))]
    for w in ws:
        sh = w.shape
        specs.append(pl.BlockSpec(sh, lambda b: (0,) * len(sh)))
    return pl.pallas_call(
        _cross_body,
        grid=(B,),
        in_specs=specs,
        out_specs=[pl.BlockSpec((N, 128), lambda b: (b, 0)),
                   pl.BlockSpec((N, 128), lambda b: (b, 0))],
        out_shape=[jax.ShapeDtypeStruct((B * N, 128), jnp.float32),
                   jax.ShapeDtypeStruct((B * N, 128), jnp.float32)],
    )(fl, fh, cu, *ws)



def _proj_body(tl_ref, th_ref, w_ref, o_ref):
    t = jnp.concatenate([tl_ref[...], th_ref[...]], axis=1)
    o_ref[0] = _dotT(w_ref[...], t)


def _proj_out(tl, th, wout, S, chunk):
    C = wout.shape[0]
    n = S // chunk
    return pl.pallas_call(
        _proj_body,
        grid=(B, n),
        in_specs=[
            pl.BlockSpec((chunk, 128), lambda b, s, n=n: (b * n + s, 0)),
            pl.BlockSpec((chunk, 128), lambda b, s, n=n: (b * n + s, 0)),
            pl.BlockSpec((C, EMBED), lambda b, s: (0, 0)),
        ],
        out_specs=pl.BlockSpec((1, C, chunk), lambda b, s: (b, 0, s)),
        out_shape=jax.ShapeDtypeStruct((B, C, S), jnp.float32),
    )(tl, th, wout)



def kernel(feat_p3, feat_p4, feat_p5, Win0, Wout0, Win1, Wout1, Win2, Wout2,
           norm_w, norm_b, ts_W1, ts_b1, ts_W2, ts_b2,
           ca_Wq, ca_bq, ca_Wk, ca_bk, ca_Wv, ca_bv, ca_Wp, ca_bp,
           xa_Wq, xa_bq, xa_Wk, xa_bk, xa_Wv, xa_bv, xa_Wp, xa_bp,
           ffn_W1, ffn_b1, ffn_W2, ffn_b2):
    feats = [feat_p3, feat_p4, feat_p5]
    Wins = [Win0, Win1, Win2]
    Wouts = [Wout0, Wout1, Wout2]
    chunks = [1024, 1024, 256]

    nw = norm_w.reshape(1, EMBED)
    nb = norm_b.reshape(1, EMBED)
    w1 = ts_W1
    b1 = ts_b1.reshape(1, 64)
    w2 = ts_W2.reshape(1, 64)
    b2 = ts_b2.reshape(1, 1)

    ca_ws = (ca_Wq, ca_bq.reshape(1, EMBED), ca_Wk, ca_bk.reshape(1, EMBED),
             ca_Wv, ca_bv.reshape(1, EMBED), ca_Wp, ca_bp.reshape(1, EMBED),
             nw, nb, ffn_W1, ffn_b1.reshape(1, -1), ffn_W2,
             ffn_b2.reshape(1, EMBED))
    xa_ws = (xa_Wq, xa_bq.reshape(1, EMBED), xa_Wk, xa_bk.reshape(1, EMBED),
             xa_Wv, xa_bv.reshape(1, EMBED), xa_Wp, xa_bp.reshape(1, EMBED),
             nw, nb, ffn_W1, ffn_b1.reshape(1, -1), ffn_W2,
             ffn_b2.reshape(1, EMBED))

    tokens, scores, sizes = [], [], []
    for i, x in enumerate(feats):
        Bx, C, Hh, Ww = x.shape
        S = Hh * Ww
        xr = x.reshape(Bx, C, S)
        tl, th, s = _tokenize(xr, Wins[i], nw, nb, w1, b1, w2, b2,
                              min(chunks[i], S) * (2 if i == 0 else 1))
        tokens.append((tl, th))
        sizes.append(S)
        scores.append(s.reshape(Bx, S))

    coarse_idx, fine_idx = [], []
    for i, s in enumerate(scores):
        S = s.shape[1]
        if KF < S:
            ic, fi = _topk_idx(s, (KC, KF))
            fine_idx.append(fi)
        else:
            (ic,) = _topk_idx(s, (KC,))
            fine_idx.append(None)
        coarse_idx.append(ic)

    gl, gh, f0l, f0h, f1l, f1h = _gather_all(
        tokens,
        coarse_idx[0].reshape(-1), coarse_idx[1].reshape(-1),
        coarse_idx[2].reshape(-1),
        fine_idx[0].reshape(-1), fine_idx[1].reshape(-1))
    cu = _coarse_attn(gl, gh, ca_ws)

    new0 = _cross_attn(f0l, f0h, cu, xa_ws)
    new1 = _cross_attn(f1l, f1h, cu, xa_ws)
    ot0l, ot0h, ot1l, ot1h = _scatter_rows(
        tokens[0], fine_idx[0].reshape(-1), tuple(new0), sizes[0],
        tokens[1], fine_idx[1].reshape(-1), tuple(new1), sizes[1])
    n2l, n2h = _cross_attn(tokens[2][0], tokens[2][1], cu, xa_ws)
    out_ts = [(ot0l, ot0h), (ot1l, ot1h), (n2l, n2h)]

    outs = []
    for i, (otl, oth) in enumerate(out_ts):
        S = sizes[i]
        Bx, C, Hh, Ww = feats[i].shape
        om = _proj_out(otl, oth, Wouts[i], S, min(chunks[i], S))
        outs.append(om.reshape(Bx, C, Hh, Ww))
    return tuple(outs)

# --- scband reference (transcript-rebuilt; emitter-appended) ---
"""Pipeline reference for scband-stpeblock-68204080660811 (READ-ONLY COPY).

The authoritative reference and input builder live on the scoring server;
editing this copy changes nothing except your own understanding.
"""

import jax, jax.numpy as jnp
import numpy as np

EMBED = 256
HEADS = 8
KC = 128
KF = 512
CH = [192, 384, 768]
HWS = [(64, 64), (32, 32), (16, 16)]
B = 8


def _ln(x, w, b):
    m = x.mean(-1, keepdims=True)
    v = ((x - m) ** 2).mean(-1, keepdims=True)
    return (x - m) / jnp.sqrt(v + 1e-5) * w + b


def _silu(x):
    return x * jax.nn.sigmoid(x)


def _mha(qi, ki, vi, Wq, bq, Wk, bk, Wv, bv, Wp, bp):
    Bq, Nq, D = qi.shape
    Nk = ki.shape[1]
    hd = D // HEADS
    sc = hd ** (-0.5)
    q = (qi @ Wq.T + bq).reshape(Bq, Nq, HEADS, hd).transpose(0, 2, 1, 3)
    k = (ki @ Wk.T + bk).reshape(Bq, Nk, HEADS, hd).transpose(0, 2, 1, 3)
    v = (vi @ Wv.T + bv).reshape(Bq, Nk, HEADS, hd).transpose(0, 2, 1, 3)
    a = jax.nn.softmax(jnp.matmul(q, k.transpose(0, 1, 3, 2)) * sc, axis=-1)
    o = jnp.matmul(a, v).transpose(0, 2, 1, 3).reshape(Bq, Nq, D)
    return o @ Wp.T + bp


def setup_inputs(seed: int = 0):
    key = jax.random.key(seed)
    ks = iter(jax.random.split(key, 64))

    def rn(shape, s=1.0):
        return jax.random.normal(next(ks), shape, jnp.float32) * s

    d = {}
    d["feat_p3"] = rn((B, CH[0], HWS[0][0], HWS[0][1]))
    d["feat_p4"] = rn((B, CH[1], HWS[1][0], HWS[1][1]))
    d["feat_p5"] = rn((B, CH[2], HWS[2][0], HWS[2][1]))
    for i, c in enumerate(CH):
        d["Win%d" % i] = rn((EMBED, c), 0.02)
        d["Wout%d" % i] = rn((c, EMBED), 0.02)
    d["norm_w"] = jnp.ones((EMBED,), jnp.float32)
    d["norm_b"] = jnp.zeros((EMBED,), jnp.float32)
    d["ts_W1"] = rn((EMBED // 4, EMBED), 0.02)
    d["ts_b1"] = jnp.zeros((EMBED // 4,), jnp.float32)
    d["ts_W2"] = rn((1, EMBED // 4), 0.02)
    d["ts_b2"] = jnp.zeros((1,), jnp.float32)
    for pre in ("ca", "xa"):
        for nm in ("q", "k", "v", "p"):
            d["%s_W%s" % (pre, nm)] = rn((EMBED, EMBED), 0.02)
            d["%s_b%s" % (pre, nm)] = jnp.zeros((EMBED,), jnp.float32)
    d["ffn_W1"] = rn((EMBED * 4, EMBED), 0.02)
    d["ffn_b1"] = jnp.zeros((EMBED * 4,), jnp.float32)
    d["ffn_W2"] = rn((EMBED, EMBED * 4), 0.02)
    d["ffn_b2"] = jnp.zeros((EMBED,), jnp.float32)
    return d


def reference(feat_p3, feat_p4, feat_p5, Win0, Wout0, Win1, Wout1, Win2, Wout2, norm_w, norm_b, ts_W1, ts_b1, ts_W2, ts_b2, ca_Wq, ca_bq, ca_Wk, ca_bk, ca_Wv, ca_bv, ca_Wp, ca_bp, xa_Wq, xa_bq, xa_Wk, xa_bk, xa_Wv, xa_bv, xa_Wp, xa_bp, ffn_W1, ffn_b1, ffn_W2, ffn_b2):
    feats = [feat_p3, feat_p4, feat_p5]
    Wins = [Win0, Win1, Win2]
    Wouts = [Wout0, Wout1, Wout2]

    def tscore(x):
        return _silu(x @ ts_W1.T + ts_b1) @ ts_W2.T + ts_b2

    def ffn(x):
        return _silu(x @ ffn_W1.T + ffn_b1) @ ffn_W2.T + ffn_b2

    tokens = []
    for i, x in enumerate(feats):
        Bx, C, H, W = x.shape
        t = jnp.einsum('bchw,ec->bhwe', x, Wins[i]).reshape(Bx, H * W, EMBED)
        tokens.append(t)
    coarse_idx, fine_idx = [], []
    for t in tokens:
        S = t.shape[1]
        scores = tscore(_ln(t, norm_w, norm_b))[..., 0]
        kc = min(KC, S)
        kf = min(KF, S)
        ic = jax.lax.top_k(scores, kc)[1]
        if kf <= kc:
            fi = ic[:, :kf]
        else:
            fi = jax.lax.top_k(scores, kf)[1]
        coarse_idx.append(ic)
        fine_idx.append(fi)
    coarse_cat = jnp.concatenate([jnp.take_along_axis(t, ic[:, :, None], axis=1) for t, ic in zip(tokens, coarse_idx)], axis=1)
    cu = _mha(coarse_cat, coarse_cat, coarse_cat, ca_Wq, ca_bq, ca_Wk, ca_bk, ca_Wv, ca_bv, ca_Wp, ca_bp)
    cu = ffn(_ln(cu, norm_w, norm_b)) + cu
    bidx = jnp.arange(B)[:, None]
    outs = []
    for i, (t, fi) in enumerate(zip(tokens, fine_idx)):
        fs = jnp.take_along_axis(t, fi[:, :, None], axis=1)
        up = _mha(fs, cu, cu, xa_Wq, xa_bq, xa_Wk, xa_bk, xa_Wv, xa_bv, xa_Wp, xa_bp)
        up = ffn(_ln(up, norm_w, norm_b)) + up
        out_t = t.at[bidx, fi].add(up)
        H, W = HWS[i]
        om = jnp.einsum('bse,ce->bsc', out_t, Wouts[i]).transpose(0, 2, 1).reshape(B, CH[i], H, W)
        outs.append(om)
    return tuple(outs)

if __name__ == "__main__":
    import jax
    _d = setup_inputs()
    print(jax.jit(kernel)(*tuple(_d.values())))

</pallas_src>

<mosaic_0001>
#map = affine_map<(d0, d1) -> (0, 0)>
#map1 = affine_map<(d0, d1) -> (0)>
module attributes {stable_mosaic.version = 14 : i64} {
  func.func @k(%arg0: i32, %arg1: i32, %arg2: memref<32768x128xf32, #tpu.memory_space<hbm>>, %arg3: memref<32768x128xf32, #tpu.memory_space<hbm>>, %arg4: memref<8192x128xf32, #tpu.memory_space<hbm>>, %arg5: memref<8192x128xf32, #tpu.memory_space<hbm>>, %arg6: memref<2048x128xf32, #tpu.memory_space<hbm>>, %arg7: memref<2048x128xf32, #tpu.memory_space<hbm>>, %arg8: memref<1024xi32, #tpu.memory_space<hbm>>, %arg9: memref<1024xi32, #tpu.memory_space<hbm>>, %arg10: memref<1024xi32, #tpu.memory_space<hbm>>, %arg11: memref<4096xi32, #tpu.memory_space<hbm>>, %arg12: memref<4096xi32, #tpu.memory_space<hbm>>, %arg13: memref<3072x128xf32, #tpu.memory_space<hbm>>, %arg14: memref<3072x128xf32, #tpu.memory_space<hbm>>, %arg15: memref<4096x128xf32, #tpu.memory_space<hbm>>, %arg16: memref<4096x128xf32, #tpu.memory_space<hbm>>, %arg17: memref<4096x128xf32, #tpu.memory_space<hbm>>, %arg18: memref<4096x128xf32, #tpu.memory_space<hbm>>, %arg19: memref<32xi32, #tpu.memory_space<vmem>>, %arg20: memref<32x128xf32, #tpu.memory_space<vmem>>, %arg21: memref<128xi32, #tpu.memory_space<vmem>>, %arg22: memref<128x128xf32, #tpu.memory_space<vmem>>, %arg23: memref<!tpu.dma_semaphore, #tpu.memory_space<semaphore_mem>>) attributes {dimension_semantics = [#tpu.dimension_semantics<core_parallel>, #tpu.dimension_semantics<subcore_parallel>], iteration_bounds = array<i64: 2, 16>, scalar_prefetch = 0 : i64, scratch_operands = 5 : i64, tpu.core_type = #tpu.core_type<sc_vector_subcore>, window_params = [{transform_indices = #map}, {transform_indices = #map}, {transform_indices = #map}, {transform_indices = #map}, {transform_indices = #map}, {transform_indices = #map}, {transform_indices = #map1}, {transform_indices = #map1}, {transform_indices = #map1}, {transform_indices = #map1}, {transform_indices = #map1}, {transform_indices = #map}, {transform_indices = #map}, {transform_indices = #map}, {transform_indices = #map}, {transform_indices = #map}, {transform_indices = #map}]} {
    %mul3A = arith.constant 2 : i32
    %mul3A_0 = arith.muli %arg1, %mul3A : i32
    %add3A = arith.addi %mul3A_0, %arg0 : i32
    %jit3A = arith.constant 4 : i32
    %div3A = arith.divsi %add3A, %jit3A : i32
    %sign3A = arith.constant 0 : i32
    %sign3A_1 = arith.cmpi sgt, %add3A, %sign3A : i32
    %sign3A_2 = arith.extui %sign3A_1 : i1 to i32
    %sign3A_3 = arith.constant 0 : i32
    %sign3A_4 = arith.cmpi slt, %add3A, %sign3A_3 : i32
    %sign3A_5 = arith.extui %sign3A_4 : i1 to i32
    %sign3A_6 = arith.subi %sign3A_2, %sign3A_5 : i32
    %sign3A_7 = arith.constant 0 : i32
    %sign3A_8 = arith.cmpi sgt, %jit3A, %sign3A_7 : i32
    %sign3A_9 = arith.extui %sign3A_8 : i1 to i32
    %sign3A_10 = arith.constant 0 : i32
    %sign3A_11 = arith.cmpi slt, %jit3A, %sign3A_10 : i32
    %sign3A_12 = arith.extui %sign3A_11 : i1 to i32
    %sign3A_13 = arith.subi %sign3A_9, %sign3A_12 : i32
    %ne3A = arith.cmpi ne, %sign3A_6, %sign3A_13 : i32
    %rem3A = arith.remsi %add3A, %jit3A : i32
    %ne3A_14 = arith.constant 0 : i32
    %ne3A_15 = arith.cmpi ne, %rem3A, %ne3A_14 : i32
    %and3A = arith.andi %ne3A, %ne3A_15 : i1
    %sub3A = arith.constant 1 : i32
    %sub3A_16 = arith.subi %div3A, %sub3A : i32
    %select_n3A = arith.select %and3A, %sub3A_16, %div3A : i32
    %jit3A_17 = arith.constant 4 : i32
    %eq3A = arith.constant 0 : i32
    %eq3A_18 = arith.cmpi eq, %jit3A_17, %eq3A : i32
    %jit3A_19 = arith.constant 1 : i32
    %select_n3A_20 = arith.select %eq3A_18, %jit3A_19, %jit3A_17 : i32
    %rem3A_21 = arith.remsi %add3A, %select_n3A_20 : i32
    %ne3A_22 = arith.constant 0 : i32
    %ne3A_23 = arith.cmpi ne, %rem3A_21, %ne3A_22 : i32
    %lt3A = arith.constant 0 : i32
    %lt3A_24 = arith.cmpi slt, %rem3A_21, %lt3A : i32
    %lt3A_25 = arith.constant 0 : i32
    %lt3A_26 = arith.cmpi slt, %select_n3A_20, %lt3A_25 : i32
    %ne3A_27 = arith.xori %lt3A_24, %lt3A_26 : i1
    %and3A_28 = arith.andi %ne3A_27, %ne3A_23 : i1
    %add3A_29 = arith.addi %rem3A_21, %select_n3A_20 : i32
    %select_n3A_30 = arith.select %and3A_28, %add3A_29, %rem3A_21 : i32
    %mul3A_31 = arith.constant 32 : i32
    %mul3A_32 = arith.muli %add3A, %mul3A_31 : i32
    %mul3A_33 = arith.constant 3 : i32
    %mul3A_34 = arith.muli %select_n3A, %mul3A_33 : i32
    %mul3A_35 = arith.constant 128 : i32
    %mul3A_36 = arith.muli %mul3A_34, %mul3A_35 : i32
    %add3A_37 = arith.constant 0 : i32
    %add3A_38 = arith.addi %mul3A_36, %add3A_37 : i32
    %mul3A_39 = arith.constant 32 : i32
    %mul3A_40 = arith.muli %select_n3A_30, %mul3A_39 : i32
    %add3A_41 = arith.addi %add3A_38, %mul3A_40 : i32
    "tpu.region"() ({
      %run_scoped3A = tpu.sem_alloc : memref<!tpu.dma_semaphore, #tpu.memory_space<semaphore_mem>>
      %dma_start3A_120 = tpu.memref_slice %arg8[%mul3A_32] : memref<1024xi32, #tpu.memory_space<hbm>> -> memref<32xi32, #tpu.memory_space<hbm>>
      %dma_start3A_121 = tpu.memref_slice %arg8[%mul3A_32] : memref<1024xi32, #tpu.memory_space<hbm>> -> memref<32xi32, #tpu.memory_space<hbm>>
      tpu.enqueue_dma source(%dma_start3A_121 : memref<32xi32, #tpu.memory_space<hbm>>) target(%arg19 : memref<32xi32, #tpu.memory_space<vmem>>) target_semaphore(%run_scoped3A : memref<!tpu.dma_semaphore, #tpu.memory_space<semaphore_mem>>)
      %dma_wait3A_122 = tpu.memref_slice %arg8[%mul3A_32] : memref<1024xi32, #tpu.memory_space<hbm>> -> memref<32xi32, #tpu.memory_space<hbm>>
      %dma_wait3A_123 = tpu.memref_slice %arg8[%mul3A_32] : memref<1024xi32, #tpu.memory_space<hbm>> -> memref<32xi32, #tpu.memory_space<hbm>>
      tpu.wait_dma2 semaphore(%run_scoped3A : memref<!tpu.dma_semaphore, #tpu.memory_space<semaphore_mem>>) src(%dma_wait3A_123 : memref<32xi32, #tpu.memory_space<hbm>>) dst(%arg19 : memref<32xi32, #tpu.memory_space<vmem>>)
      tpu.yield
    }) : () -> ()
    %dma_start3A = arith.constant 0 : i32
    %dma_start3A_42 = arith.constant 0 : i32
    %dma_start3A_43 = tpu.memref_slice %arg2[%dma_start3A, %dma_start3A_42] : memref<32768x128xf32, #tpu.memory_space<hbm>> -> memref<32768x128xf32, #tpu.memory_space<hbm>>
    tpu.enqueue_indirect_dma source(%dma_start3A_43 : memref<32768x128xf32, #tpu.memory_space<hbm>>) target(%arg20 : memref<32x128xf32, #tpu.memory_space<vmem>>) offsets(%arg19 : memref<32xi32, #tpu.memory_space<vmem>>) semaphore(%arg23 : memref<!tpu.dma_semaphore, #tpu.memory_space<semaphore_mem>>)
    %dma_wait3A = arith.constant 0 : i32
    %dma_wait3A_44 = arith.constant 0 : i32
    %dma_wait3A_45 = tpu.memref_slice %arg2[%dma_wait3A, %dma_wait3A_44] : memref<32768x128xf32, #tpu.memory_space<hbm>> -> memref<32768x128xf32, #tpu.memory_space<hbm>>
    tpu.wait_indirect_dma semaphore(%arg23 : memref<!tpu.dma_semaphore, #tpu.memory_space<semaphore_mem>>) src(%dma_wait3A_45 : memref<32768x128xf32, #tpu.memory_space<hbm>>) dst(%arg20 : memref<32x128xf32, #tpu.memory_space<vmem>>)
    "tpu.region"() ({
      %run_scoped3A = tpu.sem_alloc : memref<!tpu.dma_semaphore, #tpu.memory_space<semaphore_mem>>
      %dma_start3A_120 = arith.constant 0 : i32
      %dma_start3A_121 = tpu.memref_slice %arg13[%add3A_41, %dma_start3A_120] : memref<3072x128xf32, #tpu.memory_space<hbm>> -> memref<32x128xf32, #tpu.memory_space<hbm>>
      %dma_start3A_122 = arith.constant 0 : i32
      %dma_start3A_123 = tpu.memref_slice %arg13[%add3A_41, %dma_start3A_122] : memref<3072x128xf32, #tpu.memory_space<hbm>> -> memref<32x128xf32, #tpu.memory_space<hbm>>
      tpu.enqueue_dma source(%arg20 : memref<32x128xf32, #tpu.memory_space<vmem>>) target(%dma_start3A_123 : memref<32x128xf32, #tpu.memory_space<hbm>>) target_semaphore(%run_scoped3A : memref<!tpu.dma_semaphore, #tpu.memory_space<semaphore_mem>>)
      %dma_wait3A_124 = arith.constant 0 : i32
      %dma_wait3A_125 = tpu.memref_slice %arg13[%add3A_41, %dma_wait3A_124] : memref<3072x128xf32, #tpu.memory_space<hbm>> -> memref<32x128xf32, #tpu.memory_space<hbm>>
      %dma_wait3A_126 = arith.constant 0 : i32
      %dma_wait3A_127 = tpu.memref_slice %arg13[%add3A_41, %dma_wait3A_126] : memref<3072x128xf32, #tpu.memory_space<hbm>> -> memref<32x128xf32, #tpu.memory_space<hbm>>
      tpu.wait_dma2 semaphore(%run_scoped3A : memref<!tpu.dma_semaphore, #tpu.memory_space<semaphore_mem>>) src(%arg20 : memref<32x128xf32, #tpu.memory_space<vmem>>) dst(%dma_wait3A_127 : memref<32x128xf32, #tpu.memory_space<hbm>>)
      tpu.yield
    }) : () -> ()
    %dma_start3A_46 = arith.constant 0 : i32
    %dma_start3A_47 = arith.constant 0 : i32
    %dma_start3A_48 = tpu.memref_slice %arg3[%dma_start3A_46, %dma_start3A_47] : memref<32768x128xf32, #tpu.memory_space<hbm>> -> memref<32768x128xf32, #tpu.memory_space<hbm>>
    tpu.enqueue_indirect_dma source(%dma_start3A_48 : memref<32768x128xf32, #tpu.memory_space<hbm>>) target(%arg20 : memref<32x128xf32, #tpu.memory_space<vmem>>) offsets(%arg19 : memref<32xi32, #tpu.memory_space<vmem>>) semaphore(%arg23 : memref<!tpu.dma_semaphore, #tpu.memory_space<semaphore_mem>>)
    %dma_wait3A_49 = arith.constant 0 : i32
    %dma_wait3A_50 = arith.constant 0 : i32
    %dma_wait3A_51 = tpu.memref_slice %arg3[%dma_wait3A_49, %dma_wait3A_50] : memref<32768x128xf32, #tpu.memory_space<hbm>> -> memref<32768x128xf32, #tpu.memory_space<hbm>>
    tpu.wait_indirect_dma semaphore(%arg23 : memref<!tpu.dma_semaphore, #tpu.memory_space<semaphore_mem>>) src(%dma_wait3A_51 : memref<32768x128xf32, #tpu.memory_space<hbm>>) dst(%arg20 : memref<32x128xf32, #tpu.memory_space<vmem>>)
    "tpu.region"() ({
      %run_scoped3A = tpu.sem_alloc : memref<!tpu.dma_semaphore, #tpu.memory_space<semaphore_mem>>
      %dma_start3A_120 = arith.constant 0 : i32
      %dma_start3A_121 = tpu.memref_slice %arg14[%add3A_41, %dma_start3A_120] : memref<3072x128xf32, #tpu.memory_space<hbm>> -> memref<32x128xf32, #tpu.memory_space<hbm>>
      %dma_start3A_122 = arith.constant 0 : i32
      %dma_start3A_123 = tpu.memref_slice %arg14[%add3A_41, %dma_start3A_122] : memref<3072x128xf32, #tpu.memory_space<hbm>> -> memref<32x128xf32, #tpu.memory_space<hbm>>
      tpu.enqueue_dma source(%arg20 : memref<32x128xf32, #tpu.memory_space<vmem>>) target(%dma_start3A_123 : memref<32x128xf32, #tpu.memory_space<hbm>>) target_semaphore(%run_scoped3A : memref<!tpu.dma_semaphore, #tpu.memory_space<semaphore_mem>>)
      %dma_wait3A_124 = arith.constant 0 : i32
      %dma_wait3A_125 = tpu.memref_slice %arg14[%add3A_41, %dma_wait3A_124] : memref<3072x128xf32, #tpu.memory_space<hbm>> -> memref<32x128xf32, #tpu.memory_space<hbm>>
      %dma_wait3A_126 = arith.constant 0 : i32
      %dma_wait3A_127 = tpu.memref_slice %arg14[%add3A_41, %dma_wait3A_126] : memref<3072x128xf32, #tpu.memory_space<hbm>> -> memref<32x128xf32, #tpu.memory_space<hbm>>
      tpu.wait_dma2 semaphore(%run_scoped3A : memref<!tpu.dma_semaphore, #tpu.memory_space<semaphore_mem>>) src(%arg20 : memref<32x128xf32, #tpu.memory_space<vmem>>) dst(%dma_wait3A_127 : memref<32x128xf32, #tpu.memory_space<hbm>>)
      tpu.yield
    }) : () -> ()
    %mul3A_52 = arith.constant 3 : i32
    %mul3A_53 = arith.muli %select_n3A, %mul3A_52 : i32
    %mul3A_54 = arith.constant 128 : i32
    %mul3A_55 = arith.muli %mul3A_53, %mul3A_54 : i32
    %add3A_56 = arith.constant 128 : i32
    %add3A_57 = arith.addi %mul3A_55, %add3A_56 : i32
    %mul3A_58 = arith.constant 32 : i32
    %mul3A_59 = arith.muli %select_n3A_30, %mul3A_58 : i32
    %add3A_60 = arith.addi %add3A_57, %mul3A_59 : i32
    "tpu.region"() ({
      %run_scoped3A = tpu.sem_alloc : memref<!tpu.dma_semaphore, #tpu.memory_space<semaphore_mem>>
      %dma_start3A_120 = tpu.memref_slice %arg9[%mul3A_32] : memref<1024xi32, #tpu.memory_space<hbm>> -> memref<32xi32, #tpu.memory_space<hbm>>
      %dma_start3A_121 = tpu.memref_slice %arg9[%mul3A_32] : memref<1024xi32, #tpu.memory_space<hbm>> -> memref<32xi32, #tpu.memory_space<hbm>>
      tpu.enqueue_dma source(%dma_start3A_121 : memref<32xi32, #tpu.memory_space<hbm>>) target(%arg19 : memref<32xi32, #tpu.memory_space<vmem>>) target_semaphore(%run_scoped3A : memref<!tpu.dma_semaphore, #tpu.memory_space<semaphore_mem>>)
      %dma_wait3A_122 = tpu.memref_slice %arg9[%mul3A_32] : memref<1024xi32, #tpu.memory_space<hbm>> -> memref<32xi32, #tpu.memory_space<hbm>>
      %dma_wait3A_123 = tpu.memref_slice %arg9[%mul3A_32] : memref<1024xi32, #tpu.memory_space<hbm>> -> memref<32xi32, #tpu.memory_space<hbm>>
      tpu.wait_dma2 semaphore(%run_scoped3A : memref<!tpu.dma_semaphore, #tpu.memory_space<semaphore_mem>>) src(%dma_wait3A_123 : memref<32xi32, #tpu.memory_space<hbm>>) dst(%arg19 : memref<32xi32, #tpu.memory_space<vmem>>)
      tpu.yield
    }) : () -> ()
    %dma_start3A_61 = arith.constant 0 : i32
    %dma_start3A_62 = arith.constant 0 : i32
    %dma_start3A_63 = tpu.memref_slice %arg4[%dma_start3A_61, %dma_start3A_62] : memref<8192x128xf32, #tpu.memory_space<hbm>> -> memref<8192x128xf32, #tpu.memory_space<hbm>>
    tpu.enqueue_indirect_dma source(%dma_start3A_63 : memref<8192x128xf32, #tpu.memory_space<hbm>>) target(%arg20 : memref<32x128xf32, #tpu.memory_space<vmem>>) offsets(%arg19 : memref<32xi32, #tpu.memory_space<vmem>>) semaphore(%arg23 : memref<!tpu.dma_semaphore, #tpu.memory_space<semaphore_mem>>)
    %dma_wait3A_64 = arith.constant 0 : i32
    %dma_wait3A_65 = arith.constant 0 : i32
    %dma_wait3A_66 = tpu.memref_slice %arg4[%dma_wait3A_64, %dma_wait3A_65] : memref<8192x128xf32, #tpu.memory_space<hbm>> -> memref<8192x128xf32, #tpu.memory_space<hbm>>
    tpu.wait_indirect_dma semaphore(%arg23 : memref<!tpu.dma_semaphore, #tpu.memory_space<semaphore_mem>>) src(%dma_wait3A_66 : memref<8192x128xf32, #tpu.memory_space<hbm>>) dst(%arg20 : memref<32x128xf32, #tpu.memory_space<vmem>>)
    "tpu.region"() ({
      %run_scoped3A = tpu.sem_alloc : memref<!tpu.dma_semaphore, #tpu.memory_space<semaphore_mem>>
      %dma_start3A_120 = arith.constant 0 : i32
      %dma_start3A_121 = tpu.memref_slice %arg13[%add3A_60, %dma_start3A_120] : memref<3072x128xf32, #tpu.memory_space<hbm>> -> memref<32x128xf32, #tpu.memory_space<hbm>>
      %dma_start3A_122 = arith.constant 0 : i32
      %dma_start3A_123 = tpu.memref_slice %arg13[%add3A_60, %dma_start3A_122] : memref<3072x128xf32, #tpu.memory_space<hbm>> -> memref<32x128xf32, #tpu.memory_space<hbm>>
      tpu.enqueue_dma source(%arg20 : memref<32x128xf32, #tpu.memory_space<vmem>>) target(%dma_start3A_123 : memref<32x128xf32, #tpu.memory_space<hbm>>) target_semaphore(%run_scoped3A : memref<!tpu.dma_semaphore, #tpu.memory_space<semaphore_mem>>)
      %dma_wait3A_124 = arith.constant 0 : i32
      %dma_wait3A_125 = tpu.memref_slice %arg13[%add3A_60, %dma_wait3A_124] : memref<3072x128xf32, #tpu.memory_space<hbm>> -> memref<32x128xf32, #tpu.memory_space<hbm>>
      %dma_wait3A_126 = arith.constant 0 : i32
      %dma_wait3A_127 = tpu.memref_slice %arg13[%add3A_60, %dma_wait3A_126] : memref<3072x128xf32, #tpu.memory_space<hbm>> -> memref<32x128xf32, #tpu.memory_space<hbm>>
      tpu.wait_dma2 semaphore(%run_scoped3A : memref<!tpu.dma_semaphore, #tpu.memory_space<semaphore_mem>>) src(%arg20 : memref<32x128xf32, #tpu.memory_space<vmem>>) dst(%dma_wait3A_127 : memref<32x128xf32, #tpu.memory_space<hbm>>)
      tpu.yield
    }) : () -> ()
    %dma_start3A_67 = arith.constant 0 : i32
    %dma_start3A_68 = arith.constant 0 : i32
    %dma_start3A_69 = tpu.memref_slice %arg5[%dma_start3A_67, %dma_start3A_68] : memref<8192x128xf32, #tpu.memory_space<hbm>> -> memref<8192x128xf32, #tpu.memory_space<hbm>>
    tpu.enqueue_indirect_dma source(%dma_start3A_69 : memref<8192x128xf32, #tpu.memory_space<hbm>>) target(%arg20 : memref<32x128xf32, #tpu.memory_space<vmem>>) offsets(%arg19 : memref<32xi32, #tpu.memory_space<vmem>>) semaphore(%arg23 : memref<!tpu.dma_semaphore, #tpu.memory_space<semaphore_mem>>)
    %dma_wait3A_70 = arith.constant 0 : i32
    %dma_wait3A_71 = arith.constant 0 : i32
    %dma_wait3A_72 = tpu.memref_slice %arg5[%dma_wait3A_70, %dma_wait3A_71] : memref<8192x128xf32, #tpu.memory_space<hbm>> -> memref<8192x128xf32, #tpu.memory_space<hbm>>
    tpu.wait_indirect_dma semaphore(%arg23 : memref<!tpu.dma_semaphore, #tpu.memory_space<semaphore_mem>>) src(%dma_wait3A_72 : memref<8192x128xf32, #tpu.memory_space<hbm>>) dst(%arg20 : memref<32x128xf32, #tpu.memory_space<vmem>>)
    "tpu.region"() ({
      %run_scoped3A = tpu.sem_alloc : memref<!tpu.dma_semaphore, #tpu.memory_space<semaphore_mem>>
      %dma_start3A_120 = arith.constant 0 : i32
      %dma_start3A_121 = tpu.memref_slice %arg14[%add3A_60, %dma_start3A_120] : memref<3072x128xf32, #tpu.memory_space<hbm>> -> memref<32x128xf32, #tpu.memory_space<hbm>>
      %dma_start3A_122 = arith.constant 0 : i32
      %dma_start3A_123 = tpu.memref_slice %arg14[%add3A_60, %dma_start3A_122] : memref<3072x128xf32, #tpu.memory_space<hbm>> -> memref<32x128xf32, #tpu.memory_space<hbm>>
      tpu.enqueue_dma source(%arg20 : memref<32x128xf32, #tpu.memory_space<vmem>>) target(%dma_start3A_123 : memref<32x128xf32, #tpu.memory_space<hbm>>) target_semaphore(%run_scoped3A : memref<!tpu.dma_semaphore, #tpu.memory_space<semaphore_mem>>)
      %dma_wait3A_124 = arith.constant 0 : i32
      %dma_wait3A_125 = tpu.memref_slice %arg14[%add3A_60, %dma_wait3A_124] : memref<3072x128xf32, #tpu.memory_space<hbm>> -> memref<32x128xf32, #tpu.memory_space<hbm>>
      %dma_wait3A_126 = arith.constant 0 : i32
      %dma_wait3A_127 = tpu.memref_slice %arg14[%add3A_60, %dma_wait3A_126] : memref<3072x128xf32, #tpu.memory_space<hbm>> -> memref<32x128xf32, #tpu.memory_space<hbm>>
      tpu.wait_dma2 semaphore(%run_scoped3A : memref<!tpu.dma_semaphore, #tpu.memory_space<semaphore_mem>>) src(%arg20 : memref<32x128xf32, #tpu.memory_space<vmem>>) dst(%dma_wait3A_127 : memref<32x128xf32, #tpu.memory_space<hbm>>)
      tpu.yield
    }) : () -> ()
    %mul3A_73 = arith.constant 3 : i32
    %mul3A_74 = arith.muli %select_n3A, %mul3A_73 : i32
    %mul3A_75 = arith.constant 128 : i32
    %mul3A_76 = arith.muli %mul3A_74, %mul3A_75 : i32
    %add3A_77 = arith.constant 256 : i32
    %add3A_78 = arith.addi %mul3A_76, %add3A_77 : i32
    %mul3A_79 = arith.constant 32 : i32
    %mul3A_80 = arith.muli %select_n3A_30, %mul3A_79 : i32
    %add3A_81 = arith.addi %add3A_78, %mul3A_80 : i32
    "tpu.region"() ({
      %run_scoped3A = tpu.sem_alloc : memref<!tpu.dma_semaphore, #tpu.memory_space<semaphore_mem>>
      %dma_start3A_120 = tpu.memref_slice %arg10[%mul3A_32] : memref<1024xi32, #tpu.memory_space<hbm>> -> memref<32xi32, #tpu.memory_space<hbm>>
      %dma_start3A_121 = tpu.memref_slice %arg10[%mul3A_32] : memref<1024xi32, #tpu.memory_space<hbm>> -> memref<32xi32, #tpu.memory_space<hbm>>
      tpu.enqueue_dma source(%dma_start3A_121 : memref<32xi32, #tpu.memory_space<hbm>>) target(%arg19 : memref<32xi32, #tpu.memory_space<vmem>>) target_semaphore(%run_scoped3A : memref<!tpu.dma_semaphore, #tpu.memory_space<semaphore_mem>>)
      %dma_wait3A_122 = tpu.memref_slice %arg10[%mul3A_32] : memref<1024xi32, #tpu.memory_space<hbm>> -> memref<32xi32, #tpu.memory_space<hbm>>
      %dma_wait3A_123 = tpu.memref_slice %arg10[%mul3A_32] : memref<1024xi32, #tpu.memory_space<hbm>> -> memref<32xi32, #tpu.memory_space<hbm>>
      tpu.wait_dma2 semaphore(%run_scoped3A : memref<!tpu.dma_semaphore, #tpu.memory_space<semaphore_mem>>) src(%dma_wait3A_123 : memref<32xi32, #tpu.memory_space<hbm>>) dst(%arg19 : memref<32xi32, #tpu.memory_space<vmem>>)
      tpu.yield
    }) : () -> ()
    %dma_start3A_82 = arith.constant 0 : i32
    %dma_start3A_83 = arith.constant 0 : i32
    %dma_start3A_84 = tpu.memref_slice %arg6[%dma_start3A_82, %dma_start3A_83] : memref<2048x128xf32, #tpu.memory_space<hbm>> -> memref<2048x128xf32, #tpu.memory_space<hbm>>
    tpu.enqueue_indirect_dma source(%dma_start3A_84 : memref<2048x128xf32, #tpu.memory_space<hbm>>) target(%arg20 : memref<32x128xf32, #tpu.memory_space<vmem>>) offsets(%arg19 : memref<32xi32, #tpu.memory_space<vmem>>) semaphore(%arg23 : memref<!tpu.dma_semaphore, #tpu.memory_space<semaphore_mem>>)
    %dma_wait3A_85 = arith.constant 0 : i32
    %dma_wait3A_86 = arith.constant 0 : i32
    %dma_wait3A_87 = tpu.memref_slice %arg6[%dma_wait3A_85, %dma_wait3A_86] : memref<2048x128xf32, #tpu.memory_space<hbm>> -> memref<2048x128xf32, #tpu.memory_space<hbm>>
    tpu.wait_indirect_dma semaphore(%arg23 : memref<!tpu.dma_semaphore, #tpu.memory_space<semaphore_mem>>) src(%dma_wait3A_87 : memref<2048x128xf32, #tpu.memory_space<hbm>>) dst(%arg20 : memref<32x128xf32, #tpu.memory_space<vmem>>)
    "tpu.region"() ({
      %run_scoped3A = tpu.sem_alloc : memref<!tpu.dma_semaphore, #tpu.memory_space<semaphore_mem>>
      %dma_start3A_120 = arith.constant 0 : i32
      %dma_start3A_121 = tpu.memref_slice %arg13[%add3A_81, %dma_start3A_120] : memref<3072x128xf32, #tpu.memory_space<hbm>> -> memref<32x128xf32, #tpu.memory_space<hbm>>
      %dma_start3A_122 = arith.constant 0 : i32
      %dma_start3A_123 = tpu.memref_slice %arg13[%add3A_81, %dma_start3A_122] : memref<3072x128xf32, #tpu.memory_space<hbm>> -> memref<32x128xf32, #tpu.memory_space<hbm>>
      tpu.enqueue_dma source(%arg20 : memref<32x128xf32, #tpu.memory_space<vmem>>) target(%dma_start3A_123 : memref<32x128xf32, #tpu.memory_space<hbm>>) target_semaphore(%run_scoped3A : memref<!tpu.dma_semaphore, #tpu.memory_space<semaphore_mem>>)
      %dma_wait3A_124 = arith.constant 0 : i32
      %dma_wait3A_125 = tpu.memref_slice %arg13[%add3A_81, %dma_wait3A_124] : memref<3072x128xf32, #tpu.memory_space<hbm>> -> memref<32x128xf32, #tpu.memory_space<hbm>>
      %dma_wait3A_126 = arith.constant 0 : i32
      %dma_wait3A_127 = tpu.memref_slice %arg13[%add3A_81, %dma_wait3A_126] : memref<3072x128xf32, #tpu.memory_space<hbm>> -> memref<32x128xf32, #tpu.memory_space<hbm>>
      tpu.wait_dma2 semaphore(%run_scoped3A : memref<!tpu.dma_semaphore, #tpu.memory_space<semaphore_mem>>) src(%arg20 : memref<32x128xf32, #tpu.memory_space<vmem>>) dst(%dma_wait3A_127 : memref<32x128xf32, #tpu.memory_space<hbm>>)
      tpu.yield
    }) : () -> ()
    %dma_start3A_88 = arith.constant 0 : i32
    %dma_start3A_89 = arith.constant 0 : i32
    %dma_start3A_90 = tpu.memref_slice %arg7[%dma_start3A_88, %dma_start3A_89] : memref<2048x128xf32, #tpu.memory_space<hbm>> -> memref<2048x128xf32, #tpu.memory_space<hbm>>
    tpu.enqueue_indirect_dma source(%dma_start3A_90 : memref<2048x128xf32, #tpu.memory_space<hbm>>) target(%arg20 : memref<32x128xf32, #tpu.memory_space<vmem>>) offsets(%arg19 : memref<32xi32, #tpu.memory_space<vmem>>) semaphore(%arg23 : memref<!tpu.dma_semaphore, #tpu.memory_space<semaphore_mem>>)
    %dma_wait3A_91 = arith.constant 0 : i32
    %dma_wait3A_92 = arith.constant 0 : i32
    %dma_wait3A_93 = tpu.memref_slice %arg7[%dma_wait3A_91, %dma_wait3A_92] : memref<2048x128xf32, #tpu.memory_space<hbm>> -> memref<2048x128xf32, #tpu.memory_space<hbm>>
    tpu.wait_indirect_dma semaphore(%arg23 : memref<!tpu.dma_semaphore, #tpu.memory_space<semaphore_mem>>) src(%dma_wait3A_93 : memref<2048x128xf32, #tpu.memory_space<hbm>>) dst(%arg20 : memref<32x128xf32, #tpu.memory_space<vmem>>)
    "tpu.region"() ({
      %run_scoped3A = tpu.sem_alloc : memref<!tpu.dma_semaphore, #tpu.memory_space<semaphore_mem>>
      %dma_start3A_120 = arith.constant 0 : i32
      %dma_start3A_121 = tpu.memref_slice %arg14[%add3A_81, %dma_start3A_120] : memref<3072x128xf32, #tpu.memory_space<hbm>> -> memref<32x128xf32, #tpu.memory_space<hbm>>
      %dma_start3A_122 = arith.constant 0 : i32
      %dma_start3A_123 = tpu.memref_slice %arg14[%add3A_81, %dma_start3A_122] : memref<3072x128xf32, #tpu.memory_space<hbm>> -> memref<32x128xf32, #tpu.memory_space<hbm>>
      tpu.enqueue_dma source(%arg20 : memref<32x128xf32, #tpu.memory_space<vmem>>) target(%dma_start3A_123 : memref<32x128xf32, #tpu.memory_space<hbm>>) target_semaphore(%run_scoped3A : memref<!tpu.dma_semaphore, #tpu.memory_space<semaphore_mem>>)
      %dma_wait3A_124 = arith.constant 0 : i32
      %dma_wait3A_125 = tpu.memref_slice %arg14[%add3A_81, %dma_wait3A_124] : memref<3072x128xf32, #tpu.memory_space<hbm>> -> memref<32x128xf32, #tpu.memory_space<hbm>>
      %dma_wait3A_126 = arith.constant 0 : i32
      %dma_wait3A_127 = tpu.memref_slice %arg14[%add3A_81, %dma_wait3A_126] : memref<3072x128xf32, #tpu.memory_space<hbm>> -> memref<32x128xf32, #tpu.memory_space<hbm>>
      tpu.wait_dma2 semaphore(%run_scoped3A : memref<!tpu.dma_semaphore, #tpu.memory_space<semaphore_mem>>) src(%arg20 : memref<32x128xf32, #tpu.memory_space<vmem>>) dst(%dma_wait3A_127 : memref<32x128xf32, #tpu.memory_space<hbm>>)
      tpu.yield
    }) : () -> ()
    %mul3A_94 = arith.constant 128 : i32
    %mul3A_95 = arith.muli %add3A, %mul3A_94 : i32
    "tpu.region"() ({
      %run_scoped3A = tpu.sem_alloc : memref<!tpu.dma_semaphore, #tpu.memory_space<semaphore_mem>>
      %dma_start3A_120 = tpu.memref_slice %arg11[%mul3A_95] : memref<4096xi32, #tpu.memory_space<hbm>> -> memref<128xi32, #tpu.memory_space<hbm>>
      %dma_start3A_121 = tpu.memref_slice %arg11[%mul3A_95] : memref<4096xi32, #tpu.memory_space<hbm>> -> memref<128xi32, #tpu.memory_space<hbm>>
      tpu.enqueue_dma source(%dma_start3A_121 : memref<128xi32, #tpu.memory_space<hbm>>) target(%arg21 : memref<128xi32, #tpu.memory_space<vmem>>) target_semaphore(%run_scoped3A : memref<!tpu.dma_semaphore, #tpu.memory_space<semaphore_mem>>)
      %dma_wait3A_122 = tpu.memref_slice %arg11[%mul3A_95] : memref<4096xi32, #tpu.memory_space<hbm>> -> memref<128xi32, #tpu.memory_space<hbm>>
      %dma_wait3A_123 = tpu.memref_slice %arg11[%mul3A_95] : memref<4096xi32, #tpu.memory_space<hbm>> -> memref<128xi32, #tpu.memory_space<hbm>>
      tpu.wait_dma2 semaphore(%run_scoped3A : memref<!tpu.dma_semaphore, #tpu.memory_space<semaphore_mem>>) src(%dma_wait3A_123 : memref<128xi32, #tpu.memory_space<hbm>>) dst(%arg21 : memref<128xi32, #tpu.memory_space<vmem>>)
      tpu.yield
    }) : () -> ()
    %dma_start3A_96 = arith.constant 0 : i32
    %dma_start3A_97 = arith.constant 0 : i32
    %dma_start3A_98 = tpu.memref_slice %arg2[%dma_start3A_96, %dma_start3A_97] : memref<32768x128xf32, #tpu.memory_space<hbm>> -> memref<32768x128xf32, #tpu.memory_space<hbm>>
    tpu.enqueue_indirect_dma source(%dma_start3A_98 : memref<32768x128xf32, #tpu.memory_space<hbm>>) target(%arg22 : memref<128x128xf32, #tpu.memory_space<vmem>>) offsets(%arg21 : memref<128xi32, #tpu.memory_space<vmem>>) semaphore(%arg23 : memref<!tpu.dma_semaphore, #tpu.memory_space<semaphore_mem>>)
    %dma_wait3A_99 = arith.constant 0 : i32
    %dma_wait3A_100 = arith.constant 0 : i32
    %dma_wait3A_101 = tpu.memref_slice %arg2[%dma_wait3A_99, %dma_wait3A_100] : memref<32768x128xf32, #tpu.memory_space<hbm>> -> memref<32768x128xf32, #tpu.memory_space<hbm>>
    tpu.wait_indirect_dma semaphore(%arg23 : memref<!tpu.dma_semaphore, #tpu.memory_space<semaphore_mem>>) src(%dma_wait3A_101 : memref<32768x128xf32, #tpu.memory_space<hbm>>) dst(%arg22 : memref<128x128xf32, #tpu.memory_space<vmem>>)
    "tpu.region"() ({
      %run_scoped3A = tpu.sem_alloc : memref<!tpu.dma_semaphore, #tpu.memory_space<semaphore_mem>>
      %dma_start3A_120 = arith.constant 0 : i32
      %dma_start3A_121 = tpu.memref_slice %arg15[%mul3A_95, %dma_start3A_120] : memref<4096x128xf32, #tpu.memory_space<hbm>> -> memref<128x128xf32, #tpu.memory_space<hbm>>
      %dma_start3A_122 = arith.constant 0 : i32
      %dma_start3A_123 = tpu.memref_slice %arg15[%mul3A_95, %dma_start3A_122] : memref<4096x128xf32, #tpu.memory_space<hbm>> -> memref<128x128xf32, #tpu.memory_space<hbm>>
      tpu.enqueue_dma source(%arg22 : memref<128x128xf32, #tpu.memory_space<vmem>>) target(%dma_start3A_123 : memref<128x128xf32, #tpu.memory_space<hbm>>) target_semaphore(%run_scoped3A : memref<!tpu.dma_semaphore, #tpu.memory_space<semaphore_mem>>)
      %dma_wait3A_124 = arith.constant 0 : i32
      %dma_wait3A_125 = tpu.memref_slice %arg15[%mul3A_95, %dma_wait3A_124] : memref<4096x128xf32, #tpu.memory_space<hbm>> -> memref<128x128xf32, #tpu.memory_space<hbm>>
      %dma_wait3A_126 = arith.constant 0 : i32
      %dma_wait3A_127 = tpu.memref_slice %arg15[%mul3A_95, %dma_wait3A_126] : memref<4096x128xf32, #tpu.memory_space<hbm>> -> memref<128x128xf32, #tpu.memory_space<hbm>>
      tpu.wait_dma2 semaphore(%run_scoped3A : memref<!tpu.dma_semaphore, #tpu.memory_space<semaphore_mem>>) src(%arg22 : memref<128x128xf32, #tpu.memory_space<vmem>>) dst(%dma_wait3A_127 : memref<128x128xf32, #tpu.memory_space<hbm>>)
      tpu.yield
    }) : () -> ()
    %dma_start3A_102 = arith.constant 0 : i32
    %dma_start3A_103 = arith.constant 0 : i32
    %dma_start3A_104 = tpu.memref_slice %arg3[%dma_start3A_102, %dma_start3A_103] : memref<32768x128xf32, #tpu.memory_space<hbm>> -> memref<32768x128xf32, #tpu.memory_space<hbm>>
    tpu.enqueue_indirect_dma source(%dma_start3A_104 : memref<32768x128xf32, #tpu.memory_space<hbm>>) target(%arg22 : memref<128x128xf32, #tpu.memory_space<vmem>>) offsets(%arg21 : memref<128xi32, #tpu.memory_space<vmem>>) semaphore(%arg23 : memref<!tpu.dma_semaphore, #tpu.memory_space<semaphore_mem>>)
    %dma_wait3A_105 = arith.constant 0 : i32
    %dma_wait3A_106 = arith.constant 0 : i32
    %dma_wait3A_107 = tpu.memref_slice %arg3[%dma_wait3A_105, %dma_wait3A_106] : memref<32768x128xf32, #tpu.memory_space<hbm>> -> memref<32768x128xf32, #tpu.memory_space<hbm>>
    tpu.wait_indirect_dma semaphore(%arg23 : memref<!tpu.dma_semaphore, #tpu.memory_space<semaphore_mem>>) src(%dma_wait3A_107 : memref<32768x128xf32, #tpu.memory_space<hbm>>) dst(%arg22 : memref<128x128xf32, #tpu.memory_space<vmem>>)
    "tpu.region"() ({
      %run_scoped3A = tpu.sem_alloc : memref<!tpu.dma_semaphore, #tpu.memory_space<semaphore_mem>>
      %dma_start3A_120 = arith.constant 0 : i32
      %dma_start3A_121 = tpu.memref_slice %arg16[%mul3A_95, %dma_start3A_120] : memref<4096x128xf32, #tpu.memory_space<hbm>> -> memref<128x128xf32, #tpu.memory_space<hbm>>
      %dma_start3A_122 = arith.constant 0 : i32
      %dma_start3A_123 = tpu.memref_slice %arg16[%mul3A_95, %dma_start3A_122] : memref<4096x128xf32, #tpu.memory_space<hbm>> -> memref<128x128xf32, #tpu.memory_space<hbm>>
      tpu.enqueue_dma source(%arg22 : memref<128x128xf32, #tpu.memory_space<vmem>>) target(%dma_start3A_123 : memref<128x128xf32, #tpu.memory_space<hbm>>) target_semaphore(%run_scoped3A : memref<!tpu.dma_semaphore, #tpu.memory_space<semaphore_mem>>)
      %dma_wait3A_124 = arith.constant 0 : i32
      %dma_wait3A_125 = tpu.memref_slice %arg16[%mul3A_95, %dma_wait3A_124] : memref<4096x128xf32, #tpu.memory_space<hbm>> -> memref<128x128xf32, #tpu.memory_space<hbm>>
      %dma_wait3A_126 = arith.constant 0 : i32
      %dma_wait3A_127 = tpu.memref_slice %arg16[%mul3A_95, %dma_wait3A_126] : memref<4096x128xf32, #tpu.memory_space<hbm>> -> memref<128x128xf32, #tpu.memory_space<hbm>>
      tpu.wait_dma2 semaphore(%run_scoped3A : memref<!tpu.dma_semaphore, #tpu.memory_space<semaphore_mem>>) src(%arg22 : memref<128x128xf32, #tpu.memory_space<vmem>>) dst(%dma_wait3A_127 : memref<128x128xf32, #tpu.memory_space<hbm>>)
      tpu.yield
    }) : () -> ()
    "tpu.region"() ({
      %run_scoped3A = tpu.sem_alloc : memref<!tpu.dma_semaphore, #tpu.memory_space<semaphore_mem>>
      %dma_start3A_120 = tpu.memref_slice %arg12[%mul3A_95] : memref<4096xi32, #tpu.memory_space<hbm>> -> memref<128xi32, #tpu.memory_space<hbm>>
      %dma_start3A_121 = tpu.memref_slice %arg12[%mul3A_95] : memref<4096xi32, #tpu.memory_space<hbm>> -> memref<128xi32, #tpu.memory_space<hbm>>
      tpu.enqueue_dma source(%dma_start3A_121 : memref<128xi32, #tpu.memory_space<hbm>>) target(%arg21 : memref<128xi32, #tpu.memory_space<vmem>>) target_semaphore(%run_scoped3A : memref<!tpu.dma_semaphore, #tpu.memory_space<semaphore_mem>>)
      %dma_wait3A_122 = tpu.memref_slice %arg12[%mul3A_95] : memref<4096xi32, #tpu.memory_space<hbm>> -> memref<128xi32, #tpu.memory_space<hbm>>
      %dma_wait3A_123 = tpu.memref_slice %arg12[%mul3A_95] : memref<4096xi32, #tpu.memory_space<hbm>> -> memref<128xi32, #tpu.memory_space<hbm>>
      tpu.wait_dma2 semaphore(%run_scoped3A : memref<!tpu.dma_semaphore, #tpu.memory_space<semaphore_mem>>) src(%dma_wait3A_123 : memref<128xi32, #tpu.memory_space<hbm>>) dst(%arg21 : memref<128xi32, #tpu.memory_space<vmem>>)
      tpu.yield
    }) : () -> ()
    %dma_start3A_108 = arith.constant 0 : i32
    %dma_start3A_109 = arith.constant 0 : i32
    %dma_start3A_110 = tpu.memref_slice %arg4[%dma_start3A_108, %dma_start3A_109] : memref<8192x128xf32, #tpu.memory_space<hbm>> -> memref<8192x128xf32, #tpu.memory_space<hbm>>
    tpu.enqueue_indirect_dma source(%dma_start3A_110 : memref<8192x128xf32, #tpu.memory_space<hbm>>) target(%arg22 : memref<128x128xf32, #tpu.memory_space<vmem>>) offsets(%arg21 : memref<128xi32, #tpu.memory_space<vmem>>) semaphore(%arg23 : memref<!tpu.dma_semaphore, #tpu.memory_space<semaphore_mem>>)
    %dma_wait3A_111 = arith.constant 0 : i32
    %dma_wait3A_112 = arith.constant 0 : i32
    %dma_wait3A_113 = tpu.memref_slice %arg4[%dma_wait3A_111, %dma_wait3A_112] : memref<8192x128xf32, #tpu.memory_space<hbm>> -> memref<8192x128xf32, #tpu.memory_space<hbm>>
    tpu.wait_indirect_dma semaphore(%arg23 : memref<!tpu.dma_semaphore, #tpu.memory_space<semaphore_mem>>) src(%dma_wait3A_113 : memref<8192x128xf32, #tpu.memory_space<hbm>>) dst(%arg22 : memref<128x128xf32, #tpu.memory_space<vmem>>)
    "tpu.region"() ({
      %run_scoped3A = tpu.sem_alloc : memref<!tpu.dma_semaphore, #tpu.memory_space<semaphore_mem>>
      %dma_start3A_120 = arith.constant 0 : i32
      %dma_start3A_121 = tpu.memref_slice %arg17[%mul3A_95, %dma_start3A_120] : memref<4096x128xf32, #tpu.memory_space<hbm>> -> memref<128x128xf32, #tpu.memory_space<hbm>>
      %dma_start3A_122 = arith.constant 0 : i32
      %dma_start3A_123 = tpu.memref_slice %arg17[%mul3A_95, %dma_start3A_122] : memref<4096x128xf32, #tpu.memory_space<hbm>> -> memref<128x128xf32, #tpu.memory_space<hbm>>
      tpu.enqueue_dma source(%arg22 : memref<128x128xf32, #tpu.memory_space<vmem>>) target(%dma_start3A_123 : memref<128x128xf32, #tpu.memory_space<hbm>>) target_semaphore(%run_scoped3A : memref<!tpu.dma_semaphore, #tpu.memory_space<semaphore_mem>>)
      %dma_wait3A_124 = arith.constant 0 : i32
      %dma_wait3A_125 = tpu.memref_slice %arg17[%mul3A_95, %dma_wait3A_124] : memref<4096x128xf32, #tpu.memory_space<hbm>> -> memref<128x128xf32, #tpu.memory_space<hbm>>
      %dma_wait3A_126 = arith.constant 0 : i32
      %dma_wait3A_127 = tpu.memref_slice %arg17[%mul3A_95, %dma_wait3A_126] : memref<4096x128xf32, #tpu.memory_space<hbm>> -> memref<128x128xf32, #tpu.memory_space<hbm>>
      tpu.wait_dma2 semaphore(%run_scoped3A : memref<!tpu.dma_semaphore, #tpu.memory_space<semaphore_mem>>) src(%arg22 : memref<128x128xf32, #tpu.memory_space<vmem>>) dst(%dma_wait3A_127 : memref<128x128xf32, #tpu.memory_space<hbm>>)
      tpu.yield
    }) : () -> ()
    %dma_start3A_114 = arith.constant 0 : i32
    %dma_start3A_115 = arith.constant 0 : i32
    %dma_start3A_116 = tpu.memref_slice %arg5[%dma_start3A_114, %dma_start3A_115] : memref<8192x128xf32, #tpu.memory_space<hbm>> -> memref<8192x128xf32, #tpu.memory_space<hbm>>
    tpu.enqueue_indirect_dma source(%dma_start3A_116 : memref<8192x128xf32, #tpu.memory_space<hbm>>) target(%arg22 : memref<128x128xf32, #tpu.memory_space<vmem>>) offsets(%arg21 : memref<128xi32, #tpu.memory_space<vmem>>) semaphore(%arg23 : memref<!tpu.dma_semaphore, #tpu.memory_space<semaphore_mem>>)
    %dma_wait3A_117 = arith.constant 0 : i32
    %dma_wait3A_118 = arith.constant 0 : i32
    %dma_wait3A_119 = tpu.memref_slice %arg5[%dma_wait3A_117, %dma_wait3A_118] : memref<8192x128xf32, #tpu.memory_space<hbm>> -> memref<8192x128xf32, #tpu.memory_space<hbm>>
    tpu.wait_indirect_dma semaphore(%arg23 : memref<!tpu.dma_semaphore, #tpu.memory_space<semaphore_mem>>) src(%dma_wait3A_119 : memref<8192x128xf32, #tpu.memory_space<hbm>>) dst(%arg22 : memref<128x128xf32, #tpu.memory_space<vmem>>)
    "tpu.region"() ({
      %run_scoped3A = tpu.sem_alloc : memref<!tpu.dma_semaphore, #tpu.memory_space<semaphore_mem>>
      %dma_start3A_120 = arith.constant 0 : i32
      %dma_start3A_121 = tpu.memref_slice %arg18[%mul3A_95, %dma_start3A_120] : memref<4096x128xf32, #tpu.memory_space<hbm>> -> memref<128x128xf32, #tpu.memory_space<hbm>>
      %dma_start3A_122 = arith.constant 0 : i32
      %dma_start3A_123 = tpu.memref_slice %arg18[%mul3A_95, %dma_start3A_122] : memref<4096x128xf32, #tpu.memory_space<hbm>> -> memref<128x128xf32, #tpu.memory_space<hbm>>
      tpu.enqueue_dma source(%arg22 : memref<128x128xf32, #tpu.memory_space<vmem>>) target(%dma_start3A_123 : memref<128x128xf32, #tpu.memory_space<hbm>>) target_semaphore(%run_scoped3A : memref<!tpu.dma_semaphore, #tpu.memory_space<semaphore_mem>>)
      %dma_wait3A_124 = arith.constant 0 : i32
      %dma_wait3A_125 = tpu.memref_slice %arg18[%mul3A_95, %dma_wait3A_124] : memref<4096x128xf32, #tpu.memory_space<hbm>> -> memref<128x128xf32, #tpu.memory_space<hbm>>
      %dma_wait3A_126 = arith.constant 0 : i32
      %dma_wait3A_127 = tpu.memref_slice %arg18[%mul3A_95, %dma_wait3A_126] : memref<4096x128xf32, #tpu.memory_space<hbm>> -> memref<128x128xf32, #tpu.memory_space<hbm>>
      tpu.wait_dma2 semaphore(%run_scoped3A : memref<!tpu.dma_semaphore, #tpu.memory_space<semaphore_mem>>) src(%arg22 : memref<128x128xf32, #tpu.memory_space<vmem>>) dst(%dma_wait3A_127 : memref<128x128xf32, #tpu.memory_space<hbm>>)
      tpu.yield
    }) : () -> ()
    return
  }
}

#map = affine_map<(d0, d1) -> (0, 0)>
#map1 = affine_map<(d0, d1) -> (0)>
module attributes {stable_mosaic.version = 14 : i64} {
  func.func @k(%arg0: i32, %arg1: i32, %arg2: memref<32768x128xf32, #tpu.memory_space<hbm>>, %arg3: memref<32768x128xf32, #tpu.memory_space<hbm>>, %arg4: memref<4096xi32, #tpu.memory_space<hbm>>, %arg5: memref<4096x128xf32, #tpu.memory_space<hbm>>, %arg6: memref<4096x128xf32, #tpu.memory_space<hbm>>, %arg7: memref<8192x128xf32, #tpu.memory_space<hbm>>, %arg8: memref<8192x128xf32, #tpu.memory_space<hbm>>, %arg9: memref<4096xi32, #tpu.memory_space<hbm>>, %arg10: memref<4096x128xf32, #tpu.memory_space<hbm>>, %arg11: memref<4096x128xf32, #tpu.memory_space<hbm>>, %arg12: memref<32768x128xf32, #tpu.memory_space<hbm>>, %arg13: memref<32768x128xf32, #tpu.memory_space<hbm>>, %arg14: memref<8192x128xf32, #tpu.memory_space<hbm>>, %arg15: memref<8192x128xf32, #tpu.memory_space<hbm>>, %arg16: memref<128xi32, #tpu.memory_space<vmem>>, %arg17: memref<128x128xf32, #tpu.memory_space<vmem>>, %arg18: memref<128x128xf32, #tpu.memory_space<vmem>>, %arg19: memref<!tpu.dma_semaphore, #tpu.memory_space<semaphore_mem>>) attributes {dimension_semantics = [#tpu.dimension_semantics<core_parallel>, #tpu.dimension_semantics<subcore_parallel>], iteration_bounds = array<i64: 2, 16>, scalar_prefetch = 0 : i64, scratch_operands = 4 : i64, tpu.core_type = #tpu.core_type<sc_vector_subcore>, window_params = [{transform_indices = #map}, {transform_indices = #map}, {transform_indices = #map1}, {transform_indices = #map}, {transform_indices = #map}, {transform_indices = #map}, {transform_indices = #map}, {transform_indices = #map1}, {transform_indices = #map}, {transform_indices = #map}, {transform_indices = #map}, {transform_indices = #map}, {transform_indices = #map}, {transform_indices = #map}]} {
    %mul3A = arith.constant 16384 : i32
    %mul3A_0 = arith.muli %arg0, %mul3A : i32
    %mul3A_1 = arith.constant 1024 : i32
    %mul3A_2 = arith.muli %arg1, %mul3A_1 : i32
    %add3A = arith.addi %mul3A_0, %mul3A_2 : i32
    %add3A_3 = arith.constant 0 : i32
    %add3A_4 = arith.addi %add3A, %add3A_3 : i32
    "tpu.region"() ({
      %run_scoped3A = tpu.sem_alloc : memref<!tpu.dma_semaphore, #tpu.memory_space<semaphore_mem>>
      %dma_start3A_125 = arith.constant 0 : i32
      %dma_start3A_126 = tpu.memref_slice %arg2[%add3A_4, %dma_start3A_125] : memref<32768x128xf32, #tpu.memory_space<hbm>> -> memref<128x128xf32, #tpu.memory_space<hbm>>
      %dma_start3A_127 = arith.constant 0 : i32
      %dma_start3A_128 = tpu.memref_slice %arg2[%add3A_4, %dma_start3A_127] : memref<32768x128xf32, #tpu.memory_space<hbm>> -> memref<128x128xf32, #tpu.memory_space<hbm>>
      tpu.enqueue_dma source(%dma_start3A_128 : memref<128x128xf32, #tpu.memory_space<hbm>>) target(%arg18 : memref<128x128xf32, #tpu.memory_space<vmem>>) target_semaphore(%run_scoped3A : memref<!tpu.dma_semaphore, #tpu.memory_space<semaphore_mem>>)
      %dma_wait3A_129 = arith.constant 0 : i32
      %dma_wait3A_130 = tpu.memref_slice %arg2[%add3A_4, %dma_wait3A_129] : memref<32768x128xf32, #tpu.memory_space<hbm>> -> memref<128x128xf32, #tpu.memory_space<hbm>>
      %dma_wait3A_131 = arith.constant 0 : i32
      %dma_wait3A_132 = tpu.memref_slice %arg2[%add3A_4, %dma_wait3A_131] : memref<32768x128xf32, #tpu.memory_space<hbm>> -> memref<128x128xf32, #tpu.memory_space<hbm>>
      tpu.wait_dma2 semaphore(%run_scoped3A : memref<!tpu.dma_semaphore, #tpu.memory_space<semaphore_mem>>) src(%dma_wait3A_132 : memref<128x128xf32, #tpu.memory_space<hbm>>) dst(%arg18 : memref<128x128xf32, #tpu.memory_space<vmem>>)
      tpu.yield
    }) : () -> ()
    %add3A_5 = arith.constant 0 : i32
    %add3A_6 = arith.addi %add3A, %add3A_5 : i32
    "tpu.region"() ({
      %run_scoped3A = tpu.sem_alloc : memref<!tpu.dma_semaphore, #tpu.memory_space<semaphore_mem>>
      %dma_start3A_125 = arith.constant 0 : i32
      %dma_start3A_126 = tpu.memref_slice %arg12[%add3A_6, %dma_start3A_125] : memref<32768x128xf32, #tpu.memory_space<hbm>> -> memref<128x128xf32, #tpu.memory_space<hbm>>
      %dma_start3A_127 = arith.constant 0 : i32
      %dma_start3A_128 = tpu.memref_slice %arg12[%add3A_6, %dma_start3A_127] : memref<32768x128xf32, #tpu.memory_space<hbm>> -> memref<128x128xf32, #tpu.memory_space<hbm>>
      tpu.enqueue_dma source(%arg18 : memref<128x128xf32, #tpu.memory_space<vmem>>) target(%dma_start3A_128 : memref<128x128xf32, #tpu.memory_space<hbm>>) target_semaphore(%run_scoped3A : memref<!tpu.dma_semaphore, #tpu.memory_space<semaphore_mem>>)
      %dma_wait3A_129 = arith.constant 0 : i32
      %dma_wait3A_130 = tpu.memref_slice %arg12[%add3A_6, %dma_wait3A_129] : memref<32768x128xf32, #tpu.memory_space<hbm>> -> memref<128x128xf32, #tpu.memory_space<hbm>>
      %dma_wait3A_131 = arith.constant 0 : i32
      %dma_wait3A_132 = tpu.memref_slice %arg12[%add3A_6, %dma_wait3A_131] : memref<32768x128xf32, #tpu.memory_space<hbm>> -> memref<128x128xf32, #tpu.memory_space<hbm>>
      tpu.wait_dma2 semaphore(%run_scoped3A : memref<!tpu.dma_semaphore, #tpu.memory_space<semaphore_mem>>) src(%arg18 : memref<128x128xf32, #tpu.memory_space<vmem>>) dst(%dma_wait3A_132 : memref<128x128xf32, #tpu.memory_space<hbm>>)
      tpu.yield
    }) : () -> ()
    %add3A_7 = arith.constant 128 : i32
    %add3A_8 = arith.addi %add3A, %add3A_7 : i32
    "tpu.region"() ({
      %run_scoped3A = tpu.sem_alloc : memref<!tpu.dma_semaphore, #tpu.memory_space<semaphore_mem>>
      %dma_start3A_125 = arith.constant 0 : i32
      %dma_start3A_126 = tpu.memref_slice %arg2[%add3A_8, %dma_start3A_125] : memref<32768x128xf32, #tpu.memory_space<hbm>> -> memref<128x128xf32, #tpu.memory_space<hbm>>
      %dma_start3A_127 = arith.constant 0 : i32
      %dma_start3A_128 = tpu.memref_slice %arg2[%add3A_8, %dma_start3A_127] : memref<32768x128xf32, #tpu.memory_space<hbm>> -> memref<128x128xf32, #tpu.memory_space<hbm>>
      tpu.enqueue_dma source(%dma_start3A_128 : memref<128x128xf32, #tpu.memory_space<hbm>>) target(%arg18 : memref<128x128xf32, #tpu.memory_space<vmem>>) target_semaphore(%run_scoped3A : memref<!tpu.dma_semaphore, #tpu.memory_space<semaphore_mem>>)
      %dma_wait3A_129 = arith.constant 0 : i32
      %dma_wait3A_130 = tpu.memref_slice %arg2[%add3A_8, %dma_wait3A_129] : memref<32768x128xf32, #tpu.memory_space<hbm>> -> memref<128x128xf32, #tpu.memory_space<hbm>>
      %dma_wait3A_131 = arith.constant 0 : i32
      %dma_wait3A_132 = tpu.memref_slice %arg2[%add3A_8, %dma_wait3A_131] : memref<32768x128xf32, #tpu.memory_space<hbm>> -> memref<128x128xf32, #tpu.memory_space<hbm>>
      tpu.wait_dma2 semaphore(%run_scoped3A : memref<!tpu.dma_semaphore, #tpu.memory_space<semaphore_mem>>) src(%dma_wait3A_132 : memref<128x128xf32, #tpu.memory_space<hbm>>) dst(%arg18 : memref<128x128xf32, #tpu.memory_space<vmem>>)
      tpu.yield
    }) : () -> ()
    %add3A_9 = arith.constant 128 : i32
    %add3A_10 = arith.addi %add3A, %add3A_9 : i32
    "tpu.region"() ({
      %run_scoped3A = tpu.sem_alloc : memref<!tpu.dma_semaphore, #tpu.memory_space<semaphore_mem>>
      %dma_start3A_125 = arith.constant 0 : i32
      %dma_start3A_126 = tpu.memref_slice %arg12[%add3A_10, %dma_start3A_125] : memref<32768x128xf32, #tpu.memory_space<hbm>> -> memref<128x128xf32, #tpu.memory_space<hbm>>
      %dma_start3A_127 = arith.constant 0 : i32
      %dma_start3A_128 = tpu.memref_slice %arg12[%add3A_10, %dma_start3A_127] : memref<32768x128xf32, #tpu.memory_space<hbm>> -> memref<128x128xf32, #tpu.memory_space<hbm>>
      tpu.enqueue_dma source(%arg18 : memref<128x128xf32, #tpu.memory_space<vmem>>) target(%dma_start3A_128 : memref<128x128xf32, #tpu.memory_space<hbm>>) target_semaphore(%run_scoped3A : memref<!tpu.dma_semaphore, #tpu.memory_space<semaphore_mem>>)
      %dma_wait3A_129 = arith.constant 0 : i32
      %dma_wait3A_130 = tpu.memref_slice %arg12[%add3A_10, %dma_wait3A_129] : memref<32768x128xf32, #tpu.memory_space<hbm>> -> memref<128x128xf32, #tpu.memory_space<hbm>>
      %dma_wait3A_131 = arith.constant 0 : i32
      %dma_wait3A_132 = tpu.memref_slice %arg12[%add3A_10, %dma_wait3A_131] : memref<32768x128xf32, #tpu.memory_space<hbm>> -> memref<128x128xf32, #tpu.memory_space<hbm>>
      tpu.wait_dma2 semaphore(%run_scoped3A : memref<!tpu.dma_semaphore, #tpu.memory_space<semaphore_mem>>) src(%arg18 : memref<128x128xf32, #tpu.memory_space<vmem>>) dst(%dma_wait3A_132 : memref<128x128xf32, #tpu.memory_space<hbm>>)
      tpu.yield
    }) : () -> ()
    %add3A_11 = arith.constant 256 : i32
    %add3A_12 = arith.addi %add3A, %add3A_11 : i32
    "tpu.region"() ({
      %run_scoped3A = tpu.sem_alloc : memref<!tpu.dma_semaphore, #tpu.memory_space<semaphore_mem>>
      %dma_start3A_125 = arith.constant 0 : i32
      %dma_start3A_126 = tpu.memref_slice %arg2[%add3A_12, %dma_start3A_125] : memref<32768x128xf32, #tpu.memory_space<hbm>> -> memref<128x128xf32, #tpu.memory_space<hbm>>
      %dma_start3A_127 = arith.constant 0 : i32
      %dma_start3A_128 = tpu.memref_slice %arg2[%add3A_12, %dma_start3A_127] : memref<32768x128xf32, #tpu.memory_space<hbm>> -> memref<128x128xf32, #tpu.memory_space<hbm>>
      tpu.enqueue_dma source(%dma_start3A_128 : memref<128x128xf32, #tpu.memory_space<hbm>>) target(%arg18 : memref<128x128xf32, #tpu.memory_space<vmem>>) target_semaphore(%run_scoped3A : memref<!tpu.dma_semaphore, #tpu.memory_space<semaphore_mem>>)
      %dma_wait3A_129 = arith.constant 0 : i32
      %dma_wait3A_130 = tpu.memref_slice %arg2[%add3A_12, %dma_wait3A_129] : memref<32768x128xf32, #tpu.memory_space<hbm>> -> memref<128x128xf32, #tpu.memory_space<hbm>>
      %dma_wait3A_131 = arith.constant 0 : i32
      %dma_wait3A_132 = tpu.memref_slice %arg2[%add3A_12, %dma_wait3A_131] : memref<32768x128xf32, #tpu.memory_space<hbm>> -> memref<128x128xf32, #tpu.memory_space<hbm>>
      tpu.wait_dma2 semaphore(%run_scoped3A : memref<!tpu.dma_semaphore, #tpu.memory_space<semaphore_mem>>) src(%dma_wait3A_132 : memref<128x128xf32, #tpu.memory_space<hbm>>) dst(%arg18 : memref<128x128xf32, #tpu.memory_space<vmem>>)
      tpu.yield
    }) : () -> ()
    %add3A_13 = arith.constant 256 : i32
    %add3A_14 = arith.addi %add3A, %add3A_13 : i32
    "tpu.region"() ({
      %run_scoped3A = tpu.sem_alloc : memref<!tpu.dma_semaphore, #tpu.memory_space<semaphore_mem>>
      %dma_start3A_125 = arith.constant 0 : i32
      %dma_start3A_126 = tpu.memref_slice %arg12[%add3A_14, %dma_start3A_125] : memref<32768x128xf32, #tpu.memory_space<hbm>> -> memref<128x128xf32, #tpu.memory_space<hbm>>
      %dma_start3A_127 = arith.constant 0 : i32
      %dma_start3A_128 = tpu.memref_slice %arg12[%add3A_14, %dma_start3A_127] : memref<32768x128xf32, #tpu.memory_space<hbm>> -> memref<128x128xf32, #tpu.memory_space<hbm>>
      tpu.enqueue_dma source(%arg18 : memref<128x128xf32, #tpu.memory_space<vmem>>) target(%dma_start3A_128 : memref<128x128xf32, #tpu.memory_space<hbm>>) target_semaphore(%run_scoped3A : memref<!tpu.dma_semaphore, #tpu.memory_space<semaphore_mem>>)
      %dma_wait3A_129 = arith.constant 0 : i32
      %dma_wait3A_130 = tpu.memref_slice %arg12[%add3A_14, %dma_wait3A_129] : memref<32768x128xf32, #tpu.memory_space<hbm>> -> memref<128x128xf32, #tpu.memory_space<hbm>>
      %dma_wait3A_131 = arith.constant 0 : i32
      %dma_wait3A_132 = tpu.memref_slice %arg12[%add3A_14, %dma_wait3A_131] : memref<32768x128xf32, #tpu.memory_space<hbm>> -> memref<128x128xf32, #tpu.memory_space<hbm>>
      tpu.wait_dma2 semaphore(%run_scoped3A : memref<!tpu.dma_semaphore, #tpu.memory_space<semaphore_mem>>) src(%arg18 : memref<128x128xf32, #tpu.memory_space<vmem>>) dst(%dma_wait3A_132 : memref<128x128xf32, #tpu.memory_space<hbm>>)
      tpu.yield
    }) : () -> ()
    %add3A_15 = arith.constant 384 : i32
    %add3A_16 = arith.addi %add3A, %add3A_15 : i32
    "tpu.region"() ({
      %run_scoped3A = tpu.sem_alloc : memref<!tpu.dma_semaphore, #tpu.memory_space<semaphore_mem>>
      %dma_start3A_125 = arith.constant 0 : i32
      %dma_start3A_126 = tpu.memref_slice %arg2[%add3A_16, %dma_start3A_125] : memref<32768x128xf32, #tpu.memory_space<hbm>> -> memref<128x128xf32, #tpu.memory_space<hbm>>
      %dma_start3A_127 = arith.constant 0 : i32
      %dma_start3A_128 = tpu.memref_slice %arg2[%add3A_16, %dma_start3A_127] : memref<32768x128xf32, #tpu.memory_space<hbm>> -> memref<128x128xf32, #tpu.memory_space<hbm>>
      tpu.enqueue_dma source(%dma_start3A_128 : memref<128x128xf32, #tpu.memory_space<hbm>>) target(%arg18 : memref<128x128xf32, #tpu.memory_space<vmem>>) target_semaphore(%run_scoped3A : memref<!tpu.dma_semaphore, #tpu.memory_space<semaphore_mem>>)
      %dma_wait3A_129 = arith.constant 0 : i32
      %dma_wait3A_130 = tpu.memref_slice %arg2[%add3A_16, %dma_wait3A_129] : memref<32768x128xf32, #tpu.memory_space<hbm>> -> memref<128x128xf32, #tpu.memory_space<hbm>>
      %dma_wait3A_131 = arith.constant 0 : i32
      %dma_wait3A_132 = tpu.memref_slice %arg2[%add3A_16, %dma_wait3A_131] : memref<32768x128xf32, #tpu.memory_space<hbm>> -> memref<128x128xf32, #tpu.memory_space<hbm>>
      tpu.wait_dma2 semaphore(%run_scoped3A : memref<!tpu.dma_semaphore, #tpu.memory_space<semaphore_mem>>) src(%dma_wait3A_132 : memref<128x128xf32, #tpu.memory_space<hbm>>) dst(%arg18 : memref<128x128xf32, #tpu.memory_space<vmem>>)
      tpu.yield
    }) : () -> ()
    %add3A_17 = arith.constant 384 : i32
    %add3A_18 = arith.addi %add3A, %add3A_17 : i32
    "tpu.region"() ({
      %run_scoped3A = tpu.sem_alloc : memref<!tpu.dma_semaphore, #tpu.memory_space<semaphore_mem>>
      %dma_start3A_125 = arith.constant 0 : i32
      %dma_start3A_126 = tpu.memref_slice %arg12[%add3A_18, %dma_start3A_125] : memref<32768x128xf32, #tpu.memory_space<hbm>> -> memref<128x128xf32, #tpu.memory_space<hbm>>
      %dma_start3A_127 = arith.constant 0 : i32
      %dma_start3A_128 = tpu.memref_slice %arg12[%add3A_18, %dma_start3A_127] : memref<32768x128xf32, #tpu.memory_space<hbm>> -> memref<128x128xf32, #tpu.memory_space<hbm>>
      tpu.enqueue_dma source(%arg18 : memref<128x128xf32, #tpu.memory_space<vmem>>) target(%dma_start3A_128 : memref<128x128xf32, #tpu.memory_space<hbm>>) target_semaphore(%run_scoped3A : memref<!tpu.dma_semaphore, #tpu.memory_space<semaphore_mem>>)
      %dma_wait3A_129 = arith.constant 0 : i32
      %dma_wait3A_130 = tpu.memref_slice %arg12[%add3A_18, %dma_wait3A_129] : memref<32768x128xf32, #tpu.memory_space<hbm>> -> memref<128x128xf32, #tpu.memory_space<hbm>>
      %dma_wait3A_131 = arith.constant 0 : i32
      %dma_wait3A_132 = tpu.memref_slice %arg12[%add3A_18, %dma_wait3A_131] : memref<32768x128xf32, #tpu.memory_space<hbm>> -> memref<128x128xf32, #tpu.memory_space<hbm>>
      tpu.wait_dma2 semaphore(%run_scoped3A : memref<!tpu.dma_semaphore, #tpu.memory_space<semaphore_mem>>) src(%arg18 : memref<128x128xf32, #tpu.memory_space<vmem>>) dst(%dma_wait3A_132 : memref<128x128xf32, #tpu.memory_space<hbm>>)
      tpu.yield
    }) : () -> ()
    %add3A_19 = arith.constant 512 : i32
    %add3A_20 = arith.addi %add3A, %add3A_19 : i32
    "tpu.region"() ({
      %run_scoped3A = tpu.sem_alloc : memref<!tpu.dma_semaphore, #tpu.memory_space<semaphore_mem>>
      %dma_start3A_125 = arith.constant 0 : i32
      %dma_start3A_126 = tpu.memref_slice %arg2[%add3A_20, %dma_start3A_125] : memref<32768x128xf32, #tpu.memory_space<hbm>> -> memref<128x128xf32, #tpu.memory_space<hbm>>
      %dma_start3A_127 = arith.constant 0 : i32
      %dma_start3A_128 = tpu.memref_slice %arg2[%add3A_20, %dma_start3A_127] : memref<32768x128xf32, #tpu.memory_space<hbm>> -> memref<128x128xf32, #tpu.memory_space<hbm>>
      tpu.enqueue_dma source(%dma_start3A_128 : memref<128x128xf32, #tpu.memory_space<hbm>>) target(%arg18 : memref<128x128xf32, #tpu.memory_space<vmem>>) target_semaphore(%run_scoped3A : memref<!tpu.dma_semaphore, #tpu.memory_space<semaphore_mem>>)
      %dma_wait3A_129 = arith.constant 0 : i32
      %dma_wait3A_130 = tpu.memref_slice %arg2[%add3A_20, %dma_wait3A_129] : memref<32768x128xf32, #tpu.memory_space<hbm>> -> memref<128x128xf32, #tpu.memory_space<hbm>>
      %dma_wait3A_131 = arith.constant 0 : i32
      %dma_wait3A_132 = tpu.memref_slice %arg2[%add3A_20, %dma_wait3A_131] : memref<32768x128xf32, #tpu.memory_space<hbm>> -> memref<128x128xf32, #tpu.memory_space<hbm>>
      tpu.wait_dma2 semaphore(%run_scoped3A : memref<!tpu.dma_semaphore, #tpu.memory_space<semaphore_mem>>) src(%dma_wait3A_132 : memref<128x128xf32, #tpu.memory_space<hbm>>) dst(%arg18 : memref<128x128xf32, #tpu.memory_space<vmem>>)
      tpu.yield
    }) : () -> ()
    %add3A_21 = arith.constant 512 : i32
    %add3A_22 = arith.addi %add3A, %add3A_21 : i32
    "tpu.region"() ({
      %run_scoped3A = tpu.sem_alloc : memref<!tpu.dma_semaphore, #tpu.memory_space<semaphore_mem>>
      %dma_start3A_125 = arith.constant 0 : i32
      %dma_start3A_126 = tpu.memref_slice %arg12[%add3A_22, %dma_start3A_125] : memref<32768x128xf32, #tpu.memory_space<hbm>> -> memref<128x128xf32, #tpu.memory_space<hbm>>
      %dma_start3A_127 = arith.constant 0 : i32
      %dma_start3A_128 = tpu.memref_slice %arg12[%add3A_22, %dma_start3A_127] : memref<32768x128xf32, #tpu.memory_space<hbm>> -> memref<128x128xf32, #tpu.memory_space<hbm>>
      tpu.enqueue_dma source(%arg18 : memref<128x128xf32, #tpu.memory_space<vmem>>) target(%dma_start3A_128 : memref<128x128xf32, #tpu.memory_space<hbm>>) target_semaphore(%run_scoped3A : memref<!tpu.dma_semaphore, #tpu.memory_space<semaphore_mem>>)
      %dma_wait3A_129 = arith.constant 0 : i32
      %dma_wait3A_130 = tpu.memref_slice %arg12[%add3A_22, %dma_wait3A_129] : memref<32768x128xf32, #tpu.memory_space<hbm>> -> memref<128x128xf32, #tpu.memory_space<hbm>>
      %dma_wait3A_131 = arith.constant 0 : i32
      %dma_wait3A_132 = tpu.memref_slice %arg12[%add3A_22, %dma_wait3A_131] : memref<32768x128xf32, #tpu.memory_space<hbm>> -> memref<128x128xf32, #tpu.memory_space<hbm>>
      tpu.wait_dma2 semaphore(%run_scoped3A : memref<!tpu.dma_semaphore, #tpu.memory_space<semaphore_mem>>) src(%arg18 : memref<128x128xf32, #tpu.memory_space<vmem>>) dst(%dma_wait3A_132 : memref<128x128xf32, #tpu.memory_space<hbm>>)
      tpu.yield
    }) : () -> ()
    %add3A_23 = arith.constant 640 : i32
    %add3A_24 = arith.addi %add3A, %add3A_23 : i32
    "tpu.region"() ({
      %run_scoped3A = tpu.sem_alloc : memref<!tpu.dma_semaphore, #tpu.memory_space<semaphore_mem>>
      %dma_start3A_125 = arith.constant 0 : i32
      %dma_start3A_126 = tpu.memref_slice %arg2[%add3A_24, %dma_start3A_125] : memref<32768x128xf32, #tpu.memory_space<hbm>> -> memref<128x128xf32, #tpu.memory_space<hbm>>
      %dma_start3A_127 = arith.constant 0 : i32
      %dma_start3A_128 = tpu.memref_slice %arg2[%add3A_24, %dma_start3A_127] : memref<32768x128xf32, #tpu.memory_space<hbm>> -> memref<128x128xf32, #tpu.memory_space<hbm>>
      tpu.enqueue_dma source(%dma_start3A_128 : memref<128x128xf32, #tpu.memory_space<hbm>>) target(%arg18 : memref<128x128xf32, #tpu.memory_space<vmem>>) target_semaphore(%run_scoped3A : memref<!tpu.dma_semaphore, #tpu.memory_space<semaphore_mem>>)
      %dma_wait3A_129 = arith.constant 0 : i32
      %dma_wait3A_130 = tpu.memref_slice %arg2[%add3A_24, %dma_wait3A_129] : memref<32768x128xf32, #tpu.memory_space<hbm>> -> memref<128x128xf32, #tpu.memory_space<hbm>>
      %dma_wait3A_131 = arith.constant 0 : i32
      %dma_wait3A_132 = tpu.memref_slice %arg2[%add3A_24, %dma_wait3A_131] : memref<32768x128xf32, #tpu.memory_space<hbm>> -> memref<128x128xf32, #tpu.memory_space<hbm>>
      tpu.wait_dma2 semaphore(%run_scoped3A : memref<!tpu.dma_semaphore, #tpu.memory_space<semaphore_mem>>) src(%dma_wait3A_132 : memref<128x128xf32, #tpu.memory_space<hbm>>) dst(%arg18 : memref<128x128xf32, #tpu.memory_space<vmem>>)
      tpu.yield
    }) : () -> ()
    %add3A_25 = arith.constant 640 : i32
    %add3A_26 = arith.addi %add3A, %add3A_25 : i32
    "tpu.region"() ({
      %run_scoped3A = tpu.sem_alloc : memref<!tpu.dma_semaphore, #tpu.memory_space<semaphore_mem>>
      %dma_start3A_125 = arith.constant 0 : i32
      %dma_start3A_126 = tpu.memref_slice %arg12[%add3A_26, %dma_start3A_125] : memref<32768x128xf32, #tpu.memory_space<hbm>> -> memref<128x128xf32, #tpu.memory_space<hbm>>
      %dma_start3A_127 = arith.constant 0 : i32
      %dma_start3A_128 = tpu.memref_slice %arg12[%add3A_26, %dma_start3A_127] : memref<32768x128xf32, #tpu.memory_space<hbm>> -> memref<128x128xf32, #tpu.memory_space<hbm>>
      tpu.enqueue_dma source(%arg18 : memref<128x128xf32, #tpu.memory_space<vmem>>) target(%dma_start3A_128 : memref<128x128xf32, #tpu.memory_space<hbm>>) target_semaphore(%run_scoped3A : memref<!tpu.dma_semaphore, #tpu.memory_space<semaphore_mem>>)
      %dma_wait3A_129 = arith.constant 0 : i32
      %dma_wait3A_130 = tpu.memref_slice %arg12[%add3A_26, %dma_wait3A_129] : memref<32768x128xf32, #tpu.memory_space<hbm>> -> memref<128x128xf32, #tpu.memory_space<hbm>>
      %dma_wait3A_131 = arith.constant 0 : i32
      %dma_wait3A_132 = tpu.memref_slice %arg12[%add3A_26, %dma_wait3A_131] : memref<32768x128xf32, #tpu.memory_space<hbm>> -> memref<128x128xf32, #tpu.memory_space<hbm>>
      tpu.wait_dma2 semaphore(%run_scoped3A : memref<!tpu.dma_semaphore, #tpu.memory_space<semaphore_mem>>) src(%arg18 : memref<128x128xf32, #tpu.memory_space<vmem>>) dst(%dma_wait3A_132 : memref<128x128xf32, #tpu.memory_space<hbm>>)
      tpu.yield
    }) : () -> ()
    %add3A_27 = arith.constant 768 : i32
    %add3A_28 = arith.addi %add3A, %add3A_27 : i32
    "tpu.region"() ({
      %run_scoped3A = tpu.sem_alloc : memref<!tpu.dma_semaphore, #tpu.memory_space<semaphore_mem>>
      %dma_start3A_125 = arith.constant 0 : i32
      %dma_start3A_126 = tpu.memref_slice %arg2[%add3A_28, %dma_start3A_125] : memref<32768x128xf32, #tpu.memory_space<hbm>> -> memref<128x128xf32, #tpu.memory_space<hbm>>
      %dma_start3A_127 = arith.constant 0 : i32
      %dma_start3A_128 = tpu.memref_slice %arg2[%add3A_28, %dma_start3A_127] : memref<32768x128xf32, #tpu.memory_space<hbm>> -> memref<128x128xf32, #tpu.memory_space<hbm>>
      tpu.enqueue_dma source(%dma_start3A_128 : memref<128x128xf32, #tpu.memory_space<hbm>>) target(%arg18 : memref<128x128xf32, #tpu.memory_space<vmem>>) target_semaphore(%run_scoped3A : memref<!tpu.dma_semaphore, #tpu.memory_space<semaphore_mem>>)
      %dma_wait3A_129 = arith.constant 0 : i32
      %dma_wait3A_130 = tpu.memref_slice %arg2[%add3A_28, %dma_wait3A_129] : memref<32768x128xf32, #tpu.memory_space<hbm>> -> memref<128x128xf32, #tpu.memory_space<hbm>>
      %dma_wait3A_131 = arith.constant 0 : i32
      %dma_wait3A_132 = tpu.memref_slice %arg2[%add3A_28, %dma_wait3A_131] : memref<32768x128xf32, #tpu.memory_space<hbm>> -> memref<128x128xf32, #tpu.memory_space<hbm>>
      tpu.wait_dma2 semaphore(%run_scoped3A : memref<!tpu.dma_semaphore, #tpu.memory_space<semaphore_mem>>) src(%dma_wait3A_132 : memref<128x128xf32, #tpu.memory_space<hbm>>) dst(%arg18 : memref<128x128xf32, #tpu.memory_space<vmem>>)
      tpu.yield
    }) : () -> ()
    %add3A_29 = arith.constant 768 : i32
    %add3A_30 = arith.addi %add3A, %add3A_29 : i32
    "tpu.region"() ({
      %run_scoped3A = tpu.sem_alloc : memref<!tpu.dma_semaphore, #tpu.memory_space<semaphore_mem>>
      %dma_start3A_125 = arith.constant 0 : i32
      %dma_start3A_126 = tpu.memref_slice %arg12[%add3A_30, %dma_start3A_125] : memref<32768x128xf32, #tpu.memory_space<hbm>> -> memref<128x128xf32, #tpu.memory_space<hbm>>
      %dma_start3A_127 = arith.constant 0 : i32
      %dma_start3A_128 = tpu.memref_slice %arg12[%add3A_30, %dma_start3A_127] : memref<32768x128xf32, #tpu.memory_space<hbm>> -> memref<128x128xf32, #tpu.memory_space<hbm>>
      tpu.enqueue_dma source(%arg18 : memref<128x128xf32, #tpu.memory_space<vmem>>) target(%dma_start3A_128 : memref<128x128xf32, #tpu.memory_space<hbm>>) target_semaphore(%run_scoped3A : memref<!tpu.dma_semaphore, #tpu.memory_space<semaphore_mem>>)
      %dma_wait3A_129 = arith.constant 0 : i32
      %dma_wait3A_130 = tpu.memref_slice %arg12[%add3A_30, %dma_wait3A_129] : memref<32768x128xf32, #tpu.memory_space<hbm>> -> memref<128x128xf32, #tpu.memory_space<hbm>>
      %dma_wait3A_131 = arith.constant 0 : i32
      %dma_wait3A_132 = tpu.memref_slice %arg12[%add3A_30, %dma_wait3A_131] : memref<32768x128xf32, #tpu.memory_space<hbm>> -> memref<128x128xf32, #tpu.memory_space<hbm>>
      tpu.wait_dma2 semaphore(%run_scoped3A : memref<!tpu.dma_semaphore, #tpu.memory_space<semaphore_mem>>) src(%arg18 : memref<128x128xf32, #tpu.memory_space<vmem>>) dst(%dma_wait3A_132 : memref<128x128xf32, #tpu.memory_space<hbm>>)
      tpu.yield
    }) : () -> ()
    %add3A_31 = arith.constant 896 : i32
    %add3A_32 = arith.addi %add3A, %add3A_31 : i32
    "tpu.region"() ({
      %run_scoped3A = tpu.sem_alloc : memref<!tpu.dma_semaphore, #tpu.memory_space<semaphore_mem>>
      %dma_start3A_125 = arith.constant 0 : i32
      %dma_start3A_126 = tpu.memref_slice %arg2[%add3A_32, %dma_start3A_125] : memref<32768x128xf32, #tpu.memory_space<hbm>> -> memref<128x128xf32, #tpu.memory_space<hbm>>
      %dma_start3A_127 = arith.constant 0 : i32
      %dma_start3A_128 = tpu.memref_slice %arg2[%add3A_32, %dma_start3A_127] : memref<32768x128xf32, #tpu.memory_space<hbm>> -> memref<128x128xf32, #tpu.memory_space<hbm>>
      tpu.enqueue_dma source(%dma_start3A_128 : memref<128x128xf32, #tpu.memory_space<hbm>>) target(%arg18 : memref<128x128xf32, #tpu.memory_space<vmem>>) target_semaphore(%run_scoped3A : memref<!tpu.dma_semaphore, #tpu.memory_space<semaphore_mem>>)
      %dma_wait3A_129 = arith.constant 0 : i32
      %dma_wait3A_130 = tpu.memref_slice %arg2[%add3A_32, %dma_wait3A_129] : memref<32768x128xf32, #tpu.memory_space<hbm>> -> memref<128x128xf32, #tpu.memory_space<hbm>>
      %dma_wait3A_131 = arith.constant 0 : i32
      %dma_wait3A_132 = tpu.memref_slice %arg2[%add3A_32, %dma_wait3A_131] : memref<32768x128xf32, #tpu.memory_space<hbm>> -> memref<128x128xf32, #tpu.memory_space<hbm>>
      tpu.wait_dma2 semaphore(%run_scoped3A : memref<!tpu.dma_semaphore, #tpu.memory_space<semaphore_mem>>) src(%dma_wait3A_132 : memref<128x128xf32, #tpu.memory_space<hbm>>) dst(%arg18 : memref<128x128xf32, #tpu.memory_space<vmem>>)
      tpu.yield
    }) : () -> ()
    %add3A_33 = arith.constant 896 : i32
    %add3A_34 = arith.addi %add3A, %add3A_33 : i32
    "tpu.region"() ({
      %run_scoped3A = tpu.sem_alloc : memref<!tpu.dma_semaphore, #tpu.memory_space<semaphore_mem>>
      %dma_start3A_125 = arith.constant 0 : i32
      %dma_start3A_126 = tpu.memref_slice %arg12[%add3A_34, %dma_start3A_125] : memref<32768x128xf32, #tpu.memory_space<hbm>> -> memref<128x128xf32, #tpu.memory_space<hbm>>
      %dma_start3A_127 = arith.constant 0 : i32
      %dma_start3A_128 = tpu.memref_slice %arg12[%add3A_34, %dma_start3A_127] : memref<32768x128xf32, #tpu.memory_space<hbm>> -> memref<128x128xf32, #tpu.memory_space<hbm>>
      tpu.enqueue_dma source(%arg18 : memref<128x128xf32, #tpu.memory_space<vmem>>) target(%dma_start3A_128 : memref<128x128xf32, #tpu.memory_space<hbm>>) target_semaphore(%run_scoped3A : memref<!tpu.dma_semaphore, #tpu.memory_space<semaphore_mem>>)
      %dma_wait3A_129 = arith.constant 0 : i32
      %dma_wait3A_130 = tpu.memref_slice %arg12[%add3A_34, %dma_wait3A_129] : memref<32768x128xf32, #tpu.memory_space<hbm>> -> memref<128x128xf32, #tpu.memory_space<hbm>>
      %dma_wait3A_131 = arith.constant 0 : i32
      %dma_wait3A_132 = tpu.memref_slice %arg12[%add3A_34, %dma_wait3A_131] : memref<32768x128xf32, #tpu.memory_space<hbm>> -> memref<128x128xf32, #tpu.memory_space<hbm>>
      tpu.wait_dma2 semaphore(%run_scoped3A : memref<!tpu.dma_semaphore, #tpu.memory_space<semaphore_mem>>) src(%arg18 : memref<128x128xf32, #tpu.memory_space<vmem>>) dst(%dma_wait3A_132 : memref<128x128xf32, #tpu.memory_space<hbm>>)
      tpu.yield
    }) : () -> ()
    %mul3A_35 = arith.constant 16384 : i32
    %mul3A_36 = arith.muli %arg0, %mul3A_35 : i32
    %mul3A_37 = arith.constant 1024 : i32
    %mul3A_38 = arith.muli %arg1, %mul3A_37 : i32
    %add3A_39 = arith.addi %mul3A_36, %mul3A_38 : i32
    %add3A_40 = arith.constant 0 : i32
    %add3A_41 = arith.addi %add3A_39, %add3A_40 : i32
    "tpu.region"() ({
      %run_scoped3A = tpu.sem_alloc : memref<!tpu.dma_semaphore, #tpu.memory_space<semaphore_mem>>
      %dma_start3A_125 = arith.constant 0 : i32
      %dma_start3A_126 = tpu.memref_slice %arg3[%add3A_41, %dma_start3A_125] : memref<32768x128xf32, #tpu.memory_space<hbm>> -> memref<128x128xf32, #tpu.memory_space<hbm>>
      %dma_start3A_127 = arith.constant 0 : i32
      %dma_start3A_128 = tpu.memref_slice %arg3[%add3A_41, %dma_start3A_127] : memref<32768x128xf32, #tpu.memory_space<hbm>> -> memref<128x128xf32, #tpu.memory_space<hbm>>
      tpu.enqueue_dma source(%dma_start3A_128 : memref<128x128xf32, #tpu.memory_space<hbm>>) target(%arg18 : memref<128x128xf32, #tpu.memory_space<vmem>>) target_semaphore(%run_scoped3A : memref<!tpu.dma_semaphore, #tpu.memory_space<semaphore_mem>>)
      %dma_wait3A_129 = arith.constant 0 : i32
      %dma_wait3A_130 = tpu.memref_slice %arg3[%add3A_41, %dma_wait3A_129] : memref<32768x128xf32, #tpu.memory_space<hbm>> -> memref<128x128xf32, #tpu.memory_space<hbm>>
      %dma_wait3A_131 = arith.constant 0 : i32
      %dma_wait3A_132 = tpu.memref_slice %arg3[%add3A_41, %dma_wait3A_131] : memref<32768x128xf32, #tpu.memory_space<hbm>> -> memref<128x128xf32, #tpu.memory_space<hbm>>
      tpu.wait_dma2 semaphore(%run_scoped3A : memref<!tpu.dma_semaphore, #tpu.memory_space<semaphore_mem>>) src(%dma_wait3A_132 : memref<128x128xf32, #tpu.memory_space<hbm>>) dst(%arg18 : memref<128x128xf32, #tpu.memory_space<vmem>>)
      tpu.yield
    }) : () -> ()
    %add3A_42 = arith.constant 0 : i32
    %add3A_43 = arith.addi %add3A_39, %add3A_42 : i32
    "tpu.region"() ({
      %run_scoped3A = tpu.sem_alloc : memref<!tpu.dma_semaphore, #tpu.memory_space<semaphore_mem>>
      %dma_start3A_125 = arith.constant 0 : i32
      %dma_start3A_126 = tpu.memref_slice %arg13[%add3A_43, %dma_start3A_125] : memref<32768x128xf32, #tpu.memory_space<hbm>> -> memref<128x128xf32, #tpu.memory_space<hbm>>
      %dma_start3A_127 = arith.constant 0 : i32
      %dma_start3A_128 = tpu.memref_slice %arg13[%add3A_43, %dma_start3A_127] : memref<32768x128xf32, #tpu.memory_space<hbm>> -> memref<128x128xf32, #tpu.memory_space<hbm>>
      tpu.enqueue_dma source(%arg18 : memref<128x128xf32, #tpu.memory_space<vmem>>) target(%dma_start3A_128 : memref<128x128xf32, #tpu.memory_space<hbm>>) target_semaphore(%run_scoped3A : memref<!tpu.dma_semaphore, #tpu.memory_space<semaphore_mem>>)
      %dma_wait3A_129 = arith.constant 0 : i32
      %dma_wait3A_130 = tpu.memref_slice %arg13[%add3A_43, %dma_wait3A_129] : memref<32768x128xf32, #tpu.memory_space<hbm>> -> memref<128x128xf32, #tpu.memory_space<hbm>>
      %dma_wait3A_131 = arith.constant 0 : i32
      %dma_wait3A_132 = tpu.memref_slice %arg13[%add3A_43, %dma_wait3A_131] : memref<32768x128xf32, #tpu.memory_space<hbm>> -> memref<128x128xf32, #tpu.memory_space<hbm>>
      tpu.wait_dma2 semaphore(%run_scoped3A : memref<!tpu.dma_semaphore, #tpu.memory_space<semaphore_mem>>) src(%arg18 : memref<128x128xf32, #tpu.memory_space<vmem>>) dst(%dma_wait3A_132 : memref<128x128xf32, #tpu.memory_space<hbm>>)
      tpu.yield
    }) : () -> ()
    %add3A_44 = arith.constant 128 : i32
    %add3A_45 = arith.addi %add3A_39, %add3A_44 : i32
    "tpu.region"() ({
      %run_scoped3A = tpu.sem_alloc : memref<!tpu.dma_semaphore, #tpu.memory_space<semaphore_mem>>
      %dma_start3A_125 = arith.constant 0 : i32
      %dma_start3A_126 = tpu.memref_slice %arg3[%add3A_45, %dma_start3A_125] : memref<32768x128xf32, #tpu.memory_space<hbm>> -> memref<128x128xf32, #tpu.memory_space<hbm>>
      %dma_start3A_127 = arith.constant 0 : i32
      %dma_start3A_128 = tpu.memref_slice %arg3[%add3A_45, %dma_start3A_127] : memref<32768x128xf32, #tpu.memory_space<hbm>> -> memref<128x128xf32, #tpu.memory_space<hbm>>
      tpu.enqueue_dma source(%dma_start3A_128 : memref<128x128xf32, #tpu.memory_space<hbm>>) target(%arg18 : memref<128x128xf32, #tpu.memory_space<vmem>>) target_semaphore(%run_scoped3A : memref<!tpu.dma_semaphore, #tpu.memory_space<semaphore_mem>>)
      %dma_wait3A_129 = arith.constant 0 : i32
      %dma_wait3A_130 = tpu.memref_slice %arg3[%add3A_45, %dma_wait3A_129] : memref<32768x128xf32, #tpu.memory_space<hbm>> -> memref<128x128xf32, #tpu.memory_space<hbm>>
      %dma_wait3A_131 = arith.constant 0 : i32
      %dma_wait3A_132 = tpu.memref_slice %arg3[%add3A_45, %dma_wait3A_131] : memref<32768x128xf32, #tpu.memory_space<hbm>> -> memref<128x128xf32, #tpu.memory_space<hbm>>
      tpu.wait_dma2 semaphore(%run_scoped3A : memref<!tpu.dma_semaphore, #tpu.memory_space<semaphore_mem>>) src(%dma_wait3A_132 : memref<128x128xf32, #tpu.memory_space<hbm>>) dst(%arg18 : memref<128x128xf32, #tpu.memory_space<vmem>>)
      tpu.yield
    }) : () -> ()
    %add3A_46 = arith.constant 128 : i32
    %add3A_47 = arith.addi %add3A_39, %add3A_46 : i32
    "tpu.region"() ({
      %run_scoped3A = tpu.sem_alloc : memref<!tpu.dma_semaphore, #tpu.memory_space<semaphore_mem>>
      %dma_start3A_125 = arith.constant 0 : i32
      %dma_start3A_126 = tpu.memref_slice %arg13[%add3A_47, %dma_start3A_125] : memref<32768x128xf32, #tpu.memory_space<hbm>> -> memref<128x128xf32, #tpu.memory_space<hbm>>
      %dma_start3A_127 = arith.constant 0 : i32
      %dma_start3A_128 = tpu.memref_slice %arg13[%add3A_47, %dma_start3A_127] : memref<32768x128xf32, #tpu.memory_space<hbm>> -> memref<128x128xf32, #tpu.memory_space<hbm>>
      tpu.enqueue_dma source(%arg18 : memref<128x128xf32, #tpu.memory_space<vmem>>) target(%dma_start3A_128 : memref<128x128xf32, #tpu.memory_space<hbm>>) target_semaphore(%run_scoped3A : memref<!tpu.dma_semaphore, #tpu.memory_space<semaphore_mem>>)
      %dma_wait3A_129 = arith.constant 0 : i32
      %dma_wait3A_130 = tpu.memref_slice %arg13[%add3A_47, %dma_wait3A_129] : memref<32768x128xf32, #tpu.memory_space<hbm>> -> memref<128x128xf32, #tpu.memory_space<hbm>>
      %dma_wait3A_131 = arith.constant 0 : i32
      %dma_wait3A_132 = tpu.memref_slice %arg13[%add3A_47, %dma_wait3A_131] : memref<32768x128xf32, #tpu.memory_space<hbm>> -> memref<128x128xf32, #tpu.memory_space<hbm>>
      tpu.wait_dma2 semaphore(%run_scoped3A : memref<!tpu.dma_semaphore, #tpu.memory_space<semaphore_mem>>) src(%arg18 : memref<128x128xf32, #tpu.memory_space<vmem>>) dst(%dma_wait3A_132 : memref<128x128xf32, #tpu.memory_space<hbm>>)
      tpu.yield
    }) : () -> ()
    %add3A_48 = arith.constant 256 : i32
    %add3A_49 = arith.addi %add3A_39, %add3A_48 : i32
    "tpu.region"() ({
      %run_scoped3A = tpu.sem_alloc : memref<!tpu.dma_semaphore, #tpu.memory_space<semaphore_mem>>
      %dma_start3A_125 = arith.constant 0 : i32
      %dma_start3A_126 = tpu.memref_slice %arg3[%add3A_49, %dma_start3A_125] : memref<32768x128xf32, #tpu.memory_space<hbm>> -> memref<128x128xf32, #tpu.memory_space<hbm>>
      %dma_start3A_127 = arith.constant 0 : i32
      %dma_start3A_128 = tpu.memref_slice %arg3[%add3A_49, %dma_start3A_127] : memref<32768x128xf32, #tpu.memory_space<hbm>> -> memref<128x128xf32, #tpu.memory_space<hbm>>
      tpu.enqueue_dma source(%dma_start3A_128 : memref<128x128xf32, #tpu.memory_space<hbm>>) target(%arg18 : memref<128x128xf32, #tpu.memory_space<vmem>>) target_semaphore(%run_scoped3A : memref<!tpu.dma_semaphore, #tpu.memory_space<semaphore_mem>>)
      %dma_wait3A_129 = arith.constant 0 : i32
      %dma_wait3A_130 = tpu.memref_slice %arg3[%add3A_49, %dma_wait3A_129] : memref<32768x128xf32, #tpu.memory_space<hbm>> -> memref<128x128xf32, #tpu.memory_space<hbm>>
      %dma_wait3A_131 = arith.constant 0 : i32
      %dma_wait3A_132 = tpu.memref_slice %arg3[%add3A_49, %dma_wait3A_131] : memref<32768x128xf32, #tpu.memory_space<hbm>> -> memref<128x128xf32, #tpu.memory_space<hbm>>
      tpu.wait_dma2 semaphore(%run_scoped3A : memref<!tpu.dma_semaphore, #tpu.memory_space<semaphore_mem>>) src(%dma_wait3A_132 : memref<128x128xf32, #tpu.memory_space<hbm>>) dst(%arg18 : memref<128x128xf32, #tpu.memory_space<vmem>>)
      tpu.yield
    }) : () -> ()
    %add3A_50 = arith.constant 256 : i32
    %add3A_51 = arith.addi %add3A_39, %add3A_50 : i32
    "tpu.region"() ({
      %run_scoped3A = tpu.sem_alloc : memref<!tpu.dma_semaphore, #tpu.memory_space<semaphore_mem>>
      %dma_start3A_125 = arith.constant 0 : i32
      %dma_start3A_126 = tpu.memref_slice %arg13[%add3A_51, %dma_start3A_125] : memref<32768x128xf32, #tpu.memory_space<hbm>> -> memref<128x128xf32, #tpu.memory_space<hbm>>
      %dma_start3A_127 = arith.constant 0 : i32
      %dma_start3A_128 = tpu.memref_slice %arg13[%add3A_51, %dma_start3A_127] : memref<32768x128xf32, #tpu.memory_space<hbm>> -> memref<128x128xf32, #tpu.memory_space<hbm>>
      tpu.enqueue_dma source(%arg18 : memref<128x128xf32, #tpu.memory_space<vmem>>) target(%dma_start3A_128 : memref<128x128xf32, #tpu.memory_space<hbm>>) target_semaphore(%run_scoped3A : memref<!tpu.dma_semaphore, #tpu.memory_space<semaphore_mem>>)
      %dma_wait3A_129 = arith.constant 0 : i32
      %dma_wait3A_130 = tpu.memref_slice %arg13[%add3A_51, %dma_wait3A_129] : memref<32768x128xf32, #tpu.memory_space<hbm>> -> memref<128x128xf32, #tpu.memory_space<hbm>>
      %dma_wait3A_131 = arith.constant 0 : i32
      %dma_wait3A_132 = tpu.memref_slice %arg13[%add3A_51, %dma_wait3A_131] : memref<32768x128xf32, #tpu.memory_space<hbm>> -> memref<128x128xf32, #tpu.memory_space<hbm>>
      tpu.wait_dma2 semaphore(%run_scoped3A : memref<!tpu.dma_semaphore, #tpu.memory_space<semaphore_mem>>) src(%arg18 : memref<128x128xf32, #tpu.memory_space<vmem>>) dst(%dma_wait3A_132 : memref<128x128xf32, #tpu.memory_space<hbm>>)
      tpu.yield
    }) : () -> ()
    %add3A_52 = arith.constant 384 : i32
    %add3A_53 = arith.addi %add3A_39, %add3A_52 : i32
    "tpu.region"() ({
      %run_scoped3A = tpu.sem_alloc : memref<!tpu.dma_semaphore, #tpu.memory_space<semaphore_mem>>
      %dma_start3A_125 = arith.constant 0 : i32
      %dma_start3A_126 = tpu.memref_slice %arg3[%add3A_53, %dma_start3A_125] : memref<32768x128xf32, #tpu.memory_space<hbm>> -> memref<128x128xf32, #tpu.memory_space<hbm>>
      %dma_start3A_127 = arith.constant 0 : i32
      %dma_start3A_128 = tpu.memref_slice %arg3[%add3A_53, %dma_start3A_127] : memref<32768x128xf32, #tpu.memory_space<hbm>> -> memref<128x128xf32, #tpu.memory_space<hbm>>
      tpu.enqueue_dma source(%dma_start3A_128 : memref<128x128xf32, #tpu.memory_space<hbm>>) target(%arg18 : memref<128x128xf32, #tpu.memory_space<vmem>>) target_semaphore(%run_scoped3A : memref<!tpu.dma_semaphore, #tpu.memory_space<semaphore_mem>>)
      %dma_wait3A_129 = arith.constant 0 : i32
      %dma_wait3A_130 = tpu.memref_slice %arg3[%add3A_53, %dma_wait3A_129] : memref<32768x128xf32, #tpu.memory_space<hbm>> -> memref<128x128xf32, #tpu.memory_space<hbm>>
      %dma_wait3A_131 = arith.constant 0 : i32
      %dma_wait3A_132 = tpu.memref_slice %arg3[%add3A_53, %dma_wait3A_131] : memref<32768x128xf32, #tpu.memory_space<hbm>> -> memref<128x128xf32, #tpu.memory_space<hbm>>
      tpu.wait_dma2 semaphore(%run_scoped3A : memref<!tpu.dma_semaphore, #tpu.memory_space<semaphore_mem>>) src(%dma_wait3A_132 : memref<128x128xf32, #tpu.memory_space<hbm>>) dst(%arg18 : memref<128x128xf32, #tpu.memory_space<vmem>>)
      tpu.yield
    }) : () -> ()
    %add3A_54 = arith.constant 384 : i32
    %add3A_55 = arith.addi %add3A_39, %add3A_54 : i32
    "tpu.region"() ({
      %run_scoped3A = tpu.sem_alloc : memref<!tpu.dma_semaphore, #tpu.memory_space<semaphore_mem>>
      %dma_start3A_125 = arith.constant 0 : i32
      %dma_start3A_126 = tpu.memref_slice %arg13[%add3A_55, %dma_start3A_125] : memref<32768x128xf32, #tpu.memory_space<hbm>> -> memref<128x128xf32, #tpu.memory_space<hbm>>
      %dma_start3A_127 = arith.constant 0 : i32
      %dma_start3A_128 = tpu.memref_slice %arg13[%add3A_55, %dma_start3A_127] : memref<32768x128xf32, #tpu.memory_space<hbm>> -> memref<128x128xf32, #tpu.memory_space<hbm>>
      tpu.enqueue_dma source(%arg18 : memref<128x128xf32, #tpu.memory_space<vmem>>) target(%dma_start3A_128 : memref<128x128xf32, #tpu.memory_space<hbm>>) target_semaphore(%run_scoped3A : memref<!tpu.dma_semaphore, #tpu.memory_space<semaphore_mem>>)
      %dma_wait3A_129 = arith.constant 0 : i32
      %dma_wait3A_130 = tpu.memref_slice %arg13[%add3A_55, %dma_wait3A_129] : memref<32768x128xf32, #tpu.memory_space<hbm>> -> memref<128x128xf32, #tpu.memory_space<hbm>>
      %dma_wait3A_131 = arith.constant 0 : i32
      %dma_wait3A_132 = tpu.memref_slice %arg13[%add3A_55, %dma_wait3A_131] : memref<32768x128xf32, #tpu.memory_space<hbm>> -> memref<128x128xf32, #tpu.memory_space<hbm>>
      tpu.wait_dma2 semaphore(%run_scoped3A : memref<!tpu.dma_semaphore, #tpu.memory_space<semaphore_mem>>) src(%arg18 : memref<128x128xf32, #tpu.memory_space<vmem>>) dst(%dma_wait3A_132 : memref<128x128xf32, #tpu.memory_space<hbm>>)
      tpu.yield
    }) : () -> ()
    %add3A_56 = arith.constant 512 : i32
    %add3A_57 = arith.addi %add3A_39, %add3A_56 : i32
    "tpu.region"() ({
      %run_scoped3A = tpu.sem_alloc : memref<!tpu.dma_semaphore, #tpu.memory_space<semaphore_mem>>
      %dma_start3A_125 = arith.constant 0 : i32
      %dma_start3A_126 = tpu.memref_slice %arg3[%add3A_57, %dma_start3A_125] : memref<32768x128xf32, #tpu.memory_space<hbm>> -> memref<128x128xf32, #tpu.memory_space<hbm>>
      %dma_start3A_127 = arith.constant 0 : i32
      %dma_start3A_128 = tpu.memref_slice %arg3[%add3A_57, %dma_start3A_127] : memref<32768x128xf32, #tpu.memory_space<hbm>> -> memref<128x128xf32, #tpu.memory_space<hbm>>
      tpu.enqueue_dma source(%dma_start3A_128 : memref<128x128xf32, #tpu.memory_space<hbm>>) target(%arg18 : memref<128x128xf32, #tpu.memory_space<vmem>>) target_semaphore(%run_scoped3A : memref<!tpu.dma_semaphore, #tpu.memory_space<semaphore_mem>>)
      %dma_wait3A_129 = arith.constant 0 : i32
      %dma_wait3A_130 = tpu.memref_slice %arg3[%add3A_57, %dma_wait3A_129] : memref<32768x128xf32, #tpu.memory_space<hbm>> -> memref<128x128xf32, #tpu.memory_space<hbm>>
      %dma_wait3A_131 = arith.constant 0 : i32
      %dma_wait3A_132 = tpu.memref_slice %arg3[%add3A_57, %dma_wait3A_131] : memref<32768x128xf32, #tpu.memory_space<hbm>> -> memref<128x128xf32, #tpu.memory_space<hbm>>
      tpu.wait_dma2 semaphore(%run_scoped3A : memref<!tpu.dma_semaphore, #tpu.memory_space<semaphore_mem>>) src(%dma_wait3A_132 : memref<128x128xf32, #tpu.memory_space<hbm>>) dst(%arg18 : memref<128x128xf32, #tpu.memory_space<vmem>>)
      tpu.yield
    }) : () -> ()
    %add3A_58 = arith.constant 512 : i32
    %add3A_59 = arith.addi %add3A_39, %add3A_58 : i32
    "tpu.region"() ({
      %run_scoped3A = tpu.sem_alloc : memref<!tpu.dma_semaphore, #tpu.memory_space<semaphore_mem>>
      %dma_start3A_125 = arith.constant 0 : i32
      %dma_start3A_126 = tpu.memref_slice %arg13[%add3A_59, %dma_start3A_125] : memref<32768x128xf32, #tpu.memory_space<hbm>> -> memref<128x128xf32, #tpu.memory_space<hbm>>
      %dma_start3A_127 = arith.constant 0 : i32
      %dma_start3A_128 = tpu.memref_slice %arg13[%add3A_59, %dma_start3A_127] : memref<32768x128xf32, #tpu.memory_space<hbm>> -> memref<128x128xf32, #tpu.memory_space<hbm>>
      tpu.enqueue_dma source(%arg18 : memref<128x128xf32, #tpu.memory_space<vmem>>) target(%dma_start3A_128 : memref<128x128xf32, #tpu.memory_space<hbm>>) target_semaphore(%run_scoped3A : memref<!tpu.dma_semaphore, #tpu.memory_space<semaphore_mem>>)
      %dma_wait3A_129 = arith.constant 0 : i32
      %dma_wait3A_130 = tpu.memref_slice %arg13[%add3A_59, %dma_wait3A_129] : memref<32768x128xf32, #tpu.memory_space<hbm>> -> memref<128x128xf32, #tpu.memory_space<hbm>>
      %dma_wait3A_131 = arith.constant 0 : i32
      %dma_wait3A_132 = tpu.memref_slice %arg13[%add3A_59, %dma_wait3A_131] : memref<32768x128xf32, #tpu.memory_space<hbm>> -> memref<128x128xf32, #tpu.memory_space<hbm>>
      tpu.wait_dma2 semaphore(%run_scoped3A : memref<!tpu.dma_semaphore, #tpu.memory_space<semaphore_mem>>) src(%arg18 : memref<128x128xf32, #tpu.memory_space<vmem>>) dst(%dma_wait3A_132 : memref<128x128xf32, #tpu.memory_space<hbm>>)
      tpu.yield
    }) : () -> ()
    %add3A_60 = arith.constant 640 : i32
    %add3A_61 = arith.addi %add3A_39, %add3A_60 : i32
    "tpu.region"() ({
      %run_scoped3A = tpu.sem_alloc : memref<!tpu.dma_semaphore, #tpu.memory_space<semaphore_mem>>
      %dma_start3A_125 = arith.constant 0 : i32
      %dma_start3A_126 = tpu.memref_slice %arg3[%add3A_61, %dma_start3A_125] : memref<32768x128xf32, #tpu.memory_space<hbm>> -> memref<128x128xf32, #tpu.memory_space<hbm>>
      %dma_start3A_127 = arith.constant 0 : i32
      %dma_start3A_128 = tpu.memref_slice %arg3[%add3A_61, %dma_start3A_127] : memref<32768x128xf32, #tpu.memory_space<hbm>> -> memref<128x128xf32, #tpu.memory_space<hbm>>
      tpu.enqueue_dma source(%dma_start3A_128 : memref<128x128xf32, #tpu.memory_space<hbm>>) target(%arg18 : memref<128x128xf32, #tpu.memory_space<vmem>>) target_semaphore(%run_scoped3A : memref<!tpu.dma_semaphore, #tpu.memory_space<semaphore_mem>>)
      %dma_wait3A_129 = arith.constant 0 : i32
      %dma_wait3A_130 = tpu.memref_slice %arg3[%add3A_61, %dma_wait3A_129] : memref<32768x128xf32, #tpu.memory_space<hbm>> -> memref<128x128xf32, #tpu.memory_space<hbm>>
      %dma_wait3A_131 = arith.constant 0 : i32
      %dma_wait3A_132 = tpu.memref_slice %arg3[%add3A_61, %dma_wait3A_131] : memref<32768x128xf32, #tpu.memory_space<hbm>> -> memref<128x128xf32, #tpu.memory_space<hbm>>
      tpu.wait_dma2 semaphore(%run_scoped3A : memref<!tpu.dma_semaphore, #tpu.memory_space<semaphore_mem>>) src(%dma_wait3A_132 : memref<128x128xf32, #tpu.memory_space<hbm>>) dst(%arg18 : memref<128x128xf32, #tpu.memory_space<vmem>>)
      tpu.yield
    }) : () -> ()
    %add3A_62 = arith.constant 640 : i32
    %add3A_63 = arith.addi %add3A_39, %add3A_62 : i32
    "tpu.region"() ({
      %run_scoped3A = tpu.sem_alloc : memref<!tpu.dma_semaphore, #tpu.memory_space<semaphore_mem>>
      %dma_start3A_125 = arith.constant 0 : i32
      %dma_start3A_126 = tpu.memref_slice %arg13[%add3A_63, %dma_start3A_125] : memref<32768x128xf32, #tpu.memory_space<hbm>> -> memref<128x128xf32, #tpu.memory_space<hbm>>
      %dma_start3A_127 = arith.constant 0 : i32
      %dma_start3A_128 = tpu.memref_slice %arg13[%add3A_63, %dma_start3A_127] : memref<32768x128xf32, #tpu.memory_space<hbm>> -> memref<128x128xf32, #tpu.memory_space<hbm>>
      tpu.enqueue_dma source(%arg18 : memref<128x128xf32, #tpu.memory_space<vmem>>) target(%dma_start3A_128 : memref<128x128xf32, #tpu.memory_space<hbm>>) target_semaphore(%run_scoped3A : memref<!tpu.dma_semaphore, #tpu.memory_space<semaphore_mem>>)
      %dma_wait3A_129 = arith.constant 0 : i32
      %dma_wait3A_130 = tpu.memref_slice %arg13[%add3A_63, %dma_wait3A_129] : memref<32768x128xf32, #tpu.memory_space<hbm>> -> memref<128x128xf32, #tpu.memory_space<hbm>>
      %dma_wait3A_131 = arith.constant 0 : i32
      %dma_wait3A_132 = tpu.memref_slice %arg13[%add3A_63, %dma_wait3A_131] : memref<32768x128xf32, #tpu.memory_space<hbm>> -> memref<128x128xf32, #tpu.memory_space<hbm>>
      tpu.wait_dma2 semaphore(%run_scoped3A : memref<!tpu.dma_semaphore, #tpu.memory_space<semaphore_mem>>) src(%arg18 : memref<128x128xf32, #tpu.memory_space<vmem>>) dst(%dma_wait3A_132 : memref<128x128xf32, #tpu.memory_space<hbm>>)
      tpu.yield
    }) : () -> ()
    %add3A_64 = arith.constant 768 : i32
    %add3A_65 = arith.addi %add3A_39, %add3A_64 : i32
    "tpu.region"() ({
      %run_scoped3A = tpu.sem_alloc : memref<!tpu.dma_semaphore, #tpu.memory_space<semaphore_mem>>
      %dma_start3A_125 = arith.constant 0 : i32
      %dma_start3A_126 = tpu.memref_slice %arg3[%add3A_65, %dma_start3A_125] : memref<32768x128xf32, #tpu.memory_space<hbm>> -> memref<128x128xf32, #tpu.memory_space<hbm>>
      %dma_start3A_127 = arith.constant 0 : i32
      %dma_start3A_128 = tpu.memref_slice %arg3[%add3A_65, %dma_start3A_127] : memref<32768x128xf32, #tpu.memory_space<hbm>> -> memref<128x128xf32, #tpu.memory_space<hbm>>
      tpu.enqueue_dma source(%dma_start3A_128 : memref<128x128xf32, #tpu.memory_space<hbm>>) target(%arg18 : memref<128x128xf32, #tpu.memory_space<vmem>>) target_semaphore(%run_scoped3A : memref<!tpu.dma_semaphore, #tpu.memory_space<semaphore_mem>>)
      %dma_wait3A_129 = arith.constant 0 : i32
      %dma_wait3A_130 = tpu.memref_slice %arg3[%add3A_65, %dma_wait3A_129] : memref<32768x128xf32, #tpu.memory_space<hbm>> -> memref<128x128xf32, #tpu.memory_space<hbm>>
      %dma_wait3A_131 = arith.constant 0 : i32
      %dma_wait3A_132 = tpu.memref_slice %arg3[%add3A_65, %dma_wait3A_131] : memref<32768x128xf32, #tpu.memory_space<hbm>> -> memref<128x128xf32, #tpu.memory_space<hbm>>
      tpu.wait_dma2 semaphore(%run_scoped3A : memref<!tpu.dma_semaphore, #tpu.memory_space<semaphore_mem>>) src(%dma_wait3A_132 : memref<128x128xf32, #tpu.memory_space<hbm>>) dst(%arg18 : memref<128x128xf32, #tpu.memory_space<vmem>>)
      tpu.yield
    }) : () -> ()
    %add3A_66 = arith.constant 768 : i32
    %add3A_67 = arith.addi %add3A_39, %add3A_66 : i32
    "tpu.region"() ({
      %run_scoped3A = tpu.sem_alloc : memref<!tpu.dma_semaphore, #tpu.memory_space<semaphore_mem>>
      %dma_start3A_125 = arith.constant 0 : i32
      %dma_start3A_126 = tpu.memref_slice %arg13[%add3A_67, %dma_start3A_125] : memref<32768x128xf32, #tpu.memory_space<hbm>> -> memref<128x128xf32, #tpu.memory_space<hbm>>
      %dma_start3A_127 = arith.constant 0 : i32
      %dma_start3A_128 = tpu.memref_slice %arg13[%add3A_67, %dma_start3A_127] : memref<32768x128xf32, #tpu.memory_space<hbm>> -> memref<128x128xf32, #tpu.memory_space<hbm>>
      tpu.enqueue_dma source(%arg18 : memref<128x128xf32, #tpu.memory_space<vmem>>) target(%dma_start3A_128 : memref<128x128xf32, #tpu.memory_space<hbm>>) target_semaphore(%run_scoped3A : memref<!tpu.dma_semaphore, #tpu.memory_space<semaphore_mem>>)
      %dma_wait3A_129 = arith.constant 0 : i32
      %dma_wait3A_130 = tpu.memref_slice %arg13[%add3A_67, %dma_wait3A_129] : memref<32768x128xf32, #tpu.memory_space<hbm>> -> memref<128x128xf32, #tpu.memory_space<hbm>>
      %dma_wait3A_131 = arith.constant 0 : i32
      %dma_wait3A_132 = tpu.memref_slice %arg13[%add3A_67, %dma_wait3A_131] : memref<32768x128xf32, #tpu.memory_space<hbm>> -> memref<128x128xf32, #tpu.memory_space<hbm>>
      tpu.wait_dma2 semaphore(%run_scoped3A : memref<!tpu.dma_semaphore, #tpu.memory_space<semaphore_mem>>) src(%arg18 : memref<128x128xf32, #tpu.memory_space<vmem>>) dst(%dma_wait3A_132 : memref<128x128xf32, #tpu.memory_space<hbm>>)
      tpu.yield
    }) : () -> ()
    %add3A_68 = arith.constant 896 : i32
    %add3A_69 = arith.addi %add3A_39, %add3A_68 : i32
    "tpu.region"() ({
      %run_scoped3A = tpu.sem_alloc : memref<!tpu.dma_semaphore, #tpu.memory_space<semaphore_mem>>
      %dma_start3A_125 = arith.constant 0 : i32
      %dma_start3A_126 = tpu.memref_slice %arg3[%add3A_69, %dma_start3A_125] : memref<32768x128xf32, #tpu.memory_space<hbm>> -> memref<128x128xf32, #tpu.memory_space<hbm>>
      %dma_start3A_127 = arith.constant 0 : i32
      %dma_start3A_128 = tpu.memref_slice %arg3[%add3A_69, %dma_start3A_127] : memref<32768x128xf32, #tpu.memory_space<hbm>> -> memref<128x128xf32, #tpu.memory_space<hbm>>
      tpu.enqueue_dma source(%dma_start3A_128 : memref<128x128xf32, #tpu.memory_space<hbm>>) target(%arg18 : memref<128x128xf32, #tpu.memory_space<vmem>>) target_semaphore(%run_scoped3A : memref<!tpu.dma_semaphore, #tpu.memory_space<semaphore_mem>>)
      %dma_wait3A_129 = arith.constant 0 : i32
      %dma_wait3A_130 = tpu.memref_slice %arg3[%add3A_69, %dma_wait3A_129] : memref<32768x128xf32, #tpu.memory_space<hbm>> -> memref<128x128xf32, #tpu.memory_space<hbm>>
      %dma_wait3A_131 = arith.constant 0 : i32
      %dma_wait3A_132 = tpu.memref_slice %arg3[%add3A_69, %dma_wait3A_131] : memref<32768x128xf32, #tpu.memory_space<hbm>> -> memref<128x128xf32, #tpu.memory_space<hbm>>
      tpu.wait_dma2 semaphore(%run_scoped3A : memref<!tpu.dma_semaphore, #tpu.memory_space<semaphore_mem>>) src(%dma_wait3A_132 : memref<128x128xf32, #tpu.memory_space<hbm>>) dst(%arg18 : memref<128x128xf32, #tpu.memory_space<vmem>>)
      tpu.yield
    }) : () -> ()
    %add3A_70 = arith.constant 896 : i32
    %add3A_71 = arith.addi %add3A_39, %add3A_70 : i32
    "tpu.region"() ({
      %run_scoped3A = tpu.sem_alloc : memref<!tpu.dma_semaphore, #tpu.memory_space<semaphore_mem>>
      %dma_start3A_125 = arith.constant 0 : i32
      %dma_start3A_126 = tpu.memref_slice %arg13[%add3A_71, %dma_start3A_125] : memref<32768x128xf32, #tpu.memory_space<hbm>> -> memref<128x128xf32, #tpu.memory_space<hbm>>
      %dma_start3A_127 = arith.constant 0 : i32
      %dma_start3A_128 = tpu.memref_slice %arg13[%add3A_71, %dma_start3A_127] : memref<32768x128xf32, #tpu.memory_space<hbm>> -> memref<128x128xf32, #tpu.memory_space<hbm>>
      tpu.enqueue_dma source(%arg18 : memref<128x128xf32, #tpu.memory_space<vmem>>) target(%dma_start3A_128 : memref<128x128xf32, #tpu.memory_space<hbm>>) target_semaphore(%run_scoped3A : memref<!tpu.dma_semaphore, #tpu.memory_space<semaphore_mem>>)
      %dma_wait3A_129 = arith.constant 0 : i32
      %dma_wait3A_130 = tpu.memref_slice %arg13[%add3A_71, %dma_wait3A_129] : memref<32768x128xf32, #tpu.memory_space<hbm>> -> memref<128x128xf32, #tpu.memory_space<hbm>>
      %dma_wait3A_131 = arith.constant 0 : i32
      %dma_wait3A_132 = tpu.memref_slice %arg13[%add3A_71, %dma_wait3A_131] : memref<32768x128xf32, #tpu.memory_space<hbm>> -> memref<128x128xf32, #tpu.memory_space<hbm>>
      tpu.wait_dma2 semaphore(%run_scoped3A : memref<!tpu.dma_semaphore, #tpu.memory_space<semaphore_mem>>) src(%arg18 : memref<128x128xf32, #tpu.memory_space<vmem>>) dst(%dma_wait3A_132 : memref<128x128xf32, #tpu.memory_space<hbm>>)
      tpu.yield
    }) : () -> ()
    %mul3A_72 = arith.constant 4096 : i32
    %mul3A_73 = arith.muli %arg0, %mul3A_72 : i32
    %mul3A_74 = arith.constant 256 : i32
    %mul3A_75 = arith.muli %arg1, %mul3A_74 : i32
    %add3A_76 = arith.addi %mul3A_73, %mul3A_75 : i32
    %add3A_77 = arith.constant 0 : i32
    %add3A_78 = arith.addi %add3A_76, %add3A_77 : i32
    "tpu.region"() ({
      %run_scoped3A = tpu.sem_alloc : memref<!tpu.dma_semaphore, #tpu.memory_space<semaphore_mem>>
      %dma_start3A_125 = arith.constant 0 : i32
      %dma_start3A_126 = tpu.memref_slice %arg7[%add3A_78, %dma_start3A_125] : memref<8192x128xf32, #tpu.memory_space<hbm>> -> memref<128x128xf32, #tpu.memory_space<hbm>>
      %dma_start3A_127 = arith.constant 0 : i32
      %dma_start3A_128 = tpu.memref_slice %arg7[%add3A_78, %dma_start3A_127] : memref<8192x128xf32, #tpu.memory_space<hbm>> -> memref<128x128xf32, #tpu.memory_space<hbm>>
      tpu.enqueue_dma source(%dma_start3A_128 : memref<128x128xf32, #tpu.memory_space<hbm>>) target(%arg18 : memref<128x128xf32, #tpu.memory_space<vmem>>) target_semaphore(%run_scoped3A : memref<!tpu.dma_semaphore, #tpu.memory_space<semaphore_mem>>)
      %dma_wait3A_129 = arith.constant 0 : i32
      %dma_wait3A_130 = tpu.memref_slice %arg7[%add3A_78, %dma_wait3A_129] : memref<8192x128xf32, #tpu.memory_space<hbm>> -> memref<128x128xf32, #tpu.memory_space<hbm>>
      %dma_wait3A_131 = arith.constant 0 : i32
      %dma_wait3A_132 = tpu.memref_slice %arg7[%add3A_78, %dma_wait3A_131] : memref<8192x128xf32, #tpu.memory_space<hbm>> -> memref<128x128xf32, #tpu.memory_space<hbm>>
      tpu.wait_dma2 semaphore(%run_scoped3A : memref<!tpu.dma_semaphore, #tpu.memory_space<semaphore_mem>>) src(%dma_wait3A_132 : memref<128x128xf32, #tpu.memory_space<hbm>>) dst(%arg18 : memref<128x128xf32, #tpu.memory_space<vmem>>)
      tpu.yield
    }) : () -> ()
    %add3A_79 = arith.constant 0 : i32
    %add3A_80 = arith.addi %add3A_76, %add3A_79 : i32
    "tpu.region"() ({
      %run_scoped3A = tpu.sem_alloc : memref<!tpu.dma_semaphore, #tpu.memory_space<semaphore_mem>>
      %dma_start3A_125 = arith.constant 0 : i32
      %dma_start3A_126 = tpu.memref_slice %arg14[%add3A_80, %dma_start3A_125] : memref<8192x128xf32, #tpu.memory_space<hbm>> -> memref<128x128xf32, #tpu.memory_space<hbm>>
      %dma_start3A_127 = arith.constant 0 : i32
      %dma_start3A_128 = tpu.memref_slice %arg14[%add3A_80, %dma_start3A_127] : memref<8192x128xf32, #tpu.memory_space<hbm>> -> memref<128x128xf32, #tpu.memory_space<hbm>>
      tpu.enqueue_dma source(%arg18 : memref<128x128xf32, #tpu.memory_space<vmem>>) target(%dma_start3A_128 : memref<128x128xf32, #tpu.memory_space<hbm>>) target_semaphore(%run_scoped3A : memref<!tpu.dma_semaphore, #tpu.memory_space<semaphore_mem>>)
      %dma_wait3A_129 = arith.constant 0 : i32
      %dma_wait3A_130 = tpu.memref_slice %arg14[%add3A_80, %dma_wait3A_129] : memref<8192x128xf32, #tpu.memory_space<hbm>> -> memref<128x128xf32, #tpu.memory_space<hbm>>
      %dma_wait3A_131 = arith.constant 0 : i32
      %dma_wait3A_132 = tpu.memref_slice %arg14[%add3A_80, %dma_wait3A_131] : memref<8192x128xf32, #tpu.memory_space<hbm>> -> memref<128x128xf32, #tpu.memory_space<hbm>>
      tpu.wait_dma2 semaphore(%run_scoped3A : memref<!tpu.dma_semaphore, #tpu.memory_space<semaphore_mem>>) src(%arg18 : memref<128x128xf32, #tpu.memory_space<vmem>>) dst(%dma_wait3A_132 : memref<128x128xf32, #tpu.memory_space<hbm>>)
      tpu.yield
    }) : () -> ()
    %add3A_81 = arith.constant 128 : i32
    %add3A_82 = arith.addi %add3A_76, %add3A_81 : i32
    "tpu.region"() ({
      %run_scoped3A = tpu.sem_alloc : memref<!tpu.dma_semaphore, #tpu.memory_space<semaphore_mem>>
      %dma_start3A_125 = arith.constant 0 : i32
      %dma_start3A_126 = tpu.memref_slice %arg7[%add3A_82, %dma_start3A_125] : memref<8192x128xf32, #tpu.memory_space<hbm>> -> memref<128x128xf32, #tpu.memory_space<hbm>>
      %dma_start3A_127 = arith.constant 0 : i32
      %dma_start3A_128 = tpu.memref_slice %arg7[%add3A_82, %dma_start3A_127] : memref<8192x128xf32, #tpu.memory_space<hbm>> -> memref<128x128xf32, #tpu.memory_space<hbm>>
      tpu.enqueue_dma source(%dma_start3A_128 : memref<128x128xf32, #tpu.memory_space<hbm>>) target(%arg18 : memref<128x128xf32, #tpu.memory_space<vmem>>) target_semaphore(%run_scoped3A : memref<!tpu.dma_semaphore, #tpu.memory_space<semaphore_mem>>)
      %dma_wait3A_129 = arith.constant 0 : i32
      %dma_wait3A_130 = tpu.memref_slice %arg7[%add3A_82, %dma_wait3A_129] : memref<8192x128xf32, #tpu.memory_space<hbm>> -> memref<128x128xf32, #tpu.memory_space<hbm>>
      %dma_wait3A_131 = arith.constant 0 : i32
      %dma_wait3A_132 = tpu.memref_slice %arg7[%add3A_82, %dma_wait3A_131] : memref<8192x128xf32, #tpu.memory_space<hbm>> -> memref<128x128xf32, #tpu.memory_space<hbm>>
      tpu.wait_dma2 semaphore(%run_scoped3A : memref<!tpu.dma_semaphore, #tpu.memory_space<semaphore_mem>>) src(%dma_wait3A_132 : memref<128x128xf32, #tpu.memory_space<hbm>>) dst(%arg18 : memref<128x128xf32, #tpu.memory_space<vmem>>)
      tpu.yield
    }) : () -> ()
    %add3A_83 = arith.constant 128 : i32
    %add3A_84 = arith.addi %add3A_76, %add3A_83 : i32
    "tpu.region"() ({
      %run_scoped3A = tpu.sem_alloc : memref<!tpu.dma_semaphore, #tpu.memory_space<semaphore_mem>>
      %dma_start3A_125 = arith.constant 0 : i32
      %dma_start3A_126 = tpu.memref_slice %arg14[%add3A_84, %dma_start3A_125] : memref<8192x128xf32, #tpu.memory_space<hbm>> -> memref<128x128xf32, #tpu.memory_space<hbm>>
      %dma_start3A_127 = arith.constant 0 : i32
      %dma_start3A_128 = tpu.memref_slice %arg14[%add3A_84, %dma_start3A_127] : memref<8192x128xf32, #tpu.memory_space<hbm>> -> memref<128x128xf32, #tpu.memory_space<hbm>>
      tpu.enqueue_dma source(%arg18 : memref<128x128xf32, #tpu.memory_space<vmem>>) target(%dma_start3A_128 : memref<128x128xf32, #tpu.memory_space<hbm>>) target_semaphore(%run_scoped3A : memref<!tpu.dma_semaphore, #tpu.memory_space<semaphore_mem>>)
      %dma_wait3A_129 = arith.constant 0 : i32
      %dma_wait3A_130 = tpu.memref_slice %arg14[%add3A_84, %dma_wait3A_129] : memref<8192x128xf32, #tpu.memory_space<hbm>> -> memref<128x128xf32, #tpu.memory_space<hbm>>
      %dma_wait3A_131 = arith.constant 0 : i32
      %dma_wait3A_132 = tpu.memref_slice %arg14[%add3A_84, %dma_wait3A_131] : memref<8192x128xf32, #tpu.memory_space<hbm>> -> memref<128x128xf32, #tpu.memory_space<hbm>>
      tpu.wait_dma2 semaphore(%run_scoped3A : memref<!tpu.dma_semaphore, #tpu.memory_space<semaphore_mem>>) src(%arg18 : memref<128x128xf32, #tpu.memory_space<vmem>>) dst(%dma_wait3A_132 : memref<128x128xf32, #tpu.memory_space<hbm>>)
      tpu.yield
    }) : () -> ()
    %mul3A_85 = arith.constant 4096 : i32
    %mul3A_86 = arith.muli %arg0, %mul3A_85 : i32
    %mul3A_87 = arith.constant 256 : i32
    %mul3A_88 = arith.muli %arg1, %mul3A_87 : i32
    %add3A_89 = arith.addi %mul3A_86, %mul3A_88 : i32
    %add3A_90 = arith.constant 0 : i32
    %add3A_91 = arith.addi %add3A_89, %add3A_90 : i32
    "tpu.region"() ({
      %run_scoped3A = tpu.sem_alloc : memref<!tpu.dma_semaphore, #tpu.memory_space<semaphore_mem>>
      %dma_start3A_125 = arith.constant 0 : i32
      %dma_start3A_126 = tpu.memref_slice %arg8[%add3A_91, %dma_start3A_125] : memref<8192x128xf32, #tpu.memory_space<hbm>> -> memref<128x128xf32, #tpu.memory_space<hbm>>
      %dma_start3A_127 = arith.constant 0 : i32
      %dma_start3A_128 = tpu.memref_slice %arg8[%add3A_91, %dma_start3A_127] : memref<8192x128xf32, #tpu.memory_space<hbm>> -> memref<128x128xf32, #tpu.memory_space<hbm>>
      tpu.enqueue_dma source(%dma_start3A_128 : memref<128x128xf32, #tpu.memory_space<hbm>>) target(%arg18 : memref<128x128xf32, #tpu.memory_space<vmem>>) target_semaphore(%run_scoped3A : memref<!tpu.dma_semaphore, #tpu.memory_space<semaphore_mem>>)
      %dma_wait3A_129 = arith.constant 0 : i32
      %dma_wait3A_130 = tpu.memref_slice %arg8[%add3A_91, %dma_wait3A_129] : memref<8192x128xf32, #tpu.memory_space<hbm>> -> memref<128x128xf32, #tpu.memory_space<hbm>>
      %dma_wait3A_131 = arith.constant 0 : i32
      %dma_wait3A_132 = tpu.memref_slice %arg8[%add3A_91, %dma_wait3A_131] : memref<8192x128xf32, #tpu.memory_space<hbm>> -> memref<128x128xf32, #tpu.memory_space<hbm>>
      tpu.wait_dma2 semaphore(%run_scoped3A : memref<!tpu.dma_semaphore, #tpu.memory_space<semaphore_mem>>) src(%dma_wait3A_132 : memref<128x128xf32, #tpu.memory_space<hbm>>) dst(%arg18 : memref<128x128xf32, #tpu.memory_space<vmem>>)
      tpu.yield
    }) : () -> ()
    %add3A_92 = arith.constant 0 : i32
    %add3A_93 = arith.addi %add3A_89, %add3A_92 : i32
    "tpu.region"() ({
      %run_scoped3A = tpu.sem_alloc : memref<!tpu.dma_semaphore, #tpu.memory_space<semaphore_mem>>
      %dma_start3A_125 = arith.constant 0 : i32
      %dma_start3A_126 = tpu.memref_slice %arg15[%add3A_93, %dma_start3A_125] : memref<8192x128xf32, #tpu.memory_space<hbm>> -> memref<128x128xf32, #tpu.memory_space<hbm>>
      %dma_start3A_127 = arith.constant 0 : i32
      %dma_start3A_128 = tpu.memref_slice %arg15[%add3A_93, %dma_start3A_127] : memref<8192x128xf32, #tpu.memory_space<hbm>> -> memref<128x128xf32, #tpu.memory_space<hbm>>
      tpu.enqueue_dma source(%arg18 : memref<128x128xf32, #tpu.memory_space<vmem>>) target(%dma_start3A_128 : memref<128x128xf32, #tpu.memory_space<hbm>>) target_semaphore(%run_scoped3A : memref<!tpu.dma_semaphore, #tpu.memory_space<semaphore_mem>>)
      %dma_wait3A_129 = arith.constant 0 : i32
      %dma_wait3A_130 = tpu.memref_slice %arg15[%add3A_93, %dma_wait3A_129] : memref<8192x128xf32, #tpu.memory_space<hbm>> -> memref<128x128xf32, #tpu.memory_space<hbm>>
      %dma_wait3A_131 = arith.constant 0 : i32
      %dma_wait3A_132 = tpu.memref_slice %arg15[%add3A_93, %dma_wait3A_131] : memref<8192x128xf32, #tpu.memory_space<hbm>> -> memref<128x128xf32, #tpu.memory_space<hbm>>
      tpu.wait_dma2 semaphore(%run_scoped3A : memref<!tpu.dma_semaphore, #tpu.memory_space<semaphore_mem>>) src(%arg18 : memref<128x128xf32, #tpu.memory_space<vmem>>) dst(%dma_wait3A_132 : memref<128x128xf32, #tpu.memory_space<hbm>>)
      tpu.yield
    }) : () -> ()
    %add3A_94 = arith.constant 128 : i32
    %add3A_95 = arith.addi %add3A_89, %add3A_94 : i32
    "tpu.region"() ({
      %run_scoped3A = tpu.sem_alloc : memref<!tpu.dma_semaphore, #tpu.memory_space<semaphore_mem>>
      %dma_start3A_125 = arith.constant 0 : i32
      %dma_start3A_126 = tpu.memref_slice %arg8[%add3A_95, %dma_start3A_125] : memref<8192x128xf32, #tpu.memory_space<hbm>> -> memref<128x128xf32, #tpu.memory_space<hbm>>
      %dma_start3A_127 = arith.constant 0 : i32
      %dma_start3A_128 = tpu.memref_slice %arg8[%add3A_95, %dma_start3A_127] : memref<8192x128xf32, #tpu.memory_space<hbm>> -> memref<128x128xf32, #tpu.memory_space<hbm>>
      tpu.enqueue_dma source(%dma_start3A_128 : memref<128x128xf32, #tpu.memory_space<hbm>>) target(%arg18 : memref<128x128xf32, #tpu.memory_space<vmem>>) target_semaphore(%run_scoped3A : memref<!tpu.dma_semaphore, #tpu.memory_space<semaphore_mem>>)
      %dma_wait3A_129 = arith.constant 0 : i32
      %dma_wait3A_130 = tpu.memref_slice %arg8[%add3A_95, %dma_wait3A_129] : memref<8192x128xf32, #tpu.memory_space<hbm>> -> memref<128x128xf32, #tpu.memory_space<hbm>>
      %dma_wait3A_131 = arith.constant 0 : i32
      %dma_wait3A_132 = tpu.memref_slice %arg8[%add3A_95, %dma_wait3A_131] : memref<8192x128xf32, #tpu.memory_space<hbm>> -> memref<128x128xf32, #tpu.memory_space<hbm>>
      tpu.wait_dma2 semaphore(%run_scoped3A : memref<!tpu.dma_semaphore, #tpu.memory_space<semaphore_mem>>) src(%dma_wait3A_132 : memref<128x128xf32, #tpu.memory_space<hbm>>) dst(%arg18 : memref<128x128xf32, #tpu.memory_space<vmem>>)
      tpu.yield
    }) : () -> ()
    %add3A_96 = arith.constant 128 : i32
    %add3A_97 = arith.addi %add3A_89, %add3A_96 : i32
    "tpu.region"() ({
      %run_scoped3A = tpu.sem_alloc : memref<!tpu.dma_semaphore, #tpu.memory_space<semaphore_mem>>
      %dma_start3A_125 = arith.constant 0 : i32
      %dma_start3A_126 = tpu.memref_slice %arg15[%add3A_97, %dma_start3A_125] : memref<8192x128xf32, #tpu.memory_space<hbm>> -> memref<128x128xf32, #tpu.memory_space<hbm>>
      %dma_start3A_127 = arith.constant 0 : i32
      %dma_start3A_128 = tpu.memref_slice %arg15[%add3A_97, %dma_start3A_127] : memref<8192x128xf32, #tpu.memory_space<hbm>> -> memref<128x128xf32, #tpu.memory_space<hbm>>
      tpu.enqueue_dma source(%arg18 : memref<128x128xf32, #tpu.memory_space<vmem>>) target(%dma_start3A_128 : memref<128x128xf32, #tpu.memory_space<hbm>>) target_semaphore(%run_scoped3A : memref<!tpu.dma_semaphore, #tpu.memory_space<semaphore_mem>>)
      %dma_wait3A_129 = arith.constant 0 : i32
      %dma_wait3A_130 = tpu.memref_slice %arg15[%add3A_97, %dma_wait3A_129] : memref<8192x128xf32, #tpu.memory_space<hbm>> -> memref<128x128xf32, #tpu.memory_space<hbm>>
      %dma_wait3A_131 = arith.constant 0 : i32
      %dma_wait3A_132 = tpu.memref_slice %arg15[%add3A_97, %dma_wait3A_131] : memref<8192x128xf32, #tpu.memory_space<hbm>> -> memref<128x128xf32, #tpu.memory_space<hbm>>
      tpu.wait_dma2 semaphore(%run_scoped3A : memref<!tpu.dma_semaphore, #tpu.memory_space<semaphore_mem>>) src(%arg18 : memref<128x128xf32, #tpu.memory_space<vmem>>) dst(%dma_wait3A_132 : memref<128x128xf32, #tpu.memory_space<hbm>>)
      tpu.yield
    }) : () -> ()
    %barrier3A = arith.constant 0 : index
    tpu.barrier barrier_id(%barrier3A)
    %mul3A_98 = arith.constant 2048 : i32
    %mul3A_99 = arith.muli %arg0, %mul3A_98 : i32
    %mul3A_100 = arith.constant 128 : i32
    %mul3A_101 = arith.muli %arg1, %mul3A_100 : i32
    %add3A_102 = arith.addi %mul3A_99, %mul3A_101 : i32
    "tpu.region"() ({
      %run_scoped3A = tpu.sem_alloc : memref<!tpu.dma_semaphore, #tpu.memory_space<semaphore_mem>>
      %dma_start3A_125 = tpu.memref_slice %arg4[%add3A_102] : memref<4096xi32, #tpu.memory_space<hbm>> -> memref<128xi32, #tpu.memory_space<hbm>>
      %dma_start3A_126 = tpu.memref_slice %arg4[%add3A_102] : memref<4096xi32, #tpu.memory_space<hbm>> -> memref<128xi32, #tpu.memory_space<hbm>>
      tpu.enqueue_dma source(%dma_start3A_126 : memref<128xi32, #tpu.memory_space<hbm>>) target(%arg16 : memref<128xi32, #tpu.memory_space<vmem>>) target_semaphore(%run_scoped3A : memref<!tpu.dma_semaphore, #tpu.memory_space<semaphore_mem>>)
      %dma_wait3A_127 = tpu.memref_slice %arg4[%add3A_102] : memref<4096xi32, #tpu.memory_space<hbm>> -> memref<128xi32, #tpu.memory_space<hbm>>
      %dma_wait3A_128 = tpu.memref_slice %arg4[%add3A_102] : memref<4096xi32, #tpu.memory_space<hbm>> -> memref<128xi32, #tpu.memory_space<hbm>>
      tpu.wait_dma2 semaphore(%run_scoped3A : memref<!tpu.dma_semaphore, #tpu.memory_space<semaphore_mem>>) src(%dma_wait3A_128 : memref<128xi32, #tpu.memory_space<hbm>>) dst(%arg16 : memref<128xi32, #tpu.memory_space<vmem>>)
      tpu.yield
    }) : () -> ()
    "tpu.region"() ({
      %run_scoped3A = tpu.sem_alloc : memref<!tpu.dma_semaphore, #tpu.memory_space<semaphore_mem>>
      %dma_start3A_125 = arith.constant 0 : i32
      %dma_start3A_126 = tpu.memref_slice %arg5[%add3A_102, %dma_start3A_125] : memref<4096x128xf32, #tpu.memory_space<hbm>> -> memref<128x128xf32, #tpu.memory_space<hbm>>
      %dma_start3A_127 = arith.constant 0 : i32
      %dma_start3A_128 = tpu.memref_slice %arg5[%add3A_102, %dma_start3A_127] : memref<4096x128xf32, #tpu.memory_space<hbm>> -> memref<128x128xf32, #tpu.memory_space<hbm>>
      tpu.enqueue_dma source(%dma_start3A_128 : memref<128x128xf32, #tpu.memory_space<hbm>>) target(%arg17 : memref<128x128xf32, #tpu.memory_space<vmem>>) target_semaphore(%run_scoped3A : memref<!tpu.dma_semaphore, #tpu.memory_space<semaphore_mem>>)
      %dma_wait3A_129 = arith.constant 0 : i32
      %dma_wait3A_130 = tpu.memref_slice %arg5[%add3A_102, %dma_wait3A_129] : memref<4096x128xf32, #tpu.memory_space<hbm>> -> memref<128x128xf32, #tpu.memory_space<hbm>>
      %dma_wait3A_131 = arith.constant 0 : i32
      %dma_wait3A_132 = tpu.memref_slice %arg5[%add3A_102, %dma_wait3A_131] : memref<4096x128xf32, #tpu.memory_space<hbm>> -> memref<128x128xf32, #tpu.memory_space<hbm>>
      tpu.wait_dma2 semaphore(%run_scoped3A : memref<!tpu.dma_semaphore, #tpu.memory_space<semaphore_mem>>) src(%dma_wait3A_132 : memref<128x128xf32, #tpu.memory_space<hbm>>) dst(%arg17 : memref<128x128xf32, #tpu.memory_space<vmem>>)
      tpu.yield
    }) : () -> ()
    %dma_start3A = arith.constant 0 : i32
    %dma_start3A_103 = arith.constant 0 : i32
    %dma_start3A_104 = tpu.memref_slice %arg12[%dma_start3A, %dma_start3A_103] : memref<32768x128xf32, #tpu.memory_space<hbm>> -> memref<32768x128xf32, #tpu.memory_space<hbm>>
    tpu.enqueue_indirect_dma source(%arg17 : memref<128x128xf32, #tpu.memory_space<vmem>>) target(%dma_start3A_104 : memref<32768x128xf32, #tpu.memory_space<hbm>>) offsets(%arg16 : memref<128xi32, #tpu.memory_space<vmem>>) semaphore(%arg19 : memref<!tpu.dma_semaphore, #tpu.memory_space<semaphore_mem>>)
    %dma_wait3A = arith.constant 0 : i32
    %dma_wait3A_105 = arith.constant 0 : i32
    %dma_wait3A_106 = tpu.memref_slice %arg12[%dma_wait3A, %dma_wait3A_105] : memref<32768x128xf32, #tpu.memory_space<hbm>> -> memref<32768x128xf32, #tpu.memory_space<hbm>>
    tpu.wait_indirect_dma semaphore(%arg19 : memref<!tpu.dma_semaphore, #tpu.memory_space<semaphore_mem>>) src(%arg17 : memref<128x128xf32, #tpu.memory_space<vmem>>) dst(%dma_wait3A_106 : memref<32768x128xf32, #tpu.memory_space<hbm>>)
    "tpu.region"() ({
      %run_scoped3A = tpu.sem_alloc : memref<!tpu.dma_semaphore, #tpu.memory_space<semaphore_mem>>
      %dma_start3A_125 = tpu.memref_slice %arg4[%add3A_102] : memref<4096xi32, #tpu.memory_space<hbm>> -> memref<128xi32, #tpu.memory_space<hbm>>
      %dma_start3A_126 = tpu.memref_slice %arg4[%add3A_102] : memref<4096xi32, #tpu.memory_space<hbm>> -> memref<128xi32, #tpu.memory_space<hbm>>
      tpu.enqueue_dma source(%dma_start3A_126 : memref<128xi32, #tpu.memory_space<hbm>>) target(%arg16 : memref<128xi32, #tpu.memory_space<vmem>>) target_semaphore(%run_scoped3A : memref<!tpu.dma_semaphore, #tpu.memory_space<semaphore_mem>>)
      %dma_wait3A_127 = tpu.memref_slice %arg4[%add3A_102] : memref<4096xi32, #tpu.memory_space<hbm>> -> memref<128xi32, #tpu.memory_space<hbm>>
      %dma_wait3A_128 = tpu.memref_slice %arg4[%add3A_102] : memref<4096xi32, #tpu.memory_space<hbm>> -> memref<128xi32, #tpu.memory_space<hbm>>
      tpu.wait_dma2 semaphore(%run_scoped3A : memref<!tpu.dma_semaphore, #tpu.memory_space<semaphore_mem>>) src(%dma_wait3A_128 : memref<128xi32, #tpu.memory_space<hbm>>) dst(%arg16 : memref<128xi32, #tpu.memory_space<vmem>>)
      tpu.yield
    }) : () -> ()
    "tpu.region"() ({
      %run_scoped3A = tpu.sem_alloc : memref<!tpu.dma_semaphore, #tpu.memory_space<semaphore_mem>>
      %dma_start3A_125 = arith.constant 0 : i32
      %dma_start3A_126 = tpu.memref_slice %arg6[%add3A_102, %dma_start3A_125] : memref<4096x128xf32, #tpu.memory_space<hbm>> -> memref<128x128xf32, #tpu.memory_space<hbm>>
      %dma_start3A_127 = arith.constant 0 : i32
      %dma_start3A_128 = tpu.memref_slice %arg6[%add3A_102, %dma_start3A_127] : memref<4096x128xf32, #tpu.memory_space<hbm>> -> memref<128x128xf32, #tpu.memory_space<hbm>>
      tpu.enqueue_dma source(%dma_start3A_128 : memref<128x128xf32, #tpu.memory_space<hbm>>) target(%arg17 : memref<128x128xf32, #tpu.memory_space<vmem>>) target_semaphore(%run_scoped3A : memref<!tpu.dma_semaphore, #tpu.memory_space<semaphore_mem>>)
      %dma_wait3A_129 = arith.constant 0 : i32
      %dma_wait3A_130 = tpu.memref_slice %arg6[%add3A_102, %dma_wait3A_129] : memref<4096x128xf32, #tpu.memory_space<hbm>> -> memref<128x128xf32, #tpu.memory_space<hbm>>
      %dma_wait3A_131 = arith.constant 0 : i32
      %dma_wait3A_132 = tpu.memref_slice %arg6[%add3A_102, %dma_wait3A_131] : memref<4096x128xf32, #tpu.memory_space<hbm>> -> memref<128x128xf32, #tpu.memory_space<hbm>>
      tpu.wait_dma2 semaphore(%run_scoped3A : memref<!tpu.dma_semaphore, #tpu.memory_space<semaphore_mem>>) src(%dma_wait3A_132 : memref<128x128xf32, #tpu.memory_space<hbm>>) dst(%arg17 : memref<128x128xf32, #tpu.memory_space<vmem>>)
      tpu.yield
    }) : () -> ()
    %dma_start3A_107 = arith.constant 0 : i32
    %dma_start3A_108 = arith.constant 0 : i32
    %dma_start3A_109 = tpu.memref_slice %arg13[%dma_start3A_107, %dma_start3A_108] : memref<32768x128xf32, #tpu.memory_space<hbm>> -> memref<32768x128xf32, #tpu.memory_space<hbm>>
    tpu.enqueue_indirect_dma source(%arg17 : memref<128x128xf32, #tpu.memory_space<vmem>>) target(%dma_start3A_109 : memref<32768x128xf32, #tpu.memory_space<hbm>>) offsets(%arg16 : memref<128xi32, #tpu.memory_space<vmem>>) semaphore(%arg19 : memref<!tpu.dma_semaphore, #tpu.memory_space<semaphore_mem>>)
    %dma_wait3A_110 = arith.constant 0 : i32
    %dma_wait3A_111 = arith.constant 0 : i32
    %dma_wait3A_112 = tpu.memref_slice %arg13[%dma_wait3A_110, %dma_wait3A_111] : memref<32768x128xf32, #tpu.memory_space<hbm>> -> memref<32768x128xf32, #tpu.memory_space<hbm>>
    tpu.wait_indirect_dma semaphore(%arg19 : memref<!tpu.dma_semaphore, #tpu.memory_space<semaphore_mem>>) src(%arg17 : memref<128x128xf32, #tpu.memory_space<vmem>>) dst(%dma_wait3A_112 : memref<32768x128xf32, #tpu.memory_space<hbm>>)
    "tpu.region"() ({
      %run_scoped3A = tpu.sem_alloc : memref<!tpu.dma_semaphore, #tpu.memory_space<semaphore_mem>>
      %dma_start3A_125 = tpu.memref_slice %arg9[%add3A_102] : memref<4096xi32, #tpu.memory_space<hbm>> -> memref<128xi32, #tpu.memory_space<hbm>>
      %dma_start3A_126 = tpu.memref_slice %arg9[%add3A_102] : memref<4096xi32, #tpu.memory_space<hbm>> -> memref<128xi32, #tpu.memory_space<hbm>>
      tpu.enqueue_dma source(%dma_start3A_126 : memref<128xi32, #tpu.memory_space<hbm>>) target(%arg16 : memref<128xi32, #tpu.memory_space<vmem>>) target_semaphore(%run_scoped3A : memref<!tpu.dma_semaphore, #tpu.memory_space<semaphore_mem>>)
      %dma_wait3A_127 = tpu.memref_slice %arg9[%add3A_102] : memref<4096xi32, #tpu.memory_space<hbm>> -> memref<128xi32, #tpu.memory_space<hbm>>
      %dma_wait3A_128 = tpu.memref_slice %arg9[%add3A_102] : memref<4096xi32, #tpu.memory_space<hbm>> -> memref<128xi32, #tpu.memory_space<hbm>>
      tpu.wait_dma2 semaphore(%run_scoped3A : memref<!tpu.dma_semaphore, #tpu.memory_space<semaphore_mem>>) src(%dma_wait3A_128 : memref<128xi32, #tpu.memory_space<hbm>>) dst(%arg16 : memref<128xi32, #tpu.memory_space<vmem>>)
      tpu.yield
    }) : () -> ()
    "tpu.region"() ({
      %run_scoped3A = tpu.sem_alloc : memref<!tpu.dma_semaphore, #tpu.memory_space<semaphore_mem>>
      %dma_start3A_125 = arith.constant 0 : i32
      %dma_start3A_126 = tpu.memref_slice %arg10[%add3A_102, %dma_start3A_125] : memref<4096x128xf32, #tpu.memory_space<hbm>> -> memref<128x128xf32, #tpu.memory_space<hbm>>
      %dma_start3A_127 = arith.constant 0 : i32
      %dma_start3A_128 = tpu.memref_slice %arg10[%add3A_102, %dma_start3A_127] : memref<4096x128xf32, #tpu.memory_space<hbm>> -> memref<128x128xf32, #tpu.memory_space<hbm>>
      tpu.enqueue_dma source(%dma_start3A_128 : memref<128x128xf32, #tpu.memory_space<hbm>>) target(%arg17 : memref<128x128xf32, #tpu.memory_space<vmem>>) target_semaphore(%run_scoped3A : memref<!tpu.dma_semaphore, #tpu.memory_space<semaphore_mem>>)
      %dma_wait3A_129 = arith.constant 0 : i32
      %dma_wait3A_130 = tpu.memref_slice %arg10[%add3A_102, %dma_wait3A_129] : memref<4096x128xf32, #tpu.memory_space<hbm>> -> memref<128x128xf32, #tpu.memory_space<hbm>>
      %dma_wait3A_131 = arith.constant 0 : i32
      %dma_wait3A_132 = tpu.memref_slice %arg10[%add3A_102, %dma_wait3A_131] : memref<4096x128xf32, #tpu.memory_space<hbm>> -> memref<128x128xf32, #tpu.memory_space<hbm>>
      tpu.wait_dma2 semaphore(%run_scoped3A : memref<!tpu.dma_semaphore, #tpu.memory_space<semaphore_mem>>) src(%dma_wait3A_132 : memref<128x128xf32, #tpu.memory_space<hbm>>) dst(%arg17 : memref<128x128xf32, #tpu.memory_space<vmem>>)
      tpu.yield
    }) : () -> ()
    %dma_start3A_113 = arith.constant 0 : i32
    %dma_start3A_114 = arith.constant 0 : i32
    %dma_start3A_115 = tpu.memref_slice %arg14[%dma_start3A_113, %dma_start3A_114] : memref<8192x128xf32, #tpu.memory_space<hbm>> -> memref<8192x128xf32, #tpu.memory_space<hbm>>
    tpu.enqueue_indirect_dma source(%arg17 : memref<128x128xf32, #tpu.memory_space<vmem>>) target(%dma_start3A_115 : memref<8192x128xf32, #tpu.memory_space<hbm>>) offsets(%arg16 : memref<128xi32, #tpu.memory_space<vmem>>) semaphore(%arg19 : memref<!tpu.dma_semaphore, #tpu.memory_space<semaphore_mem>>)
    %dma_wait3A_116 = arith.constant 0 : i32
    %dma_wait3A_117 = arith.constant 0 : i32
    %dma_wait3A_118 = tpu.memref_slice %arg14[%dma_wait3A_116, %dma_wait3A_117] : memref<8192x128xf32, #tpu.memory_space<hbm>> -> memref<8192x128xf32, #tpu.memory_space<hbm>>
    tpu.wait_indirect_dma semaphore(%arg19 : memref<!tpu.dma_semaphore, #tpu.memory_space<semaphore_mem>>) src(%arg17 : memref<128x128xf32, #tpu.memory_space<vmem>>) dst(%dma_wait3A_118 : memref<8192x128xf32, #tpu.memory_space<hbm>>)
    "tpu.region"() ({
      %run_scoped3A = tpu.sem_alloc : memref<!tpu.dma_semaphore, #tpu.memory_space<semaphore_mem>>
      %dma_start3A_125 = tpu.memref_slice %arg9[%add3A_102] : memref<4096xi32, #tpu.memory_space<hbm>> -> memref<128xi32, #tpu.memory_space<hbm>>
      %dma_start3A_126 = tpu.memref_slice %arg9[%add3A_102] : memref<4096xi32, #tpu.memory_space<hbm>> -> memref<128xi32, #tpu.memory_space<hbm>>
      tpu.enqueue_dma source(%dma_start3A_126 : memref<128xi32, #tpu.memory_space<hbm>>) target(%arg16 : memref<128xi32, #tpu.memory_space<vmem>>) target_semaphore(%run_scoped3A : memref<!tpu.dma_semaphore, #tpu.memory_space<semaphore_mem>>)
      %dma_wait3A_127 = tpu.memref_slice %arg9[%add3A_102] : memref<4096xi32, #tpu.memory_space<hbm>> -> memref<128xi32, #tpu.memory_space<hbm>>
      %dma_wait3A_128 = tpu.memref_slice %arg9[%add3A_102] : memref<4096xi32, #tpu.memory_space<hbm>> -> memref<128xi32, #tpu.memory_space<hbm>>
      tpu.wait_dma2 semaphore(%run_scoped3A : memref<!tpu.dma_semaphore, #tpu.memory_space<semaphore_mem>>) src(%dma_wait3A_128 : memref<128xi32, #tpu.memory_space<hbm>>) dst(%arg16 : memref<128xi32, #tpu.memory_space<vmem>>)
      tpu.yield
    }) : () -> ()
    "tpu.region"() ({
      %run_scoped3A = tpu.sem_alloc : memref<!tpu.dma_semaphore, #tpu.memory_space<semaphore_mem>>
      %dma_start3A_125 = arith.constant 0 : i32
      %dma_start3A_126 = tpu.memref_slice %arg11[%add3A_102, %dma_start3A_125] : memref<4096x128xf32, #tpu.memory_space<hbm>> -> memref<128x128xf32, #tpu.memory_space<hbm>>
      %dma_start3A_127 = arith.constant 0 : i32
      %dma_start3A_128 = tpu.memref_slice %arg11[%add3A_102, %dma_start3A_127] : memref<4096x128xf32, #tpu.memory_space<hbm>> -> memref<128x128xf32, #tpu.memory_space<hbm>>
      tpu.enqueue_dma source(%dma_start3A_128 : memref<128x128xf32, #tpu.memory_space<hbm>>) target(%arg17 : memref<128x128xf32, #tpu.memory_space<vmem>>) target_semaphore(%run_scoped3A : memref<!tpu.dma_semaphore, #tpu.memory_space<semaphore_mem>>)
      %dma_wait3A_129 = arith.constant 0 : i32
      %dma_wait3A_130 = tpu.memref_slice %arg11[%add3A_102, %dma_wait3A_129] : memref<4096x128xf32, #tpu.memory_space<hbm>> -> memref<128x128xf32, #tpu.memory_space<hbm>>
      %dma_wait3A_131 = arith.constant 0 : i32
      %dma_wait3A_132 = tpu.memref_slice %arg11[%add3A_102, %dma_wait3A_131] : memref<4096x128xf32, #tpu.memory_space<hbm>> -> memref<128x128xf32, #tpu.memory_space<hbm>>
      tpu.wait_dma2 semaphore(%run_scoped3A : memref<!tpu.dma_semaphore, #tpu.memory_space<semaphore_mem>>) src(%dma_wait3A_132 : memref<128x128xf32, #tpu.memory_space<hbm>>) dst(%arg17 : memref<128x128xf32, #tpu.memory_space<vmem>>)
      tpu.yield
    }) : () -> ()
    %dma_start3A_119 = arith.constant 0 : i32
    %dma_start3A_120 = arith.constant 0 : i32
    %dma_start3A_121 = tpu.memref_slice %arg15[%dma_start3A_119, %dma_start3A_120] : memref<8192x128xf32, #tpu.memory_space<hbm>> -> memref<8192x128xf32, #tpu.memory_space<hbm>>
    tpu.enqueue_indirect_dma source(%arg17 : memref<128x128xf32, #tpu.memory_space<vmem>>) target(%dma_start3A_121 : memref<8192x128xf32, #tpu.memory_space<hbm>>) offsets(%arg16 : memref<128xi32, #tpu.memory_space<vmem>>) semaphore(%arg19 : memref<!tpu.dma_semaphore, #tpu.memory_space<semaphore_mem>>)
    %dma_wait3A_122 = arith.constant 0 : i32
    %dma_wait3A_123 = arith.constant 0 : i32
    %dma_wait3A_124 = tpu.memref_slice %arg15[%dma_wait3A_122, %dma_wait3A_123] : memref<8192x128xf32, #tpu.memory_space<hbm>> -> memref<8192x128xf32, #tpu.memory_space<hbm>>
    tpu.wait_indirect_dma semaphore(%arg19 : memref<!tpu.dma_semaphore, #tpu.memory_space<semaphore_mem>>) src(%arg17 : memref<128x128xf32, #tpu.memory_space<vmem>>) dst(%dma_wait3A_124 : memref<8192x128xf32, #tpu.memory_space<hbm>>)
    return
  }
}

module attributes {stable_mosaic.version = 14 : i64} {
  func.func @_tok_body(%arg0: i32, %arg1: i32, %arg2: memref<1x192x2048xf32, #tpu.memory_space<vmem>>, %arg3: memref<256x192xf32, #tpu.memory_space<vmem>>, %arg4: memref<1x256xf32, #tpu.memory_space<vmem>>, %arg5: memref<1x256xf32, #tpu.memory_space<vmem>>, %arg6: memref<64x256xf32, #tpu.memory_space<vmem>>, %arg7: memref<1x64xf32, #tpu.memory_space<vmem>>, %arg8: memref<1x64xf32, #tpu.memory_space<vmem>>, %arg9: memref<1x1xf32, #tpu.memory_space<smem>>, %arg10: memref<2048x128xf32, #tpu.memory_space<vmem>>, %arg11: memref<2048x128xf32, #tpu.memory_space<vmem>>, %arg12: memref<1x1x1x2048xf32, #tpu.memory_space<vmem>>) attributes {dimension_semantics = [#tpu.dimension_semantics<arbitrary>, #tpu.dimension_semantics<arbitrary>], iteration_bounds = array<i64: 8, 2>, scalar_prefetch = 0 : i64, scratch_operands = 0 : i64, tpu.core_type = #tpu.core_type<tc>, window_params = [{transform_indices = @transform_0, window_bounds = array<i64: 1, 192, 2048>}, {pipeline_mode = #tpu.pipeline_mode<synchronous>, transform_indices = @transform_1, window_bounds = array<i64: 256, 192>}, {pipeline_mode = #tpu.pipeline_mode<synchronous>, transform_indices = @transform_2, window_bounds = array<i64: 1, 256>}, {pipeline_mode = #tpu.pipeline_mode<synchronous>, transform_indices = @transform_3, window_bounds = array<i64: 1, 256>}, {pipeline_mode = #tpu.pipeline_mode<synchronous>, transform_indices = @transform_4, window_bounds = array<i64: 64, 256>}, {pipeline_mode = #tpu.pipeline_mode<synchronous>, transform_indices = @transform_5, window_bounds = array<i64: 1, 64>}, {pipeline_mode = #tpu.pipeline_mode<synchronous>, transform_indices = @transform_6, window_bounds = array<i64: 1, 64>}, {transform_indices = @transform_7, window_bounds = array<i64: 1, 1>}, {transform_indices = @transform_8, window_bounds = array<i64: 2048, 128>}, {transform_indices = @transform_9, window_bounds = array<i64: 2048, 128>}, {transform_indices = @transform_10, window_bounds = array<i64: 1, 1, 1, 2048>}]} {
    %get3A = arith.constant 0 : index
    %get3A_0 = arith.constant 0 : index
    %get3A_1 = arith.constant 0 : index
    %get3A_2 = vector.load %arg2[%get3A, %get3A_0, %get3A_1] : memref<1x192x2048xf32, #tpu.memory_space<vmem>>, vector<1x192x2048xf32>
    %get3A_3 = vector.shape_cast %get3A_2 : vector<1x192x2048xf32> to vector<192x2048xf32>
    %get3A_4 = arith.constant 0 : index
    %get3A_5 = arith.constant 0 : index
    %get3A_6 = vector.load %arg3[%get3A_4, %get3A_5] : memref<256x192xf32, #tpu.memory_space<vmem>>, vector<256x192xf32>
    %dot_general3A = arith.constant dense<0.000000e+00> : vector<2048x256xf32>
    %dot_general3A_7 = tpu.matmul %get3A_3, %get3A_6, %dot_general3A {dimension_numbers = #tpu.dot_dimension_numbers<[0], [1], [1], [0], [0, 1, 1, 0], [], []>, transpose_lhs_hint = false} : vector<192x2048xf32>, vector<256x192xf32>, vector<2048x256xf32> -> vector<2048x256xf32>
    %slice3A = vector.extract_strided_slice %dot_general3A_7 {offsets = [0, 0], sizes = [2048, 128], strides = [1, 1]} : vector<2048x256xf32> to vector<2048x128xf32>
    %swap3A = arith.constant 0 : index
    %swap3A_8 = arith.constant 0 : index
    %swap3A_9 = vector.load %arg10[%swap3A, %swap3A_8] : memref<2048x128xf32, #tpu.memory_space<vmem>>, vector<2048x128xf32>
    tpu.vector_store %arg10[%swap3A, %swap3A_8], %slice3A {strides = array<i32>} : memref<2048x128xf32, #tpu.memory_space<vmem>>, vector<2048x128xf32>,
    %slice3A_10 = vector.extract_strided_slice %dot_general3A_7 {offsets = [0, 128], sizes = [2048, 128], strides = [1, 1]} : vector<2048x256xf32> to vector<2048x128xf32>
    %swap3A_11 = arith.constant 0 : index
    %swap3A_12 = arith.constant 0 : index
    %swap3A_13 = vector.load %arg11[%swap3A_11, %swap3A_12] : memref<2048x128xf32, #tpu.memory_space<vmem>>, vector<2048x128xf32>
    tpu.vector_store %arg11[%swap3A_11, %swap3A_12], %slice3A_10 {strides = array<i32>} : memref<2048x128xf32, #tpu.memory_space<vmem>>, vector<2048x128xf32>,
    %reduce_sum3A = arith.constant dense<0.000000e+00> : vector<2048xf32>
    %reduce_sum3A_14 = vector.multi_reduction <add>, %dot_general3A_7, %reduce_sum3A [1] : vector<2048x256xf32> to vector<2048xf32>
    %broadcast_in_dim3A = vector.shape_cast %reduce_sum3A_14 : vector<2048xf32> to vector<2048x1xf32>
    %mul3A = arith.constant 3.906250e-03 : f32
    %mul3A_15 = vector.broadcast %mul3A : f32 to vector<2048x1xf32>
    %mul3A_16 = arith.mulf %broadcast_in_dim3A, %mul3A_15 : vector<2048x1xf32>
    %mul3A_17 = arith.mulf %dot_general3A_7, %dot_general3A_7 : vector<2048x256xf32>
    %reduce_sum3A_18 = arith.constant dense<0.000000e+00> : vector<2048xf32>
    %reduce_sum3A_19 = vector.multi_reduction <add>, %mul3A_17, %reduce_sum3A_18 [1] : vector<2048x256xf32> to vector<2048xf32>
    %broadcast_in_dim3A_20 = vector.shape_cast %reduce_sum3A_19 : vector<2048xf32> to vector<2048x1xf32>
    %mul3A_21 = arith.constant 3.906250e-03 : f32
    %mul3A_22 = vector.broadcast %mul3A_21 : f32 to vector<2048x1xf32>
    %mul3A_23 = arith.mulf %broadcast_in_dim3A_20, %mul3A_22 : vector<2048x1xf32>
    %mul3A_24 = arith.mulf %mul3A_16, %mul3A_16 : vector<2048x1xf32>
    %sub3A = arith.subf %mul3A_23, %mul3A_24 : vector<2048x1xf32>
    %add3A = arith.constant 9.99999974E-6 : f32
    %add3A_25 = vector.broadcast %add3A : f32 to vector<2048x1xf32>
    %add3A_26 = arith.addf %sub3A, %add3A_25 : vector<2048x1xf32>
    %sqrt3A = math.sqrt %add3A_26 : vector<2048x1xf32>
    %div3A = arith.constant 1.000000e+00 : f32
    %div3A_27 = vector.broadcast %div3A : f32 to vector<2048x1xf32>
    %div3A_28 = arith.divf %div3A_27, %sqrt3A : vector<2048x1xf32>
    %sub3A_29 = vector.broadcast %mul3A_16 : vector<2048x1xf32> to vector<2048x256xf32>
    %sub3A_30 = arith.subf %dot_general3A_7, %sub3A_29 : vector<2048x256xf32>
    %mul3A_31 = vector.broadcast %div3A_28 : vector<2048x1xf32> to vector<2048x256xf32>
    %mul3A_32 = arith.mulf %sub3A_30, %mul3A_31 : vector<2048x256xf32>
    %get3A_33 = arith.constant 0 : index
    %get3A_34 = arith.constant 0 : index
    %get3A_35 = vector.load %arg4[%get3A_33, %get3A_34] : memref<1x256xf32, #tpu.memory_space<vmem>>, vector<1x256xf32>
    %mul3A_36 = vector.broadcast %get3A_35 : vector<1x256xf32> to vector<2048x256xf32>
    %mul3A_37 = arith.mulf %mul3A_32, %mul3A_36 : vector<2048x256xf32>
    %get3A_38 = arith.constant 0 : index
    %get3A_39 = arith.constant 0 : index
    %get3A_40 = vector.load %arg5[%get3A_38, %get3A_39] : memref<1x256xf32, #tpu.memory_space<vmem>>, vector<1x256xf32>
    %add3A_41 = vector.broadcast %get3A_40 : vector<1x256xf32> to vector<2048x256xf32>
    %add3A_42 = arith.addf %mul3A_37, %add3A_41 : vector<2048x256xf32>
    %get3A_43 = arith.constant 0 : index
    %get3A_44 = arith.constant 0 : index
    %get3A_45 = vector.load %arg6[%get3A_43, %get3A_44] : memref<64x256xf32, #tpu.memory_space<vmem>>, vector<64x256xf32>
    %dot_general3A_46 = arith.constant dense<0.000000e+00> : vector<2048x64xf32>
    %dot_general3A_47 = tpu.matmul %add3A_42, %get3A_45, %dot_general3A_46 {dimension_numbers = #tpu.dot_dimension_numbers<[1], [1], [0], [0], [0, 0, 1, 0], [], []>, transpose_lhs_hint = false} : vector<2048x256xf32>, vector<64x256xf32>, vector<2048x64xf32> -> vector<2048x64xf32>
    %get3A_48 = arith.constant 0 : index
    %get3A_49 = arith.constant 0 : index
    %get3A_50 = vector.load %arg7[%get3A_48, %get3A_49] : memref<1x64xf32, #tpu.memory_space<vmem>>, vector<1x64xf32>
    %add3A_51 = vector.broadcast %get3A_50 : vector<1x64xf32> to vector<2048x64xf32>
    %add3A_52 = arith.addf %dot_general3A_47, %add3A_51 : vector<2048x64xf32>
    %logistic3A = arith.negf %add3A_52 : vector<2048x64xf32>
    %logistic3A_53 = math.exp %logistic3A : vector<2048x64xf32>
    %logistic3A_54 = arith.constant 1.000000e+00 : f32
    %logistic3A_55 = vector.broadcast %logistic3A_54 : f32 to vector<2048x64xf32>
    %logistic3A_56 = arith.addf %logistic3A_55, %logistic3A_53 : vector<2048x64xf32>
    %logistic3A_57 = arith.divf %logistic3A_55, %logistic3A_56 : vector<2048x64xf32>
    %mul3A_58 = arith.mulf %add3A_52, %logistic3A_57 : vector<2048x64xf32>
    %convert_element_type3A = arith.truncf %mul3A_58 : vector<2048x64xf32> to vector<2048x64xbf16>
    %convert_element_type3A_59 = arith.extf %convert_element_type3A : vector<2048x64xbf16> to vector<2048x64xf32>
    %get3A_60 = arith.constant 0 : index
    %get3A_61 = arith.constant 0 : index
    %get3A_62 = vector.load %arg8[%get3A_60, %get3A_61] : memref<1x64xf32, #tpu.memory_space<vmem>>, vector<1x64xf32>
    %convert_element_type3A_63 = arith.truncf %get3A_62 : vector<1x64xf32> to vector<1x64xbf16>
    %convert_element_type3A_64 = arith.extf %convert_element_type3A_63 : vector<1x64xbf16> to vector<1x64xf32>
    %mul3A_65 = vector.broadcast %convert_element_type3A_64 : vector<1x64xf32> to vector<2048x64xf32>
    %mul3A_66 = arith.mulf %convert_element_type3A_59, %mul3A_65 : vector<2048x64xf32>
    %reduce_sum3A_67 = arith.constant dense<0.000000e+00> : vector<2048xf32>
    %reduce_sum3A_68 = vector.multi_reduction <add>, %mul3A_66, %reduce_sum3A_67 [1] : vector<2048x64xf32> to vector<2048xf32>
    %get3A_69 = arith.constant 0 : index
    %get3A_70 = arith.constant 0 : index
    %get3A_71 = memref.load %arg9[%get3A_69, %get3A_70] : memref<1x1xf32, #tpu.memory_space<smem>>
    %add3A_72 = vector.broadcast %get3A_71 : f32 to vector<2048xf32>
    %add3A_73 = arith.addf %reduce_sum3A_68, %add3A_72 : vector<2048xf32>
    %swap3A_74 = arith.constant 0 : index
    %swap3A_75 = arith.constant 0 : index
    %swap3A_76 = arith.constant 0 : index
    %swap3A_77 = arith.constant 0 : index
    %swap3A_78 = vector.load %arg12[%swap3A_74, %swap3A_75, %swap3A_76, %swap3A_77] : memref<1x1x1x2048xf32, #tpu.memory_space<vmem>>, vector<1x1x1x2048xf32>
    %swap3A_79 = vector.shape_cast %swap3A_78 : vector<1x1x1x2048xf32> to vector<2048xf32>
    %swap3A_80 = vector.shape_cast %add3A_73 : vector<2048xf32> to vector<1x1x1x2048xf32>
    tpu.vector_store %arg12[%swap3A_74, %swap3A_75, %swap3A_76, %swap3A_77], %swap3A_80 {strides = array<i32>} : memref<1x1x1x2048xf32, #tpu.memory_space<vmem>>, vector<1x1x1x2048xf32>,
    return
  }
  func.func @transform_0(%arg0: i32, %arg1: i32) -> (i32, i32, i32) {
    %c0_i32 = arith.constant 0 : i32
    %c0_i32_0 = arith.constant 0 : i32
    return %arg0, %c0_i32, %arg1 : i32, i32, i32
  }
  func.func @transform_1(%arg0: i32, %arg1: i32) -> (i32, i32) {
    %c0_i32 = arith.constant 0 : i32
    %c0_i32_0 = arith.constant 0 : i32
    %c0_i32_1 = arith.constant 0 : i32
    return %c0_i32, %c0_i32_0 : i32, i32
  }
  func.func @transform_2(%arg0: i32, %arg1: i32) -> (i32, i32) {
    %c0_i32 = arith.constant 0 : i32
    %c0_i32_0 = arith.constant 0 : i32
    %c0_i32_1 = arith.constant 0 : i32
    return %c0_i32, %c0_i32_0 : i32, i32
  }
  func.func @transform_3(%arg0: i32, %arg1: i32) -> (i32, i32) {
    %c0_i32 = arith.constant 0 : i32
    %c0_i32_0 = arith.constant 0 : i32
    %c0_i32_1 = arith.constant 0 : i32
    return %c0_i32, %c0_i32_0 : i32, i32
  }
  func.func @transform_4(%arg0: i32, %arg1: i32) -> (i32, i32) {
    %c0_i32 = arith.constant 0 : i32
    %c0_i32_0 = arith.constant 0 : i32
    %c0_i32_1 = arith.constant 0 : i32
    return %c0_i32, %c0_i32_0 : i32, i32
  }
  func.func @transform_5(%arg0: i32, %arg1: i32) -> (i32, i32) {
    %c0_i32 = arith.constant 0 : i32
    %c0_i32_0 = arith.constant 0 : i32
    %c0_i32_1 = arith.constant 0 : i32
    return %c0_i32, %c0_i32_0 : i32, i32
  }
  func.func @transform_6(%arg0: i32, %arg1: i32) -> (i32, i32) {
    %c0_i32 = arith.constant 0 : i32
    %c0_i32_0 = arith.constant 0 : i32
    %c0_i32_1 = arith.constant 0 : i32
    return %c0_i32, %c0_i32_0 : i32, i32
  }
  func.func @transform_7(%arg0: i32, %arg1: i32) -> (i32, i32) {
    %c0_i32 = arith.constant 0 : i32
    %c0_i32_0 = arith.constant 0 : i32
    %c0_i32_1 = arith.constant 0 : i32
    return %c0_i32, %c0_i32_0 : i32, i32
  }
  func.func @transform_8(%arg0: i32, %arg1: i32) -> (i32, i32) {
    %mul3A = arith.constant 2 : i32
    %mul3A_0 = arith.muli %arg0, %mul3A : i32
    %add3A = arith.addi %mul3A_0, %arg1 : i32
    %c0_i32 = arith.constant 0 : i32
    %c0_i32_1 = arith.constant 0 : i32
    return %add3A, %c0_i32 : i32, i32
  }
  func.func @transform_9(%arg0: i32, %arg1: i32) -> (i32, i32) {
    %mul3A = arith.constant 2 : i32
    %mul3A_0 = arith.muli %arg0, %mul3A : i32
    %add3A = arith.addi %mul3A_0, %arg1 : i32
    %c0_i32 = arith.constant 0 : i32
    %c0_i32_1 = arith.constant 0 : i32
    return %add3A, %c0_i32 : i32, i32
  }
  func.func @transform_10(%arg0: i32, %arg1: i32) -> (i32, i32, i32, i32) {
    %c0_i32 = arith.constant 0 : i32
    %c0_i32_0 = arith.constant 0 : i32
    %c0_i32_1 = arith.constant 0 : i32
    return %arg0, %arg1, %c0_i32, %c0_i32_0 : i32, i32, i32, i32
  }
}

module attributes {stable_mosaic.version = 14 : i64} {
  func.func @_select_body(%arg0: memref<8x4096xf32, #tpu.memory_space<vmem>>, %arg1: memref<8x128xi32, #tpu.memory_space<vmem>>, %arg2: memref<8x512xi32, #tpu.memory_space<vmem>>) attributes {dimension_semantics = [], scalar_prefetch = 0 : i64, scratch_operands = 0 : i64, tpu.core_type = #tpu.core_type<tc>} {
    %get3A = arith.constant 0 : index
    %get3A_0 = arith.constant 0 : index
    %get3A_1 = vector.load %arg0[%get3A, %get3A_0] : memref<8x4096xf32, #tpu.memory_space<vmem>>, vector<8x4096xf32>
    %bitcast_convert_type3A = tpu.bitcast %get3A_1 : vector<8x4096xf32> -> vector<8x4096xi32>
    %ge3A = arith.constant -2147483648 : i32
    %ge3A_2 = vector.broadcast %ge3A : i32 to vector<8x4096xi32>
    %ge3A_3 = arith.cmpi uge, %bitcast_convert_type3A, %ge3A_2 : vector<8x4096xi32>
    %not3A = arith.constant dense<-1> : vector<8x4096xi32>
    %not3A_4 = arith.xori %bitcast_convert_type3A, %not3A : vector<8x4096xi32>
    %or3A = arith.constant -2147483648 : i32
    %or3A_5 = vector.broadcast %or3A : i32 to vector<8x4096xi32>
    %or3A_6 = arith.ori %bitcast_convert_type3A, %or3A_5 : vector<8x4096xi32>
    %select_n3A = arith.select %ge3A_3, %not3A_4, %or3A_6 : vector<8x4096xi1>, vector<8x4096xi32>
    %broadcast_in_dim3A = arith.constant 0 : i32
    %broadcast_in_dim3A_7 = vector.broadcast %broadcast_in_dim3A : i32 to vector<8x1xi32>
    %scan3A = arith.constant 0 : i32
    %scan3A_8 = arith.constant 32 : i32
    %scan3A_9 = arith.addi %scan3A, %scan3A_8 : i32
    %scan3A_10 = arith.constant 1 : i32
    %scan3A_11 = scf.for %scan3A_473 = %scan3A to %scan3A_9 step %scan3A_10 iter_args(%scan3A_474 = %broadcast_in_dim3A_7) -> (vector<8x1xi32>)  : i32 {
      %sub3A_475 = arith.constant 31 : i32
      %sub3A_476 = arith.subi %sub3A_475, %scan3A_473 : i32
      %shift_left3A = arith.constant 1 : i32
      %shift_left3A_477 = arith.shli %shift_left3A, %sub3A_476 : i32
      %or3A_478 = vector.broadcast %shift_left3A_477 : i32 to vector<8x1xi32>
      %or3A_479 = arith.ori %scan3A_474, %or3A_478 : vector<8x1xi32>
      %ge3A_480 = vector.broadcast %or3A_479 : vector<8x1xi32> to vector<8x4096xi32>
      %ge3A_481 = arith.cmpi uge, %select_n3A, %ge3A_480 : vector<8x4096xi32>
      %convert_element_type3A_482 = arith.extui %ge3A_481 : vector<8x4096xi1> to vector<8x4096xi32>
      %reduce_sum3A_483 = arith.constant dense<0> : vector<8xi32>
      %reduce_sum3A_484 = vector.multi_reduction <add>, %convert_element_type3A_482, %reduce_sum3A_483 [1] : vector<8x4096xi32> to vector<8xi32>
      %broadcast_in_dim3A_485 = vector.shape_cast %reduce_sum3A_484 : vector<8xi32> to vector<8x1xi32>
      %ge3A_486 = arith.constant 128 : i32
      %ge3A_487 = vector.broadcast %ge3A_486 : i32 to vector<8x1xi32>
      %ge3A_488 = arith.cmpi sge, %broadcast_in_dim3A_485, %ge3A_487 : vector<8x1xi32>
      %select_n3A_489 = arith.select %ge3A_488, %or3A_479, %scan3A_474 : vector<8x1xi1>, vector<8x1xi32>
      scf.yield %select_n3A_489 : vector<8x1xi32>
    }
    %scan3A_12 = arith.constant 32 : i32
    %gt3A = vector.broadcast %scan3A_11 : vector<8x1xi32> to vector<8x4096xi32>
    %gt3A_13 = arith.cmpi ugt, %select_n3A, %gt3A : vector<8x4096xi32>
    %eq3A = vector.broadcast %scan3A_11 : vector<8x1xi32> to vector<8x4096xi32>
    %eq3A_14 = arith.cmpi eq, %select_n3A, %eq3A : vector<8x4096xi32>
    %convert_element_type3A = arith.extui %gt3A_13 : vector<8x4096xi1> to vector<8x4096xi32>
    %reduce_sum3A = arith.constant dense<0> : vector<8xi32>
    %reduce_sum3A_15 = vector.multi_reduction <add>, %convert_element_type3A, %reduce_sum3A [1] : vector<8x4096xi32> to vector<8xi32>
    %broadcast_in_dim3A_16 = vector.shape_cast %reduce_sum3A_15 : vector<8xi32> to vector<8x1xi32>
    %sub3A = arith.constant 128 : i32
    %sub3A_17 = vector.broadcast %sub3A : i32 to vector<8x1xi32>
    %sub3A_18 = arith.subi %sub3A_17, %broadcast_in_dim3A_16 : vector<8x1xi32>
    %convert_element_type3A_19 = arith.extui %eq3A_14 : vector<8x4096xi1> to vector<8x4096xi32>
    %broadcast_in_dim3A_20 = arith.constant 0 : i32
    %broadcast_in_dim3A_21 = vector.broadcast %broadcast_in_dim3A_20 : i32 to vector<8x1xi32>
    %slice3A = vector.extract_strided_slice %convert_element_type3A_19 {offsets = [0, 0], sizes = [8, 4095], strides = [1, 1]} : vector<8x4096xi32> to vector<8x4095xi32>
    %concatenate3A = tpu.concatenate %broadcast_in_dim3A_21, %slice3A in 1 : vector<8x1xi32>, vector<8x4095xi32> -> vector<8x4096xi32>
    %add3A = arith.addi %convert_element_type3A_19, %concatenate3A : vector<8x4096xi32>
    %broadcast_in_dim3A_22 = arith.constant 0 : i32
    %broadcast_in_dim3A_23 = vector.broadcast %broadcast_in_dim3A_22 : i32 to vector<8x2xi32>
    %slice3A_24 = vector.extract_strided_slice %add3A {offsets = [0, 0], sizes = [8, 4094], strides = [1, 1]} : vector<8x4096xi32> to vector<8x4094xi32>
    %concatenate3A_25 = tpu.concatenate %broadcast_in_dim3A_23, %slice3A_24 in 1 : vector<8x2xi32>, vector<8x4094xi32> -> vector<8x4096xi32>
    %add3A_26 = arith.addi %add3A, %concatenate3A_25 : vector<8x4096xi32>
    %broadcast_in_dim3A_27 = arith.constant 0 : i32
    %broadcast_in_dim3A_28 = vector.broadcast %broadcast_in_dim3A_27 : i32 to vector<8x4xi32>
    %slice3A_29 = vector.extract_strided_slice %add3A_26 {offsets = [0, 0], sizes = [8, 4092], strides = [1, 1]} : vector<8x4096xi32> to vector<8x4092xi32>
    %concatenate3A_30 = tpu.concatenate %broadcast_in_dim3A_28, %slice3A_29 in 1 : vector<8x4xi32>, vector<8x4092xi32> -> vector<8x4096xi32>
    %add3A_31 = arith.addi %add3A_26, %concatenate3A_30 : vector<8x4096xi32>
    %broadcast_in_dim3A_32 = arith.constant 0 : i32
    %broadcast_in_dim3A_33 = vector.broadcast %broadcast_in_dim3A_32 : i32 to vector<8x8xi32>
    %slice3A_34 = vector.extract_strided_slice %add3A_31 {offsets = [0, 0], sizes = [8, 4088], strides = [1, 1]} : vector<8x4096xi32> to vector<8x4088xi32>
    %concatenate3A_35 = tpu.concatenate %broadcast_in_dim3A_33, %slice3A_34 in 1 : vector<8x8xi32>, vector<8x4088xi32> -> vector<8x4096xi32>
    %add3A_36 = arith.addi %add3A_31, %concatenate3A_35 : vector<8x4096xi32>
    %broadcast_in_dim3A_37 = arith.constant 0 : i32
    %broadcast_in_dim3A_38 = vector.broadcast %broadcast_in_dim3A_37 : i32 to vector<8x16xi32>
    %slice3A_39 = vector.extract_strided_slice %add3A_36 {offsets = [0, 0], sizes = [8, 4080], strides = [1, 1]} : vector<8x4096xi32> to vector<8x4080xi32>
    %concatenate3A_40 = tpu.concatenate %broadcast_in_dim3A_38, %slice3A_39 in 1 : vector<8x16xi32>, vector<8x4080xi32> -> vector<8x4096xi32>
    %add3A_41 = arith.addi %add3A_36, %concatenate3A_40 : vector<8x4096xi32>
    %broadcast_in_dim3A_42 = arith.constant 0 : i32
    %broadcast_in_dim3A_43 = vector.broadcast %broadcast_in_dim3A_42 : i32 to vector<8x32xi32>
    %slice3A_44 = vector.extract_strided_slice %add3A_41 {offsets = [0, 0], sizes = [8, 4064], strides = [1, 1]} : vector<8x4096xi32> to vector<8x4064xi32>
    %concatenate3A_45 = tpu.concatenate %broadcast_in_dim3A_43, %slice3A_44 in 1 : vector<8x32xi32>, vector<8x4064xi32> -> vector<8x4096xi32>
    %add3A_46 = arith.addi %add3A_41, %concatenate3A_45 : vector<8x4096xi32>
    %broadcast_in_dim3A_47 = arith.constant 0 : i32
    %broadcast_in_dim3A_48 = vector.broadcast %broadcast_in_dim3A_47 : i32 to vector<8x64xi32>
    %slice3A_49 = vector.extract_strided_slice %add3A_46 {offsets = [0, 0], sizes = [8, 4032], strides = [1, 1]} : vector<8x4096xi32> to vector<8x4032xi32>
    %concatenate3A_50 = tpu.concatenate %broadcast_in_dim3A_48, %slice3A_49 in 1 : vector<8x64xi32>, vector<8x4032xi32> -> vector<8x4096xi32>
    %add3A_51 = arith.addi %add3A_46, %concatenate3A_50 : vector<8x4096xi32>
    %broadcast_in_dim3A_52 = arith.constant 0 : i32
    %broadcast_in_dim3A_53 = vector.broadcast %broadcast_in_dim3A_52 : i32 to vector<8x128xi32>
    %slice3A_54 = vector.extract_strided_slice %add3A_51 {offsets = [0, 0], sizes = [8, 3968], strides = [1, 1]} : vector<8x4096xi32> to vector<8x3968xi32>
    %concatenate3A_55 = tpu.concatenate %broadcast_in_dim3A_53, %slice3A_54 in 1 : vector<8x128xi32>, vector<8x3968xi32> -> vector<8x4096xi32>
    %add3A_56 = arith.addi %add3A_51, %concatenate3A_55 : vector<8x4096xi32>
    %broadcast_in_dim3A_57 = arith.constant 0 : i32
    %broadcast_in_dim3A_58 = vector.broadcast %broadcast_in_dim3A_57 : i32 to vector<8x256xi32>
    %slice3A_59 = vector.extract_strided_slice %add3A_56 {offsets = [0, 0], sizes = [8, 3840], strides = [1, 1]} : vector<8x4096xi32> to vector<8x3840xi32>
    %concatenate3A_60 = tpu.concatenate %broadcast_in_dim3A_58, %slice3A_59 in 1 : vector<8x256xi32>, vector<8x3840xi32> -> vector<8x4096xi32>
    %add3A_61 = arith.addi %add3A_56, %concatenate3A_60 : vector<8x4096xi32>
    %broadcast_in_dim3A_62 = arith.constant 0 : i32
    %broadcast_in_dim3A_63 = vector.broadcast %broadcast_in_dim3A_62 : i32 to vector<8x512xi32>
    %slice3A_64 = vector.extract_strided_slice %add3A_61 {offsets = [0, 0], sizes = [8, 3584], strides = [1, 1]} : vector<8x4096xi32> to vector<8x3584xi32>
    %concatenate3A_65 = tpu.concatenate %broadcast_in_dim3A_63, %slice3A_64 in 1 : vector<8x512xi32>, vector<8x3584xi32> -> vector<8x4096xi32>
    %add3A_66 = arith.addi %add3A_61, %concatenate3A_65 : vector<8x4096xi32>
    %broadcast_in_dim3A_67 = arith.constant 0 : i32
    %broadcast_in_dim3A_68 = vector.broadcast %broadcast_in_dim3A_67 : i32 to vector<8x1024xi32>
    %slice3A_69 = vector.extract_strided_slice %add3A_66 {offsets = [0, 0], sizes = [8, 3072], strides = [1, 1]} : vector<8x4096xi32> to vector<8x3072xi32>
    %concatenate3A_70 = tpu.concatenate %broadcast_in_dim3A_68, %slice3A_69 in 1 : vector<8x1024xi32>, vector<8x3072xi32> -> vector<8x4096xi32>
    %add3A_71 = arith.addi %add3A_66, %concatenate3A_70 : vector<8x4096xi32>
    %broadcast_in_dim3A_72 = arith.constant 0 : i32
    %broadcast_in_dim3A_73 = vector.broadcast %broadcast_in_dim3A_72 : i32 to vector<8x2048xi32>
    %slice3A_74 = vector.extract_strided_slice %add3A_71 {offsets = [0, 0], sizes = [8, 2048], strides = [1, 1]} : vector<8x4096xi32> to vector<8x2048xi32>
    %concatenate3A_75 = tpu.concatenate %broadcast_in_dim3A_73, %slice3A_74 in 1 : vector<8x2048xi32>, vector<8x2048xi32> -> vector<8x4096xi32>
    %add3A_76 = arith.addi %add3A_71, %concatenate3A_75 : vector<8x4096xi32>
    %convert_element_type3A_77 = arith.extui %eq3A_14 : vector<8x4096xi1> to vector<8x4096xi32>
    %sub3A_78 = arith.subi %add3A_76, %convert_element_type3A_77 : vector<8x4096xi32>
    %lt3A = vector.broadcast %sub3A_18 : vector<8x1xi32> to vector<8x4096xi32>
    %lt3A_79 = arith.cmpi slt, %sub3A_78, %lt3A : vector<8x4096xi32>
    %and3A = arith.andi %eq3A_14, %lt3A_79 : vector<8x4096xi1>
    %or3A_80 = arith.ori %gt3A_13, %and3A : vector<8x4096xi1>
    %convert_element_type3A_81 = arith.extui %or3A_80 : vector<8x4096xi1> to vector<8x4096xi32>
    %convert_element_type3A_82 = arith.sitofp %convert_element_type3A_81 : vector<8x4096xi32> to vector<8x4096xf32>
    %broadcast_in_dim3A_83 = arith.constant 0.000000e+00 : f32
    %broadcast_in_dim3A_84 = vector.broadcast %broadcast_in_dim3A_83 : f32 to vector<8x1xf32>
    %slice3A_85 = vector.extract_strided_slice %convert_element_type3A_82 {offsets = [0, 0], sizes = [8, 4095], strides = [1, 1]} : vector<8x4096xf32> to vector<8x4095xf32>
    %concatenate3A_86 = tpu.concatenate %broadcast_in_dim3A_84, %slice3A_85 in 1 : vector<8x1xf32>, vector<8x4095xf32> -> vector<8x4096xf32>
    %add3A_87 = arith.addf %convert_element_type3A_82, %concatenate3A_86 : vector<8x4096xf32>
    %broadcast_in_dim3A_88 = arith.constant 0.000000e+00 : f32
    %broadcast_in_dim3A_89 = vector.broadcast %broadcast_in_dim3A_88 : f32 to vector<8x2xf32>
    %slice3A_90 = vector.extract_strided_slice %add3A_87 {offsets = [0, 0], sizes = [8, 4094], strides = [1, 1]} : vector<8x4096xf32> to vector<8x4094xf32>
    %concatenate3A_91 = tpu.concatenate %broadcast_in_dim3A_89, %slice3A_90 in 1 : vector<8x2xf32>, vector<8x4094xf32> -> vector<8x4096xf32>
    %add3A_92 = arith.addf %add3A_87, %concatenate3A_91 : vector<8x4096xf32>
    %broadcast_in_dim3A_93 = arith.constant 0.000000e+00 : f32
    %broadcast_in_dim3A_94 = vector.broadcast %broadcast_in_dim3A_93 : f32 to vector<8x4xf32>
    %slice3A_95 = vector.extract_strided_slice %add3A_92 {offsets = [0, 0], sizes = [8, 4092], strides = [1, 1]} : vector<8x4096xf32> to vector<8x4092xf32>
    %concatenate3A_96 = tpu.concatenate %broadcast_in_dim3A_94, %slice3A_95 in 1 : vector<8x4xf32>, vector<8x4092xf32> -> vector<8x4096xf32>
    %add3A_97 = arith.addf %add3A_92, %concatenate3A_96 : vector<8x4096xf32>
    %broadcast_in_dim3A_98 = arith.constant 0.000000e+00 : f32
    %broadcast_in_dim3A_99 = vector.broadcast %broadcast_in_dim3A_98 : f32 to vector<8x8xf32>
    %slice3A_100 = vector.extract_strided_slice %add3A_97 {offsets = [0, 0], sizes = [8, 4088], strides = [1, 1]} : vector<8x4096xf32> to vector<8x4088xf32>
    %concatenate3A_101 = tpu.concatenate %broadcast_in_dim3A_99, %slice3A_100 in 1 : vector<8x8xf32>, vector<8x4088xf32> -> vector<8x4096xf32>
    %add3A_102 = arith.addf %add3A_97, %concatenate3A_101 : vector<8x4096xf32>
    %broadcast_in_dim3A_103 = arith.constant 0.000000e+00 : f32
    %broadcast_in_dim3A_104 = vector.broadcast %broadcast_in_dim3A_103 : f32 to vector<8x16xf32>
    %slice3A_105 = vector.extract_strided_slice %add3A_102 {offsets = [0, 0], sizes = [8, 4080], strides = [1, 1]} : vector<8x4096xf32> to vector<8x4080xf32>
    %concatenate3A_106 = tpu.concatenate %broadcast_in_dim3A_104, %slice3A_105 in 1 : vector<8x16xf32>, vector<8x4080xf32> -> vector<8x4096xf32>
    %add3A_107 = arith.addf %add3A_102, %concatenate3A_106 : vector<8x4096xf32>
    %broadcast_in_dim3A_108 = arith.constant 0.000000e+00 : f32
    %broadcast_in_dim3A_109 = vector.broadcast %broadcast_in_dim3A_108 : f32 to vector<8x32xf32>
    %slice3A_110 = vector.extract_strided_slice %add3A_107 {offsets = [0, 0], sizes = [8, 4064], strides = [1, 1]} : vector<8x4096xf32> to vector<8x4064xf32>
    %concatenate3A_111 = tpu.concatenate %broadcast_in_dim3A_109, %slice3A_110 in 1 : vector<8x32xf32>, vector<8x4064xf32> -> vector<8x4096xf32>
    %add3A_112 = arith.addf %add3A_107, %concatenate3A_111 : vector<8x4096xf32>
    %broadcast_in_dim3A_113 = arith.constant 0.000000e+00 : f32
    %broadcast_in_dim3A_114 = vector.broadcast %broadcast_in_dim3A_113 : f32 to vector<8x64xf32>
    %slice3A_115 = vector.extract_strided_slice %add3A_112 {offsets = [0, 0], sizes = [8, 4032], strides = [1, 1]} : vector<8x4096xf32> to vector<8x4032xf32>
    %concatenate3A_116 = tpu.concatenate %broadcast_in_dim3A_114, %slice3A_115 in 1 : vector<8x64xf32>, vector<8x4032xf32> -> vector<8x4096xf32>
    %add3A_117 = arith.addf %add3A_112, %concatenate3A_116 : vector<8x4096xf32>
    %broadcast_in_dim3A_118 = arith.constant 0.000000e+00 : f32
    %broadcast_in_dim3A_119 = vector.broadcast %broadcast_in_dim3A_118 : f32 to vector<8x128xf32>
    %slice3A_120 = vector.extract_strided_slice %add3A_117 {offsets = [0, 0], sizes = [8, 3968], strides = [1, 1]} : vector<8x4096xf32> to vector<8x3968xf32>
    %concatenate3A_121 = tpu.concatenate %broadcast_in_dim3A_119, %slice3A_120 in 1 : vector<8x128xf32>, vector<8x3968xf32> -> vector<8x4096xf32>
    %add3A_122 = arith.addf %add3A_117, %concatenate3A_121 : vector<8x4096xf32>
    %broadcast_in_dim3A_123 = arith.constant 0.000000e+00 : f32
    %broadcast_in_dim3A_124 = vector.broadcast %broadcast_in_dim3A_123 : f32 to vector<8x256xf32>
    %slice3A_125 = vector.extract_strided_slice %add3A_122 {offsets = [0, 0], sizes = [8, 3840], strides = [1, 1]} : vector<8x4096xf32> to vector<8x3840xf32>
    %concatenate3A_126 = tpu.concatenate %broadcast_in_dim3A_124, %slice3A_125 in 1 : vector<8x256xf32>, vector<8x3840xf32> -> vector<8x4096xf32>
    %add3A_127 = arith.addf %add3A_122, %concatenate3A_126 : vector<8x4096xf32>
    %broadcast_in_dim3A_128 = arith.constant 0.000000e+00 : f32
    %broadcast_in_dim3A_129 = vector.broadcast %broadcast_in_dim3A_128 : f32 to vector<8x512xf32>
    %slice3A_130 = vector.extract_strided_slice %add3A_127 {offsets = [0, 0], sizes = [8, 3584], strides = [1, 1]} : vector<8x4096xf32> to vector<8x3584xf32>
    %concatenate3A_131 = tpu.concatenate %broadcast_in_dim3A_129, %slice3A_130 in 1 : vector<8x512xf32>, vector<8x3584xf32> -> vector<8x4096xf32>
    %add3A_132 = arith.addf %add3A_127, %concatenate3A_131 : vector<8x4096xf32>
    %broadcast_in_dim3A_133 = arith.constant 0.000000e+00 : f32
    %broadcast_in_dim3A_134 = vector.broadcast %broadcast_in_dim3A_133 : f32 to vector<8x1024xf32>
    %slice3A_135 = vector.extract_strided_slice %add3A_132 {offsets = [0, 0], sizes = [8, 3072], strides = [1, 1]} : vector<8x4096xf32> to vector<8x3072xf32>
    %concatenate3A_136 = tpu.concatenate %broadcast_in_dim3A_134, %slice3A_135 in 1 : vector<8x1024xf32>, vector<8x3072xf32> -> vector<8x4096xf32>
    %add3A_137 = arith.addf %add3A_132, %concatenate3A_136 : vector<8x4096xf32>
    %broadcast_in_dim3A_138 = arith.constant 0.000000e+00 : f32
    %broadcast_in_dim3A_139 = vector.broadcast %broadcast_in_dim3A_138 : f32 to vector<8x2048xf32>
    %slice3A_140 = vector.extract_strided_slice %add3A_137 {offsets = [0, 0], sizes = [8, 2048], strides = [1, 1]} : vector<8x4096xf32> to vector<8x2048xf32>
    %concatenate3A_141 = tpu.concatenate %broadcast_in_dim3A_139, %slice3A_140 in 1 : vector<8x2048xf32>, vector<8x2048xf32> -> vector<8x4096xf32>
    %add3A_142 = arith.addf %add3A_137, %concatenate3A_141 : vector<8x4096xf32>
    %iota3A = tpu.iota {dimensions = array<i32: 2>} : vector<1x1x128xi32>
    %convert_element_type3A_143 = arith.sitofp %iota3A : vector<1x1x128xi32> to vector<1x1x128xf32>
    %broadcast_in_dim3A_144 = arith.constant 0.000000e+00 : f32
    %broadcast_in_dim3A_145 = vector.broadcast %broadcast_in_dim3A_144 : f32 to vector<8x128xf32>
    %slice3A_146 = vector.extract_strided_slice %add3A_142 {offsets = [0, 0], sizes = [8, 512], strides = [1, 1]} : vector<8x4096xf32> to vector<8x512xf32>
    %broadcast_in_dim3A_147 = vector.shape_cast %slice3A_146 : vector<8x512xf32> to vector<8x512x1xf32>
    %le3A = vector.broadcast %broadcast_in_dim3A_147 : vector<8x512x1xf32> to vector<8x512x128xf32>
    %le3A_148 = vector.broadcast %convert_element_type3A_143 : vector<1x1x128xf32> to vector<8x512x128xf32>
    %le3A_149 = arith.cmpf ole, %le3A, %le3A_148 : vector<8x512x128xf32>
    %convert_element_type3A_150 = arith.extui %le3A_149 : vector<8x512x128xi1> to vector<8x512x128xi32>
    %convert_element_type3A_151 = arith.sitofp %convert_element_type3A_150 : vector<8x512x128xi32> to vector<8x512x128xf32>
    %reduce_sum3A_152 = arith.constant dense<0.000000e+00> : vector<8x128xf32>
    %reduce_sum3A_153 = vector.multi_reduction <add>, %convert_element_type3A_151, %reduce_sum3A_152 [1] : vector<8x512x128xf32> to vector<8x128xf32>
    %add3A_154 = arith.addf %broadcast_in_dim3A_145, %reduce_sum3A_153 : vector<8x128xf32>
    %slice3A_155 = vector.extract_strided_slice %add3A_142 {offsets = [0, 512], sizes = [8, 512], strides = [1, 1]} : vector<8x4096xf32> to vector<8x512xf32>
    %broadcast_in_dim3A_156 = vector.shape_cast %slice3A_155 : vector<8x512xf32> to vector<8x512x1xf32>
    %le3A_157 = vector.broadcast %broadcast_in_dim3A_156 : vector<8x512x1xf32> to vector<8x512x128xf32>
    %le3A_158 = vector.broadcast %convert_element_type3A_143 : vector<1x1x128xf32> to vector<8x512x128xf32>
    %le3A_159 = arith.cmpf ole, %le3A_157, %le3A_158 : vector<8x512x128xf32>
    %convert_element_type3A_160 = arith.extui %le3A_159 : vector<8x512x128xi1> to vector<8x512x128xi32>
    %convert_element_type3A_161 = arith.sitofp %convert_element_type3A_160 : vector<8x512x128xi32> to vector<8x512x128xf32>
    %reduce_sum3A_162 = arith.constant dense<0.000000e+00> : vector<8x128xf32>
    %reduce_sum3A_163 = vector.multi_reduction <add>, %convert_element_type3A_161, %reduce_sum3A_162 [1] : vector<8x512x128xf32> to vector<8x128xf32>
    %add3A_164 = arith.addf %add3A_154, %reduce_sum3A_163 : vector<8x128xf32>
    %slice3A_165 = vector.extract_strided_slice %add3A_142 {offsets = [0, 1024], sizes = [8, 512], strides = [1, 1]} : vector<8x4096xf32> to vector<8x512xf32>
    %broadcast_in_dim3A_166 = vector.shape_cast %slice3A_165 : vector<8x512xf32> to vector<8x512x1xf32>
    %le3A_167 = vector.broadcast %broadcast_in_dim3A_166 : vector<8x512x1xf32> to vector<8x512x128xf32>
    %le3A_168 = vector.broadcast %convert_element_type3A_143 : vector<1x1x128xf32> to vector<8x512x128xf32>
    %le3A_169 = arith.cmpf ole, %le3A_167, %le3A_168 : vector<8x512x128xf32>
    %convert_element_type3A_170 = arith.extui %le3A_169 : vector<8x512x128xi1> to vector<8x512x128xi32>
    %convert_element_type3A_171 = arith.sitofp %convert_element_type3A_170 : vector<8x512x128xi32> to vector<8x512x128xf32>
    %reduce_sum3A_172 = arith.constant dense<0.000000e+00> : vector<8x128xf32>
    %reduce_sum3A_173 = vector.multi_reduction <add>, %convert_element_type3A_171, %reduce_sum3A_172 [1] : vector<8x512x128xf32> to vector<8x128xf32>
    %add3A_174 = arith.addf %add3A_164, %reduce_sum3A_173 : vector<8x128xf32>
    %slice3A_175 = vector.extract_strided_slice %add3A_142 {offsets = [0, 1536], sizes = [8, 512], strides = [1, 1]} : vector<8x4096xf32> to vector<8x512xf32>
    %broadcast_in_dim3A_176 = vector.shape_cast %slice3A_175 : vector<8x512xf32> to vector<8x512x1xf32>
    %le3A_177 = vector.broadcast %broadcast_in_dim3A_176 : vector<8x512x1xf32> to vector<8x512x128xf32>
    %le3A_178 = vector.broadcast %convert_element_type3A_143 : vector<1x1x128xf32> to vector<8x512x128xf32>
    %le3A_179 = arith.cmpf ole, %le3A_177, %le3A_178 : vector<8x512x128xf32>
    %convert_element_type3A_180 = arith.extui %le3A_179 : vector<8x512x128xi1> to vector<8x512x128xi32>
    %convert_element_type3A_181 = arith.sitofp %convert_element_type3A_180 : vector<8x512x128xi32> to vector<8x512x128xf32>
    %reduce_sum3A_182 = arith.constant dense<0.000000e+00> : vector<8x128xf32>
    %reduce_sum3A_183 = vector.multi_reduction <add>, %convert_element_type3A_181, %reduce_sum3A_182 [1] : vector<8x512x128xf32> to vector<8x128xf32>
    %add3A_184 = arith.addf %add3A_174, %reduce_sum3A_183 : vector<8x128xf32>
    %slice3A_185 = vector.extract_strided_slice %add3A_142 {offsets = [0, 2048], sizes = [8, 512], strides = [1, 1]} : vector<8x4096xf32> to vector<8x512xf32>
    %broadcast_in_dim3A_186 = vector.shape_cast %slice3A_185 : vector<8x512xf32> to vector<8x512x1xf32>
    %le3A_187 = vector.broadcast %broadcast_in_dim3A_186 : vector<8x512x1xf32> to vector<8x512x128xf32>
    %le3A_188 = vector.broadcast %convert_element_type3A_143 : vector<1x1x128xf32> to vector<8x512x128xf32>
    %le3A_189 = arith.cmpf ole, %le3A_187, %le3A_188 : vector<8x512x128xf32>
    %convert_element_type3A_190 = arith.extui %le3A_189 : vector<8x512x128xi1> to vector<8x512x128xi32>
    %convert_element_type3A_191 = arith.sitofp %convert_element_type3A_190 : vector<8x512x128xi32> to vector<8x512x128xf32>
    %reduce_sum3A_192 = arith.constant dense<0.000000e+00> : vector<8x128xf32>
    %reduce_sum3A_193 = vector.multi_reduction <add>, %convert_element_type3A_191, %reduce_sum3A_192 [1] : vector<8x512x128xf32> to vector<8x128xf32>
    %add3A_194 = arith.addf %add3A_184, %reduce_sum3A_193 : vector<8x128xf32>
    %slice3A_195 = vector.extract_strided_slice %add3A_142 {offsets = [0, 2560], sizes = [8, 512], strides = [1, 1]} : vector<8x4096xf32> to vector<8x512xf32>
    %broadcast_in_dim3A_196 = vector.shape_cast %slice3A_195 : vector<8x512xf32> to vector<8x512x1xf32>
    %le3A_197 = vector.broadcast %broadcast_in_dim3A_196 : vector<8x512x1xf32> to vector<8x512x128xf32>
    %le3A_198 = vector.broadcast %convert_element_type3A_143 : vector<1x1x128xf32> to vector<8x512x128xf32>
    %le3A_199 = arith.cmpf ole, %le3A_197, %le3A_198 : vector<8x512x128xf32>
    %convert_element_type3A_200 = arith.extui %le3A_199 : vector<8x512x128xi1> to vector<8x512x128xi32>
    %convert_element_type3A_201 = arith.sitofp %convert_element_type3A_200 : vector<8x512x128xi32> to vector<8x512x128xf32>
    %reduce_sum3A_202 = arith.constant dense<0.000000e+00> : vector<8x128xf32>
    %reduce_sum3A_203 = vector.multi_reduction <add>, %convert_element_type3A_201, %reduce_sum3A_202 [1] : vector<8x512x128xf32> to vector<8x128xf32>
    %add3A_204 = arith.addf %add3A_194, %reduce_sum3A_203 : vector<8x128xf32>
    %slice3A_205 = vector.extract_strided_slice %add3A_142 {offsets = [0, 3072], sizes = [8, 512], strides = [1, 1]} : vector<8x4096xf32> to vector<8x512xf32>
    %broadcast_in_dim3A_206 = vector.shape_cast %slice3A_205 : vector<8x512xf32> to vector<8x512x1xf32>
    %le3A_207 = vector.broadcast %broadcast_in_dim3A_206 : vector<8x512x1xf32> to vector<8x512x128xf32>
    %le3A_208 = vector.broadcast %convert_element_type3A_143 : vector<1x1x128xf32> to vector<8x512x128xf32>
    %le3A_209 = arith.cmpf ole, %le3A_207, %le3A_208 : vector<8x512x128xf32>
    %convert_element_type3A_210 = arith.extui %le3A_209 : vector<8x512x128xi1> to vector<8x512x128xi32>
    %convert_element_type3A_211 = arith.sitofp %convert_element_type3A_210 : vector<8x512x128xi32> to vector<8x512x128xf32>
    %reduce_sum3A_212 = arith.constant dense<0.000000e+00> : vector<8x128xf32>
    %reduce_sum3A_213 = vector.multi_reduction <add>, %convert_element_type3A_211, %reduce_sum3A_212 [1] : vector<8x512x128xf32> to vector<8x128xf32>
    %add3A_214 = arith.addf %add3A_204, %reduce_sum3A_213 : vector<8x128xf32>
    %slice3A_215 = vector.extract_strided_slice %add3A_142 {offsets = [0, 3584], sizes = [8, 512], strides = [1, 1]} : vector<8x4096xf32> to vector<8x512xf32>
    %broadcast_in_dim3A_216 = vector.shape_cast %slice3A_215 : vector<8x512xf32> to vector<8x512x1xf32>
    %le3A_217 = vector.broadcast %broadcast_in_dim3A_216 : vector<8x512x1xf32> to vector<8x512x128xf32>
    %le3A_218 = vector.broadcast %convert_element_type3A_143 : vector<1x1x128xf32> to vector<8x512x128xf32>
    %le3A_219 = arith.cmpf ole, %le3A_217, %le3A_218 : vector<8x512x128xf32>
    %convert_element_type3A_220 = arith.extui %le3A_219 : vector<8x512x128xi1> to vector<8x512x128xi32>
    %convert_element_type3A_221 = arith.sitofp %convert_element_type3A_220 : vector<8x512x128xi32> to vector<8x512x128xf32>
    %reduce_sum3A_222 = arith.constant dense<0.000000e+00> : vector<8x128xf32>
    %reduce_sum3A_223 = vector.multi_reduction <add>, %convert_element_type3A_221, %reduce_sum3A_222 [1] : vector<8x512x128xf32> to vector<8x128xf32>
    %add3A_224 = arith.addf %add3A_214, %reduce_sum3A_223 : vector<8x128xf32>
    %convert_element_type3A_225 = arith.fptosi %add3A_224 : vector<8x128xf32> to vector<8x128xi32>
    %iota3A_226 = tpu.iota {dimensions = array<i32: 0>} : vector<8x128xi32>
    %mul3A = arith.constant 4096 : i32
    %mul3A_227 = vector.broadcast %mul3A : i32 to vector<8x128xi32>
    %mul3A_228 = arith.muli %mul3A_227, %iota3A_226 : vector<8x128xi32>
    %add3A_229 = arith.addi %convert_element_type3A_225, %mul3A_228 : vector<8x128xi32>
    %swap3A = arith.constant 0 : index
    %swap3A_230 = arith.constant 0 : index
    %swap3A_231 = vector.load %arg1[%swap3A, %swap3A_230] : memref<8x128xi32, #tpu.memory_space<vmem>>, vector<8x128xi32>
    tpu.vector_store %arg1[%swap3A, %swap3A_230], %add3A_229 {strides = array<i32>} : memref<8x128xi32, #tpu.memory_space<vmem>>, vector<8x128xi32>,
    %broadcast_in_dim3A_232 = arith.constant 0 : i32
    %broadcast_in_dim3A_233 = vector.broadcast %broadcast_in_dim3A_232 : i32 to vector<8x1xi32>
    %scan3A_234 = arith.constant 0 : i32
    %scan3A_235 = arith.constant 32 : i32
    %scan3A_236 = arith.addi %scan3A_234, %scan3A_235 : i32
    %scan3A_237 = arith.constant 1 : i32
    %scan3A_238 = scf.for %scan3A_473 = %scan3A_234 to %scan3A_236 step %scan3A_237 iter_args(%scan3A_474 = %broadcast_in_dim3A_233) -> (vector<8x1xi32>)  : i32 {
      %sub3A_475 = arith.constant 31 : i32
      %sub3A_476 = arith.subi %sub3A_475, %scan3A_473 : i32
      %shift_left3A = arith.constant 1 : i32
      %shift_left3A_477 = arith.shli %shift_left3A, %sub3A_476 : i32
      %or3A_478 = vector.broadcast %shift_left3A_477 : i32 to vector<8x1xi32>
      %or3A_479 = arith.ori %scan3A_474, %or3A_478 : vector<8x1xi32>
      %ge3A_480 = vector.broadcast %or3A_479 : vector<8x1xi32> to vector<8x4096xi32>
      %ge3A_481 = arith.cmpi uge, %select_n3A, %ge3A_480 : vector<8x4096xi32>
      %convert_element_type3A_482 = arith.extui %ge3A_481 : vector<8x4096xi1> to vector<8x4096xi32>
      %reduce_sum3A_483 = arith.constant dense<0> : vector<8xi32>
      %reduce_sum3A_484 = vector.multi_reduction <add>, %convert_element_type3A_482, %reduce_sum3A_483 [1] : vector<8x4096xi32> to vector<8xi32>
      %broadcast_in_dim3A_485 = vector.shape_cast %reduce_sum3A_484 : vector<8xi32> to vector<8x1xi32>
      %ge3A_486 = arith.constant 512 : i32
      %ge3A_487 = vector.broadcast %ge3A_486 : i32 to vector<8x1xi32>
      %ge3A_488 = arith.cmpi sge, %broadcast_in_dim3A_485, %ge3A_487 : vector<8x1xi32>
      %select_n3A_489 = arith.select %ge3A_488, %or3A_479, %scan3A_474 : vector<8x1xi1>, vector<8x1xi32>
      scf.yield %select_n3A_489 : vector<8x1xi32>
    }
    %scan3A_239 = arith.constant 32 : i32
    %gt3A_240 = vector.broadcast %scan3A_238 : vector<8x1xi32> to vector<8x4096xi32>
    %gt3A_241 = arith.cmpi ugt, %select_n3A, %gt3A_240 : vector<8x4096xi32>
    %eq3A_242 = vector.broadcast %scan3A_238 : vector<8x1xi32> to vector<8x4096xi32>
    %eq3A_243 = arith.cmpi eq, %select_n3A, %eq3A_242 : vector<8x4096xi32>
    %convert_element_type3A_244 = arith.extui %gt3A_241 : vector<8x4096xi1> to vector<8x4096xi32>
    %reduce_sum3A_245 = arith.constant dense<0> : vector<8xi32>
    %reduce_sum3A_246 = vector.multi_reduction <add>, %convert_element_type3A_244, %reduce_sum3A_245 [1] : vector<8x4096xi32> to vector<8xi32>
    %broadcast_in_dim3A_247 = vector.shape_cast %reduce_sum3A_246 : vector<8xi32> to vector<8x1xi32>
    %sub3A_248 = arith.constant 512 : i32
    %sub3A_249 = vector.broadcast %sub3A_248 : i32 to vector<8x1xi32>
    %sub3A_250 = arith.subi %sub3A_249, %broadcast_in_dim3A_247 : vector<8x1xi32>
    %convert_element_type3A_251 = arith.extui %eq3A_243 : vector<8x4096xi1> to vector<8x4096xi32>
    %broadcast_in_dim3A_252 = arith.constant 0 : i32
    %broadcast_in_dim3A_253 = vector.broadcast %broadcast_in_dim3A_252 : i32 to vector<8x1xi32>
    %slice3A_254 = vector.extract_strided_slice %convert_element_type3A_251 {offsets = [0, 0], sizes = [8, 4095], strides = [1, 1]} : vector<8x4096xi32> to vector<8x4095xi32>
    %concatenate3A_255 = tpu.concatenate %broadcast_in_dim3A_253, %slice3A_254 in 1 : vector<8x1xi32>, vector<8x4095xi32> -> vector<8x4096xi32>
    %add3A_256 = arith.addi %convert_element_type3A_251, %concatenate3A_255 : vector<8x4096xi32>
    %broadcast_in_dim3A_257 = arith.constant 0 : i32
    %broadcast_in_dim3A_258 = vector.broadcast %broadcast_in_dim3A_257 : i32 to vector<8x2xi32>
    %slice3A_259 = vector.extract_strided_slice %add3A_256 {offsets = [0, 0], sizes = [8, 4094], strides = [1, 1]} : vector<8x4096xi32> to vector<8x4094xi32>
    %concatenate3A_260 = tpu.concatenate %broadcast_in_dim3A_258, %slice3A_259 in 1 : vector<8x2xi32>, vector<8x4094xi32> -> vector<8x4096xi32>
    %add3A_261 = arith.addi %add3A_256, %concatenate3A_260 : vector<8x4096xi32>
    %broadcast_in_dim3A_262 = arith.constant 0 : i32
    %broadcast_in_dim3A_263 = vector.broadcast %broadcast_in_dim3A_262 : i32 to vector<8x4xi32>
    %slice3A_264 = vector.extract_strided_slice %add3A_261 {offsets = [0, 0], sizes = [8, 4092], strides = [1, 1]} : vector<8x4096xi32> to vector<8x4092xi32>
    %concatenate3A_265 = tpu.concatenate %broadcast_in_dim3A_263, %slice3A_264 in 1 : vector<8x4xi32>, vector<8x4092xi32> -> vector<8x4096xi32>
    %add3A_266 = arith.addi %add3A_261, %concatenate3A_265 : vector<8x4096xi32>
    %broadcast_in_dim3A_267 = arith.constant 0 : i32
    %broadcast_in_dim3A_268 = vector.broadcast %broadcast_in_dim3A_267 : i32 to vector<8x8xi32>
    %slice3A_269 = vector.extract_strided_slice %add3A_266 {offsets = [0, 0], sizes = [8, 4088], strides = [1, 1]} : vector<8x4096xi32> to vector<8x4088xi32>
    %concatenate3A_270 = tpu.concatenate %broadcast_in_dim3A_268, %slice3A_269 in 1 : vector<8x8xi32>, vector<8x4088xi32> -> vector<8x4096xi32>
    %add3A_271 = arith.addi %add3A_266, %concatenate3A_270 : vector<8x4096xi32>
    %broadcast_in_dim3A_272 = arith.constant 0 : i32
    %broadcast_in_dim3A_273 = vector.broadcast %broadcast_in_dim3A_272 : i32 to vector<8x16xi32>
    %slice3A_274 = vector.extract_strided_slice %add3A_271 {offsets = [0, 0], sizes = [8, 4080], strides = [1, 1]} : vector<8x4096xi32> to vector<8x4080xi32>
    %concatenate3A_275 = tpu.concatenate %broadcast_in_dim3A_273, %slice3A_274 in 1 : vector<8x16xi32>, vector<8x4080xi32> -> vector<8x4096xi32>
    %add3A_276 = arith.addi %add3A_271, %concatenate3A_275 : vector<8x4096xi32>
    %broadcast_in_dim3A_277 = arith.constant 0 : i32
    %broadcast_in_dim3A_278 = vector.broadcast %broadcast_in_dim3A_277 : i32 to vector<8x32xi32>
    %slice3A_279 = vector.extract_strided_slice %add3A_276 {offsets = [0, 0], sizes = [8, 4064], strides = [1, 1]} : vector<8x4096xi32> to vector<8x4064xi32>
    %concatenate3A_280 = tpu.concatenate %broadcast_in_dim3A_278, %slice3A_279 in 1 : vector<8x32xi32>, vector<8x4064xi32> -> vector<8x4096xi32>
    %add3A_281 = arith.addi %add3A_276, %concatenate3A_280 : vector<8x4096xi32>
    %broadcast_in_dim3A_282 = arith.constant 0 : i32
    %broadcast_in_dim3A_283 = vector.broadcast %broadcast_in_dim3A_282 : i32 to vector<8x64xi32>
    %slice3A_284 = vector.extract_strided_slice %add3A_281 {offsets = [0, 0], sizes = [8, 4032], strides = [1, 1]} : vector<8x4096xi32> to vector<8x4032xi32>
    %concatenate3A_285 = tpu.concatenate %broadcast_in_dim3A_283, %slice3A_284 in 1 : vector<8x64xi32>, vector<8x4032xi32> -> vector<8x4096xi32>
    %add3A_286 = arith.addi %add3A_281, %concatenate3A_285 : vector<8x4096xi32>
    %broadcast_in_dim3A_287 = arith.constant 0 : i32
    %broadcast_in_dim3A_288 = vector.broadcast %broadcast_in_dim3A_287 : i32 to vector<8x128xi32>
    %slice3A_289 = vector.extract_strided_slice %add3A_286 {offsets = [0, 0], sizes = [8, 3968], strides = [1, 1]} : vector<8x4096xi32> to vector<8x3968xi32>
    %concatenate3A_290 = tpu.concatenate %broadcast_in_dim3A_288, %slice3A_289 in 1 : vector<8x128xi32>, vector<8x3968xi32> -> vector<8x4096xi32>
    %add3A_291 = arith.addi %add3A_286, %concatenate3A_290 : vector<8x4096xi32>
    %broadcast_in_dim3A_292 = arith.constant 0 : i32
    %broadcast_in_dim3A_293 = vector.broadcast %broadcast_in_dim3A_292 : i32 to vector<8x256xi32>
    %slice3A_294 = vector.extract_strided_slice %add3A_291 {offsets = [0, 0], sizes = [8, 3840], strides = [1, 1]} : vector<8x4096xi32> to vector<8x3840xi32>
    %concatenate3A_295 = tpu.concatenate %broadcast_in_dim3A_293, %slice3A_294 in 1 : vector<8x256xi32>, vector<8x3840xi32> -> vector<8x4096xi32>
    %add3A_296 = arith.addi %add3A_291, %concatenate3A_295 : vector<8x4096xi32>
    %broadcast_in_dim3A_297 = arith.constant 0 : i32
    %broadcast_in_dim3A_298 = vector.broadcast %broadcast_in_dim3A_297 : i32 to vector<8x512xi32>
    %slice3A_299 = vector.extract_strided_slice %add3A_296 {offsets = [0, 0], sizes = [8, 3584], strides = [1, 1]} : vector<8x4096xi32> to vector<8x3584xi32>
    %concatenate3A_300 = tpu.concatenate %broadcast_in_dim3A_298, %slice3A_299 in 1 : vector<8x512xi32>, vector<8x3584xi32> -> vector<8x4096xi32>
    %add3A_301 = arith.addi %add3A_296, %concatenate3A_300 : vector<8x4096xi32>
    %broadcast_in_dim3A_302 = arith.constant 0 : i32
    %broadcast_in_dim3A_303 = vector.broadcast %broadcast_in_dim3A_302 : i32 to vector<8x1024xi32>
    %slice3A_304 = vector.extract_strided_slice %add3A_301 {offsets = [0, 0], sizes = [8, 3072], strides = [1, 1]} : vector<8x4096xi32> to vector<8x3072xi32>
    %concatenate3A_305 = tpu.concatenate %broadcast_in_dim3A_303, %slice3A_304 in 1 : vector<8x1024xi32>, vector<8x3072xi32> -> vector<8x4096xi32>
    %add3A_306 = arith.addi %add3A_301, %concatenate3A_305 : vector<8x4096xi32>
    %broadcast_in_dim3A_307 = arith.constant 0 : i32
    %broadcast_in_dim3A_308 = vector.broadcast %broadcast_in_dim3A_307 : i32 to vector<8x2048xi32>
    %slice3A_309 = vector.extract_strided_slice %add3A_306 {offsets = [0, 0], sizes = [8, 2048], strides = [1, 1]} : vector<8x4096xi32> to vector<8x2048xi32>
    %concatenate3A_310 = tpu.concatenate %broadcast_in_dim3A_308, %slice3A_309 in 1 : vector<8x2048xi32>, vector<8x2048xi32> -> vector<8x4096xi32>
    %add3A_311 = arith.addi %add3A_306, %concatenate3A_310 : vector<8x4096xi32>
    %convert_element_type3A_312 = arith.extui %eq3A_243 : vector<8x4096xi1> to vector<8x4096xi32>
    %sub3A_313 = arith.subi %add3A_311, %convert_element_type3A_312 : vector<8x4096xi32>
    %lt3A_314 = vector.broadcast %sub3A_250 : vector<8x1xi32> to vector<8x4096xi32>
    %lt3A_315 = arith.cmpi slt, %sub3A_313, %lt3A_314 : vector<8x4096xi32>
    %and3A_316 = arith.andi %eq3A_243, %lt3A_315 : vector<8x4096xi1>
    %or3A_317 = arith.ori %gt3A_241, %and3A_316 : vector<8x4096xi1>
    %convert_element_type3A_318 = arith.extui %or3A_317 : vector<8x4096xi1> to vector<8x4096xi32>
    %convert_element_type3A_319 = arith.sitofp %convert_element_type3A_318 : vector<8x4096xi32> to vector<8x4096xf32>
    %broadcast_in_dim3A_320 = arith.constant 0.000000e+00 : f32
    %broadcast_in_dim3A_321 = vector.broadcast %broadcast_in_dim3A_320 : f32 to vector<8x1xf32>
    %slice3A_322 = vector.extract_strided_slice %convert_element_type3A_319 {offsets = [0, 0], sizes = [8, 4095], strides = [1, 1]} : vector<8x4096xf32> to vector<8x4095xf32>
    %concatenate3A_323 = tpu.concatenate %broadcast_in_dim3A_321, %slice3A_322 in 1 : vector<8x1xf32>, vector<8x4095xf32> -> vector<8x4096xf32>
    %add3A_324 = arith.addf %convert_element_type3A_319, %concatenate3A_323 : vector<8x4096xf32>
    %broadcast_in_dim3A_325 = arith.constant 0.000000e+00 : f32
    %broadcast_in_dim3A_326 = vector.broadcast %broadcast_in_dim3A_325 : f32 to vector<8x2xf32>
    %slice3A_327 = vector.extract_strided_slice %add3A_324 {offsets = [0, 0], sizes = [8, 4094], strides = [1, 1]} : vector<8x4096xf32> to vector<8x4094xf32>
    %concatenate3A_328 = tpu.concatenate %broadcast_in_dim3A_326, %slice3A_327 in 1 : vector<8x2xf32>, vector<8x4094xf32> -> vector<8x4096xf32>
    %add3A_329 = arith.addf %add3A_324, %concatenate3A_328 : vector<8x4096xf32>
    %broadcast_in_dim3A_330 = arith.constant 0.000000e+00 : f32
    %broadcast_in_dim3A_331 = vector.broadcast %broadcast_in_dim3A_330 : f32 to vector<8x4xf32>
    %slice3A_332 = vector.extract_strided_slice %add3A_329 {offsets = [0, 0], sizes = [8, 4092], strides = [1, 1]} : vector<8x4096xf32> to vector<8x4092xf32>
    %concatenate3A_333 = tpu.concatenate %broadcast_in_dim3A_331, %slice3A_332 in 1 : vector<8x4xf32>, vector<8x4092xf32> -> vector<8x4096xf32>
    %add3A_334 = arith.addf %add3A_329, %concatenate3A_333 : vector<8x4096xf32>
    %broadcast_in_dim3A_335 = arith.constant 0.000000e+00 : f32
    %broadcast_in_dim3A_336 = vector.broadcast %broadcast_in_dim3A_335 : f32 to vector<8x8xf32>
    %slice3A_337 = vector.extract_strided_slice %add3A_334 {offsets = [0, 0], sizes = [8, 4088], strides = [1, 1]} : vector<8x4096xf32> to vector<8x4088xf32>
    %concatenate3A_338 = tpu.concatenate %broadcast_in_dim3A_336, %slice3A_337 in 1 : vector<8x8xf32>, vector<8x4088xf32> -> vector<8x4096xf32>
    %add3A_339 = arith.addf %add3A_334, %concatenate3A_338 : vector<8x4096xf32>
    %broadcast_in_dim3A_340 = arith.constant 0.000000e+00 : f32
    %broadcast_in_dim3A_341 = vector.broadcast %broadcast_in_dim3A_340 : f32 to vector<8x16xf32>
    %slice3A_342 = vector.extract_strided_slice %add3A_339 {offsets = [0, 0], sizes = [8, 4080], strides = [1, 1]} : vector<8x4096xf32> to vector<8x4080xf32>
    %concatenate3A_343 = tpu.concatenate %broadcast_in_dim3A_341, %slice3A_342 in 1 : vector<8x16xf32>, vector<8x4080xf32> -> vector<8x4096xf32>
    %add3A_344 = arith.addf %add3A_339, %concatenate3A_343 : vector<8x4096xf32>
    %broadcast_in_dim3A_345 = arith.constant 0.000000e+00 : f32
    %broadcast_in_dim3A_346 = vector.broadcast %broadcast_in_dim3A_345 : f32 to vector<8x32xf32>
    %slice3A_347 = vector.extract_strided_slice %add3A_344 {offsets = [0, 0], sizes = [8, 4064], strides = [1, 1]} : vector<8x4096xf32> to vector<8x4064xf32>
    %concatenate3A_348 = tpu.concatenate %broadcast_in_dim3A_346, %slice3A_347 in 1 : vector<8x32xf32>, vector<8x4064xf32> -> vector<8x4096xf32>
    %add3A_349 = arith.addf %add3A_344, %concatenate3A_348 : vector<8x4096xf32>
    %broadcast_in_dim3A_350 = arith.constant 0.000000e+00 : f32
    %broadcast_in_dim3A_351 = vector.broadcast %broadcast_in_dim3A_350 : f32 to vector<8x64xf32>
    %slice3A_352 = vector.extract_strided_slice %add3A_349 {offsets = [0, 0], sizes = [8, 4032], strides = [1, 1]} : vector<8x4096xf32> to vector<8x4032xf32>
    %concatenate3A_353 = tpu.concatenate %broadcast_in_dim3A_351, %slice3A_352 in 1 : vector<8x64xf32>, vector<8x4032xf32> -> vector<8x4096xf32>
    %add3A_354 = arith.addf %add3A_349, %concatenate3A_353 : vector<8x4096xf32>
    %broadcast_in_dim3A_355 = arith.constant 0.000000e+00 : f32
    %broadcast_in_dim3A_356 = vector.broadcast %broadcast_in_dim3A_355 : f32 to vector<8x128xf32>
    %slice3A_357 = vector.extract_strided_slice %add3A_354 {offsets = [0, 0], sizes = [8, 3968], strides = [1, 1]} : vector<8x4096xf32> to vector<8x3968xf32>
    %concatenate3A_358 = tpu.concatenate %broadcast_in_dim3A_356, %slice3A_357 in 1 : vector<8x128xf32>, vector<8x3968xf32> -> vector<8x4096xf32>
    %add3A_359 = arith.addf %add3A_354, %concatenate3A_358 : vector<8x4096xf32>
    %broadcast_in_dim3A_360 = arith.constant 0.000000e+00 : f32
    %broadcast_in_dim3A_361 = vector.broadcast %broadcast_in_dim3A_360 : f32 to vector<8x256xf32>
    %slice3A_362 = vector.extract_strided_slice %add3A_359 {offsets = [0, 0], sizes = [8, 3840], strides = [1, 1]} : vector<8x4096xf32> to vector<8x3840xf32>
    %concatenate3A_363 = tpu.concatenate %broadcast_in_dim3A_361, %slice3A_362 in 1 : vector<8x256xf32>, vector<8x3840xf32> -> vector<8x4096xf32>
    %add3A_364 = arith.addf %add3A_359, %concatenate3A_363 : vector<8x4096xf32>
    %broadcast_in_dim3A_365 = arith.constant 0.000000e+00 : f32
    %broadcast_in_dim3A_366 = vector.broadcast %broadcast_in_dim3A_365 : f32 to vector<8x512xf32>
    %slice3A_367 = vector.extract_strided_slice %add3A_364 {offsets = [0, 0], sizes = [8, 3584], strides = [1, 1]} : vector<8x4096xf32> to vector<8x3584xf32>
    %concatenate3A_368 = tpu.concatenate %broadcast_in_dim3A_366, %slice3A_367 in 1 : vector<8x512xf32>, vector<8x3584xf32> -> vector<8x4096xf32>
    %add3A_369 = arith.addf %add3A_364, %concatenate3A_368 : vector<8x4096xf32>
    %broadcast_in_dim3A_370 = arith.constant 0.000000e+00 : f32
    %broadcast_in_dim3A_371 = vector.broadcast %broadcast_in_dim3A_370 : f32 to vector<8x1024xf32>
    %slice3A_372 = vector.extract_strided_slice %add3A_369 {offsets = [0, 0], sizes = [8, 3072], strides = [1, 1]} : vector<8x4096xf32> to vector<8x3072xf32>
    %concatenate3A_373 = tpu.concatenate %broadcast_in_dim3A_371, %slice3A_372 in 1 : vector<8x1024xf32>, vector<8x3072xf32> -> vector<8x4096xf32>
    %add3A_374 = arith.addf %add3A_369, %concatenate3A_373 : vector<8x4096xf32>
    %broadcast_in_dim3A_375 = arith.constant 0.000000e+00 : f32
    %broadcast_in_dim3A_376 = vector.broadcast %broadcast_in_dim3A_375 : f32 to vector<8x2048xf32>
    %slice3A_377 = vector.extract_strided_slice %add3A_374 {offsets = [0, 0], sizes = [8, 2048], strides = [1, 1]} : vector<8x4096xf32> to vector<8x2048xf32>
    %concatenate3A_378 = tpu.concatenate %broadcast_in_dim3A_376, %slice3A_377 in 1 : vector<8x2048xf32>, vector<8x2048xf32> -> vector<8x4096xf32>
    %add3A_379 = arith.addf %add3A_374, %concatenate3A_378 : vector<8x4096xf32>
    %iota3A_380 = tpu.iota {dimensions = array<i32: 2>} : vector<1x1x512xi32>
    %convert_element_type3A_381 = arith.sitofp %iota3A_380 : vector<1x1x512xi32> to vector<1x1x512xf32>
    %broadcast_in_dim3A_382 = arith.constant 0.000000e+00 : f32
    %broadcast_in_dim3A_383 = vector.broadcast %broadcast_in_dim3A_382 : f32 to vector<8x512xf32>
    %slice3A_384 = vector.extract_strided_slice %add3A_379 {offsets = [0, 0], sizes = [8, 512], strides = [1, 1]} : vector<8x4096xf32> to vector<8x512xf32>
    %broadcast_in_dim3A_385 = vector.shape_cast %slice3A_384 : vector<8x512xf32> to vector<8x512x1xf32>
    %le3A_386 = vector.broadcast %broadcast_in_dim3A_385 : vector<8x512x1xf32> to vector<8x512x512xf32>
    %le3A_387 = vector.broadcast %convert_element_type3A_381 : vector<1x1x512xf32> to vector<8x512x512xf32>
    %le3A_388 = arith.cmpf ole, %le3A_386, %le3A_387 : vector<8x512x512xf32>
    %convert_element_type3A_389 = arith.extui %le3A_388 : vector<8x512x512xi1> to vector<8x512x512xi32>
    %convert_element_type3A_390 = arith.sitofp %convert_element_type3A_389 : vector<8x512x512xi32> to vector<8x512x512xf32>
    %reduce_sum3A_391 = arith.constant dense<0.000000e+00> : vector<8x512xf32>
    %reduce_sum3A_392 = vector.multi_reduction <add>, %convert_element_type3A_390, %reduce_sum3A_391 [1] : vector<8x512x512xf32> to vector<8x512xf32>
    %add3A_393 = arith.addf %broadcast_in_dim3A_383, %reduce_sum3A_392 : vector<8x512xf32>
    %slice3A_394 = vector.extract_strided_slice %add3A_379 {offsets = [0, 512], sizes = [8, 512], strides = [1, 1]} : vector<8x4096xf32> to vector<8x512xf32>
    %broadcast_in_dim3A_395 = vector.shape_cast %slice3A_394 : vector<8x512xf32> to vector<8x512x1xf32>
    %le3A_396 = vector.broadcast %broadcast_in_dim3A_395 : vector<8x512x1xf32> to vector<8x512x512xf32>
    %le3A_397 = vector.broadcast %convert_element_type3A_381 : vector<1x1x512xf32> to vector<8x512x512xf32>
    %le3A_398 = arith.cmpf ole, %le3A_396, %le3A_397 : vector<8x512x512xf32>
    %convert_element_type3A_399 = arith.extui %le3A_398 : vector<8x512x512xi1> to vector<8x512x512xi32>
    %convert_element_type3A_400 = arith.sitofp %convert_element_type3A_399 : vector<8x512x512xi32> to vector<8x512x512xf32>
    %reduce_sum3A_401 = arith.constant dense<0.000000e+00> : vector<8x512xf32>
    %reduce_sum3A_402 = vector.multi_reduction <add>, %convert_element_type3A_400, %reduce_sum3A_401 [1] : vector<8x512x512xf32> to vector<8x512xf32>
    %add3A_403 = arith.addf %add3A_393, %reduce_sum3A_402 : vector<8x512xf32>
    %slice3A_404 = vector.extract_strided_slice %add3A_379 {offsets = [0, 1024], sizes = [8, 512], strides = [1, 1]} : vector<8x4096xf32> to vector<8x512xf32>
    %broadcast_in_dim3A_405 = vector.shape_cast %slice3A_404 : vector<8x512xf32> to vector<8x512x1xf32>
    %le3A_406 = vector.broadcast %broadcast_in_dim3A_405 : vector<8x512x1xf32> to vector<8x512x512xf32>
    %le3A_407 = vector.broadcast %convert_element_type3A_381 : vector<1x1x512xf32> to vector<8x512x512xf32>
    %le3A_408 = arith.cmpf ole, %le3A_406, %le3A_407 : vector<8x512x512xf32>
    %convert_element_type3A_409 = arith.extui %le3A_408 : vector<8x512x512xi1> to vector<8x512x512xi32>
    %convert_element_type3A_410 = arith.sitofp %convert_element_type3A_409 : vector<8x512x512xi32> to vector<8x512x512xf32>
    %reduce_sum3A_411 = arith.constant dense<0.000000e+00> : vector<8x512xf32>
    %reduce_sum3A_412 = vector.multi_reduction <add>, %convert_element_type3A_410, %reduce_sum3A_411 [1] : vector<8x512x512xf32> to vector<8x512xf32>
    %add3A_413 = arith.addf %add3A_403, %reduce_sum3A_412 : vector<8x512xf32>
    %slice3A_414 = vector.extract_strided_slice %add3A_379 {offsets = [0, 1536], sizes = [8, 512], strides = [1, 1]} : vector<8x4096xf32> to vector<8x512xf32>
    %broadcast_in_dim3A_415 = vector.shape_cast %slice3A_414 : vector<8x512xf32> to vector<8x512x1xf32>
    %le3A_416 = vector.broadcast %broadcast_in_dim3A_415 : vector<8x512x1xf32> to vector<8x512x512xf32>
    %le3A_417 = vector.broadcast %convert_element_type3A_381 : vector<1x1x512xf32> to vector<8x512x512xf32>
    %le3A_418 = arith.cmpf ole, %le3A_416, %le3A_417 : vector<8x512x512xf32>
    %convert_element_type3A_419 = arith.extui %le3A_418 : vector<8x512x512xi1> to vector<8x512x512xi32>
    %convert_element_type3A_420 = arith.sitofp %convert_element_type3A_419 : vector<8x512x512xi32> to vector<8x512x512xf32>
    %reduce_sum3A_421 = arith.constant dense<0.000000e+00> : vector<8x512xf32>
    %reduce_sum3A_422 = vector.multi_reduction <add>, %convert_element_type3A_420, %reduce_sum3A_421 [1] : vector<8x512x512xf32> to vector<8x512xf32>
    %add3A_423 = arith.addf %add3A_413, %reduce_sum3A_422 : vector<8x512xf32>
    %slice3A_424 = vector.extract_strided_slice %add3A_379 {offsets = [0, 2048], sizes = [8, 512], strides = [1, 1]} : vector<8x4096xf32> to vector<8x512xf32>
    %broadcast_in_dim3A_425 = vector.shape_cast %slice3A_424 : vector<8x512xf32> to vector<8x512x1xf32>
    %le3A_426 = vector.broadcast %broadcast_in_dim3A_425 : vector<8x512x1xf32> to vector<8x512x512xf32>
    %le3A_427 = vector.broadcast %convert_element_type3A_381 : vector<1x1x512xf32> to vector<8x512x512xf32>
    %le3A_428 = arith.cmpf ole, %le3A_426, %le3A_427 : vector<8x512x512xf32>
    %convert_element_type3A_429 = arith.extui %le3A_428 : vector<8x512x512xi1> to vector<8x512x512xi32>
    %convert_element_type3A_430 = arith.sitofp %convert_element_type3A_429 : vector<8x512x512xi32> to vector<8x512x512xf32>
    %reduce_sum3A_431 = arith.constant dense<0.000000e+00> : vector<8x512xf32>
    %reduce_sum3A_432 = vector.multi_reduction <add>, %convert_element_type3A_430, %reduce_sum3A_431 [1] : vector<8x512x512xf32> to vector<8x512xf32>
    %add3A_433 = arith.addf %add3A_423, %reduce_sum3A_432 : vector<8x512xf32>
    %slice3A_434 = vector.extract_strided_slice %add3A_379 {offsets = [0, 2560], sizes = [8, 512], strides = [1, 1]} : vector<8x4096xf32> to vector<8x512xf32>
    %broadcast_in_dim3A_435 = vector.shape_cast %slice3A_434 : vector<8x512xf32> to vector<8x512x1xf32>
    %le3A_436 = vector.broadcast %broadcast_in_dim3A_435 : vector<8x512x1xf32> to vector<8x512x512xf32>
    %le3A_437 = vector.broadcast %convert_element_type3A_381 : vector<1x1x512xf32> to vector<8x512x512xf32>
    %le3A_438 = arith.cmpf ole, %le3A_436, %le3A_437 : vector<8x512x512xf32>
    %convert_element_type3A_439 = arith.extui %le3A_438 : vector<8x512x512xi1> to vector<8x512x512xi32>
    %convert_element_type3A_440 = arith.sitofp %convert_element_type3A_439 : vector<8x512x512xi32> to vector<8x512x512xf32>
    %reduce_sum3A_441 = arith.constant dense<0.000000e+00> : vector<8x512xf32>
    %reduce_sum3A_442 = vector.multi_reduction <add>, %convert_element_type3A_440, %reduce_sum3A_441 [1] : vector<8x512x512xf32> to vector<8x512xf32>
    %add3A_443 = arith.addf %add3A_433, %reduce_sum3A_442 : vector<8x512xf32>
    %slice3A_444 = vector.extract_strided_slice %add3A_379 {offsets = [0, 3072], sizes = [8, 512], strides = [1, 1]} : vector<8x4096xf32> to vector<8x512xf32>
    %broadcast_in_dim3A_445 = vector.shape_cast %slice3A_444 : vector<8x512xf32> to vector<8x512x1xf32>
    %le3A_446 = vector.broadcast %broadcast_in_dim3A_445 : vector<8x512x1xf32> to vector<8x512x512xf32>
    %le3A_447 = vector.broadcast %convert_element_type3A_381 : vector<1x1x512xf32> to vector<8x512x512xf32>
    %le3A_448 = arith.cmpf ole, %le3A_446, %le3A_447 : vector<8x512x512xf32>
    %convert_element_type3A_449 = arith.extui %le3A_448 : vector<8x512x512xi1> to vector<8x512x512xi32>
    %convert_element_type3A_450 = arith.sitofp %convert_element_type3A_449 : vector<8x512x512xi32> to vector<8x512x512xf32>
    %reduce_sum3A_451 = arith.constant dense<0.000000e+00> : vector<8x512xf32>
    %reduce_sum3A_452 = vector.multi_reduction <add>, %convert_element_type3A_450, %reduce_sum3A_451 [1] : vector<8x512x512xf32> to vector<8x512xf32>
    %add3A_453 = arith.addf %add3A_443, %reduce_sum3A_452 : vector<8x512xf32>
    %slice3A_454 = vector.extract_strided_slice %add3A_379 {offsets = [0, 3584], sizes = [8, 512], strides = [1, 1]} : vector<8x4096xf32> to vector<8x512xf32>
    %broadcast_in_dim3A_455 = vector.shape_cast %slice3A_454 : vector<8x512xf32> to vector<8x512x1xf32>
    %le3A_456 = vector.broadcast %broadcast_in_dim3A_455 : vector<8x512x1xf32> to vector<8x512x512xf32>
    %le3A_457 = vector.broadcast %convert_element_type3A_381 : vector<1x1x512xf32> to vector<8x512x512xf32>
    %le3A_458 = arith.cmpf ole, %le3A_456, %le3A_457 : vector<8x512x512xf32>
    %convert_element_type3A_459 = arith.extui %le3A_458 : vector<8x512x512xi1> to vector<8x512x512xi32>
    %convert_element_type3A_460 = arith.sitofp %convert_element_type3A_459 : vector<8x512x512xi32> to vector<8x512x512xf32>
    %reduce_sum3A_461 = arith.constant dense<0.000000e+00> : vector<8x512xf32>
    %reduce_sum3A_462 = vector.multi_reduction <add>, %convert_element_type3A_460, %reduce_sum3A_461 [1] : vector<8x512x512xf32> to vector<8x512xf32>
    %add3A_463 = arith.addf %add3A_453, %reduce_sum3A_462 : vector<8x512xf32>
    %convert_element_type3A_464 = arith.fptosi %add3A_463 : vector<8x512xf32> to vector<8x512xi32>
    %iota3A_465 = tpu.iota {dimensions = array<i32: 0>} : vector<8x512xi32>
    %mul3A_466 = arith.constant 4096 : i32
    %mul3A_467 = vector.broadcast %mul3A_466 : i32 to vector<8x512xi32>
    %mul3A_468 = arith.muli %mul3A_467, %iota3A_465 : vector<8x512xi32>
    %add3A_469 = arith.addi %convert_element_type3A_464, %mul3A_468 : vector<8x512xi32>
    %swap3A_470 = arith.constant 0 : index
    %swap3A_471 = arith.constant 0 : index
    %swap3A_472 = vector.load %arg2[%swap3A_470, %swap3A_471] : memref<8x512xi32, #tpu.memory_space<vmem>>, vector<8x512xi32>
    tpu.vector_store %arg2[%swap3A_470, %swap3A_471], %add3A_469 {strides = array<i32>} : memref<8x512xi32, #tpu.memory_space<vmem>>, vector<8x512xi32>,
    return
  }
}

module attributes {stable_mosaic.version = 14 : i64} {
  func.func @_tok_body(%arg0: i32, %arg1: i32, %arg2: memref<1x384x1024xf32, #tpu.memory_space<vmem>>, %arg3: memref<256x384xf32, #tpu.memory_space<vmem>>, %arg4: memref<1x256xf32, #tpu.memory_space<vmem>>, %arg5: memref<1x256xf32, #tpu.memory_space<vmem>>, %arg6: memref<64x256xf32, #tpu.memory_space<vmem>>, %arg7: memref<1x64xf32, #tpu.memory_space<vmem>>, %arg8: memref<1x64xf32, #tpu.memory_space<vmem>>, %arg9: memref<1x1xf32, #tpu.memory_space<smem>>, %arg10: memref<1024x128xf32, #tpu.memory_space<vmem>>, %arg11: memref<1024x128xf32, #tpu.memory_space<vmem>>, %arg12: memref<1x1x1x1024xf32, #tpu.memory_space<vmem>>) attributes {dimension_semantics = [#tpu.dimension_semantics<arbitrary>, #tpu.dimension_semantics<arbitrary>], iteration_bounds = array<i64: 8, 1>, scalar_prefetch = 0 : i64, scratch_operands = 0 : i64, tpu.core_type = #tpu.core_type<tc>, window_params = [{transform_indices = @transform_0, window_bounds = array<i64: 1, 384, 1024>}, {pipeline_mode = #tpu.pipeline_mode<synchronous>, transform_indices = @transform_1, window_bounds = array<i64: 256, 384>}, {pipeline_mode = #tpu.pipeline_mode<synchronous>, transform_indices = @transform_2, window_bounds = array<i64: 1, 256>}, {pipeline_mode = #tpu.pipeline_mode<synchronous>, transform_indices = @transform_3, window_bounds = array<i64: 1, 256>}, {pipeline_mode = #tpu.pipeline_mode<synchronous>, transform_indices = @transform_4, window_bounds = array<i64: 64, 256>}, {pipeline_mode = #tpu.pipeline_mode<synchronous>, transform_indices = @transform_5, window_bounds = array<i64: 1, 64>}, {pipeline_mode = #tpu.pipeline_mode<synchronous>, transform_indices = @transform_6, window_bounds = array<i64: 1, 64>}, {transform_indices = @transform_7, window_bounds = array<i64: 1, 1>}, {transform_indices = @transform_8, window_bounds = array<i64: 1024, 128>}, {transform_indices = @transform_9, window_bounds = array<i64: 1024, 128>}, {transform_indices = @transform_10, window_bounds = array<i64: 1, 1, 1, 1024>}]} {
    %get3A = arith.constant 0 : index
    %get3A_0 = arith.constant 0 : index
    %get3A_1 = arith.constant 0 : index
    %get3A_2 = vector.load %arg2[%get3A, %get3A_0, %get3A_1] : memref<1x384x1024xf32, #tpu.memory_space<vmem>>, vector<1x384x1024xf32>
    %get3A_3 = vector.shape_cast %get3A_2 : vector<1x384x1024xf32> to vector<384x1024xf32>
    %get3A_4 = arith.constant 0 : index
    %get3A_5 = arith.constant 0 : index
    %get3A_6 = vector.load %arg3[%get3A_4, %get3A_5] : memref<256x384xf32, #tpu.memory_space<vmem>>, vector<256x384xf32>
    %dot_general3A = arith.constant dense<0.000000e+00> : vector<1024x256xf32>
    %dot_general3A_7 = tpu.matmul %get3A_3, %get3A_6, %dot_general3A {dimension_numbers = #tpu.dot_dimension_numbers<[0], [1], [1], [0], [0, 1, 1, 0], [], []>, transpose_lhs_hint = false} : vector<384x1024xf32>, vector<256x384xf32>, vector<1024x256xf32> -> vector<1024x256xf32>
    %slice3A = vector.extract_strided_slice %dot_general3A_7 {offsets = [0, 0], sizes = [1024, 128], strides = [1, 1]} : vector<1024x256xf32> to vector<1024x128xf32>
    %swap3A = arith.constant 0 : index
    %swap3A_8 = arith.constant 0 : index
    %swap3A_9 = vector.load %arg10[%swap3A, %swap3A_8] : memref<1024x128xf32, #tpu.memory_space<vmem>>, vector<1024x128xf32>
    tpu.vector_store %arg10[%swap3A, %swap3A_8], %slice3A {strides = array<i32>} : memref<1024x128xf32, #tpu.memory_space<vmem>>, vector<1024x128xf32>,
    %slice3A_10 = vector.extract_strided_slice %dot_general3A_7 {offsets = [0, 128], sizes = [1024, 128], strides = [1, 1]} : vector<1024x256xf32> to vector<1024x128xf32>
    %swap3A_11 = arith.constant 0 : index
    %swap3A_12 = arith.constant 0 : index
    %swap3A_13 = vector.load %arg11[%swap3A_11, %swap3A_12] : memref<1024x128xf32, #tpu.memory_space<vmem>>, vector<1024x128xf32>
    tpu.vector_store %arg11[%swap3A_11, %swap3A_12], %slice3A_10 {strides = array<i32>} : memref<1024x128xf32, #tpu.memory_space<vmem>>, vector<1024x128xf32>,
    %reduce_sum3A = arith.constant dense<0.000000e+00> : vector<1024xf32>
    %reduce_sum3A_14 = vector.multi_reduction <add>, %dot_general3A_7, %reduce_sum3A [1] : vector<1024x256xf32> to vector<1024xf32>
    %broadcast_in_dim3A = vector.shape_cast %reduce_sum3A_14 : vector<1024xf32> to vector<1024x1xf32>
    %mul3A = arith.constant 3.906250e-03 : f32
    %mul3A_15 = vector.broadcast %mul3A : f32 to vector<1024x1xf32>
    %mul3A_16 = arith.mulf %broadcast_in_dim3A, %mul3A_15 : vector<1024x1xf32>
    %mul3A_17 = arith.mulf %dot_general3A_7, %dot_general3A_7 : vector<1024x256xf32>
    %reduce_sum3A_18 = arith.constant dense<0.000000e+00> : vector<1024xf32>
    %reduce_sum3A_19 = vector.multi_reduction <add>, %mul3A_17, %reduce_sum3A_18 [1] : vector<1024x256xf32> to vector<1024xf32>
    %broadcast_in_dim3A_20 = vector.shape_cast %reduce_sum3A_19 : vector<1024xf32> to vector<1024x1xf32>
    %mul3A_21 = arith.constant 3.906250e-03 : f32
    %mul3A_22 = vector.broadcast %mul3A_21 : f32 to vector<1024x1xf32>
    %mul3A_23 = arith.mulf %broadcast_in_dim3A_20, %mul3A_22 : vector<1024x1xf32>
    %mul3A_24 = arith.mulf %mul3A_16, %mul3A_16 : vector<1024x1xf32>
    %sub3A = arith.subf %mul3A_23, %mul3A_24 : vector<1024x1xf32>
    %add3A = arith.constant 9.99999974E-6 : f32
    %add3A_25 = vector.broadcast %add3A : f32 to vector<1024x1xf32>
    %add3A_26 = arith.addf %sub3A, %add3A_25 : vector<1024x1xf32>
    %sqrt3A = math.sqrt %add3A_26 : vector<1024x1xf32>
    %div3A = arith.constant 1.000000e+00 : f32
    %div3A_27 = vector.broadcast %div3A : f32 to vector<1024x1xf32>
    %div3A_28 = arith.divf %div3A_27, %sqrt3A : vector<1024x1xf32>
    %sub3A_29 = vector.broadcast %mul3A_16 : vector<1024x1xf32> to vector<1024x256xf32>
    %sub3A_30 = arith.subf %dot_general3A_7, %sub3A_29 : vector<1024x256xf32>
    %mul3A_31 = vector.broadcast %div3A_28 : vector<1024x1xf32> to vector<1024x256xf32>
    %mul3A_32 = arith.mulf %sub3A_30, %mul3A_31 : vector<1024x256xf32>
    %get3A_33 = arith.constant 0 : index
    %get3A_34 = arith.constant 0 : index
    %get3A_35 = vector.load %arg4[%get3A_33, %get3A_34] : memref<1x256xf32, #tpu.memory_space<vmem>>, vector<1x256xf32>
    %mul3A_36 = vector.broadcast %get3A_35 : vector<1x256xf32> to vector<1024x256xf32>
    %mul3A_37 = arith.mulf %mul3A_32, %mul3A_36 : vector<1024x256xf32>
    %get3A_38 = arith.constant 0 : index
    %get3A_39 = arith.constant 0 : index
    %get3A_40 = vector.load %arg5[%get3A_38, %get3A_39] : memref<1x256xf32, #tpu.memory_space<vmem>>, vector<1x256xf32>
    %add3A_41 = vector.broadcast %get3A_40 : vector<1x256xf32> to vector<1024x256xf32>
    %add3A_42 = arith.addf %mul3A_37, %add3A_41 : vector<1024x256xf32>
    %get3A_43 = arith.constant 0 : index
    %get3A_44 = arith.constant 0 : index
    %get3A_45 = vector.load %arg6[%get3A_43, %get3A_44] : memref<64x256xf32, #tpu.memory_space<vmem>>, vector<64x256xf32>
    %dot_general3A_46 = arith.constant dense<0.000000e+00> : vector<1024x64xf32>
    %dot_general3A_47 = tpu.matmul %add3A_42, %get3A_45, %dot_general3A_46 {dimension_numbers = #tpu.dot_dimension_numbers<[1], [1], [0], [0], [0, 0, 1, 0], [], []>, transpose_lhs_hint = false} : vector<1024x256xf32>, vector<64x256xf32>, vector<1024x64xf32> -> vector<1024x64xf32>
    %get3A_48 = arith.constant 0 : index
    %get3A_49 = arith.constant 0 : index
    %get3A_50 = vector.load %arg7[%get3A_48, %get3A_49] : memref<1x64xf32, #tpu.memory_space<vmem>>, vector<1x64xf32>
    %add3A_51 = vector.broadcast %get3A_50 : vector<1x64xf32> to vector<1024x64xf32>
    %add3A_52 = arith.addf %dot_general3A_47, %add3A_51 : vector<1024x64xf32>
    %logistic3A = arith.negf %add3A_52 : vector<1024x64xf32>
    %logistic3A_53 = math.exp %logistic3A : vector<1024x64xf32>
    %logistic3A_54 = arith.constant 1.000000e+00 : f32
    %logistic3A_55 = vector.broadcast %logistic3A_54 : f32 to vector<1024x64xf32>
    %logistic3A_56 = arith.addf %logistic3A_55, %logistic3A_53 : vector<1024x64xf32>
    %logistic3A_57 = arith.divf %logistic3A_55, %logistic3A_56 : vector<1024x64xf32>
    %mul3A_58 = arith.mulf %add3A_52, %logistic3A_57 : vector<1024x64xf32>
    %convert_element_type3A = arith.truncf %mul3A_58 : vector<1024x64xf32> to vector<1024x64xbf16>
    %convert_element_type3A_59 = arith.extf %convert_element_type3A : vector<1024x64xbf16> to vector<1024x64xf32>
    %get3A_60 = arith.constant 0 : index
    %get3A_61 = arith.constant 0 : index
    %get3A_62 = vector.load %arg8[%get3A_60, %get3A_61] : memref<1x64xf32, #tpu.memory_space<vmem>>, vector<1x64xf32>
    %convert_element_type3A_63 = arith.truncf %get3A_62 : vector<1x64xf32> to vector<1x64xbf16>
    %convert_element_type3A_64 = arith.extf %convert_element_type3A_63 : vector<1x64xbf16> to vector<1x64xf32>
    %mul3A_65 = vector.broadcast %convert_element_type3A_64 : vector<1x64xf32> to vector<1024x64xf32>
    %mul3A_66 = arith.mulf %convert_element_type3A_59, %mul3A_65 : vector<1024x64xf32>
    %reduce_sum3A_67 = arith.constant dense<0.000000e+00> : vector<1024xf32>
    %reduce_sum3A_68 = vector.multi_reduction <add>, %mul3A_66, %reduce_sum3A_67 [1] : vector<1024x64xf32> to vector<1024xf32>
    %get3A_69 = arith.constant 0 : index
    %get3A_70 = arith.constant 0 : index
    %get3A_71 = memref.load %arg9[%get3A_69, %get3A_70] : memref<1x1xf32, #tpu.memory_space<smem>>
    %add3A_72 = vector.broadcast %get3A_71 : f32 to vector<1024xf32>
    %add3A_73 = arith.addf %reduce_sum3A_68, %add3A_72 : vector<1024xf32>
    %swap3A_74 = arith.constant 0 : index
    %swap3A_75 = arith.constant 0 : index
    %swap3A_76 = arith.constant 0 : index
    %swap3A_77 = arith.constant 0 : index
    %swap3A_78 = vector.load %arg12[%swap3A_74, %swap3A_75, %swap3A_76, %swap3A_77] : memref<1x1x1x1024xf32, #tpu.memory_space<vmem>>, vector<1x1x1x1024xf32>
    %swap3A_79 = vector.shape_cast %swap3A_78 : vector<1x1x1x1024xf32> to vector<1024xf32>
    %swap3A_80 = vector.shape_cast %add3A_73 : vector<1024xf32> to vector<1x1x1x1024xf32>
    tpu.vector_store %arg12[%swap3A_74, %swap3A_75, %swap3A_76, %swap3A_77], %swap3A_80 {strides = array<i32>} : memref<1x1x1x1024xf32, #tpu.memory_space<vmem>>, vector<1x1x1x1024xf32>,
    return
  }
  func.func @transform_0(%arg0: i32, %arg1: i32) -> (i32, i32, i32) {
    %c0_i32 = arith.constant 0 : i32
    %c0_i32_0 = arith.constant 0 : i32
    return %arg0, %c0_i32, %arg1 : i32, i32, i32
  }
  func.func @transform_1(%arg0: i32, %arg1: i32) -> (i32, i32) {
    %c0_i32 = arith.constant 0 : i32
    %c0_i32_0 = arith.constant 0 : i32
    %c0_i32_1 = arith.constant 0 : i32
    return %c0_i32, %c0_i32_0 : i32, i32
  }
  func.func @transform_2(%arg0: i32, %arg1: i32) -> (i32, i32) {
    %c0_i32 = arith.constant 0 : i32
    %c0_i32_0 = arith.constant 0 : i32
    %c0_i32_1 = arith.constant 0 : i32
    return %c0_i32, %c0_i32_0 : i32, i32
  }
  func.func @transform_3(%arg0: i32, %arg1: i32) -> (i32, i32) {
    %c0_i32 = arith.constant 0 : i32
    %c0_i32_0 = arith.constant 0 : i32
    %c0_i32_1 = arith.constant 0 : i32
    return %c0_i32, %c0_i32_0 : i32, i32
  }
  func.func @transform_4(%arg0: i32, %arg1: i32) -> (i32, i32) {
    %c0_i32 = arith.constant 0 : i32
    %c0_i32_0 = arith.constant 0 : i32
    %c0_i32_1 = arith.constant 0 : i32
    return %c0_i32, %c0_i32_0 : i32, i32
  }
  func.func @transform_5(%arg0: i32, %arg1: i32) -> (i32, i32) {
    %c0_i32 = arith.constant 0 : i32
    %c0_i32_0 = arith.constant 0 : i32
    %c0_i32_1 = arith.constant 0 : i32
    return %c0_i32, %c0_i32_0 : i32, i32
  }
  func.func @transform_6(%arg0: i32, %arg1: i32) -> (i32, i32) {
    %c0_i32 = arith.constant 0 : i32
    %c0_i32_0 = arith.constant 0 : i32
    %c0_i32_1 = arith.constant 0 : i32
    return %c0_i32, %c0_i32_0 : i32, i32
  }
  func.func @transform_7(%arg0: i32, %arg1: i32) -> (i32, i32) {
    %c0_i32 = arith.constant 0 : i32
    %c0_i32_0 = arith.constant 0 : i32
    %c0_i32_1 = arith.constant 0 : i32
    return %c0_i32, %c0_i32_0 : i32, i32
  }
  func.func @transform_8(%arg0: i32, %arg1: i32) -> (i32, i32) {
    %mul3A = arith.constant 1 : i32
    %mul3A_0 = arith.muli %arg0, %mul3A : i32
    %add3A = arith.addi %mul3A_0, %arg1 : i32
    %c0_i32 = arith.constant 0 : i32
    %c0_i32_1 = arith.constant 0 : i32
    return %add3A, %c0_i32 : i32, i32
  }
  func.func @transform_9(%arg0: i32, %arg1: i32) -> (i32, i32) {
    %mul3A = arith.constant 1 : i32
    %mul3A_0 = arith.muli %arg0, %mul3A : i32
    %add3A = arith.addi %mul3A_0, %arg1 : i32
    %c0_i32 = arith.constant 0 : i32
    %c0_i32_1 = arith.constant 0 : i32
    return %add3A, %c0_i32 : i32, i32
  }
  func.func @transform_10(%arg0: i32, %arg1: i32) -> (i32, i32, i32, i32) {
    %c0_i32 = arith.constant 0 : i32
    %c0_i32_0 = arith.constant 0 : i32
    %c0_i32_1 = arith.constant 0 : i32
    return %arg0, %arg1, %c0_i32, %c0_i32_0 : i32, i32, i32, i32
  }
}

module attributes {stable_mosaic.version = 14 : i64} {
  func.func @_select_body(%arg0: memref<8x1024xf32, #tpu.memory_space<vmem>>, %arg1: memref<8x128xi32, #tpu.memory_space<vmem>>, %arg2: memref<8x512xi32, #tpu.memory_space<vmem>>) attributes {dimension_semantics = [], scalar_prefetch = 0 : i64, scratch_operands = 0 : i64, tpu.core_type = #tpu.core_type<tc>} {
    %get3A = arith.constant 0 : index
    %get3A_0 = arith.constant 0 : index
    %get3A_1 = vector.load %arg0[%get3A, %get3A_0] : memref<8x1024xf32, #tpu.memory_space<vmem>>, vector<8x1024xf32>
    %bitcast_convert_type3A = tpu.bitcast %get3A_1 : vector<8x1024xf32> -> vector<8x1024xi32>
    %ge3A = arith.constant -2147483648 : i32
    %ge3A_2 = vector.broadcast %ge3A : i32 to vector<8x1024xi32>
    %ge3A_3 = arith.cmpi uge, %bitcast_convert_type3A, %ge3A_2 : vector<8x1024xi32>
    %not3A = arith.constant dense<-1> : vector<8x1024xi32>
    %not3A_4 = arith.xori %bitcast_convert_type3A, %not3A : vector<8x1024xi32>
    %or3A = arith.constant -2147483648 : i32
    %or3A_5 = vector.broadcast %or3A : i32 to vector<8x1024xi32>
    %or3A_6 = arith.ori %bitcast_convert_type3A, %or3A_5 : vector<8x1024xi32>
    %select_n3A = arith.select %ge3A_3, %not3A_4, %or3A_6 : vector<8x1024xi1>, vector<8x1024xi32>
    %broadcast_in_dim3A = arith.constant 0 : i32
    %broadcast_in_dim3A_7 = vector.broadcast %broadcast_in_dim3A : i32 to vector<8x1xi32>
    %scan3A = arith.constant 0 : i32
    %scan3A_8 = arith.constant 32 : i32
    %scan3A_9 = arith.addi %scan3A, %scan3A_8 : i32
    %scan3A_10 = arith.constant 1 : i32
    %scan3A_11 = scf.for %scan3A_313 = %scan3A to %scan3A_9 step %scan3A_10 iter_args(%scan3A_314 = %broadcast_in_dim3A_7) -> (vector<8x1xi32>)  : i32 {
      %sub3A_315 = arith.constant 31 : i32
      %sub3A_316 = arith.subi %sub3A_315, %scan3A_313 : i32
      %shift_left3A = arith.constant 1 : i32
      %shift_left3A_317 = arith.shli %shift_left3A, %sub3A_316 : i32
      %or3A_318 = vector.broadcast %shift_left3A_317 : i32 to vector<8x1xi32>
      %or3A_319 = arith.ori %scan3A_314, %or3A_318 : vector<8x1xi32>
      %ge3A_320 = vector.broadcast %or3A_319 : vector<8x1xi32> to vector<8x1024xi32>
      %ge3A_321 = arith.cmpi uge, %select_n3A, %ge3A_320 : vector<8x1024xi32>
      %convert_element_type3A_322 = arith.extui %ge3A_321 : vector<8x1024xi1> to vector<8x1024xi32>
      %reduce_sum3A_323 = arith.constant dense<0> : vector<8xi32>
      %reduce_sum3A_324 = vector.multi_reduction <add>, %convert_element_type3A_322, %reduce_sum3A_323 [1] : vector<8x1024xi32> to vector<8xi32>
      %broadcast_in_dim3A_325 = vector.shape_cast %reduce_sum3A_324 : vector<8xi32> to vector<8x1xi32>
      %ge3A_326 = arith.constant 128 : i32
      %ge3A_327 = vector.broadcast %ge3A_326 : i32 to vector<8x1xi32>
      %ge3A_328 = arith.cmpi sge, %broadcast_in_dim3A_325, %ge3A_327 : vector<8x1xi32>
      %select_n3A_329 = arith.select %ge3A_328, %or3A_319, %scan3A_314 : vector<8x1xi1>, vector<8x1xi32>
      scf.yield %select_n3A_329 : vector<8x1xi32>
    }
    %scan3A_12 = arith.constant 32 : i32
    %gt3A = vector.broadcast %scan3A_11 : vector<8x1xi32> to vector<8x1024xi32>
    %gt3A_13 = arith.cmpi ugt, %select_n3A, %gt3A : vector<8x1024xi32>
    %eq3A = vector.broadcast %scan3A_11 : vector<8x1xi32> to vector<8x1024xi32>
    %eq3A_14 = arith.cmpi eq, %select_n3A, %eq3A : vector<8x1024xi32>
    %convert_element_type3A = arith.extui %gt3A_13 : vector<8x1024xi1> to vector<8x1024xi32>
    %reduce_sum3A = arith.constant dense<0> : vector<8xi32>
    %reduce_sum3A_15 = vector.multi_reduction <add>, %convert_element_type3A, %reduce_sum3A [1] : vector<8x1024xi32> to vector<8xi32>
    %broadcast_in_dim3A_16 = vector.shape_cast %reduce_sum3A_15 : vector<8xi32> to vector<8x1xi32>
    %sub3A = arith.constant 128 : i32
    %sub3A_17 = vector.broadcast %sub3A : i32 to vector<8x1xi32>
    %sub3A_18 = arith.subi %sub3A_17, %broadcast_in_dim3A_16 : vector<8x1xi32>
    %convert_element_type3A_19 = arith.extui %eq3A_14 : vector<8x1024xi1> to vector<8x1024xi32>
    %broadcast_in_dim3A_20 = arith.constant 0 : i32
    %broadcast_in_dim3A_21 = vector.broadcast %broadcast_in_dim3A_20 : i32 to vector<8x1xi32>
    %slice3A = vector.extract_strided_slice %convert_element_type3A_19 {offsets = [0, 0], sizes = [8, 1023], strides = [1, 1]} : vector<8x1024xi32> to vector<8x1023xi32>
    %concatenate3A = tpu.concatenate %broadcast_in_dim3A_21, %slice3A in 1 : vector<8x1xi32>, vector<8x1023xi32> -> vector<8x1024xi32>
    %add3A = arith.addi %convert_element_type3A_19, %concatenate3A : vector<8x1024xi32>
    %broadcast_in_dim3A_22 = arith.constant 0 : i32
    %broadcast_in_dim3A_23 = vector.broadcast %broadcast_in_dim3A_22 : i32 to vector<8x2xi32>
    %slice3A_24 = vector.extract_strided_slice %add3A {offsets = [0, 0], sizes = [8, 1022], strides = [1, 1]} : vector<8x1024xi32> to vector<8x1022xi32>
    %concatenate3A_25 = tpu.concatenate %broadcast_in_dim3A_23, %slice3A_24 in 1 : vector<8x2xi32>, vector<8x1022xi32> -> vector<8x1024xi32>
    %add3A_26 = arith.addi %add3A, %concatenate3A_25 : vector<8x1024xi32>
    %broadcast_in_dim3A_27 = arith.constant 0 : i32
    %broadcast_in_dim3A_28 = vector.broadcast %broadcast_in_dim3A_27 : i32 to vector<8x4xi32>
    %slice3A_29 = vector.extract_strided_slice %add3A_26 {offsets = [0, 0], sizes = [8, 1020], strides = [1, 1]} : vector<8x1024xi32> to vector<8x1020xi32>
    %concatenate3A_30 = tpu.concatenate %broadcast_in_dim3A_28, %slice3A_29 in 1 : vector<8x4xi32>, vector<8x1020xi32> -> vector<8x1024xi32>
    %add3A_31 = arith.addi %add3A_26, %concatenate3A_30 : vector<8x1024xi32>
    %broadcast_in_dim3A_32 = arith.constant 0 : i32
    %broadcast_in_dim3A_33 = vector.broadcast %broadcast_in_dim3A_32 : i32 to vector<8x8xi32>
    %slice3A_34 = vector.extract_strided_slice %add3A_31 {offsets = [0, 0], sizes = [8, 1016], strides = [1, 1]} : vector<8x1024xi32> to vector<8x1016xi32>
    %concatenate3A_35 = tpu.concatenate %broadcast_in_dim3A_33, %slice3A_34 in 1 : vector<8x8xi32>, vector<8x1016xi32> -> vector<8x1024xi32>
    %add3A_36 = arith.addi %add3A_31, %concatenate3A_35 : vector<8x1024xi32>
    %broadcast_in_dim3A_37 = arith.constant 0 : i32
    %broadcast_in_dim3A_38 = vector.broadcast %broadcast_in_dim3A_37 : i32 to vector<8x16xi32>
    %slice3A_39 = vector.extract_strided_slice %add3A_36 {offsets = [0, 0], sizes = [8, 1008], strides = [1, 1]} : vector<8x1024xi32> to vector<8x1008xi32>
    %concatenate3A_40 = tpu.concatenate %broadcast_in_dim3A_38, %slice3A_39 in 1 : vector<8x16xi32>, vector<8x1008xi32> -> vector<8x1024xi32>
    %add3A_41 = arith.addi %add3A_36, %concatenate3A_40 : vector<8x1024xi32>
    %broadcast_in_dim3A_42 = arith.constant 0 : i32
    %broadcast_in_dim3A_43 = vector.broadcast %broadcast_in_dim3A_42 : i32 to vector<8x32xi32>
    %slice3A_44 = vector.extract_strided_slice %add3A_41 {offsets = [0, 0], sizes = [8, 992], strides = [1, 1]} : vector<8x1024xi32> to vector<8x992xi32>
    %concatenate3A_45 = tpu.concatenate %broadcast_in_dim3A_43, %slice3A_44 in 1 : vector<8x32xi32>, vector<8x992xi32> -> vector<8x1024xi32>
    %add3A_46 = arith.addi %add3A_41, %concatenate3A_45 : vector<8x1024xi32>
    %broadcast_in_dim3A_47 = arith.constant 0 : i32
    %broadcast_in_dim3A_48 = vector.broadcast %broadcast_in_dim3A_47 : i32 to vector<8x64xi32>
    %slice3A_49 = vector.extract_strided_slice %add3A_46 {offsets = [0, 0], sizes = [8, 960], strides = [1, 1]} : vector<8x1024xi32> to vector<8x960xi32>
    %concatenate3A_50 = tpu.concatenate %broadcast_in_dim3A_48, %slice3A_49 in 1 : vector<8x64xi32>, vector<8x960xi32> -> vector<8x1024xi32>
    %add3A_51 = arith.addi %add3A_46, %concatenate3A_50 : vector<8x1024xi32>
    %broadcast_in_dim3A_52 = arith.constant 0 : i32
    %broadcast_in_dim3A_53 = vector.broadcast %broadcast_in_dim3A_52 : i32 to vector<8x128xi32>
    %slice3A_54 = vector.extract_strided_slice %add3A_51 {offsets = [0, 0], sizes = [8, 896], strides = [1, 1]} : vector<8x1024xi32> to vector<8x896xi32>
    %concatenate3A_55 = tpu.concatenate %broadcast_in_dim3A_53, %slice3A_54 in 1 : vector<8x128xi32>, vector<8x896xi32> -> vector<8x1024xi32>
    %add3A_56 = arith.addi %add3A_51, %concatenate3A_55 : vector<8x1024xi32>
    %broadcast_in_dim3A_57 = arith.constant 0 : i32
    %broadcast_in_dim3A_58 = vector.broadcast %broadcast_in_dim3A_57 : i32 to vector<8x256xi32>
    %slice3A_59 = vector.extract_strided_slice %add3A_56 {offsets = [0, 0], sizes = [8, 768], strides = [1, 1]} : vector<8x1024xi32> to vector<8x768xi32>
    %concatenate3A_60 = tpu.concatenate %broadcast_in_dim3A_58, %slice3A_59 in 1 : vector<8x256xi32>, vector<8x768xi32> -> vector<8x1024xi32>
    %add3A_61 = arith.addi %add3A_56, %concatenate3A_60 : vector<8x1024xi32>
    %broadcast_in_dim3A_62 = arith.constant 0 : i32
    %broadcast_in_dim3A_63 = vector.broadcast %broadcast_in_dim3A_62 : i32 to vector<8x512xi32>
    %slice3A_64 = vector.extract_strided_slice %add3A_61 {offsets = [0, 0], sizes = [8, 512], strides = [1, 1]} : vector<8x1024xi32> to vector<8x512xi32>
    %concatenate3A_65 = tpu.concatenate %broadcast_in_dim3A_63, %slice3A_64 in 1 : vector<8x512xi32>, vector<8x512xi32> -> vector<8x1024xi32>
    %add3A_66 = arith.addi %add3A_61, %concatenate3A_65 : vector<8x1024xi32>
    %convert_element_type3A_67 = arith.extui %eq3A_14 : vector<8x1024xi1> to vector<8x1024xi32>
    %sub3A_68 = arith.subi %add3A_66, %convert_element_type3A_67 : vector<8x1024xi32>
    %lt3A = vector.broadcast %sub3A_18 : vector<8x1xi32> to vector<8x1024xi32>
    %lt3A_69 = arith.cmpi slt, %sub3A_68, %lt3A : vector<8x1024xi32>
    %and3A = arith.andi %eq3A_14, %lt3A_69 : vector<8x1024xi1>
    %or3A_70 = arith.ori %gt3A_13, %and3A : vector<8x1024xi1>
    %convert_element_type3A_71 = arith.extui %or3A_70 : vector<8x1024xi1> to vector<8x1024xi32>
    %convert_element_type3A_72 = arith.sitofp %convert_element_type3A_71 : vector<8x1024xi32> to vector<8x1024xf32>
    %broadcast_in_dim3A_73 = arith.constant 0.000000e+00 : f32
    %broadcast_in_dim3A_74 = vector.broadcast %broadcast_in_dim3A_73 : f32 to vector<8x1xf32>
    %slice3A_75 = vector.extract_strided_slice %convert_element_type3A_72 {offsets = [0, 0], sizes = [8, 1023], strides = [1, 1]} : vector<8x1024xf32> to vector<8x1023xf32>
    %concatenate3A_76 = tpu.concatenate %broadcast_in_dim3A_74, %slice3A_75 in 1 : vector<8x1xf32>, vector<8x1023xf32> -> vector<8x1024xf32>
    %add3A_77 = arith.addf %convert_element_type3A_72, %concatenate3A_76 : vector<8x1024xf32>
    %broadcast_in_dim3A_78 = arith.constant 0.000000e+00 : f32
    %broadcast_in_dim3A_79 = vector.broadcast %broadcast_in_dim3A_78 : f32 to vector<8x2xf32>
    %slice3A_80 = vector.extract_strided_slice %add3A_77 {offsets = [0, 0], sizes = [8, 1022], strides = [1, 1]} : vector<8x1024xf32> to vector<8x1022xf32>
    %concatenate3A_81 = tpu.concatenate %broadcast_in_dim3A_79, %slice3A_80 in 1 : vector<8x2xf32>, vector<8x1022xf32> -> vector<8x1024xf32>
    %add3A_82 = arith.addf %add3A_77, %concatenate3A_81 : vector<8x1024xf32>
    %broadcast_in_dim3A_83 = arith.constant 0.000000e+00 : f32
    %broadcast_in_dim3A_84 = vector.broadcast %broadcast_in_dim3A_83 : f32 to vector<8x4xf32>
    %slice3A_85 = vector.extract_strided_slice %add3A_82 {offsets = [0, 0], sizes = [8, 1020], strides = [1, 1]} : vector<8x1024xf32> to vector<8x1020xf32>
    %concatenate3A_86 = tpu.concatenate %broadcast_in_dim3A_84, %slice3A_85 in 1 : vector<8x4xf32>, vector<8x1020xf32> -> vector<8x1024xf32>
    %add3A_87 = arith.addf %add3A_82, %concatenate3A_86 : vector<8x1024xf32>
    %broadcast_in_dim3A_88 = arith.constant 0.000000e+00 : f32
    %broadcast_in_dim3A_89 = vector.broadcast %broadcast_in_dim3A_88 : f32 to vector<8x8xf32>
    %slice3A_90 = vector.extract_strided_slice %add3A_87 {offsets = [0, 0], sizes = [8, 1016], strides = [1, 1]} : vector<8x1024xf32> to vector<8x1016xf32>
    %concatenate3A_91 = tpu.concatenate %broadcast_in_dim3A_89, %slice3A_90 in 1 : vector<8x8xf32>, vector<8x1016xf32> -> vector<8x1024xf32>
    %add3A_92 = arith.addf %add3A_87, %concatenate3A_91 : vector<8x1024xf32>
    %broadcast_in_dim3A_93 = arith.constant 0.000000e+00 : f32
    %broadcast_in_dim3A_94 = vector.broadcast %broadcast_in_dim3A_93 : f32 to vector<8x16xf32>
    %slice3A_95 = vector.extract_strided_slice %add3A_92 {offsets = [0, 0], sizes = [8, 1008], strides = [1, 1]} : vector<8x1024xf32> to vector<8x1008xf32>
    %concatenate3A_96 = tpu.concatenate %broadcast_in_dim3A_94, %slice3A_95 in 1 : vector<8x16xf32>, vector<8x1008xf32> -> vector<8x1024xf32>
    %add3A_97 = arith.addf %add3A_92, %concatenate3A_96 : vector<8x1024xf32>
    %broadcast_in_dim3A_98 = arith.constant 0.000000e+00 : f32
    %broadcast_in_dim3A_99 = vector.broadcast %broadcast_in_dim3A_98 : f32 to vector<8x32xf32>
    %slice3A_100 = vector.extract_strided_slice %add3A_97 {offsets = [0, 0], sizes = [8, 992], strides = [1, 1]} : vector<8x1024xf32> to vector<8x992xf32>
    %concatenate3A_101 = tpu.concatenate %broadcast_in_dim3A_99, %slice3A_100 in 1 : vector<8x32xf32>, vector<8x992xf32> -> vector<8x1024xf32>
    %add3A_102 = arith.addf %add3A_97, %concatenate3A_101 : vector<8x1024xf32>
    %broadcast_in_dim3A_103 = arith.constant 0.000000e+00 : f32
    %broadcast_in_dim3A_104 = vector.broadcast %broadcast_in_dim3A_103 : f32 to vector<8x64xf32>
    %slice3A_105 = vector.extract_strided_slice %add3A_102 {offsets = [0, 0], sizes = [8, 960], strides = [1, 1]} : vector<8x1024xf32> to vector<8x960xf32>
    %concatenate3A_106 = tpu.concatenate %broadcast_in_dim3A_104, %slice3A_105 in 1 : vector<8x64xf32>, vector<8x960xf32> -> vector<8x1024xf32>
    %add3A_107 = arith.addf %add3A_102, %concatenate3A_106 : vector<8x1024xf32>
    %broadcast_in_dim3A_108 = arith.constant 0.000000e+00 : f32
    %broadcast_in_dim3A_109 = vector.broadcast %broadcast_in_dim3A_108 : f32 to vector<8x128xf32>
    %slice3A_110 = vector.extract_strided_slice %add3A_107 {offsets = [0, 0], sizes = [8, 896], strides = [1, 1]} : vector<8x1024xf32> to vector<8x896xf32>
    %concatenate3A_111 = tpu.concatenate %broadcast_in_dim3A_109, %slice3A_110 in 1 : vector<8x128xf32>, vector<8x896xf32> -> vector<8x1024xf32>
    %add3A_112 = arith.addf %add3A_107, %concatenate3A_111 : vector<8x1024xf32>
    %broadcast_in_dim3A_113 = arith.constant 0.000000e+00 : f32
    %broadcast_in_dim3A_114 = vector.broadcast %broadcast_in_dim3A_113 : f32 to vector<8x256xf32>
    %slice3A_115 = vector.extract_strided_slice %add3A_112 {offsets = [0, 0], sizes = [8, 768], strides = [1, 1]} : vector<8x1024xf32> to vector<8x768xf32>
    %concatenate3A_116 = tpu.concatenate %broadcast_in_dim3A_114, %slice3A_115 in 1 : vector<8x256xf32>, vector<8x768xf32> -> vector<8x1024xf32>
    %add3A_117 = arith.addf %add3A_112, %concatenate3A_116 : vector<8x1024xf32>
    %broadcast_in_dim3A_118 = arith.constant 0.000000e+00 : f32
    %broadcast_in_dim3A_119 = vector.broadcast %broadcast_in_dim3A_118 : f32 to vector<8x512xf32>
    %slice3A_120 = vector.extract_strided_slice %add3A_117 {offsets = [0, 0], sizes = [8, 512], strides = [1, 1]} : vector<8x1024xf32> to vector<8x512xf32>
    %concatenate3A_121 = tpu.concatenate %broadcast_in_dim3A_119, %slice3A_120 in 1 : vector<8x512xf32>, vector<8x512xf32> -> vector<8x1024xf32>
    %add3A_122 = arith.addf %add3A_117, %concatenate3A_121 : vector<8x1024xf32>
    %iota3A = tpu.iota {dimensions = array<i32: 2>} : vector<1x1x128xi32>
    %convert_element_type3A_123 = arith.sitofp %iota3A : vector<1x1x128xi32> to vector<1x1x128xf32>
    %broadcast_in_dim3A_124 = arith.constant 0.000000e+00 : f32
    %broadcast_in_dim3A_125 = vector.broadcast %broadcast_in_dim3A_124 : f32 to vector<8x128xf32>
    %slice3A_126 = vector.extract_strided_slice %add3A_122 {offsets = [0, 0], sizes = [8, 512], strides = [1, 1]} : vector<8x1024xf32> to vector<8x512xf32>
    %broadcast_in_dim3A_127 = vector.shape_cast %slice3A_126 : vector<8x512xf32> to vector<8x512x1xf32>
    %le3A = vector.broadcast %broadcast_in_dim3A_127 : vector<8x512x1xf32> to vector<8x512x128xf32>
    %le3A_128 = vector.broadcast %convert_element_type3A_123 : vector<1x1x128xf32> to vector<8x512x128xf32>
    %le3A_129 = arith.cmpf ole, %le3A, %le3A_128 : vector<8x512x128xf32>
    %convert_element_type3A_130 = arith.extui %le3A_129 : vector<8x512x128xi1> to vector<8x512x128xi32>
    %convert_element_type3A_131 = arith.sitofp %convert_element_type3A_130 : vector<8x512x128xi32> to vector<8x512x128xf32>
    %reduce_sum3A_132 = arith.constant dense<0.000000e+00> : vector<8x128xf32>
    %reduce_sum3A_133 = vector.multi_reduction <add>, %convert_element_type3A_131, %reduce_sum3A_132 [1] : vector<8x512x128xf32> to vector<8x128xf32>
    %add3A_134 = arith.addf %broadcast_in_dim3A_125, %reduce_sum3A_133 : vector<8x128xf32>
    %slice3A_135 = vector.extract_strided_slice %add3A_122 {offsets = [0, 512], sizes = [8, 512], strides = [1, 1]} : vector<8x1024xf32> to vector<8x512xf32>
    %broadcast_in_dim3A_136 = vector.shape_cast %slice3A_135 : vector<8x512xf32> to vector<8x512x1xf32>
    %le3A_137 = vector.broadcast %broadcast_in_dim3A_136 : vector<8x512x1xf32> to vector<8x512x128xf32>
    %le3A_138 = vector.broadcast %convert_element_type3A_123 : vector<1x1x128xf32> to vector<8x512x128xf32>
    %le3A_139 = arith.cmpf ole, %le3A_137, %le3A_138 : vector<8x512x128xf32>
    %convert_element_type3A_140 = arith.extui %le3A_139 : vector<8x512x128xi1> to vector<8x512x128xi32>
    %convert_element_type3A_141 = arith.sitofp %convert_element_type3A_140 : vector<8x512x128xi32> to vector<8x512x128xf32>
    %reduce_sum3A_142 = arith.constant dense<0.000000e+00> : vector<8x128xf32>
    %reduce_sum3A_143 = vector.multi_reduction <add>, %convert_element_type3A_141, %reduce_sum3A_142 [1] : vector<8x512x128xf32> to vector<8x128xf32>
    %add3A_144 = arith.addf %add3A_134, %reduce_sum3A_143 : vector<8x128xf32>
    %convert_element_type3A_145 = arith.fptosi %add3A_144 : vector<8x128xf32> to vector<8x128xi32>
    %iota3A_146 = tpu.iota {dimensions = array<i32: 0>} : vector<8x128xi32>
    %mul3A = arith.constant 1024 : i32
    %mul3A_147 = vector.broadcast %mul3A : i32 to vector<8x128xi32>
    %mul3A_148 = arith.muli %mul3A_147, %iota3A_146 : vector<8x128xi32>
    %add3A_149 = arith.addi %convert_element_type3A_145, %mul3A_148 : vector<8x128xi32>
    %swap3A = arith.constant 0 : index
    %swap3A_150 = arith.constant 0 : index
    %swap3A_151 = vector.load %arg1[%swap3A, %swap3A_150] : memref<8x128xi32, #tpu.memory_space<vmem>>, vector<8x128xi32>
    tpu.vector_store %arg1[%swap3A, %swap3A_150], %add3A_149 {strides = array<i32>} : memref<8x128xi32, #tpu.memory_space<vmem>>, vector<8x128xi32>,
    %broadcast_in_dim3A_152 = arith.constant 0 : i32
    %broadcast_in_dim3A_153 = vector.broadcast %broadcast_in_dim3A_152 : i32 to vector<8x1xi32>
    %scan3A_154 = arith.constant 0 : i32
    %scan3A_155 = arith.constant 32 : i32
    %scan3A_156 = arith.addi %scan3A_154, %scan3A_155 : i32
    %scan3A_157 = arith.constant 1 : i32
    %scan3A_158 = scf.for %scan3A_313 = %scan3A_154 to %scan3A_156 step %scan3A_157 iter_args(%scan3A_314 = %broadcast_in_dim3A_153) -> (vector<8x1xi32>)  : i32 {
      %sub3A_315 = arith.constant 31 : i32
      %sub3A_316 = arith.subi %sub3A_315, %scan3A_313 : i32
      %shift_left3A = arith.constant 1 : i32
      %shift_left3A_317 = arith.shli %shift_left3A, %sub3A_316 : i32
      %or3A_318 = vector.broadcast %shift_left3A_317 : i32 to vector<8x1xi32>
      %or3A_319 = arith.ori %scan3A_314, %or3A_318 : vector<8x1xi32>
      %ge3A_320 = vector.broadcast %or3A_319 : vector<8x1xi32> to vector<8x1024xi32>
      %ge3A_321 = arith.cmpi uge, %select_n3A, %ge3A_320 : vector<8x1024xi32>
      %convert_element_type3A_322 = arith.extui %ge3A_321 : vector<8x1024xi1> to vector<8x1024xi32>
      %reduce_sum3A_323 = arith.constant dense<0> : vector<8xi32>
      %reduce_sum3A_324 = vector.multi_reduction <add>, %convert_element_type3A_322, %reduce_sum3A_323 [1] : vector<8x1024xi32> to vector<8xi32>
      %broadcast_in_dim3A_325 = vector.shape_cast %reduce_sum3A_324 : vector<8xi32> to vector<8x1xi32>
      %ge3A_326 = arith.constant 512 : i32
      %ge3A_327 = vector.broadcast %ge3A_326 : i32 to vector<8x1xi32>
      %ge3A_328 = arith.cmpi sge, %broadcast_in_dim3A_325, %ge3A_327 : vector<8x1xi32>
      %select_n3A_329 = arith.select %ge3A_328, %or3A_319, %scan3A_314 : vector<8x1xi1>, vector<8x1xi32>
      scf.yield %select_n3A_329 : vector<8x1xi32>
    }
    %scan3A_159 = arith.constant 32 : i32
    %gt3A_160 = vector.broadcast %scan3A_158 : vector<8x1xi32> to vector<8x1024xi32>
    %gt3A_161 = arith.cmpi ugt, %select_n3A, %gt3A_160 : vector<8x1024xi32>
    %eq3A_162 = vector.broadcast %scan3A_158 : vector<8x1xi32> to vector<8x1024xi32>
    %eq3A_163 = arith.cmpi eq, %select_n3A, %eq3A_162 : vector<8x1024xi32>
    %convert_element_type3A_164 = arith.extui %gt3A_161 : vector<8x1024xi1> to vector<8x1024xi32>
    %reduce_sum3A_165 = arith.constant dense<0> : vector<8xi32>
    %reduce_sum3A_166 = vector.multi_reduction <add>, %convert_element_type3A_164, %reduce_sum3A_165 [1] : vector<8x1024xi32> to vector<8xi32>
    %broadcast_in_dim3A_167 = vector.shape_cast %reduce_sum3A_166 : vector<8xi32> to vector<8x1xi32>
    %sub3A_168 = arith.constant 512 : i32
    %sub3A_169 = vector.broadcast %sub3A_168 : i32 to vector<8x1xi32>
    %sub3A_170 = arith.subi %sub3A_169, %broadcast_in_dim3A_167 : vector<8x1xi32>
    %convert_element_type3A_171 = arith.extui %eq3A_163 : vector<8x1024xi1> to vector<8x1024xi32>
    %broadcast_in_dim3A_172 = arith.constant 0 : i32
    %broadcast_in_dim3A_173 = vector.broadcast %broadcast_in_dim3A_172 : i32 to vector<8x1xi32>
    %slice3A_174 = vector.extract_strided_slice %convert_element_type3A_171 {offsets = [0, 0], sizes = [8, 1023], strides = [1, 1]} : vector<8x1024xi32> to vector<8x1023xi32>
    %concatenate3A_175 = tpu.concatenate %broadcast_in_dim3A_173, %slice3A_174 in 1 : vector<8x1xi32>, vector<8x1023xi32> -> vector<8x1024xi32>
    %add3A_176 = arith.addi %convert_element_type3A_171, %concatenate3A_175 : vector<8x1024xi32>
    %broadcast_in_dim3A_177 = arith.constant 0 : i32
    %broadcast_in_dim3A_178 = vector.broadcast %broadcast_in_dim3A_177 : i32 to vector<8x2xi32>
    %slice3A_179 = vector.extract_strided_slice %add3A_176 {offsets = [0, 0], sizes = [8, 1022], strides = [1, 1]} : vector<8x1024xi32> to vector<8x1022xi32>
    %concatenate3A_180 = tpu.concatenate %broadcast_in_dim3A_178, %slice3A_179 in 1 : vector<8x2xi32>, vector<8x1022xi32> -> vector<8x1024xi32>
    %add3A_181 = arith.addi %add3A_176, %concatenate3A_180 : vector<8x1024xi32>
    %broadcast_in_dim3A_182 = arith.constant 0 : i32
    %broadcast_in_dim3A_183 = vector.broadcast %broadcast_in_dim3A_182 : i32 to vector<8x4xi32>
    %slice3A_184 = vector.extract_strided_slice %add3A_181 {offsets = [0, 0], sizes = [8, 1020], strides = [1, 1]} : vector<8x1024xi32> to vector<8x1020xi32>
    %concatenate3A_185 = tpu.concatenate %broadcast_in_dim3A_183, %slice3A_184 in 1 : vector<8x4xi32>, vector<8x1020xi32> -> vector<8x1024xi32>
    %add3A_186 = arith.addi %add3A_181, %concatenate3A_185 : vector<8x1024xi32>
    %broadcast_in_dim3A_187 = arith.constant 0 : i32
    %broadcast_in_dim3A_188 = vector.broadcast %broadcast_in_dim3A_187 : i32 to vector<8x8xi32>
    %slice3A_189 = vector.extract_strided_slice %add3A_186 {offsets = [0, 0], sizes = [8, 1016], strides = [1, 1]} : vector<8x1024xi32> to vector<8x1016xi32>
    %concatenate3A_190 = tpu.concatenate %broadcast_in_dim3A_188, %slice3A_189 in 1 : vector<8x8xi32>, vector<8x1016xi32> -> vector<8x1024xi32>
    %add3A_191 = arith.addi %add3A_186, %concatenate3A_190 : vector<8x1024xi32>
    %broadcast_in_dim3A_192 = arith.constant 0 : i32
    %broadcast_in_dim3A_193 = vector.broadcast %broadcast_in_dim3A_192 : i32 to vector<8x16xi32>
    %slice3A_194 = vector.extract_strided_slice %add3A_191 {offsets = [0, 0], sizes = [8, 1008], strides = [1, 1]} : vector<8x1024xi32> to vector<8x1008xi32>
    %concatenate3A_195 = tpu.concatenate %broadcast_in_dim3A_193, %slice3A_194 in 1 : vector<8x16xi32>, vector<8x1008xi32> -> vector<8x1024xi32>
    %add3A_196 = arith.addi %add3A_191, %concatenate3A_195 : vector<8x1024xi32>
    %broadcast_in_dim3A_197 = arith.constant 0 : i32
    %broadcast_in_dim3A_198 = vector.broadcast %broadcast_in_dim3A_197 : i32 to vector<8x32xi32>
    %slice3A_199 = vector.extract_strided_slice %add3A_196 {offsets = [0, 0], sizes = [8, 992], strides = [1, 1]} : vector<8x1024xi32> to vector<8x992xi32>
    %concatenate3A_200 = tpu.concatenate %broadcast_in_dim3A_198, %slice3A_199 in 1 : vector<8x32xi32>, vector<8x992xi32> -> vector<8x1024xi32>
    %add3A_201 = arith.addi %add3A_196, %concatenate3A_200 : vector<8x1024xi32>
    %broadcast_in_dim3A_202 = arith.constant 0 : i32
    %broadcast_in_dim3A_203 = vector.broadcast %broadcast_in_dim3A_202 : i32 to vector<8x64xi32>
    %slice3A_204 = vector.extract_strided_slice %add3A_201 {offsets = [0, 0], sizes = [8, 960], strides = [1, 1]} : vector<8x1024xi32> to vector<8x960xi32>
    %concatenate3A_205 = tpu.concatenate %broadcast_in_dim3A_203, %slice3A_204 in 1 : vector<8x64xi32>, vector<8x960xi32> -> vector<8x1024xi32>
    %add3A_206 = arith.addi %add3A_201, %concatenate3A_205 : vector<8x1024xi32>
    %broadcast_in_dim3A_207 = arith.constant 0 : i32
    %broadcast_in_dim3A_208 = vector.broadcast %broadcast_in_dim3A_207 : i32 to vector<8x128xi32>
    %slice3A_209 = vector.extract_strided_slice %add3A_206 {offsets = [0, 0], sizes = [8, 896], strides = [1, 1]} : vector<8x1024xi32> to vector<8x896xi32>
    %concatenate3A_210 = tpu.concatenate %broadcast_in_dim3A_208, %slice3A_209 in 1 : vector<8x128xi32>, vector<8x896xi32> -> vector<8x1024xi32>
    %add3A_211 = arith.addi %add3A_206, %concatenate3A_210 : vector<8x1024xi32>
    %broadcast_in_dim3A_212 = arith.constant 0 : i32
    %broadcast_in_dim3A_213 = vector.broadcast %broadcast_in_dim3A_212 : i32 to vector<8x256xi32>
    %slice3A_214 = vector.extract_strided_slice %add3A_211 {offsets = [0, 0], sizes = [8, 768], strides = [1, 1]} : vector<8x1024xi32> to vector<8x768xi32>
    %concatenate3A_215 = tpu.concatenate %broadcast_in_dim3A_213, %slice3A_214 in 1 : vector<8x256xi32>, vector<8x768xi32> -> vector<8x1024xi32>
    %add3A_216 = arith.addi %add3A_211, %concatenate3A_215 : vector<8x1024xi32>
    %broadcast_in_dim3A_217 = arith.constant 0 : i32
    %broadcast_in_dim3A_218 = vector.broadcast %broadcast_in_dim3A_217 : i32 to vector<8x512xi32>
    %slice3A_219 = vector.extract_strided_slice %add3A_216 {offsets = [0, 0], sizes = [8, 512], strides = [1, 1]} : vector<8x1024xi32> to vector<8x512xi32>
    %concatenate3A_220 = tpu.concatenate %broadcast_in_dim3A_218, %slice3A_219 in 1 : vector<8x512xi32>, vector<8x512xi32> -> vector<8x1024xi32>
    %add3A_221 = arith.addi %add3A_216, %concatenate3A_220 : vector<8x1024xi32>
    %convert_element_type3A_222 = arith.extui %eq3A_163 : vector<8x1024xi1> to vector<8x1024xi32>
    %sub3A_223 = arith.subi %add3A_221, %convert_element_type3A_222 : vector<8x1024xi32>
    %lt3A_224 = vector.broadcast %sub3A_170 : vector<8x1xi32> to vector<8x1024xi32>
    %lt3A_225 = arith.cmpi slt, %sub3A_223, %lt3A_224 : vector<8x1024xi32>
    %and3A_226 = arith.andi %eq3A_163, %lt3A_225 : vector<8x1024xi1>
    %or3A_227 = arith.ori %gt3A_161, %and3A_226 : vector<8x1024xi1>
    %convert_element_type3A_228 = arith.extui %or3A_227 : vector<8x1024xi1> to vector<8x1024xi32>
    %convert_element_type3A_229 = arith.sitofp %convert_element_type3A_228 : vector<8x1024xi32> to vector<8x1024xf32>
    %broadcast_in_dim3A_230 = arith.constant 0.000000e+00 : f32
    %broadcast_in_dim3A_231 = vector.broadcast %broadcast_in_dim3A_230 : f32 to vector<8x1xf32>
    %slice3A_232 = vector.extract_strided_slice %convert_element_type3A_229 {offsets = [0, 0], sizes = [8, 1023], strides = [1, 1]} : vector<8x1024xf32> to vector<8x1023xf32>
    %concatenate3A_233 = tpu.concatenate %broadcast_in_dim3A_231, %slice3A_232 in 1 : vector<8x1xf32>, vector<8x1023xf32> -> vector<8x1024xf32>
    %add3A_234 = arith.addf %convert_element_type3A_229, %concatenate3A_233 : vector<8x1024xf32>
    %broadcast_in_dim3A_235 = arith.constant 0.000000e+00 : f32
    %broadcast_in_dim3A_236 = vector.broadcast %broadcast_in_dim3A_235 : f32 to vector<8x2xf32>
    %slice3A_237 = vector.extract_strided_slice %add3A_234 {offsets = [0, 0], sizes = [8, 1022], strides = [1, 1]} : vector<8x1024xf32> to vector<8x1022xf32>
    %concatenate3A_238 = tpu.concatenate %broadcast_in_dim3A_236, %slice3A_237 in 1 : vector<8x2xf32>, vector<8x1022xf32> -> vector<8x1024xf32>
    %add3A_239 = arith.addf %add3A_234, %concatenate3A_238 : vector<8x1024xf32>
    %broadcast_in_dim3A_240 = arith.constant 0.000000e+00 : f32
    %broadcast_in_dim3A_241 = vector.broadcast %broadcast_in_dim3A_240 : f32 to vector<8x4xf32>
    %slice3A_242 = vector.extract_strided_slice %add3A_239 {offsets = [0, 0], sizes = [8, 1020], strides = [1, 1]} : vector<8x1024xf32> to vector<8x1020xf32>
    %concatenate3A_243 = tpu.concatenate %broadcast_in_dim3A_241, %slice3A_242 in 1 : vector<8x4xf32>, vector<8x1020xf32> -> vector<8x1024xf32>
    %add3A_244 = arith.addf %add3A_239, %concatenate3A_243 : vector<8x1024xf32>
    %broadcast_in_dim3A_245 = arith.constant 0.000000e+00 : f32
    %broadcast_in_dim3A_246 = vector.broadcast %broadcast_in_dim3A_245 : f32 to vector<8x8xf32>
    %slice3A_247 = vector.extract_strided_slice %add3A_244 {offsets = [0, 0], sizes = [8, 1016], strides = [1, 1]} : vector<8x1024xf32> to vector<8x1016xf32>
    %concatenate3A_248 = tpu.concatenate %broadcast_in_dim3A_246, %slice3A_247 in 1 : vector<8x8xf32>, vector<8x1016xf32> -> vector<8x1024xf32>
    %add3A_249 = arith.addf %add3A_244, %concatenate3A_248 : vector<8x1024xf32>
    %broadcast_in_dim3A_250 = arith.constant 0.000000e+00 : f32
    %broadcast_in_dim3A_251 = vector.broadcast %broadcast_in_dim3A_250 : f32 to vector<8x16xf32>
    %slice3A_252 = vector.extract_strided_slice %add3A_249 {offsets = [0, 0], sizes = [8, 1008], strides = [1, 1]} : vector<8x1024xf32> to vector<8x1008xf32>
    %concatenate3A_253 = tpu.concatenate %broadcast_in_dim3A_251, %slice3A_252 in 1 : vector<8x16xf32>, vector<8x1008xf32> -> vector<8x1024xf32>
    %add3A_254 = arith.addf %add3A_249, %concatenate3A_253 : vector<8x1024xf32>
    %broadcast_in_dim3A_255 = arith.constant 0.000000e+00 : f32
    %broadcast_in_dim3A_256 = vector.broadcast %broadcast_in_dim3A_255 : f32 to vector<8x32xf32>
    %slice3A_257 = vector.extract_strided_slice %add3A_254 {offsets = [0, 0], sizes = [8, 992], strides = [1, 1]} : vector<8x1024xf32> to vector<8x992xf32>
    %concatenate3A_258 = tpu.concatenate %broadcast_in_dim3A_256, %slice3A_257 in 1 : vector<8x32xf32>, vector<8x992xf32> -> vector<8x1024xf32>
    %add3A_259 = arith.addf %add3A_254, %concatenate3A_258 : vector<8x1024xf32>
    %broadcast_in_dim3A_260 = arith.constant 0.000000e+00 : f32
    %broadcast_in_dim3A_261 = vector.broadcast %broadcast_in_dim3A_260 : f32 to vector<8x64xf32>
    %slice3A_262 = vector.extract_strided_slice %add3A_259 {offsets = [0, 0], sizes = [8, 960], strides = [1, 1]} : vector<8x1024xf32> to vector<8x960xf32>
    %concatenate3A_263 = tpu.concatenate %broadcast_in_dim3A_261, %slice3A_262 in 1 : vector<8x64xf32>, vector<8x960xf32> -> vector<8x1024xf32>
    %add3A_264 = arith.addf %add3A_259, %concatenate3A_263 : vector<8x1024xf32>
    %broadcast_in_dim3A_265 = arith.constant 0.000000e+00 : f32
    %broadcast_in_dim3A_266 = vector.broadcast %broadcast_in_dim3A_265 : f32 to vector<8x128xf32>
    %slice3A_267 = vector.extract_strided_slice %add3A_264 {offsets = [0, 0], sizes = [8, 896], strides = [1, 1]} : vector<8x1024xf32> to vector<8x896xf32>
    %concatenate3A_268 = tpu.concatenate %broadcast_in_dim3A_266, %slice3A_267 in 1 : vector<8x128xf32>, vector<8x896xf32> -> vector<8x1024xf32>
    %add3A_269 = arith.addf %add3A_264, %concatenate3A_268 : vector<8x1024xf32>
    %broadcast_in_dim3A_270 = arith.constant 0.000000e+00 : f32
    %broadcast_in_dim3A_271 = vector.broadcast %broadcast_in_dim3A_270 : f32 to vector<8x256xf32>
    %slice3A_272 = vector.extract_strided_slice %add3A_269 {offsets = [0, 0], sizes = [8, 768], strides = [1, 1]} : vector<8x1024xf32> to vector<8x768xf32>
    %concatenate3A_273 = tpu.concatenate %broadcast_in_dim3A_271, %slice3A_272 in 1 : vector<8x256xf32>, vector<8x768xf32> -> vector<8x1024xf32>
    %add3A_274 = arith.addf %add3A_269, %concatenate3A_273 : vector<8x1024xf32>
    %broadcast_in_dim3A_275 = arith.constant 0.000000e+00 : f32
    %broadcast_in_dim3A_276 = vector.broadcast %broadcast_in_dim3A_275 : f32 to vector<8x512xf32>
    %slice3A_277 = vector.extract_strided_slice %add3A_274 {offsets = [0, 0], sizes = [8, 512], strides = [1, 1]} : vector<8x1024xf32> to vector<8x512xf32>
    %concatenate3A_278 = tpu.concatenate %broadcast_in_dim3A_276, %slice3A_277 in 1 : vector<8x512xf32>, vector<8x512xf32> -> vector<8x1024xf32>
    %add3A_279 = arith.addf %add3A_274, %concatenate3A_278 : vector<8x1024xf32>
    %iota3A_280 = tpu.iota {dimensions = array<i32: 2>} : vector<1x1x512xi32>
    %convert_element_type3A_281 = arith.sitofp %iota3A_280 : vector<1x1x512xi32> to vector<1x1x512xf32>
    %broadcast_in_dim3A_282 = arith.constant 0.000000e+00 : f32
    %broadcast_in_dim3A_283 = vector.broadcast %broadcast_in_dim3A_282 : f32 to vector<8x512xf32>
    %slice3A_284 = vector.extract_strided_slice %add3A_279 {offsets = [0, 0], sizes = [8, 512], strides = [1, 1]} : vector<8x1024xf32> to vector<8x512xf32>
    %broadcast_in_dim3A_285 = vector.shape_cast %slice3A_284 : vector<8x512xf32> to vector<8x512x1xf32>
    %le3A_286 = vector.broadcast %broadcast_in_dim3A_285 : vector<8x512x1xf32> to vector<8x512x512xf32>
    %le3A_287 = vector.broadcast %convert_element_type3A_281 : vector<1x1x512xf32> to vector<8x512x512xf32>
    %le3A_288 = arith.cmpf ole, %le3A_286, %le3A_287 : vector<8x512x512xf32>
    %convert_element_type3A_289 = arith.extui %le3A_288 : vector<8x512x512xi1> to vector<8x512x512xi32>
    %convert_element_type3A_290 = arith.sitofp %convert_element_type3A_289 : vector<8x512x512xi32> to vector<8x512x512xf32>
    %reduce_sum3A_291 = arith.constant dense<0.000000e+00> : vector<8x512xf32>
    %reduce_sum3A_292 = vector.multi_reduction <add>, %convert_element_type3A_290, %reduce_sum3A_291 [1] : vector<8x512x512xf32> to vector<8x512xf32>
    %add3A_293 = arith.addf %broadcast_in_dim3A_283, %reduce_sum3A_292 : vector<8x512xf32>
    %slice3A_294 = vector.extract_strided_slice %add3A_279 {offsets = [0, 512], sizes = [8, 512], strides = [1, 1]} : vector<8x1024xf32> to vector<8x512xf32>
    %broadcast_in_dim3A_295 = vector.shape_cast %slice3A_294 : vector<8x512xf32> to vector<8x512x1xf32>
    %le3A_296 = vector.broadcast %broadcast_in_dim3A_295 : vector<8x512x1xf32> to vector<8x512x512xf32>
    %le3A_297 = vector.broadcast %convert_element_type3A_281 : vector<1x1x512xf32> to vector<8x512x512xf32>
    %le3A_298 = arith.cmpf ole, %le3A_296, %le3A_297 : vector<8x512x512xf32>
    %convert_element_type3A_299 = arith.extui %le3A_298 : vector<8x512x512xi1> to vector<8x512x512xi32>
    %convert_element_type3A_300 = arith.sitofp %convert_element_type3A_299 : vector<8x512x512xi32> to vector<8x512x512xf32>
    %reduce_sum3A_301 = arith.constant dense<0.000000e+00> : vector<8x512xf32>
    %reduce_sum3A_302 = vector.multi_reduction <add>, %convert_element_type3A_300, %reduce_sum3A_301 [1] : vector<8x512x512xf32> to vector<8x512xf32>
    %add3A_303 = arith.addf %add3A_293, %reduce_sum3A_302 : vector<8x512xf32>
    %convert_element_type3A_304 = arith.fptosi %add3A_303 : vector<8x512xf32> to vector<8x512xi32>
    %iota3A_305 = tpu.iota {dimensions = array<i32: 0>} : vector<8x512xi32>
    %mul3A_306 = arith.constant 1024 : i32
    %mul3A_307 = vector.broadcast %mul3A_306 : i32 to vector<8x512xi32>
    %mul3A_308 = arith.muli %mul3A_307, %iota3A_305 : vector<8x512xi32>
    %add3A_309 = arith.addi %convert_element_type3A_304, %mul3A_308 : vector<8x512xi32>
    %swap3A_310 = arith.constant 0 : index
    %swap3A_311 = arith.constant 0 : index
    %swap3A_312 = vector.load %arg2[%swap3A_310, %swap3A_311] : memref<8x512xi32, #tpu.memory_space<vmem>>, vector<8x512xi32>
    tpu.vector_store %arg2[%swap3A_310, %swap3A_311], %add3A_309 {strides = array<i32>} : memref<8x512xi32, #tpu.memory_space<vmem>>, vector<8x512xi32>,
    return
  }
}

module attributes {stable_mosaic.version = 14 : i64} {
  func.func @_tok_body(%arg0: i32, %arg1: i32, %arg2: memref<1x768x256xf32, #tpu.memory_space<vmem>>, %arg3: memref<256x768xf32, #tpu.memory_space<vmem>>, %arg4: memref<1x256xf32, #tpu.memory_space<vmem>>, %arg5: memref<1x256xf32, #tpu.memory_space<vmem>>, %arg6: memref<64x256xf32, #tpu.memory_space<vmem>>, %arg7: memref<1x64xf32, #tpu.memory_space<vmem>>, %arg8: memref<1x64xf32, #tpu.memory_space<vmem>>, %arg9: memref<1x1xf32, #tpu.memory_space<smem>>, %arg10: memref<256x128xf32, #tpu.memory_space<vmem>>, %arg11: memref<256x128xf32, #tpu.memory_space<vmem>>, %arg12: memref<1x1x1x256xf32, #tpu.memory_space<vmem>>) attributes {dimension_semantics = [#tpu.dimension_semantics<arbitrary>, #tpu.dimension_semantics<arbitrary>], iteration_bounds = array<i64: 8, 1>, scalar_prefetch = 0 : i64, scratch_operands = 0 : i64, tpu.core_type = #tpu.core_type<tc>, window_params = [{transform_indices = @transform_0, window_bounds = array<i64: 1, 768, 256>}, {pipeline_mode = #tpu.pipeline_mode<synchronous>, transform_indices = @transform_1, window_bounds = array<i64: 256, 768>}, {pipeline_mode = #tpu.pipeline_mode<synchronous>, transform_indices = @transform_2, window_bounds = array<i64: 1, 256>}, {pipeline_mode = #tpu.pipeline_mode<synchronous>, transform_indices = @transform_3, window_bounds = array<i64: 1, 256>}, {pipeline_mode = #tpu.pipeline_mode<synchronous>, transform_indices = @transform_4, window_bounds = array<i64: 64, 256>}, {pipeline_mode = #tpu.pipeline_mode<synchronous>, transform_indices = @transform_5, window_bounds = array<i64: 1, 64>}, {pipeline_mode = #tpu.pipeline_mode<synchronous>, transform_indices = @transform_6, window_bounds = array<i64: 1, 64>}, {transform_indices = @transform_7, window_bounds = array<i64: 1, 1>}, {transform_indices = @transform_8, window_bounds = array<i64: 256, 128>}, {transform_indices = @transform_9, window_bounds = array<i64: 256, 128>}, {transform_indices = @transform_10, window_bounds = array<i64: 1, 1, 1, 256>}]} {
    %get3A = arith.constant 0 : index
    %get3A_0 = arith.constant 0 : index
    %get3A_1 = arith.constant 0 : index
    %get3A_2 = vector.load %arg2[%get3A, %get3A_0, %get3A_1] : memref<1x768x256xf32, #tpu.memory_space<vmem>>, vector<1x768x256xf32>
    %get3A_3 = vector.shape_cast %get3A_2 : vector<1x768x256xf32> to vector<768x256xf32>
    %get3A_4 = arith.constant 0 : index
    %get3A_5 = arith.constant 0 : index
    %get3A_6 = vector.load %arg3[%get3A_4, %get3A_5] : memref<256x768xf32, #tpu.memory_space<vmem>>, vector<256x768xf32>
    %dot_general3A = arith.constant dense<0.000000e+00> : vector<256x256xf32>
    %dot_general3A_7 = tpu.matmul %get3A_3, %get3A_6, %dot_general3A {dimension_numbers = #tpu.dot_dimension_numbers<[0], [1], [1], [0], [0, 1, 1, 0], [], []>, transpose_lhs_hint = false} : vector<768x256xf32>, vector<256x768xf32>, vector<256x256xf32> -> vector<256x256xf32>
    %slice3A = vector.extract_strided_slice %dot_general3A_7 {offsets = [0, 0], sizes = [256, 128], strides = [1, 1]} : vector<256x256xf32> to vector<256x128xf32>
    %swap3A = arith.constant 0 : index
    %swap3A_8 = arith.constant 0 : index
    %swap3A_9 = vector.load %arg10[%swap3A, %swap3A_8] : memref<256x128xf32, #tpu.memory_space<vmem>>, vector<256x128xf32>
    tpu.vector_store %arg10[%swap3A, %swap3A_8], %slice3A {strides = array<i32>} : memref<256x128xf32, #tpu.memory_space<vmem>>, vector<256x128xf32>,
    %slice3A_10 = vector.extract_strided_slice %dot_general3A_7 {offsets = [0, 128], sizes = [256, 128], strides = [1, 1]} : vector<256x256xf32> to vector<256x128xf32>
    %swap3A_11 = arith.constant 0 : index
    %swap3A_12 = arith.constant 0 : index
    %swap3A_13 = vector.load %arg11[%swap3A_11, %swap3A_12] : memref<256x128xf32, #tpu.memory_space<vmem>>, vector<256x128xf32>
    tpu.vector_store %arg11[%swap3A_11, %swap3A_12], %slice3A_10 {strides = array<i32>} : memref<256x128xf32, #tpu.memory_space<vmem>>, vector<256x128xf32>,
    %reduce_sum3A = arith.constant dense<0.000000e+00> : vector<256xf32>
    %reduce_sum3A_14 = vector.multi_reduction <add>, %dot_general3A_7, %reduce_sum3A [1] : vector<256x256xf32> to vector<256xf32>
    %broadcast_in_dim3A = vector.shape_cast %reduce_sum3A_14 : vector<256xf32> to vector<256x1xf32>
    %mul3A = arith.constant 3.906250e-03 : f32
    %mul3A_15 = vector.broadcast %mul3A : f32 to vector<256x1xf32>
    %mul3A_16 = arith.mulf %broadcast_in_dim3A, %mul3A_15 : vector<256x1xf32>
    %mul3A_17 = arith.mulf %dot_general3A_7, %dot_general3A_7 : vector<256x256xf32>
    %reduce_sum3A_18 = arith.constant dense<0.000000e+00> : vector<256xf32>
    %reduce_sum3A_19 = vector.multi_reduction <add>, %mul3A_17, %reduce_sum3A_18 [1] : vector<256x256xf32> to vector<256xf32>
    %broadcast_in_dim3A_20 = vector.shape_cast %reduce_sum3A_19 : vector<256xf32> to vector<256x1xf32>
    %mul3A_21 = arith.constant 3.906250e-03 : f32
    %mul3A_22 = vector.broadcast %mul3A_21 : f32 to vector<256x1xf32>
    %mul3A_23 = arith.mulf %broadcast_in_dim3A_20, %mul3A_22 : vector<256x1xf32>
    %mul3A_24 = arith.mulf %mul3A_16, %mul3A_16 : vector<256x1xf32>
    %sub3A = arith.subf %mul3A_23, %mul3A_24 : vector<256x1xf32>
    %add3A = arith.constant 9.99999974E-6 : f32
    %add3A_25 = vector.broadcast %add3A : f32 to vector<256x1xf32>
    %add3A_26 = arith.addf %sub3A, %add3A_25 : vector<256x1xf32>
    %sqrt3A = math.sqrt %add3A_26 : vector<256x1xf32>
    %div3A = arith.constant 1.000000e+00 : f32
    %div3A_27 = vector.broadcast %div3A : f32 to vector<256x1xf32>
    %div3A_28 = arith.divf %div3A_27, %sqrt3A : vector<256x1xf32>
    %sub3A_29 = vector.broadcast %mul3A_16 : vector<256x1xf32> to vector<256x256xf32>
    %sub3A_30 = arith.subf %dot_general3A_7, %sub3A_29 : vector<256x256xf32>
    %mul3A_31 = vector.broadcast %div3A_28 : vector<256x1xf32> to vector<256x256xf32>
    %mul3A_32 = arith.mulf %sub3A_30, %mul3A_31 : vector<256x256xf32>
    %get3A_33 = arith.constant 0 : index
    %get3A_34 = arith.constant 0 : index
    %get3A_35 = vector.load %arg4[%get3A_33, %get3A_34] : memref<1x256xf32, #tpu.memory_space<vmem>>, vector<1x256xf32>
    %mul3A_36 = vector.broadcast %get3A_35 : vector<1x256xf32> to vector<256x256xf32>
    %mul3A_37 = arith.mulf %mul3A_32, %mul3A_36 : vector<256x256xf32>
    %get3A_38 = arith.constant 0 : index
    %get3A_39 = arith.constant 0 : index
    %get3A_40 = vector.load %arg5[%get3A_38, %get3A_39] : memref<1x256xf32, #tpu.memory_space<vmem>>, vector<1x256xf32>
    %add3A_41 = vector.broadcast %get3A_40 : vector<1x256xf32> to vector<256x256xf32>
    %add3A_42 = arith.addf %mul3A_37, %add3A_41 : vector<256x256xf32>
    %get3A_43 = arith.constant 0 : index
    %get3A_44 = arith.constant 0 : index
    %get3A_45 = vector.load %arg6[%get3A_43, %get3A_44] : memref<64x256xf32, #tpu.memory_space<vmem>>, vector<64x256xf32>
    %dot_general3A_46 = arith.constant dense<0.000000e+00> : vector<256x64xf32>
    %dot_general3A_47 = tpu.matmul %add3A_42, %get3A_45, %dot_general3A_46 {dimension_numbers = #tpu.dot_dimension_numbers<[1], [1], [0], [0], [0, 0, 1, 0], [], []>, transpose_lhs_hint = false} : vector<256x256xf32>, vector<64x256xf32>, vector<256x64xf32> -> vector<256x64xf32>
    %get3A_48 = arith.constant 0 : index
    %get3A_49 = arith.constant 0 : index
    %get3A_50 = vector.load %arg7[%get3A_48, %get3A_49] : memref<1x64xf32, #tpu.memory_space<vmem>>, vector<1x64xf32>
    %add3A_51 = vector.broadcast %get3A_50 : vector<1x64xf32> to vector<256x64xf32>
    %add3A_52 = arith.addf %dot_general3A_47, %add3A_51 : vector<256x64xf32>
    %logistic3A = arith.negf %add3A_52 : vector<256x64xf32>
    %logistic3A_53 = math.exp %logistic3A : vector<256x64xf32>
    %logistic3A_54 = arith.constant 1.000000e+00 : f32
    %logistic3A_55 = vector.broadcast %logistic3A_54 : f32 to vector<256x64xf32>
    %logistic3A_56 = arith.addf %logistic3A_55, %logistic3A_53 : vector<256x64xf32>
    %logistic3A_57 = arith.divf %logistic3A_55, %logistic3A_56 : vector<256x64xf32>
    %mul3A_58 = arith.mulf %add3A_52, %logistic3A_57 : vector<256x64xf32>
    %convert_element_type3A = arith.truncf %mul3A_58 : vector<256x64xf32> to vector<256x64xbf16>
    %convert_element_type3A_59 = arith.extf %convert_element_type3A : vector<256x64xbf16> to vector<256x64xf32>
    %get3A_60 = arith.constant 0 : index
    %get3A_61 = arith.constant 0 : index
    %get3A_62 = vector.load %arg8[%get3A_60, %get3A_61] : memref<1x64xf32, #tpu.memory_space<vmem>>, vector<1x64xf32>
    %convert_element_type3A_63 = arith.truncf %get3A_62 : vector<1x64xf32> to vector<1x64xbf16>
    %convert_element_type3A_64 = arith.extf %convert_element_type3A_63 : vector<1x64xbf16> to vector<1x64xf32>
    %mul3A_65 = vector.broadcast %convert_element_type3A_64 : vector<1x64xf32> to vector<256x64xf32>
    %mul3A_66 = arith.mulf %convert_element_type3A_59, %mul3A_65 : vector<256x64xf32>
    %reduce_sum3A_67 = arith.constant dense<0.000000e+00> : vector<256xf32>
    %reduce_sum3A_68 = vector.multi_reduction <add>, %mul3A_66, %reduce_sum3A_67 [1] : vector<256x64xf32> to vector<256xf32>
    %get3A_69 = arith.constant 0 : index
    %get3A_70 = arith.constant 0 : index
    %get3A_71 = memref.load %arg9[%get3A_69, %get3A_70] : memref<1x1xf32, #tpu.memory_space<smem>>
    %add3A_72 = vector.broadcast %get3A_71 : f32 to vector<256xf32>
    %add3A_73 = arith.addf %reduce_sum3A_68, %add3A_72 : vector<256xf32>
    %swap3A_74 = arith.constant 0 : index
    %swap3A_75 = arith.constant 0 : index
    %swap3A_76 = arith.constant 0 : index
    %swap3A_77 = arith.constant 0 : index
    %swap3A_78 = vector.load %arg12[%swap3A_74, %swap3A_75, %swap3A_76, %swap3A_77] : memref<1x1x1x256xf32, #tpu.memory_space<vmem>>, vector<1x1x1x256xf32>
    %swap3A_79 = vector.shape_cast %swap3A_78 : vector<1x1x1x256xf32> to vector<256xf32>
    %swap3A_80 = vector.shape_cast %add3A_73 : vector<256xf32> to vector<1x1x1x256xf32>
    tpu.vector_store %arg12[%swap3A_74, %swap3A_75, %swap3A_76, %swap3A_77], %swap3A_80 {strides = array<i32>} : memref<1x1x1x256xf32, #tpu.memory_space<vmem>>, vector<1x1x1x256xf32>,
    return
  }
  func.func @transform_0(%arg0: i32, %arg1: i32) -> (i32, i32, i32) {
    %c0_i32 = arith.constant 0 : i32
    %c0_i32_0 = arith.constant 0 : i32
    return %arg0, %c0_i32, %arg1 : i32, i32, i32
  }
  func.func @transform_1(%arg0: i32, %arg1: i32) -> (i32, i32) {
    %c0_i32 = arith.constant 0 : i32
    %c0_i32_0 = arith.constant 0 : i32
    %c0_i32_1 = arith.constant 0 : i32
    return %c0_i32, %c0_i32_0 : i32, i32
  }
  func.func @transform_2(%arg0: i32, %arg1: i32) -> (i32, i32) {
    %c0_i32 = arith.constant 0 : i32
    %c0_i32_0 = arith.constant 0 : i32
    %c0_i32_1 = arith.constant 0 : i32
    return %c0_i32, %c0_i32_0 : i32, i32
  }
  func.func @transform_3(%arg0: i32, %arg1: i32) -> (i32, i32) {
    %c0_i32 = arith.constant 0 : i32
    %c0_i32_0 = arith.constant 0 : i32
    %c0_i32_1 = arith.constant 0 : i32
    return %c0_i32, %c0_i32_0 : i32, i32
  }
  func.func @transform_4(%arg0: i32, %arg1: i32) -> (i32, i32) {
    %c0_i32 = arith.constant 0 : i32
    %c0_i32_0 = arith.constant 0 : i32
    %c0_i32_1 = arith.constant 0 : i32
    return %c0_i32, %c0_i32_0 : i32, i32
  }
  func.func @transform_5(%arg0: i32, %arg1: i32) -> (i32, i32) {
    %c0_i32 = arith.constant 0 : i32
    %c0_i32_0 = arith.constant 0 : i32
    %c0_i32_1 = arith.constant 0 : i32
    return %c0_i32, %c0_i32_0 : i32, i32
  }
  func.func @transform_6(%arg0: i32, %arg1: i32) -> (i32, i32) {
    %c0_i32 = arith.constant 0 : i32
    %c0_i32_0 = arith.constant 0 : i32
    %c0_i32_1 = arith.constant 0 : i32
    return %c0_i32, %c0_i32_0 : i32, i32
  }
  func.func @transform_7(%arg0: i32, %arg1: i32) -> (i32, i32) {
    %c0_i32 = arith.constant 0 : i32
    %c0_i32_0 = arith.constant 0 : i32
    %c0_i32_1 = arith.constant 0 : i32
    return %c0_i32, %c0_i32_0 : i32, i32
  }
  func.func @transform_8(%arg0: i32, %arg1: i32) -> (i32, i32) {
    %mul3A = arith.constant 1 : i32
    %mul3A_0 = arith.muli %arg0, %mul3A : i32
    %add3A = arith.addi %mul3A_0, %arg1 : i32
    %c0_i32 = arith.constant 0 : i32
    %c0_i32_1 = arith.constant 0 : i32
    return %add3A, %c0_i32 : i32, i32
  }
  func.func @transform_9(%arg0: i32, %arg1: i32) -> (i32, i32) {
    %mul3A = arith.constant 1 : i32
    %mul3A_0 = arith.muli %arg0, %mul3A : i32
    %add3A = arith.addi %mul3A_0, %arg1 : i32
    %c0_i32 = arith.constant 0 : i32
    %c0_i32_1 = arith.constant 0 : i32
    return %add3A, %c0_i32 : i32, i32
  }
  func.func @transform_10(%arg0: i32, %arg1: i32) -> (i32, i32, i32, i32) {
    %c0_i32 = arith.constant 0 : i32
    %c0_i32_0 = arith.constant 0 : i32
    %c0_i32_1 = arith.constant 0 : i32
    return %arg0, %arg1, %c0_i32, %c0_i32_0 : i32, i32, i32, i32
  }
}

module attributes {stable_mosaic.version = 14 : i64} {
  func.func @_select_body(%arg0: memref<8x256xf32, #tpu.memory_space<vmem>>, %arg1: memref<8x128xi32, #tpu.memory_space<vmem>>) attributes {dimension_semantics = [], scalar_prefetch = 0 : i64, scratch_operands = 0 : i64, tpu.core_type = #tpu.core_type<tc>} {
    %get3A = arith.constant 0 : index
    %get3A_0 = arith.constant 0 : index
    %get3A_1 = vector.load %arg0[%get3A, %get3A_0] : memref<8x256xf32, #tpu.memory_space<vmem>>, vector<8x256xf32>
    %bitcast_convert_type3A = tpu.bitcast %get3A_1 : vector<8x256xf32> -> vector<8x256xi32>
    %ge3A = arith.constant -2147483648 : i32
    %ge3A_2 = vector.broadcast %ge3A : i32 to vector<8x256xi32>
    %ge3A_3 = arith.cmpi uge, %bitcast_convert_type3A, %ge3A_2 : vector<8x256xi32>
    %not3A = arith.constant dense<-1> : vector<8x256xi32>
    %not3A_4 = arith.xori %bitcast_convert_type3A, %not3A : vector<8x256xi32>
    %or3A = arith.constant -2147483648 : i32
    %or3A_5 = vector.broadcast %or3A : i32 to vector<8x256xi32>
    %or3A_6 = arith.ori %bitcast_convert_type3A, %or3A_5 : vector<8x256xi32>
    %select_n3A = arith.select %ge3A_3, %not3A_4, %or3A_6 : vector<8x256xi1>, vector<8x256xi32>
    %broadcast_in_dim3A = arith.constant 0 : i32
    %broadcast_in_dim3A_7 = vector.broadcast %broadcast_in_dim3A : i32 to vector<8x1xi32>
    %scan3A = arith.constant 0 : i32
    %scan3A_8 = arith.constant 32 : i32
    %scan3A_9 = arith.addi %scan3A, %scan3A_8 : i32
    %scan3A_10 = arith.constant 1 : i32
    %scan3A_11 = scf.for %scan3A_121 = %scan3A to %scan3A_9 step %scan3A_10 iter_args(%scan3A_122 = %broadcast_in_dim3A_7) -> (vector<8x1xi32>)  : i32 {
      %sub3A_123 = arith.constant 31 : i32
      %sub3A_124 = arith.subi %sub3A_123, %scan3A_121 : i32
      %shift_left3A = arith.constant 1 : i32
      %shift_left3A_125 = arith.shli %shift_left3A, %sub3A_124 : i32
      %or3A_126 = vector.broadcast %shift_left3A_125 : i32 to vector<8x1xi32>
      %or3A_127 = arith.ori %scan3A_122, %or3A_126 : vector<8x1xi32>
      %ge3A_128 = vector.broadcast %or3A_127 : vector<8x1xi32> to vector<8x256xi32>
      %ge3A_129 = arith.cmpi uge, %select_n3A, %ge3A_128 : vector<8x256xi32>
      %convert_element_type3A_130 = arith.extui %ge3A_129 : vector<8x256xi1> to vector<8x256xi32>
      %reduce_sum3A_131 = arith.constant dense<0> : vector<8xi32>
      %reduce_sum3A_132 = vector.multi_reduction <add>, %convert_element_type3A_130, %reduce_sum3A_131 [1] : vector<8x256xi32> to vector<8xi32>
      %broadcast_in_dim3A_133 = vector.shape_cast %reduce_sum3A_132 : vector<8xi32> to vector<8x1xi32>
      %ge3A_134 = arith.constant 128 : i32
      %ge3A_135 = vector.broadcast %ge3A_134 : i32 to vector<8x1xi32>
      %ge3A_136 = arith.cmpi sge, %broadcast_in_dim3A_133, %ge3A_135 : vector<8x1xi32>
      %select_n3A_137 = arith.select %ge3A_136, %or3A_127, %scan3A_122 : vector<8x1xi1>, vector<8x1xi32>
      scf.yield %select_n3A_137 : vector<8x1xi32>
    }
    %scan3A_12 = arith.constant 32 : i32
    %gt3A = vector.broadcast %scan3A_11 : vector<8x1xi32> to vector<8x256xi32>
    %gt3A_13 = arith.cmpi ugt, %select_n3A, %gt3A : vector<8x256xi32>
    %eq3A = vector.broadcast %scan3A_11 : vector<8x1xi32> to vector<8x256xi32>
    %eq3A_14 = arith.cmpi eq, %select_n3A, %eq3A : vector<8x256xi32>
    %convert_element_type3A = arith.extui %gt3A_13 : vector<8x256xi1> to vector<8x256xi32>
    %reduce_sum3A = arith.constant dense<0> : vector<8xi32>
    %reduce_sum3A_15 = vector.multi_reduction <add>, %convert_element_type3A, %reduce_sum3A [1] : vector<8x256xi32> to vector<8xi32>
    %broadcast_in_dim3A_16 = vector.shape_cast %reduce_sum3A_15 : vector<8xi32> to vector<8x1xi32>
    %sub3A = arith.constant 128 : i32
    %sub3A_17 = vector.broadcast %sub3A : i32 to vector<8x1xi32>
    %sub3A_18 = arith.subi %sub3A_17, %broadcast_in_dim3A_16 : vector<8x1xi32>
    %convert_element_type3A_19 = arith.extui %eq3A_14 : vector<8x256xi1> to vector<8x256xi32>
    %broadcast_in_dim3A_20 = arith.constant 0 : i32
    %broadcast_in_dim3A_21 = vector.broadcast %broadcast_in_dim3A_20 : i32 to vector<8x1xi32>
    %slice3A = vector.extract_strided_slice %convert_element_type3A_19 {offsets = [0, 0], sizes = [8, 255], strides = [1, 1]} : vector<8x256xi32> to vector<8x255xi32>
    %concatenate3A = tpu.concatenate %broadcast_in_dim3A_21, %slice3A in 1 : vector<8x1xi32>, vector<8x255xi32> -> vector<8x256xi32>
    %add3A = arith.addi %convert_element_type3A_19, %concatenate3A : vector<8x256xi32>
    %broadcast_in_dim3A_22 = arith.constant 0 : i32
    %broadcast_in_dim3A_23 = vector.broadcast %broadcast_in_dim3A_22 : i32 to vector<8x2xi32>
    %slice3A_24 = vector.extract_strided_slice %add3A {offsets = [0, 0], sizes = [8, 254], strides = [1, 1]} : vector<8x256xi32> to vector<8x254xi32>
    %concatenate3A_25 = tpu.concatenate %broadcast_in_dim3A_23, %slice3A_24 in 1 : vector<8x2xi32>, vector<8x254xi32> -> vector<8x256xi32>
    %add3A_26 = arith.addi %add3A, %concatenate3A_25 : vector<8x256xi32>
    %broadcast_in_dim3A_27 = arith.constant 0 : i32
    %broadcast_in_dim3A_28 = vector.broadcast %broadcast_in_dim3A_27 : i32 to vector<8x4xi32>
    %slice3A_29 = vector.extract_strided_slice %add3A_26 {offsets = [0, 0], sizes = [8, 252], strides = [1, 1]} : vector<8x256xi32> to vector<8x252xi32>
    %concatenate3A_30 = tpu.concatenate %broadcast_in_dim3A_28, %slice3A_29 in 1 : vector<8x4xi32>, vector<8x252xi32> -> vector<8x256xi32>
    %add3A_31 = arith.addi %add3A_26, %concatenate3A_30 : vector<8x256xi32>
    %broadcast_in_dim3A_32 = arith.constant 0 : i32
    %broadcast_in_dim3A_33 = vector.broadcast %broadcast_in_dim3A_32 : i32 to vector<8x8xi32>
    %slice3A_34 = vector.extract_strided_slice %add3A_31 {offsets = [0, 0], sizes = [8, 248], strides = [1, 1]} : vector<8x256xi32> to vector<8x248xi32>
    %concatenate3A_35 = tpu.concatenate %broadcast_in_dim3A_33, %slice3A_34 in 1 : vector<8x8xi32>, vector<8x248xi32> -> vector<8x256xi32>
    %add3A_36 = arith.addi %add3A_31, %concatenate3A_35 : vector<8x256xi32>
    %broadcast_in_dim3A_37 = arith.constant 0 : i32
    %broadcast_in_dim3A_38 = vector.broadcast %broadcast_in_dim3A_37 : i32 to vector<8x16xi32>
    %slice3A_39 = vector.extract_strided_slice %add3A_36 {offsets = [0, 0], sizes = [8, 240], strides = [1, 1]} : vector<8x256xi32> to vector<8x240xi32>
    %concatenate3A_40 = tpu.concatenate %broadcast_in_dim3A_38, %slice3A_39 in 1 : vector<8x16xi32>, vector<8x240xi32> -> vector<8x256xi32>
    %add3A_41 = arith.addi %add3A_36, %concatenate3A_40 : vector<8x256xi32>
    %broadcast_in_dim3A_42 = arith.constant 0 : i32
    %broadcast_in_dim3A_43 = vector.broadcast %broadcast_in_dim3A_42 : i32 to vector<8x32xi32>
    %slice3A_44 = vector.extract_strided_slice %add3A_41 {offsets = [0, 0], sizes = [8, 224], strides = [1, 1]} : vector<8x256xi32> to vector<8x224xi32>
    %concatenate3A_45 = tpu.concatenate %broadcast_in_dim3A_43, %slice3A_44 in 1 : vector<8x32xi32>, vector<8x224xi32> -> vector<8x256xi32>
    %add3A_46 = arith.addi %add3A_41, %concatenate3A_45 : vector<8x256xi32>
    %broadcast_in_dim3A_47 = arith.constant 0 : i32
    %broadcast_in_dim3A_48 = vector.broadcast %broadcast_in_dim3A_47 : i32 to vector<8x64xi32>
    %slice3A_49 = vector.extract_strided_slice %add3A_46 {offsets = [0, 0], sizes = [8, 192], strides = [1, 1]} : vector<8x256xi32> to vector<8x192xi32>
    %concatenate3A_50 = tpu.concatenate %broadcast_in_dim3A_48, %slice3A_49 in 1 : vector<8x64xi32>, vector<8x192xi32> -> vector<8x256xi32>
    %add3A_51 = arith.addi %add3A_46, %concatenate3A_50 : vector<8x256xi32>
    %broadcast_in_dim3A_52 = arith.constant 0 : i32
    %broadcast_in_dim3A_53 = vector.broadcast %broadcast_in_dim3A_52 : i32 to vector<8x128xi32>
    %slice3A_54 = vector.extract_strided_slice %add3A_51 {offsets = [0, 0], sizes = [8, 128], strides = [1, 1]} : vector<8x256xi32> to vector<8x128xi32>
    %concatenate3A_55 = tpu.concatenate %broadcast_in_dim3A_53, %slice3A_54 in 1 : vector<8x128xi32>, vector<8x128xi32> -> vector<8x256xi32>
    %add3A_56 = arith.addi %add3A_51, %concatenate3A_55 : vector<8x256xi32>
    %convert_element_type3A_57 = arith.extui %eq3A_14 : vector<8x256xi1> to vector<8x256xi32>
    %sub3A_58 = arith.subi %add3A_56, %convert_element_type3A_57 : vector<8x256xi32>
    %lt3A = vector.broadcast %sub3A_18 : vector<8x1xi32> to vector<8x256xi32>
    %lt3A_59 = arith.cmpi slt, %sub3A_58, %lt3A : vector<8x256xi32>
    %and3A = arith.andi %eq3A_14, %lt3A_59 : vector<8x256xi1>
    %or3A_60 = arith.ori %gt3A_13, %and3A : vector<8x256xi1>
    %convert_element_type3A_61 = arith.extui %or3A_60 : vector<8x256xi1> to vector<8x256xi32>
    %convert_element_type3A_62 = arith.sitofp %convert_element_type3A_61 : vector<8x256xi32> to vector<8x256xf32>
    %broadcast_in_dim3A_63 = arith.constant 0.000000e+00 : f32
    %broadcast_in_dim3A_64 = vector.broadcast %broadcast_in_dim3A_63 : f32 to vector<8x1xf32>
    %slice3A_65 = vector.extract_strided_slice %convert_element_type3A_62 {offsets = [0, 0], sizes = [8, 255], strides = [1, 1]} : vector<8x256xf32> to vector<8x255xf32>
    %concatenate3A_66 = tpu.concatenate %broadcast_in_dim3A_64, %slice3A_65 in 1 : vector<8x1xf32>, vector<8x255xf32> -> vector<8x256xf32>
    %add3A_67 = arith.addf %convert_element_type3A_62, %concatenate3A_66 : vector<8x256xf32>
    %broadcast_in_dim3A_68 = arith.constant 0.000000e+00 : f32
    %broadcast_in_dim3A_69 = vector.broadcast %broadcast_in_dim3A_68 : f32 to vector<8x2xf32>
    %slice3A_70 = vector.extract_strided_slice %add3A_67 {offsets = [0, 0], sizes = [8, 254], strides = [1, 1]} : vector<8x256xf32> to vector<8x254xf32>
    %concatenate3A_71 = tpu.concatenate %broadcast_in_dim3A_69, %slice3A_70 in 1 : vector<8x2xf32>, vector<8x254xf32> -> vector<8x256xf32>
    %add3A_72 = arith.addf %add3A_67, %concatenate3A_71 : vector<8x256xf32>
    %broadcast_in_dim3A_73 = arith.constant 0.000000e+00 : f32
    %broadcast_in_dim3A_74 = vector.broadcast %broadcast_in_dim3A_73 : f32 to vector<8x4xf32>
    %slice3A_75 = vector.extract_strided_slice %add3A_72 {offsets = [0, 0], sizes = [8, 252], strides = [1, 1]} : vector<8x256xf32> to vector<8x252xf32>
    %concatenate3A_76 = tpu.concatenate %broadcast_in_dim3A_74, %slice3A_75 in 1 : vector<8x4xf32>, vector<8x252xf32> -> vector<8x256xf32>
    %add3A_77 = arith.addf %add3A_72, %concatenate3A_76 : vector<8x256xf32>
    %broadcast_in_dim3A_78 = arith.constant 0.000000e+00 : f32
    %broadcast_in_dim3A_79 = vector.broadcast %broadcast_in_dim3A_78 : f32 to vector<8x8xf32>
    %slice3A_80 = vector.extract_strided_slice %add3A_77 {offsets = [0, 0], sizes = [8, 248], strides = [1, 1]} : vector<8x256xf32> to vector<8x248xf32>
    %concatenate3A_81 = tpu.concatenate %broadcast_in_dim3A_79, %slice3A_80 in 1 : vector<8x8xf32>, vector<8x248xf32> -> vector<8x256xf32>
    %add3A_82 = arith.addf %add3A_77, %concatenate3A_81 : vector<8x256xf32>
    %broadcast_in_dim3A_83 = arith.constant 0.000000e+00 : f32
    %broadcast_in_dim3A_84 = vector.broadcast %broadcast_in_dim3A_83 : f32 to vector<8x16xf32>
    %slice3A_85 = vector.extract_strided_slice %add3A_82 {offsets = [0, 0], sizes = [8, 240], strides = [1, 1]} : vector<8x256xf32> to vector<8x240xf32>
    %concatenate3A_86 = tpu.concatenate %broadcast_in_dim3A_84, %slice3A_85 in 1 : vector<8x16xf32>, vector<8x240xf32> -> vector<8x256xf32>
    %add3A_87 = arith.addf %add3A_82, %concatenate3A_86 : vector<8x256xf32>
    %broadcast_in_dim3A_88 = arith.constant 0.000000e+00 : f32
    %broadcast_in_dim3A_89 = vector.broadcast %broadcast_in_dim3A_88 : f32 to vector<8x32xf32>
    %slice3A_90 = vector.extract_strided_slice %add3A_87 {offsets = [0, 0], sizes = [8, 224], strides = [1, 1]} : vector<8x256xf32> to vector<8x224xf32>
    %concatenate3A_91 = tpu.concatenate %broadcast_in_dim3A_89, %slice3A_90 in 1 : vector<8x32xf32>, vector<8x224xf32> -> vector<8x256xf32>
    %add3A_92 = arith.addf %add3A_87, %concatenate3A_91 : vector<8x256xf32>
    %broadcast_in_dim3A_93 = arith.constant 0.000000e+00 : f32
    %broadcast_in_dim3A_94 = vector.broadcast %broadcast_in_dim3A_93 : f32 to vector<8x64xf32>
    %slice3A_95 = vector.extract_strided_slice %add3A_92 {offsets = [0, 0], sizes = [8, 192], strides = [1, 1]} : vector<8x256xf32> to vector<8x192xf32>
    %concatenate3A_96 = tpu.concatenate %broadcast_in_dim3A_94, %slice3A_95 in 1 : vector<8x64xf32>, vector<8x192xf32> -> vector<8x256xf32>
    %add3A_97 = arith.addf %add3A_92, %concatenate3A_96 : vector<8x256xf32>
    %broadcast_in_dim3A_98 = arith.constant 0.000000e+00 : f32
    %broadcast_in_dim3A_99 = vector.broadcast %broadcast_in_dim3A_98 : f32 to vector<8x128xf32>
    %slice3A_100 = vector.extract_strided_slice %add3A_97 {offsets = [0, 0], sizes = [8, 128], strides = [1, 1]} : vector<8x256xf32> to vector<8x128xf32>
    %concatenate3A_101 = tpu.concatenate %broadcast_in_dim3A_99, %slice3A_100 in 1 : vector<8x128xf32>, vector<8x128xf32> -> vector<8x256xf32>
    %add3A_102 = arith.addf %add3A_97, %concatenate3A_101 : vector<8x256xf32>
    %iota3A = tpu.iota {dimensions = array<i32: 2>} : vector<1x1x128xi32>
    %convert_element_type3A_103 = arith.sitofp %iota3A : vector<1x1x128xi32> to vector<1x1x128xf32>
    %broadcast_in_dim3A_104 = arith.constant 0.000000e+00 : f32
    %broadcast_in_dim3A_105 = vector.broadcast %broadcast_in_dim3A_104 : f32 to vector<8x128xf32>
    %broadcast_in_dim3A_106 = vector.shape_cast %add3A_102 : vector<8x256xf32> to vector<8x256x1xf32>
    %le3A = vector.broadcast %broadcast_in_dim3A_106 : vector<8x256x1xf32> to vector<8x256x128xf32>
    %le3A_107 = vector.broadcast %convert_element_type3A_103 : vector<1x1x128xf32> to vector<8x256x128xf32>
    %le3A_108 = arith.cmpf ole, %le3A, %le3A_107 : vector<8x256x128xf32>
    %convert_element_type3A_109 = arith.extui %le3A_108 : vector<8x256x128xi1> to vector<8x256x128xi32>
    %convert_element_type3A_110 = arith.sitofp %convert_element_type3A_109 : vector<8x256x128xi32> to vector<8x256x128xf32>
    %reduce_sum3A_111 = arith.constant dense<0.000000e+00> : vector<8x128xf32>
    %reduce_sum3A_112 = vector.multi_reduction <add>, %convert_element_type3A_110, %reduce_sum3A_111 [1] : vector<8x256x128xf32> to vector<8x128xf32>
    %add3A_113 = arith.addf %broadcast_in_dim3A_105, %reduce_sum3A_112 : vector<8x128xf32>
    %convert_element_type3A_114 = arith.fptosi %add3A_113 : vector<8x128xf32> to vector<8x128xi32>
    %iota3A_115 = tpu.iota {dimensions = array<i32: 0>} : vector<8x128xi32>
    %mul3A = arith.constant 256 : i32
    %mul3A_116 = vector.broadcast %mul3A : i32 to vector<8x128xi32>
    %mul3A_117 = arith.muli %mul3A_116, %iota3A_115 : vector<8x128xi32>
    %add3A_118 = arith.addi %convert_element_type3A_114, %mul3A_117 : vector<8x128xi32>
    %swap3A = arith.constant 0 : index
    %swap3A_119 = arith.constant 0 : index
    %swap3A_120 = vector.load %arg1[%swap3A, %swap3A_119] : memref<8x128xi32, #tpu.memory_space<vmem>>, vector<8x128xi32>
    tpu.vector_store %arg1[%swap3A, %swap3A_119], %add3A_118 {strides = array<i32>} : memref<8x128xi32, #tpu.memory_space<vmem>>, vector<8x128xi32>,
    return
  }
}

module attributes {stable_mosaic.version = 14 : i64} {
  func.func @_coarse_body(%arg0: i32, %arg1: memref<384x128xf32, #tpu.memory_space<vmem>>, %arg2: memref<384x128xf32, #tpu.memory_space<vmem>>, %arg3: memref<256x256xf32, #tpu.memory_space<vmem>>, %arg4: memref<1x256xf32, #tpu.memory_space<vmem>>, %arg5: memref<256x256xf32, #tpu.memory_space<vmem>>, %arg6: memref<1x256xf32, #tpu.memory_space<vmem>>, %arg7: memref<256x256xf32, #tpu.memory_space<vmem>>, %arg8: memref<1x256xf32, #tpu.memory_space<vmem>>, %arg9: memref<256x256xf32, #tpu.memory_space<vmem>>, %arg10: memref<1x256xf32, #tpu.memory_space<vmem>>, %arg11: memref<1x256xf32, #tpu.memory_space<vmem>>, %arg12: memref<1x256xf32, #tpu.memory_space<vmem>>, %arg13: memref<1024x256xf32, #tpu.memory_space<vmem>>, %arg14: memref<1x1024xf32, #tpu.memory_space<vmem>>, %arg15: memref<256x1024xf32, #tpu.memory_space<vmem>>, %arg16: memref<1x256xf32, #tpu.memory_space<vmem>>, %arg17: memref<1x384x256xf32, #tpu.memory_space<vmem>>) attributes {dimension_semantics = [#tpu.dimension_semantics<arbitrary>], iteration_bounds = array<i64: 8>, scalar_prefetch = 0 : i64, scratch_operands = 0 : i64, tpu.core_type = #tpu.core_type<tc>, window_params = [{transform_indices = @transform_0, window_bounds = array<i64: 384, 128>}, {transform_indices = @transform_1, window_bounds = array<i64: 384, 128>}, {pipeline_mode = #tpu.pipeline_mode<synchronous>, transform_indices = @transform_2, window_bounds = array<i64: 256, 256>}, {pipeline_mode = #tpu.pipeline_mode<synchronous>, transform_indices = @transform_3, window_bounds = array<i64: 1, 256>}, {pipeline_mode = #tpu.pipeline_mode<synchronous>, transform_indices = @transform_4, window_bounds = array<i64: 256, 256>}, {pipeline_mode = #tpu.pipeline_mode<synchronous>, transform_indices = @transform_5, window_bounds = array<i64: 1, 256>}, {pipeline_mode = #tpu.pipeline_mode<synchronous>, transform_indices = @transform_6, window_bounds = array<i64: 256, 256>}, {pipeline_mode = #tpu.pipeline_mode<synchronous>, transform_indices = @transform_7, window_bounds = array<i64: 1, 256>}, {pipeline_mode = #tpu.pipeline_mode<synchronous>, transform_indices = @transform_8, window_bounds = array<i64: 256, 256>}, {pipeline_mode = #tpu.pipeline_mode<synchronous>, transform_indices = @transform_9, window_bounds = array<i64: 1, 256>}, {pipeline_mode = #tpu.pipeline_mode<synchronous>, transform_indices = @transform_10, window_bounds = array<i64: 1, 256>}, {pipeline_mode = #tpu.pipeline_mode<synchronous>, transform_indices = @transform_11, window_bounds = array<i64: 1, 256>}, {pipeline_mode = #tpu.pipeline_mode<synchronous>, transform_indices = @transform_12, window_bounds = array<i64: 1024, 256>}, {pipeline_mode = #tpu.pipeline_mode<synchronous>, transform_indices = @transform_13, window_bounds = array<i64: 1, 1024>}, {pipeline_mode = #tpu.pipeline_mode<synchronous>, transform_indices = @transform_14, window_bounds = array<i64: 256, 1024>}, {pipeline_mode = #tpu.pipeline_mode<synchronous>, transform_indices = @transform_15, window_bounds = array<i64: 1, 256>}, {transform_indices = @transform_16, window_bounds = array<i64: 1, 384, 256>}]} {
    %get3A = arith.constant 0 : index
    %get3A_0 = arith.constant 0 : index
    %get3A_1 = vector.load %arg1[%get3A, %get3A_0] : memref<384x128xf32, #tpu.memory_space<vmem>>, vector<384x128xf32>
    %get3A_2 = arith.constant 0 : index
    %get3A_3 = arith.constant 0 : index
    %get3A_4 = vector.load %arg2[%get3A_2, %get3A_3] : memref<384x128xf32, #tpu.memory_space<vmem>>, vector<384x128xf32>
    %concatenate3A = tpu.concatenate %get3A_1, %get3A_4 in 1 : vector<384x128xf32>, vector<384x128xf32> -> vector<384x256xf32>
    %get3A_5 = arith.constant 0 : index
    %get3A_6 = arith.constant 0 : index
    %get3A_7 = vector.load %arg3[%get3A_5, %get3A_6] : memref<256x256xf32, #tpu.memory_space<vmem>>, vector<256x256xf32>
    %dot_general3A = arith.constant dense<0.000000e+00> : vector<384x256xf32>
    %dot_general3A_8 = tpu.matmul %concatenate3A, %get3A_7, %dot_general3A {dimension_numbers = #tpu.dot_dimension_numbers<[1], [1], [0], [0], [0, 0, 1, 0], [], []>, transpose_lhs_hint = false} : vector<384x256xf32>, vector<256x256xf32>, vector<384x256xf32> -> vector<384x256xf32>
    %get3A_9 = arith.constant 0 : index
    %get3A_10 = arith.constant 0 : index
    %get3A_11 = vector.load %arg4[%get3A_9, %get3A_10] : memref<1x256xf32, #tpu.memory_space<vmem>>, vector<1x256xf32>
    %add3A = vector.broadcast %get3A_11 : vector<1x256xf32> to vector<384x256xf32>
    %add3A_12 = arith.addf %dot_general3A_8, %add3A : vector<384x256xf32>
    %get3A_13 = arith.constant 0 : index
    %get3A_14 = arith.constant 0 : index
    %get3A_15 = vector.load %arg5[%get3A_13, %get3A_14] : memref<256x256xf32, #tpu.memory_space<vmem>>, vector<256x256xf32>
    %dot_general3A_16 = arith.constant dense<0.000000e+00> : vector<384x256xf32>
    %dot_general3A_17 = tpu.matmul %concatenate3A, %get3A_15, %dot_general3A_16 {dimension_numbers = #tpu.dot_dimension_numbers<[1], [1], [0], [0], [0, 0, 1, 0], [], []>, transpose_lhs_hint = false} : vector<384x256xf32>, vector<256x256xf32>, vector<384x256xf32> -> vector<384x256xf32>
    %get3A_18 = arith.constant 0 : index
    %get3A_19 = arith.constant 0 : index
    %get3A_20 = vector.load %arg6[%get3A_18, %get3A_19] : memref<1x256xf32, #tpu.memory_space<vmem>>, vector<1x256xf32>
    %add3A_21 = vector.broadcast %get3A_20 : vector<1x256xf32> to vector<384x256xf32>
    %add3A_22 = arith.addf %dot_general3A_17, %add3A_21 : vector<384x256xf32>
    %get3A_23 = arith.constant 0 : index
    %get3A_24 = arith.constant 0 : index
    %get3A_25 = vector.load %arg7[%get3A_23, %get3A_24] : memref<256x256xf32, #tpu.memory_space<vmem>>, vector<256x256xf32>
    %dot_general3A_26 = arith.constant dense<0.000000e+00> : vector<384x256xf32>
    %dot_general3A_27 = tpu.matmul %concatenate3A, %get3A_25, %dot_general3A_26 {dimension_numbers = #tpu.dot_dimension_numbers<[1], [1], [0], [0], [0, 0, 1, 0], [], []>, transpose_lhs_hint = false} : vector<384x256xf32>, vector<256x256xf32>, vector<384x256xf32> -> vector<384x256xf32>
    %get3A_28 = arith.constant 0 : index
    %get3A_29 = arith.constant 0 : index
    %get3A_30 = vector.load %arg8[%get3A_28, %get3A_29] : memref<1x256xf32, #tpu.memory_space<vmem>>, vector<1x256xf32>
    %add3A_31 = vector.broadcast %get3A_30 : vector<1x256xf32> to vector<384x256xf32>
    %add3A_32 = arith.addf %dot_general3A_27, %add3A_31 : vector<384x256xf32>
    %slice3A = vector.extract_strided_slice %add3A_12 {offsets = [0, 0], sizes = [384, 32], strides = [1, 1]} : vector<384x256xf32> to vector<384x32xf32>
    %slice3A_33 = vector.extract_strided_slice %add3A_22 {offsets = [0, 0], sizes = [384, 32], strides = [1, 1]} : vector<384x256xf32> to vector<384x32xf32>
    %slice3A_34 = vector.extract_strided_slice %add3A_32 {offsets = [0, 0], sizes = [384, 32], strides = [1, 1]} : vector<384x256xf32> to vector<384x32xf32>
    %dot_general3A_35 = arith.constant dense<0.000000e+00> : vector<384x384xf32>
    %dot_general3A_36 = tpu.matmul %slice3A, %slice3A_33, %dot_general3A_35 {dimension_numbers = #tpu.dot_dimension_numbers<[1], [1], [0], [0], [0, 0, 1, 0], [], []>, transpose_lhs_hint = false} : vector<384x32xf32>, vector<384x32xf32>, vector<384x384xf32> -> vector<384x384xf32>
    %mul3A = arith.constant 0.176776692 : f32
    %mul3A_37 = vector.broadcast %mul3A : f32 to vector<384x384xf32>
    %mul3A_38 = arith.mulf %dot_general3A_36, %mul3A_37 : vector<384x384xf32>
    %exp3A = math.exp %mul3A_38 : vector<384x384xf32>
    %reduce_sum3A = arith.constant dense<0.000000e+00> : vector<384xf32>
    %reduce_sum3A_39 = vector.multi_reduction <add>, %exp3A, %reduce_sum3A [1] : vector<384x384xf32> to vector<384xf32>
    %broadcast_in_dim3A = vector.shape_cast %reduce_sum3A_39 : vector<384xf32> to vector<384x1xf32>
    %div3A = arith.constant 1.000000e+00 : f32
    %div3A_40 = vector.broadcast %div3A : f32 to vector<384x1xf32>
    %div3A_41 = arith.divf %div3A_40, %broadcast_in_dim3A : vector<384x1xf32>
    %dot_general3A_42 = arith.constant dense<0.000000e+00> : vector<384x32xf32>
    %dot_general3A_43 = tpu.matmul %exp3A, %slice3A_34, %dot_general3A_42 {dimension_numbers = #tpu.dot_dimension_numbers<[1], [0], [0], [1], [0, 0, 1, 1], [], []>, transpose_lhs_hint = false} : vector<384x384xf32>, vector<384x32xf32>, vector<384x32xf32> -> vector<384x32xf32>
    %mul3A_44 = vector.broadcast %div3A_41 : vector<384x1xf32> to vector<384x32xf32>
    %mul3A_45 = arith.mulf %dot_general3A_43, %mul3A_44 : vector<384x32xf32>
    %slice3A_46 = vector.extract_strided_slice %add3A_12 {offsets = [0, 32], sizes = [384, 32], strides = [1, 1]} : vector<384x256xf32> to vector<384x32xf32>
    %slice3A_47 = vector.extract_strided_slice %add3A_22 {offsets = [0, 32], sizes = [384, 32], strides = [1, 1]} : vector<384x256xf32> to vector<384x32xf32>
    %slice3A_48 = vector.extract_strided_slice %add3A_32 {offsets = [0, 32], sizes = [384, 32], strides = [1, 1]} : vector<384x256xf32> to vector<384x32xf32>
    %dot_general3A_49 = arith.constant dense<0.000000e+00> : vector<384x384xf32>
    %dot_general3A_50 = tpu.matmul %slice3A_46, %slice3A_47, %dot_general3A_49 {dimension_numbers = #tpu.dot_dimension_numbers<[1], [1], [0], [0], [0, 0, 1, 0], [], []>, transpose_lhs_hint = false} : vector<384x32xf32>, vector<384x32xf32>, vector<384x384xf32> -> vector<384x384xf32>
    %mul3A_51 = arith.constant 0.176776692 : f32
    %mul3A_52 = vector.broadcast %mul3A_51 : f32 to vector<384x384xf32>
    %mul3A_53 = arith.mulf %dot_general3A_50, %mul3A_52 : vector<384x384xf32>
    %exp3A_54 = math.exp %mul3A_53 : vector<384x384xf32>
    %reduce_sum3A_55 = arith.constant dense<0.000000e+00> : vector<384xf32>
    %reduce_sum3A_56 = vector.multi_reduction <add>, %exp3A_54, %reduce_sum3A_55 [1] : vector<384x384xf32> to vector<384xf32>
    %broadcast_in_dim3A_57 = vector.shape_cast %reduce_sum3A_56 : vector<384xf32> to vector<384x1xf32>
    %div3A_58 = arith.constant 1.000000e+00 : f32
    %div3A_59 = vector.broadcast %div3A_58 : f32 to vector<384x1xf32>
    %div3A_60 = arith.divf %div3A_59, %broadcast_in_dim3A_57 : vector<384x1xf32>
    %dot_general3A_61 = arith.constant dense<0.000000e+00> : vector<384x32xf32>
    %dot_general3A_62 = tpu.matmul %exp3A_54, %slice3A_48, %dot_general3A_61 {dimension_numbers = #tpu.dot_dimension_numbers<[1], [0], [0], [1], [0, 0, 1, 1], [], []>, transpose_lhs_hint = false} : vector<384x384xf32>, vector<384x32xf32>, vector<384x32xf32> -> vector<384x32xf32>
    %mul3A_63 = vector.broadcast %div3A_60 : vector<384x1xf32> to vector<384x32xf32>
    %mul3A_64 = arith.mulf %dot_general3A_62, %mul3A_63 : vector<384x32xf32>
    %slice3A_65 = vector.extract_strided_slice %add3A_12 {offsets = [0, 64], sizes = [384, 32], strides = [1, 1]} : vector<384x256xf32> to vector<384x32xf32>
    %slice3A_66 = vector.extract_strided_slice %add3A_22 {offsets = [0, 64], sizes = [384, 32], strides = [1, 1]} : vector<384x256xf32> to vector<384x32xf32>
    %slice3A_67 = vector.extract_strided_slice %add3A_32 {offsets = [0, 64], sizes = [384, 32], strides = [1, 1]} : vector<384x256xf32> to vector<384x32xf32>
    %dot_general3A_68 = arith.constant dense<0.000000e+00> : vector<384x384xf32>
    %dot_general3A_69 = tpu.matmul %slice3A_65, %slice3A_66, %dot_general3A_68 {dimension_numbers = #tpu.dot_dimension_numbers<[1], [1], [0], [0], [0, 0, 1, 0], [], []>, transpose_lhs_hint = false} : vector<384x32xf32>, vector<384x32xf32>, vector<384x384xf32> -> vector<384x384xf32>
    %mul3A_70 = arith.constant 0.176776692 : f32
    %mul3A_71 = vector.broadcast %mul3A_70 : f32 to vector<384x384xf32>
    %mul3A_72 = arith.mulf %dot_general3A_69, %mul3A_71 : vector<384x384xf32>
    %exp3A_73 = math.exp %mul3A_72 : vector<384x384xf32>
    %reduce_sum3A_74 = arith.constant dense<0.000000e+00> : vector<384xf32>
    %reduce_sum3A_75 = vector.multi_reduction <add>, %exp3A_73, %reduce_sum3A_74 [1] : vector<384x384xf32> to vector<384xf32>
    %broadcast_in_dim3A_76 = vector.shape_cast %reduce_sum3A_75 : vector<384xf32> to vector<384x1xf32>
    %div3A_77 = arith.constant 1.000000e+00 : f32
    %div3A_78 = vector.broadcast %div3A_77 : f32 to vector<384x1xf32>
    %div3A_79 = arith.divf %div3A_78, %broadcast_in_dim3A_76 : vector<384x1xf32>
    %dot_general3A_80 = arith.constant dense<0.000000e+00> : vector<384x32xf32>
    %dot_general3A_81 = tpu.matmul %exp3A_73, %slice3A_67, %dot_general3A_80 {dimension_numbers = #tpu.dot_dimension_numbers<[1], [0], [0], [1], [0, 0, 1, 1], [], []>, transpose_lhs_hint = false} : vector<384x384xf32>, vector<384x32xf32>, vector<384x32xf32> -> vector<384x32xf32>
    %mul3A_82 = vector.broadcast %div3A_79 : vector<384x1xf32> to vector<384x32xf32>
    %mul3A_83 = arith.mulf %dot_general3A_81, %mul3A_82 : vector<384x32xf32>
    %slice3A_84 = vector.extract_strided_slice %add3A_12 {offsets = [0, 96], sizes = [384, 32], strides = [1, 1]} : vector<384x256xf32> to vector<384x32xf32>
    %slice3A_85 = vector.extract_strided_slice %add3A_22 {offsets = [0, 96], sizes = [384, 32], strides = [1, 1]} : vector<384x256xf32> to vector<384x32xf32>
    %slice3A_86 = vector.extract_strided_slice %add3A_32 {offsets = [0, 96], sizes = [384, 32], strides = [1, 1]} : vector<384x256xf32> to vector<384x32xf32>
    %dot_general3A_87 = arith.constant dense<0.000000e+00> : vector<384x384xf32>
    %dot_general3A_88 = tpu.matmul %slice3A_84, %slice3A_85, %dot_general3A_87 {dimension_numbers = #tpu.dot_dimension_numbers<[1], [1], [0], [0], [0, 0, 1, 0], [], []>, transpose_lhs_hint = false} : vector<384x32xf32>, vector<384x32xf32>, vector<384x384xf32> -> vector<384x384xf32>
    %mul3A_89 = arith.constant 0.176776692 : f32
    %mul3A_90 = vector.broadcast %mul3A_89 : f32 to vector<384x384xf32>
    %mul3A_91 = arith.mulf %dot_general3A_88, %mul3A_90 : vector<384x384xf32>
    %exp3A_92 = math.exp %mul3A_91 : vector<384x384xf32>
    %reduce_sum3A_93 = arith.constant dense<0.000000e+00> : vector<384xf32>
    %reduce_sum3A_94 = vector.multi_reduction <add>, %exp3A_92, %reduce_sum3A_93 [1] : vector<384x384xf32> to vector<384xf32>
    %broadcast_in_dim3A_95 = vector.shape_cast %reduce_sum3A_94 : vector<384xf32> to vector<384x1xf32>
    %div3A_96 = arith.constant 1.000000e+00 : f32
    %div3A_97 = vector.broadcast %div3A_96 : f32 to vector<384x1xf32>
    %div3A_98 = arith.divf %div3A_97, %broadcast_in_dim3A_95 : vector<384x1xf32>
    %dot_general3A_99 = arith.constant dense<0.000000e+00> : vector<384x32xf32>
    %dot_general3A_100 = tpu.matmul %exp3A_92, %slice3A_86, %dot_general3A_99 {dimension_numbers = #tpu.dot_dimension_numbers<[1], [0], [0], [1], [0, 0, 1, 1], [], []>, transpose_lhs_hint = false} : vector<384x384xf32>, vector<384x32xf32>, vector<384x32xf32> -> vector<384x32xf32>
    %mul3A_101 = vector.broadcast %div3A_98 : vector<384x1xf32> to vector<384x32xf32>
    %mul3A_102 = arith.mulf %dot_general3A_100, %mul3A_101 : vector<384x32xf32>
    %slice3A_103 = vector.extract_strided_slice %add3A_12 {offsets = [0, 128], sizes = [384, 32], strides = [1, 1]} : vector<384x256xf32> to vector<384x32xf32>
    %slice3A_104 = vector.extract_strided_slice %add3A_22 {offsets = [0, 128], sizes = [384, 32], strides = [1, 1]} : vector<384x256xf32> to vector<384x32xf32>
    %slice3A_105 = vector.extract_strided_slice %add3A_32 {offsets = [0, 128], sizes = [384, 32], strides = [1, 1]} : vector<384x256xf32> to vector<384x32xf32>
    %dot_general3A_106 = arith.constant dense<0.000000e+00> : vector<384x384xf32>
    %dot_general3A_107 = tpu.matmul %slice3A_103, %slice3A_104, %dot_general3A_106 {dimension_numbers = #tpu.dot_dimension_numbers<[1], [1], [0], [0], [0, 0, 1, 0], [], []>, transpose_lhs_hint = false} : vector<384x32xf32>, vector<384x32xf32>, vector<384x384xf32> -> vector<384x384xf32>
    %mul3A_108 = arith.constant 0.176776692 : f32
    %mul3A_109 = vector.broadcast %mul3A_108 : f32 to vector<384x384xf32>
    %mul3A_110 = arith.mulf %dot_general3A_107, %mul3A_109 : vector<384x384xf32>
    %exp3A_111 = math.exp %mul3A_110 : vector<384x384xf32>
    %reduce_sum3A_112 = arith.constant dense<0.000000e+00> : vector<384xf32>
    %reduce_sum3A_113 = vector.multi_reduction <add>, %exp3A_111, %reduce_sum3A_112 [1] : vector<384x384xf32> to vector<384xf32>
    %broadcast_in_dim3A_114 = vector.shape_cast %reduce_sum3A_113 : vector<384xf32> to vector<384x1xf32>
    %div3A_115 = arith.constant 1.000000e+00 : f32
    %div3A_116 = vector.broadcast %div3A_115 : f32 to vector<384x1xf32>
    %div3A_117 = arith.divf %div3A_116, %broadcast_in_dim3A_114 : vector<384x1xf32>
    %dot_general3A_118 = arith.constant dense<0.000000e+00> : vector<384x32xf32>
    %dot_general3A_119 = tpu.matmul %exp3A_111, %slice3A_105, %dot_general3A_118 {dimension_numbers = #tpu.dot_dimension_numbers<[1], [0], [0], [1], [0, 0, 1, 1], [], []>, transpose_lhs_hint = false} : vector<384x384xf32>, vector<384x32xf32>, vector<384x32xf32> -> vector<384x32xf32>
    %mul3A_120 = vector.broadcast %div3A_117 : vector<384x1xf32> to vector<384x32xf32>
    %mul3A_121 = arith.mulf %dot_general3A_119, %mul3A_120 : vector<384x32xf32>
    %slice3A_122 = vector.extract_strided_slice %add3A_12 {offsets = [0, 160], sizes = [384, 32], strides = [1, 1]} : vector<384x256xf32> to vector<384x32xf32>
    %slice3A_123 = vector.extract_strided_slice %add3A_22 {offsets = [0, 160], sizes = [384, 32], strides = [1, 1]} : vector<384x256xf32> to vector<384x32xf32>
    %slice3A_124 = vector.extract_strided_slice %add3A_32 {offsets = [0, 160], sizes = [384, 32], strides = [1, 1]} : vector<384x256xf32> to vector<384x32xf32>
    %dot_general3A_125 = arith.constant dense<0.000000e+00> : vector<384x384xf32>
    %dot_general3A_126 = tpu.matmul %slice3A_122, %slice3A_123, %dot_general3A_125 {dimension_numbers = #tpu.dot_dimension_numbers<[1], [1], [0], [0], [0, 0, 1, 0], [], []>, transpose_lhs_hint = false} : vector<384x32xf32>, vector<384x32xf32>, vector<384x384xf32> -> vector<384x384xf32>
    %mul3A_127 = arith.constant 0.176776692 : f32
    %mul3A_128 = vector.broadcast %mul3A_127 : f32 to vector<384x384xf32>
    %mul3A_129 = arith.mulf %dot_general3A_126, %mul3A_128 : vector<384x384xf32>
    %exp3A_130 = math.exp %mul3A_129 : vector<384x384xf32>
    %reduce_sum3A_131 = arith.constant dense<0.000000e+00> : vector<384xf32>
    %reduce_sum3A_132 = vector.multi_reduction <add>, %exp3A_130, %reduce_sum3A_131 [1] : vector<384x384xf32> to vector<384xf32>
    %broadcast_in_dim3A_133 = vector.shape_cast %reduce_sum3A_132 : vector<384xf32> to vector<384x1xf32>
    %div3A_134 = arith.constant 1.000000e+00 : f32
    %div3A_135 = vector.broadcast %div3A_134 : f32 to vector<384x1xf32>
    %div3A_136 = arith.divf %div3A_135, %broadcast_in_dim3A_133 : vector<384x1xf32>
    %dot_general3A_137 = arith.constant dense<0.000000e+00> : vector<384x32xf32>
    %dot_general3A_138 = tpu.matmul %exp3A_130, %slice3A_124, %dot_general3A_137 {dimension_numbers = #tpu.dot_dimension_numbers<[1], [0], [0], [1], [0, 0, 1, 1], [], []>, transpose_lhs_hint = false} : vector<384x384xf32>, vector<384x32xf32>, vector<384x32xf32> -> vector<384x32xf32>
    %mul3A_139 = vector.broadcast %div3A_136 : vector<384x1xf32> to vector<384x32xf32>
    %mul3A_140 = arith.mulf %dot_general3A_138, %mul3A_139 : vector<384x32xf32>
    %slice3A_141 = vector.extract_strided_slice %add3A_12 {offsets = [0, 192], sizes = [384, 32], strides = [1, 1]} : vector<384x256xf32> to vector<384x32xf32>
    %slice3A_142 = vector.extract_strided_slice %add3A_22 {offsets = [0, 192], sizes = [384, 32], strides = [1, 1]} : vector<384x256xf32> to vector<384x32xf32>
    %slice3A_143 = vector.extract_strided_slice %add3A_32 {offsets = [0, 192], sizes = [384, 32], strides = [1, 1]} : vector<384x256xf32> to vector<384x32xf32>
    %dot_general3A_144 = arith.constant dense<0.000000e+00> : vector<384x384xf32>
    %dot_general3A_145 = tpu.matmul %slice3A_141, %slice3A_142, %dot_general3A_144 {dimension_numbers = #tpu.dot_dimension_numbers<[1], [1], [0], [0], [0, 0, 1, 0], [], []>, transpose_lhs_hint = false} : vector<384x32xf32>, vector<384x32xf32>, vector<384x384xf32> -> vector<384x384xf32>
    %mul3A_146 = arith.constant 0.176776692 : f32
    %mul3A_147 = vector.broadcast %mul3A_146 : f32 to vector<384x384xf32>
    %mul3A_148 = arith.mulf %dot_general3A_145, %mul3A_147 : vector<384x384xf32>
    %exp3A_149 = math.exp %mul3A_148 : vector<384x384xf32>
    %reduce_sum3A_150 = arith.constant dense<0.000000e+00> : vector<384xf32>
    %reduce_sum3A_151 = vector.multi_reduction <add>, %exp3A_149, %reduce_sum3A_150 [1] : vector<384x384xf32> to vector<384xf32>
    %broadcast_in_dim3A_152 = vector.shape_cast %reduce_sum3A_151 : vector<384xf32> to vector<384x1xf32>
    %div3A_153 = arith.constant 1.000000e+00 : f32
    %div3A_154 = vector.broadcast %div3A_153 : f32 to vector<384x1xf32>
    %div3A_155 = arith.divf %div3A_154, %broadcast_in_dim3A_152 : vector<384x1xf32>
    %dot_general3A_156 = arith.constant dense<0.000000e+00> : vector<384x32xf32>
    %dot_general3A_157 = tpu.matmul %exp3A_149, %slice3A_143, %dot_general3A_156 {dimension_numbers = #tpu.dot_dimension_numbers<[1], [0], [0], [1], [0, 0, 1, 1], [], []>, transpose_lhs_hint = false} : vector<384x384xf32>, vector<384x32xf32>, vector<384x32xf32> -> vector<384x32xf32>
    %mul3A_158 = vector.broadcast %div3A_155 : vector<384x1xf32> to vector<384x32xf32>
    %mul3A_159 = arith.mulf %dot_general3A_157, %mul3A_158 : vector<384x32xf32>
    %slice3A_160 = vector.extract_strided_slice %add3A_12 {offsets = [0, 224], sizes = [384, 32], strides = [1, 1]} : vector<384x256xf32> to vector<384x32xf32>
    %slice3A_161 = vector.extract_strided_slice %add3A_22 {offsets = [0, 224], sizes = [384, 32], strides = [1, 1]} : vector<384x256xf32> to vector<384x32xf32>
    %slice3A_162 = vector.extract_strided_slice %add3A_32 {offsets = [0, 224], sizes = [384, 32], strides = [1, 1]} : vector<384x256xf32> to vector<384x32xf32>
    %dot_general3A_163 = arith.constant dense<0.000000e+00> : vector<384x384xf32>
    %dot_general3A_164 = tpu.matmul %slice3A_160, %slice3A_161, %dot_general3A_163 {dimension_numbers = #tpu.dot_dimension_numbers<[1], [1], [0], [0], [0, 0, 1, 0], [], []>, transpose_lhs_hint = false} : vector<384x32xf32>, vector<384x32xf32>, vector<384x384xf32> -> vector<384x384xf32>
    %mul3A_165 = arith.constant 0.176776692 : f32
    %mul3A_166 = vector.broadcast %mul3A_165 : f32 to vector<384x384xf32>
    %mul3A_167 = arith.mulf %dot_general3A_164, %mul3A_166 : vector<384x384xf32>
    %exp3A_168 = math.exp %mul3A_167 : vector<384x384xf32>
    %reduce_sum3A_169 = arith.constant dense<0.000000e+00> : vector<384xf32>
    %reduce_sum3A_170 = vector.multi_reduction <add>, %exp3A_168, %reduce_sum3A_169 [1] : vector<384x384xf32> to vector<384xf32>
    %broadcast_in_dim3A_171 = vector.shape_cast %reduce_sum3A_170 : vector<384xf32> to vector<384x1xf32>
    %div3A_172 = arith.constant 1.000000e+00 : f32
    %div3A_173 = vector.broadcast %div3A_172 : f32 to vector<384x1xf32>
    %div3A_174 = arith.divf %div3A_173, %broadcast_in_dim3A_171 : vector<384x1xf32>
    %dot_general3A_175 = arith.constant dense<0.000000e+00> : vector<384x32xf32>
    %dot_general3A_176 = tpu.matmul %exp3A_168, %slice3A_162, %dot_general3A_175 {dimension_numbers = #tpu.dot_dimension_numbers<[1], [0], [0], [1], [0, 0, 1, 1], [], []>, transpose_lhs_hint = false} : vector<384x384xf32>, vector<384x32xf32>, vector<384x32xf32> -> vector<384x32xf32>
    %mul3A_177 = vector.broadcast %div3A_174 : vector<384x1xf32> to vector<384x32xf32>
    %mul3A_178 = arith.mulf %dot_general3A_176, %mul3A_177 : vector<384x32xf32>
    %concatenate3A_179 = tpu.concatenate %mul3A_45, %mul3A_64, %mul3A_83, %mul3A_102, %mul3A_121, %mul3A_140, %mul3A_159, %mul3A_178 in 1 : vector<384x32xf32>, vector<384x32xf32>, vector<384x32xf32>, vector<384x32xf32>, vector<384x32xf32>, vector<384x32xf32>, vector<384x32xf32>, vector<384x32xf32> -> vector<384x256xf32>
    %get3A_180 = arith.constant 0 : index
    %get3A_181 = arith.constant 0 : index
    %get3A_182 = vector.load %arg9[%get3A_180, %get3A_181] : memref<256x256xf32, #tpu.memory_space<vmem>>, vector<256x256xf32>
    %dot_general3A_183 = arith.constant dense<0.000000e+00> : vector<384x256xf32>
    %dot_general3A_184 = tpu.matmul %concatenate3A_179, %get3A_182, %dot_general3A_183 {dimension_numbers = #tpu.dot_dimension_numbers<[1], [1], [0], [0], [0, 0, 1, 0], [], []>, transpose_lhs_hint = false} : vector<384x256xf32>, vector<256x256xf32>, vector<384x256xf32> -> vector<384x256xf32>
    %get3A_185 = arith.constant 0 : index
    %get3A_186 = arith.constant 0 : index
    %get3A_187 = vector.load %arg10[%get3A_185, %get3A_186] : memref<1x256xf32, #tpu.memory_space<vmem>>, vector<1x256xf32>
    %add3A_188 = vector.broadcast %get3A_187 : vector<1x256xf32> to vector<384x256xf32>
    %add3A_189 = arith.addf %dot_general3A_184, %add3A_188 : vector<384x256xf32>
    %get3A_190 = arith.constant 0 : index
    %get3A_191 = arith.constant 0 : index
    %get3A_192 = vector.load %arg11[%get3A_190, %get3A_191] : memref<1x256xf32, #tpu.memory_space<vmem>>, vector<1x256xf32>
    %get3A_193 = arith.constant 0 : index
    %get3A_194 = arith.constant 0 : index
    %get3A_195 = vector.load %arg12[%get3A_193, %get3A_194] : memref<1x256xf32, #tpu.memory_space<vmem>>, vector<1x256xf32>
    %reduce_sum3A_196 = arith.constant dense<0.000000e+00> : vector<384xf32>
    %reduce_sum3A_197 = vector.multi_reduction <add>, %add3A_189, %reduce_sum3A_196 [1] : vector<384x256xf32> to vector<384xf32>
    %broadcast_in_dim3A_198 = vector.shape_cast %reduce_sum3A_197 : vector<384xf32> to vector<384x1xf32>
    %div3A_199 = arith.constant 2.560000e+02 : f32
    %div3A_200 = vector.broadcast %div3A_199 : f32 to vector<384x1xf32>
    %div3A_201 = arith.divf %broadcast_in_dim3A_198, %div3A_200 : vector<384x1xf32>
    %sub3A = vector.broadcast %div3A_201 : vector<384x1xf32> to vector<384x256xf32>
    %sub3A_202 = arith.subf %add3A_189, %sub3A : vector<384x256xf32>
    %integer_pow3A = arith.mulf %sub3A_202, %sub3A_202 : vector<384x256xf32>
    %reduce_sum3A_203 = arith.constant dense<0.000000e+00> : vector<384xf32>
    %reduce_sum3A_204 = vector.multi_reduction <add>, %integer_pow3A, %reduce_sum3A_203 [1] : vector<384x256xf32> to vector<384xf32>
    %broadcast_in_dim3A_205 = vector.shape_cast %reduce_sum3A_204 : vector<384xf32> to vector<384x1xf32>
    %div3A_206 = arith.constant 2.560000e+02 : f32
    %div3A_207 = vector.broadcast %div3A_206 : f32 to vector<384x1xf32>
    %div3A_208 = arith.divf %broadcast_in_dim3A_205, %div3A_207 : vector<384x1xf32>
    %sub3A_209 = vector.broadcast %div3A_201 : vector<384x1xf32> to vector<384x256xf32>
    %sub3A_210 = arith.subf %add3A_189, %sub3A_209 : vector<384x256xf32>
    %add3A_211 = arith.constant 9.99999974E-6 : f32
    %add3A_212 = vector.broadcast %add3A_211 : f32 to vector<384x1xf32>
    %add3A_213 = arith.addf %div3A_208, %add3A_212 : vector<384x1xf32>
    %sqrt3A = math.sqrt %add3A_213 : vector<384x1xf32>
    %div3A_214 = vector.broadcast %sqrt3A : vector<384x1xf32> to vector<384x256xf32>
    %div3A_215 = arith.divf %sub3A_210, %div3A_214 : vector<384x256xf32>
    %mul3A_216 = vector.broadcast %get3A_192 : vector<1x256xf32> to vector<384x256xf32>
    %mul3A_217 = arith.mulf %div3A_215, %mul3A_216 : vector<384x256xf32>
    %add3A_218 = vector.broadcast %get3A_195 : vector<1x256xf32> to vector<384x256xf32>
    %add3A_219 = arith.addf %mul3A_217, %add3A_218 : vector<384x256xf32>
    %get3A_220 = arith.constant 0 : index
    %get3A_221 = arith.constant 0 : index
    %get3A_222 = vector.load %arg13[%get3A_220, %get3A_221] : memref<1024x256xf32, #tpu.memory_space<vmem>>, vector<1024x256xf32>
    %dot_general3A_223 = arith.constant dense<0.000000e+00> : vector<384x1024xf32>
    %dot_general3A_224 = tpu.matmul %add3A_219, %get3A_222, %dot_general3A_223 {dimension_numbers = #tpu.dot_dimension_numbers<[1], [1], [0], [0], [0, 0, 1, 0], [], []>, transpose_lhs_hint = false} : vector<384x256xf32>, vector<1024x256xf32>, vector<384x1024xf32> -> vector<384x1024xf32>
    %get3A_225 = arith.constant 0 : index
    %get3A_226 = arith.constant 0 : index
    %get3A_227 = vector.load %arg14[%get3A_225, %get3A_226] : memref<1x1024xf32, #tpu.memory_space<vmem>>, vector<1x1024xf32>
    %add3A_228 = vector.broadcast %get3A_227 : vector<1x1024xf32> to vector<384x1024xf32>
    %add3A_229 = arith.addf %dot_general3A_224, %add3A_228 : vector<384x1024xf32>
    %logistic3A = arith.negf %add3A_229 : vector<384x1024xf32>
    %logistic3A_230 = math.exp %logistic3A : vector<384x1024xf32>
    %logistic3A_231 = arith.constant 1.000000e+00 : f32
    %logistic3A_232 = vector.broadcast %logistic3A_231 : f32 to vector<384x1024xf32>
    %logistic3A_233 = arith.addf %logistic3A_232, %logistic3A_230 : vector<384x1024xf32>
    %logistic3A_234 = arith.divf %logistic3A_232, %logistic3A_233 : vector<384x1024xf32>
    %mul3A_235 = arith.mulf %add3A_229, %logistic3A_234 : vector<384x1024xf32>
    %get3A_236 = arith.constant 0 : index
    %get3A_237 = arith.constant 0 : index
    %get3A_238 = vector.load %arg15[%get3A_236, %get3A_237] : memref<256x1024xf32, #tpu.memory_space<vmem>>, vector<256x1024xf32>
    %dot_general3A_239 = arith.constant dense<0.000000e+00> : vector<384x256xf32>
    %dot_general3A_240 = tpu.matmul %mul3A_235, %get3A_238, %dot_general3A_239 {dimension_numbers = #tpu.dot_dimension_numbers<[1], [1], [0], [0], [0, 0, 1, 0], [], []>, transpose_lhs_hint = false} : vector<384x1024xf32>, vector<256x1024xf32>, vector<384x256xf32> -> vector<384x256xf32>
    %get3A_241 = arith.constant 0 : index
    %get3A_242 = arith.constant 0 : index
    %get3A_243 = vector.load %arg16[%get3A_241, %get3A_242] : memref<1x256xf32, #tpu.memory_space<vmem>>, vector<1x256xf32>
    %add3A_244 = vector.broadcast %get3A_243 : vector<1x256xf32> to vector<384x256xf32>
    %add3A_245 = arith.addf %dot_general3A_240, %add3A_244 : vector<384x256xf32>
    %add3A_246 = arith.addf %add3A_245, %add3A_189 : vector<384x256xf32>
    %swap3A = arith.constant 0 : index
    %swap3A_247 = arith.constant 0 : index
    %swap3A_248 = arith.constant 0 : index
    %swap3A_249 = vector.load %arg17[%swap3A, %swap3A_247, %swap3A_248] : memref<1x384x256xf32, #tpu.memory_space<vmem>>, vector<1x384x256xf32>
    %swap3A_250 = vector.shape_cast %swap3A_249 : vector<1x384x256xf32> to vector<384x256xf32>
    %swap3A_251 = vector.shape_cast %add3A_246 : vector<384x256xf32> to vector<1x384x256xf32>
    tpu.vector_store %arg17[%swap3A, %swap3A_247, %swap3A_248], %swap3A_251 {strides = array<i32>} : memref<1x384x256xf32, #tpu.memory_space<vmem>>, vector<1x384x256xf32>,
    return
  }
  func.func @transform_0(%arg0: i32) -> (i32, i32) {
    %c0_i32 = arith.constant 0 : i32
    %c0_i32_0 = arith.constant 0 : i32
    return %arg0, %c0_i32 : i32, i32
  }
  func.func @transform_1(%arg0: i32) -> (i32, i32) {
    %c0_i32 = arith.constant 0 : i32
    %c0_i32_0 = arith.constant 0 : i32
    return %arg0, %c0_i32 : i32, i32
  }
  func.func @transform_2(%arg0: i32) -> (i32, i32) {
    %c0_i32 = arith.constant 0 : i32
    %c0_i32_0 = arith.constant 0 : i32
    %c0_i32_1 = arith.constant 0 : i32
    return %c0_i32, %c0_i32_0 : i32, i32
  }
  func.func @transform_3(%arg0: i32) -> (i32, i32) {
    %c0_i32 = arith.constant 0 : i32
    %c0_i32_0 = arith.constant 0 : i32
    %c0_i32_1 = arith.constant 0 : i32
    return %c0_i32, %c0_i32_0 : i32, i32
  }
  func.func @transform_4(%arg0: i32) -> (i32, i32) {
    %c0_i32 = arith.constant 0 : i32
    %c0_i32_0 = arith.constant 0 : i32
    %c0_i32_1 = arith.constant 0 : i32
    return %c0_i32, %c0_i32_0 : i32, i32
  }
  func.func @transform_5(%arg0: i32) -> (i32, i32) {
    %c0_i32 = arith.constant 0 : i32
    %c0_i32_0 = arith.constant 0 : i32
    %c0_i32_1 = arith.constant 0 : i32
    return %c0_i32, %c0_i32_0 : i32, i32
  }
  func.func @transform_6(%arg0: i32) -> (i32, i32) {
    %c0_i32 = arith.constant 0 : i32
    %c0_i32_0 = arith.constant 0 : i32
    %c0_i32_1 = arith.constant 0 : i32
    return %c0_i32, %c0_i32_0 : i32, i32
  }
  func.func @transform_7(%arg0: i32) -> (i32, i32) {
    %c0_i32 = arith.constant 0 : i32
    %c0_i32_0 = arith.constant 0 : i32
    %c0_i32_1 = arith.constant 0 : i32
    return %c0_i32, %c0_i32_0 : i32, i32
  }
  func.func @transform_8(%arg0: i32) -> (i32, i32) {
    %c0_i32 = arith.constant 0 : i32
    %c0_i32_0 = arith.constant 0 : i32
    %c0_i32_1 = arith.constant 0 : i32
    return %c0_i32, %c0_i32_0 : i32, i32
  }
  func.func @transform_9(%arg0: i32) -> (i32, i32) {
    %c0_i32 = arith.constant 0 : i32
    %c0_i32_0 = arith.constant 0 : i32
    %c0_i32_1 = arith.constant 0 : i32
    return %c0_i32, %c0_i32_0 : i32, i32
  }
  func.func @transform_10(%arg0: i32) -> (i32, i32) {
    %c0_i32 = arith.constant 0 : i32
    %c0_i32_0 = arith.constant 0 : i32
    %c0_i32_1 = arith.constant 0 : i32
    return %c0_i32, %c0_i32_0 : i32, i32
  }
  func.func @transform_11(%arg0: i32) -> (i32, i32) {
    %c0_i32 = arith.constant 0 : i32
    %c0_i32_0 = arith.constant 0 : i32
    %c0_i32_1 = arith.constant 0 : i32
    return %c0_i32, %c0_i32_0 : i32, i32
  }
  func.func @transform_12(%arg0: i32) -> (i32, i32) {
    %c0_i32 = arith.constant 0 : i32
    %c0_i32_0 = arith.constant 0 : i32
    %c0_i32_1 = arith.constant 0 : i32
    return %c0_i32, %c0_i32_0 : i32, i32
  }
  func.func @transform_13(%arg0: i32) -> (i32, i32) {
    %c0_i32 = arith.constant 0 : i32
    %c0_i32_0 = arith.constant 0 : i32
    %c0_i32_1 = arith.constant 0 : i32
    return %c0_i32, %c0_i32_0 : i32, i32
  }
  func.func @transform_14(%arg0: i32) -> (i32, i32) {
    %c0_i32 = arith.constant 0 : i32
    %c0_i32_0 = arith.constant 0 : i32
    %c0_i32_1 = arith.constant 0 : i32
    return %c0_i32, %c0_i32_0 : i32, i32
  }
  func.func @transform_15(%arg0: i32) -> (i32, i32) {
    %c0_i32 = arith.constant 0 : i32
    %c0_i32_0 = arith.constant 0 : i32
    %c0_i32_1 = arith.constant 0 : i32
    return %c0_i32, %c0_i32_0 : i32, i32
  }
  func.func @transform_16(%arg0: i32) -> (i32, i32, i32) {
    %c0_i32 = arith.constant 0 : i32
    %c0_i32_0 = arith.constant 0 : i32
    %c0_i32_1 = arith.constant 0 : i32
    return %arg0, %c0_i32, %c0_i32_0 : i32, i32, i32
  }
}

module attributes {stable_mosaic.version = 14 : i64} {
  func.func @_cross_body(%arg0: i32, %arg1: memref<512x128xf32, #tpu.memory_space<vmem>>, %arg2: memref<512x128xf32, #tpu.memory_space<vmem>>, %arg3: memref<1x384x256xf32, #tpu.memory_space<vmem>>, %arg4: memref<256x256xf32, #tpu.memory_space<vmem>>, %arg5: memref<1x256xf32, #tpu.memory_space<vmem>>, %arg6: memref<256x256xf32, #tpu.memory_space<vmem>>, %arg7: memref<1x256xf32, #tpu.memory_space<vmem>>, %arg8: memref<256x256xf32, #tpu.memory_space<vmem>>, %arg9: memref<1x256xf32, #tpu.memory_space<vmem>>, %arg10: memref<256x256xf32, #tpu.memory_space<vmem>>, %arg11: memref<1x256xf32, #tpu.memory_space<vmem>>, %arg12: memref<1x256xf32, #tpu.memory_space<vmem>>, %arg13: memref<1x256xf32, #tpu.memory_space<vmem>>, %arg14: memref<1024x256xf32, #tpu.memory_space<vmem>>, %arg15: memref<1x1024xf32, #tpu.memory_space<vmem>>, %arg16: memref<256x1024xf32, #tpu.memory_space<vmem>>, %arg17: memref<1x256xf32, #tpu.memory_space<vmem>>, %arg18: memref<512x128xf32, #tpu.memory_space<vmem>>, %arg19: memref<512x128xf32, #tpu.memory_space<vmem>>) attributes {dimension_semantics = [#tpu.dimension_semantics<arbitrary>], iteration_bounds = array<i64: 8>, scalar_prefetch = 0 : i64, scratch_operands = 0 : i64, tpu.core_type = #tpu.core_type<tc>, window_params = [{transform_indices = @transform_0, window_bounds = array<i64: 512, 128>}, {transform_indices = @transform_1, window_bounds = array<i64: 512, 128>}, {transform_indices = @transform_2, window_bounds = array<i64: 1, 384, 256>}, {pipeline_mode = #tpu.pipeline_mode<synchronous>, transform_indices = @transform_3, window_bounds = array<i64: 256, 256>}, {pipeline_mode = #tpu.pipeline_mode<synchronous>, transform_indices = @transform_4, window_bounds = array<i64: 1, 256>}, {pipeline_mode = #tpu.pipeline_mode<synchronous>, transform_indices = @transform_5, window_bounds = array<i64: 256, 256>}, {pipeline_mode = #tpu.pipeline_mode<synchronous>, transform_indices = @transform_6, window_bounds = array<i64: 1, 256>}, {pipeline_mode = #tpu.pipeline_mode<synchronous>, transform_indices = @transform_7, window_bounds = array<i64: 256, 256>}, {pipeline_mode = #tpu.pipeline_mode<synchronous>, transform_indices = @transform_8, window_bounds = array<i64: 1, 256>}, {pipeline_mode = #tpu.pipeline_mode<synchronous>, transform_indices = @transform_9, window_bounds = array<i64: 256, 256>}, {pipeline_mode = #tpu.pipeline_mode<synchronous>, transform_indices = @transform_10, window_bounds = array<i64: 1, 256>}, {pipeline_mode = #tpu.pipeline_mode<synchronous>, transform_indices = @transform_11, window_bounds = array<i64: 1, 256>}, {pipeline_mode = #tpu.pipeline_mode<synchronous>, transform_indices = @transform_12, window_bounds = array<i64: 1, 256>}, {pipeline_mode = #tpu.pipeline_mode<synchronous>, transform_indices = @transform_13, window_bounds = array<i64: 1024, 256>}, {pipeline_mode = #tpu.pipeline_mode<synchronous>, transform_indices = @transform_14, window_bounds = array<i64: 1, 1024>}, {pipeline_mode = #tpu.pipeline_mode<synchronous>, transform_indices = @transform_15, window_bounds = array<i64: 256, 1024>}, {pipeline_mode = #tpu.pipeline_mode<synchronous>, transform_indices = @transform_16, window_bounds = array<i64: 1, 256>}, {transform_indices = @transform_17, window_bounds = array<i64: 512, 128>}, {transform_indices = @transform_18, window_bounds = array<i64: 512, 128>}]} {
    %get3A = arith.constant 0 : index
    %get3A_0 = arith.constant 0 : index
    %get3A_1 = vector.load %arg1[%get3A, %get3A_0] : memref<512x128xf32, #tpu.memory_space<vmem>>, vector<512x128xf32>
    %get3A_2 = arith.constant 0 : index
    %get3A_3 = arith.constant 0 : index
    %get3A_4 = vector.load %arg2[%get3A_2, %get3A_3] : memref<512x128xf32, #tpu.memory_space<vmem>>, vector<512x128xf32>
    %concatenate3A = tpu.concatenate %get3A_1, %get3A_4 in 1 : vector<512x128xf32>, vector<512x128xf32> -> vector<512x256xf32>
    %get3A_5 = arith.constant 0 : index
    %get3A_6 = arith.constant 0 : index
    %get3A_7 = arith.constant 0 : index
    %get3A_8 = vector.load %arg3[%get3A_5, %get3A_6, %get3A_7] : memref<1x384x256xf32, #tpu.memory_space<vmem>>, vector<1x384x256xf32>
    %get3A_9 = vector.shape_cast %get3A_8 : vector<1x384x256xf32> to vector<384x256xf32>
    %get3A_10 = arith.constant 0 : index
    %get3A_11 = arith.constant 0 : index
    %get3A_12 = vector.load %arg4[%get3A_10, %get3A_11] : memref<256x256xf32, #tpu.memory_space<vmem>>, vector<256x256xf32>
    %dot_general3A = arith.constant dense<0.000000e+00> : vector<512x256xf32>
    %dot_general3A_13 = tpu.matmul %concatenate3A, %get3A_12, %dot_general3A {dimension_numbers = #tpu.dot_dimension_numbers<[1], [1], [0], [0], [0, 0, 1, 0], [], []>, transpose_lhs_hint = false} : vector<512x256xf32>, vector<256x256xf32>, vector<512x256xf32> -> vector<512x256xf32>
    %get3A_14 = arith.constant 0 : index
    %get3A_15 = arith.constant 0 : index
    %get3A_16 = vector.load %arg5[%get3A_14, %get3A_15] : memref<1x256xf32, #tpu.memory_space<vmem>>, vector<1x256xf32>
    %add3A = vector.broadcast %get3A_16 : vector<1x256xf32> to vector<512x256xf32>
    %add3A_17 = arith.addf %dot_general3A_13, %add3A : vector<512x256xf32>
    %get3A_18 = arith.constant 0 : index
    %get3A_19 = arith.constant 0 : index
    %get3A_20 = vector.load %arg6[%get3A_18, %get3A_19] : memref<256x256xf32, #tpu.memory_space<vmem>>, vector<256x256xf32>
    %dot_general3A_21 = arith.constant dense<0.000000e+00> : vector<384x256xf32>
    %dot_general3A_22 = tpu.matmul %get3A_9, %get3A_20, %dot_general3A_21 {dimension_numbers = #tpu.dot_dimension_numbers<[1], [1], [0], [0], [0, 0, 1, 0], [], []>, transpose_lhs_hint = false} : vector<384x256xf32>, vector<256x256xf32>, vector<384x256xf32> -> vector<384x256xf32>
    %get3A_23 = arith.constant 0 : index
    %get3A_24 = arith.constant 0 : index
    %get3A_25 = vector.load %arg7[%get3A_23, %get3A_24] : memref<1x256xf32, #tpu.memory_space<vmem>>, vector<1x256xf32>
    %add3A_26 = vector.broadcast %get3A_25 : vector<1x256xf32> to vector<384x256xf32>
    %add3A_27 = arith.addf %dot_general3A_22, %add3A_26 : vector<384x256xf32>
    %get3A_28 = arith.constant 0 : index
    %get3A_29 = arith.constant 0 : index
    %get3A_30 = vector.load %arg8[%get3A_28, %get3A_29] : memref<256x256xf32, #tpu.memory_space<vmem>>, vector<256x256xf32>
    %dot_general3A_31 = arith.constant dense<0.000000e+00> : vector<384x256xf32>
    %dot_general3A_32 = tpu.matmul %get3A_9, %get3A_30, %dot_general3A_31 {dimension_numbers = #tpu.dot_dimension_numbers<[1], [1], [0], [0], [0, 0, 1, 0], [], []>, transpose_lhs_hint = false} : vector<384x256xf32>, vector<256x256xf32>, vector<384x256xf32> -> vector<384x256xf32>
    %get3A_33 = arith.constant 0 : index
    %get3A_34 = arith.constant 0 : index
    %get3A_35 = vector.load %arg9[%get3A_33, %get3A_34] : memref<1x256xf32, #tpu.memory_space<vmem>>, vector<1x256xf32>
    %add3A_36 = vector.broadcast %get3A_35 : vector<1x256xf32> to vector<384x256xf32>
    %add3A_37 = arith.addf %dot_general3A_32, %add3A_36 : vector<384x256xf32>
    %slice3A = vector.extract_strided_slice %add3A_17 {offsets = [0, 0], sizes = [512, 32], strides = [1, 1]} : vector<512x256xf32> to vector<512x32xf32>
    %slice3A_38 = vector.extract_strided_slice %add3A_27 {offsets = [0, 0], sizes = [384, 32], strides = [1, 1]} : vector<384x256xf32> to vector<384x32xf32>
    %slice3A_39 = vector.extract_strided_slice %add3A_37 {offsets = [0, 0], sizes = [384, 32], strides = [1, 1]} : vector<384x256xf32> to vector<384x32xf32>
    %dot_general3A_40 = arith.constant dense<0.000000e+00> : vector<512x384xf32>
    %dot_general3A_41 = tpu.matmul %slice3A, %slice3A_38, %dot_general3A_40 {dimension_numbers = #tpu.dot_dimension_numbers<[1], [1], [0], [0], [0, 0, 1, 0], [], []>, transpose_lhs_hint = false} : vector<512x32xf32>, vector<384x32xf32>, vector<512x384xf32> -> vector<512x384xf32>
    %mul3A = arith.constant 0.176776692 : f32
    %mul3A_42 = vector.broadcast %mul3A : f32 to vector<512x384xf32>
    %mul3A_43 = arith.mulf %dot_general3A_41, %mul3A_42 : vector<512x384xf32>
    %exp3A = math.exp %mul3A_43 : vector<512x384xf32>
    %reduce_sum3A = arith.constant dense<0.000000e+00> : vector<512xf32>
    %reduce_sum3A_44 = vector.multi_reduction <add>, %exp3A, %reduce_sum3A [1] : vector<512x384xf32> to vector<512xf32>
    %broadcast_in_dim3A = vector.shape_cast %reduce_sum3A_44 : vector<512xf32> to vector<512x1xf32>
    %div3A = arith.constant 1.000000e+00 : f32
    %div3A_45 = vector.broadcast %div3A : f32 to vector<512x1xf32>
    %div3A_46 = arith.divf %div3A_45, %broadcast_in_dim3A : vector<512x1xf32>
    %dot_general3A_47 = arith.constant dense<0.000000e+00> : vector<512x32xf32>
    %dot_general3A_48 = tpu.matmul %exp3A, %slice3A_39, %dot_general3A_47 {dimension_numbers = #tpu.dot_dimension_numbers<[1], [0], [0], [1], [0, 0, 1, 1], [], []>, transpose_lhs_hint = false} : vector<512x384xf32>, vector<384x32xf32>, vector<512x32xf32> -> vector<512x32xf32>
    %mul3A_49 = vector.broadcast %div3A_46 : vector<512x1xf32> to vector<512x32xf32>
    %mul3A_50 = arith.mulf %dot_general3A_48, %mul3A_49 : vector<512x32xf32>
    %slice3A_51 = vector.extract_strided_slice %add3A_17 {offsets = [0, 32], sizes = [512, 32], strides = [1, 1]} : vector<512x256xf32> to vector<512x32xf32>
    %slice3A_52 = vector.extract_strided_slice %add3A_27 {offsets = [0, 32], sizes = [384, 32], strides = [1, 1]} : vector<384x256xf32> to vector<384x32xf32>
    %slice3A_53 = vector.extract_strided_slice %add3A_37 {offsets = [0, 32], sizes = [384, 32], strides = [1, 1]} : vector<384x256xf32> to vector<384x32xf32>
    %dot_general3A_54 = arith.constant dense<0.000000e+00> : vector<512x384xf32>
    %dot_general3A_55 = tpu.matmul %slice3A_51, %slice3A_52, %dot_general3A_54 {dimension_numbers = #tpu.dot_dimension_numbers<[1], [1], [0], [0], [0, 0, 1, 0], [], []>, transpose_lhs_hint = false} : vector<512x32xf32>, vector<384x32xf32>, vector<512x384xf32> -> vector<512x384xf32>
    %mul3A_56 = arith.constant 0.176776692 : f32
    %mul3A_57 = vector.broadcast %mul3A_56 : f32 to vector<512x384xf32>
    %mul3A_58 = arith.mulf %dot_general3A_55, %mul3A_57 : vector<512x384xf32>
    %exp3A_59 = math.exp %mul3A_58 : vector<512x384xf32>
    %reduce_sum3A_60 = arith.constant dense<0.000000e+00> : vector<512xf32>
    %reduce_sum3A_61 = vector.multi_reduction <add>, %exp3A_59, %reduce_sum3A_60 [1] : vector<512x384xf32> to vector<512xf32>
    %broadcast_in_dim3A_62 = vector.shape_cast %reduce_sum3A_61 : vector<512xf32> to vector<512x1xf32>
    %div3A_63 = arith.constant 1.000000e+00 : f32
    %div3A_64 = vector.broadcast %div3A_63 : f32 to vector<512x1xf32>
    %div3A_65 = arith.divf %div3A_64, %broadcast_in_dim3A_62 : vector<512x1xf32>
    %dot_general3A_66 = arith.constant dense<0.000000e+00> : vector<512x32xf32>
    %dot_general3A_67 = tpu.matmul %exp3A_59, %slice3A_53, %dot_general3A_66 {dimension_numbers = #tpu.dot_dimension_numbers<[1], [0], [0], [1], [0, 0, 1, 1], [], []>, transpose_lhs_hint = false} : vector<512x384xf32>, vector<384x32xf32>, vector<512x32xf32> -> vector<512x32xf32>
    %mul3A_68 = vector.broadcast %div3A_65 : vector<512x1xf32> to vector<512x32xf32>
    %mul3A_69 = arith.mulf %dot_general3A_67, %mul3A_68 : vector<512x32xf32>
    %slice3A_70 = vector.extract_strided_slice %add3A_17 {offsets = [0, 64], sizes = [512, 32], strides = [1, 1]} : vector<512x256xf32> to vector<512x32xf32>
    %slice3A_71 = vector.extract_strided_slice %add3A_27 {offsets = [0, 64], sizes = [384, 32], strides = [1, 1]} : vector<384x256xf32> to vector<384x32xf32>
    %slice3A_72 = vector.extract_strided_slice %add3A_37 {offsets = [0, 64], sizes = [384, 32], strides = [1, 1]} : vector<384x256xf32> to vector<384x32xf32>
    %dot_general3A_73 = arith.constant dense<0.000000e+00> : vector<512x384xf32>
    %dot_general3A_74 = tpu.matmul %slice3A_70, %slice3A_71, %dot_general3A_73 {dimension_numbers = #tpu.dot_dimension_numbers<[1], [1], [0], [0], [0, 0, 1, 0], [], []>, transpose_lhs_hint = false} : vector<512x32xf32>, vector<384x32xf32>, vector<512x384xf32> -> vector<512x384xf32>
    %mul3A_75 = arith.constant 0.176776692 : f32
    %mul3A_76 = vector.broadcast %mul3A_75 : f32 to vector<512x384xf32>
    %mul3A_77 = arith.mulf %dot_general3A_74, %mul3A_76 : vector<512x384xf32>
    %exp3A_78 = math.exp %mul3A_77 : vector<512x384xf32>
    %reduce_sum3A_79 = arith.constant dense<0.000000e+00> : vector<512xf32>
    %reduce_sum3A_80 = vector.multi_reduction <add>, %exp3A_78, %reduce_sum3A_79 [1] : vector<512x384xf32> to vector<512xf32>
    %broadcast_in_dim3A_81 = vector.shape_cast %reduce_sum3A_80 : vector<512xf32> to vector<512x1xf32>
    %div3A_82 = arith.constant 1.000000e+00 : f32
    %div3A_83 = vector.broadcast %div3A_82 : f32 to vector<512x1xf32>
    %div3A_84 = arith.divf %div3A_83, %broadcast_in_dim3A_81 : vector<512x1xf32>
    %dot_general3A_85 = arith.constant dense<0.000000e+00> : vector<512x32xf32>
    %dot_general3A_86 = tpu.matmul %exp3A_78, %slice3A_72, %dot_general3A_85 {dimension_numbers = #tpu.dot_dimension_numbers<[1], [0], [0], [1], [0, 0, 1, 1], [], []>, transpose_lhs_hint = false} : vector<512x384xf32>, vector<384x32xf32>, vector<512x32xf32> -> vector<512x32xf32>
    %mul3A_87 = vector.broadcast %div3A_84 : vector<512x1xf32> to vector<512x32xf32>
    %mul3A_88 = arith.mulf %dot_general3A_86, %mul3A_87 : vector<512x32xf32>
    %slice3A_89 = vector.extract_strided_slice %add3A_17 {offsets = [0, 96], sizes = [512, 32], strides = [1, 1]} : vector<512x256xf32> to vector<512x32xf32>
    %slice3A_90 = vector.extract_strided_slice %add3A_27 {offsets = [0, 96], sizes = [384, 32], strides = [1, 1]} : vector<384x256xf32> to vector<384x32xf32>
    %slice3A_91 = vector.extract_strided_slice %add3A_37 {offsets = [0, 96], sizes = [384, 32], strides = [1, 1]} : vector<384x256xf32> to vector<384x32xf32>
    %dot_general3A_92 = arith.constant dense<0.000000e+00> : vector<512x384xf32>
    %dot_general3A_93 = tpu.matmul %slice3A_89, %slice3A_90, %dot_general3A_92 {dimension_numbers = #tpu.dot_dimension_numbers<[1], [1], [0], [0], [0, 0, 1, 0], [], []>, transpose_lhs_hint = false} : vector<512x32xf32>, vector<384x32xf32>, vector<512x384xf32> -> vector<512x384xf32>
    %mul3A_94 = arith.constant 0.176776692 : f32
    %mul3A_95 = vector.broadcast %mul3A_94 : f32 to vector<512x384xf32>
    %mul3A_96 = arith.mulf %dot_general3A_93, %mul3A_95 : vector<512x384xf32>
    %exp3A_97 = math.exp %mul3A_96 : vector<512x384xf32>
    %reduce_sum3A_98 = arith.constant dense<0.000000e+00> : vector<512xf32>
    %reduce_sum3A_99 = vector.multi_reduction <add>, %exp3A_97, %reduce_sum3A_98 [1] : vector<512x384xf32> to vector<512xf32>
    %broadcast_in_dim3A_100 = vector.shape_cast %reduce_sum3A_99 : vector<512xf32> to vector<512x1xf32>
    %div3A_101 = arith.constant 1.000000e+00 : f32
    %div3A_102 = vector.broadcast %div3A_101 : f32 to vector<512x1xf32>
    %div3A_103 = arith.divf %div3A_102, %broadcast_in_dim3A_100 : vector<512x1xf32>
    %dot_general3A_104 = arith.constant dense<0.000000e+00> : vector<512x32xf32>
    %dot_general3A_105 = tpu.matmul %exp3A_97, %slice3A_91, %dot_general3A_104 {dimension_numbers = #tpu.dot_dimension_numbers<[1], [0], [0], [1], [0, 0, 1, 1], [], []>, transpose_lhs_hint = false} : vector<512x384xf32>, vector<384x32xf32>, vector<512x32xf32> -> vector<512x32xf32>
    %mul3A_106 = vector.broadcast %div3A_103 : vector<512x1xf32> to vector<512x32xf32>
    %mul3A_107 = arith.mulf %dot_general3A_105, %mul3A_106 : vector<512x32xf32>
    %slice3A_108 = vector.extract_strided_slice %add3A_17 {offsets = [0, 128], sizes = [512, 32], strides = [1, 1]} : vector<512x256xf32> to vector<512x32xf32>
    %slice3A_109 = vector.extract_strided_slice %add3A_27 {offsets = [0, 128], sizes = [384, 32], strides = [1, 1]} : vector<384x256xf32> to vector<384x32xf32>
    %slice3A_110 = vector.extract_strided_slice %add3A_37 {offsets = [0, 128], sizes = [384, 32], strides = [1, 1]} : vector<384x256xf32> to vector<384x32xf32>
    %dot_general3A_111 = arith.constant dense<0.000000e+00> : vector<512x384xf32>
    %dot_general3A_112 = tpu.matmul %slice3A_108, %slice3A_109, %dot_general3A_111 {dimension_numbers = #tpu.dot_dimension_numbers<[1], [1], [0], [0], [0, 0, 1, 0], [], []>, transpose_lhs_hint = false} : vector<512x32xf32>, vector<384x32xf32>, vector<512x384xf32> -> vector<512x384xf32>
    %mul3A_113 = arith.constant 0.176776692 : f32
    %mul3A_114 = vector.broadcast %mul3A_113 : f32 to vector<512x384xf32>
    %mul3A_115 = arith.mulf %dot_general3A_112, %mul3A_114 : vector<512x384xf32>
    %exp3A_116 = math.exp %mul3A_115 : vector<512x384xf32>
    %reduce_sum3A_117 = arith.constant dense<0.000000e+00> : vector<512xf32>
    %reduce_sum3A_118 = vector.multi_reduction <add>, %exp3A_116, %reduce_sum3A_117 [1] : vector<512x384xf32> to vector<512xf32>
    %broadcast_in_dim3A_119 = vector.shape_cast %reduce_sum3A_118 : vector<512xf32> to vector<512x1xf32>
    %div3A_120 = arith.constant 1.000000e+00 : f32
    %div3A_121 = vector.broadcast %div3A_120 : f32 to vector<512x1xf32>
    %div3A_122 = arith.divf %div3A_121, %broadcast_in_dim3A_119 : vector<512x1xf32>
    %dot_general3A_123 = arith.constant dense<0.000000e+00> : vector<512x32xf32>
    %dot_general3A_124 = tpu.matmul %exp3A_116, %slice3A_110, %dot_general3A_123 {dimension_numbers = #tpu.dot_dimension_numbers<[1], [0], [0], [1], [0, 0, 1, 1], [], []>, transpose_lhs_hint = false} : vector<512x384xf32>, vector<384x32xf32>, vector<512x32xf32> -> vector<512x32xf32>
    %mul3A_125 = vector.broadcast %div3A_122 : vector<512x1xf32> to vector<512x32xf32>
    %mul3A_126 = arith.mulf %dot_general3A_124, %mul3A_125 : vector<512x32xf32>
    %slice3A_127 = vector.extract_strided_slice %add3A_17 {offsets = [0, 160], sizes = [512, 32], strides = [1, 1]} : vector<512x256xf32> to vector<512x32xf32>
    %slice3A_128 = vector.extract_strided_slice %add3A_27 {offsets = [0, 160], sizes = [384, 32], strides = [1, 1]} : vector<384x256xf32> to vector<384x32xf32>
    %slice3A_129 = vector.extract_strided_slice %add3A_37 {offsets = [0, 160], sizes = [384, 32], strides = [1, 1]} : vector<384x256xf32> to vector<384x32xf32>
    %dot_general3A_130 = arith.constant dense<0.000000e+00> : vector<512x384xf32>
    %dot_general3A_131 = tpu.matmul %slice3A_127, %slice3A_128, %dot_general3A_130 {dimension_numbers = #tpu.dot_dimension_numbers<[1], [1], [0], [0], [0, 0, 1, 0], [], []>, transpose_lhs_hint = false} : vector<512x32xf32>, vector<384x32xf32>, vector<512x384xf32> -> vector<512x384xf32>
    %mul3A_132 = arith.constant 0.176776692 : f32
    %mul3A_133 = vector.broadcast %mul3A_132 : f32 to vector<512x384xf32>
    %mul3A_134 = arith.mulf %dot_general3A_131, %mul3A_133 : vector<512x384xf32>
    %exp3A_135 = math.exp %mul3A_134 : vector<512x384xf32>
    %reduce_sum3A_136 = arith.constant dense<0.000000e+00> : vector<512xf32>
    %reduce_sum3A_137 = vector.multi_reduction <add>, %exp3A_135, %reduce_sum3A_136 [1] : vector<512x384xf32> to vector<512xf32>
    %broadcast_in_dim3A_138 = vector.shape_cast %reduce_sum3A_137 : vector<512xf32> to vector<512x1xf32>
    %div3A_139 = arith.constant 1.000000e+00 : f32
    %div3A_140 = vector.broadcast %div3A_139 : f32 to vector<512x1xf32>
    %div3A_141 = arith.divf %div3A_140, %broadcast_in_dim3A_138 : vector<512x1xf32>
    %dot_general3A_142 = arith.constant dense<0.000000e+00> : vector<512x32xf32>
    %dot_general3A_143 = tpu.matmul %exp3A_135, %slice3A_129, %dot_general3A_142 {dimension_numbers = #tpu.dot_dimension_numbers<[1], [0], [0], [1], [0, 0, 1, 1], [], []>, transpose_lhs_hint = false} : vector<512x384xf32>, vector<384x32xf32>, vector<512x32xf32> -> vector<512x32xf32>
    %mul3A_144 = vector.broadcast %div3A_141 : vector<512x1xf32> to vector<512x32xf32>
    %mul3A_145 = arith.mulf %dot_general3A_143, %mul3A_144 : vector<512x32xf32>
    %slice3A_146 = vector.extract_strided_slice %add3A_17 {offsets = [0, 192], sizes = [512, 32], strides = [1, 1]} : vector<512x256xf32> to vector<512x32xf32>
    %slice3A_147 = vector.extract_strided_slice %add3A_27 {offsets = [0, 192], sizes = [384, 32], strides = [1, 1]} : vector<384x256xf32> to vector<384x32xf32>
    %slice3A_148 = vector.extract_strided_slice %add3A_37 {offsets = [0, 192], sizes = [384, 32], strides = [1, 1]} : vector<384x256xf32> to vector<384x32xf32>
    %dot_general3A_149 = arith.constant dense<0.000000e+00> : vector<512x384xf32>
    %dot_general3A_150 = tpu.matmul %slice3A_146, %slice3A_147, %dot_general3A_149 {dimension_numbers = #tpu.dot_dimension_numbers<[1], [1], [0], [0], [0, 0, 1, 0], [], []>, transpose_lhs_hint = false} : vector<512x32xf32>, vector<384x32xf32>, vector<512x384xf32> -> vector<512x384xf32>
    %mul3A_151 = arith.constant 0.176776692 : f32
    %mul3A_152 = vector.broadcast %mul3A_151 : f32 to vector<512x384xf32>
    %mul3A_153 = arith.mulf %dot_general3A_150, %mul3A_152 : vector<512x384xf32>
    %exp3A_154 = math.exp %mul3A_153 : vector<512x384xf32>
    %reduce_sum3A_155 = arith.constant dense<0.000000e+00> : vector<512xf32>
    %reduce_sum3A_156 = vector.multi_reduction <add>, %exp3A_154, %reduce_sum3A_155 [1] : vector<512x384xf32> to vector<512xf32>
    %broadcast_in_dim3A_157 = vector.shape_cast %reduce_sum3A_156 : vector<512xf32> to vector<512x1xf32>
    %div3A_158 = arith.constant 1.000000e+00 : f32
    %div3A_159 = vector.broadcast %div3A_158 : f32 to vector<512x1xf32>
    %div3A_160 = arith.divf %div3A_159, %broadcast_in_dim3A_157 : vector<512x1xf32>
    %dot_general3A_161 = arith.constant dense<0.000000e+00> : vector<512x32xf32>
    %dot_general3A_162 = tpu.matmul %exp3A_154, %slice3A_148, %dot_general3A_161 {dimension_numbers = #tpu.dot_dimension_numbers<[1], [0], [0], [1], [0, 0, 1, 1], [], []>, transpose_lhs_hint = false} : vector<512x384xf32>, vector<384x32xf32>, vector<512x32xf32> -> vector<512x32xf32>
    %mul3A_163 = vector.broadcast %div3A_160 : vector<512x1xf32> to vector<512x32xf32>
    %mul3A_164 = arith.mulf %dot_general3A_162, %mul3A_163 : vector<512x32xf32>
    %slice3A_165 = vector.extract_strided_slice %add3A_17 {offsets = [0, 224], sizes = [512, 32], strides = [1, 1]} : vector<512x256xf32> to vector<512x32xf32>
    %slice3A_166 = vector.extract_strided_slice %add3A_27 {offsets = [0, 224], sizes = [384, 32], strides = [1, 1]} : vector<384x256xf32> to vector<384x32xf32>
    %slice3A_167 = vector.extract_strided_slice %add3A_37 {offsets = [0, 224], sizes = [384, 32], strides = [1, 1]} : vector<384x256xf32> to vector<384x32xf32>
    %dot_general3A_168 = arith.constant dense<0.000000e+00> : vector<512x384xf32>
    %dot_general3A_169 = tpu.matmul %slice3A_165, %slice3A_166, %dot_general3A_168 {dimension_numbers = #tpu.dot_dimension_numbers<[1], [1], [0], [0], [0, 0, 1, 0], [], []>, transpose_lhs_hint = false} : vector<512x32xf32>, vector<384x32xf32>, vector<512x384xf32> -> vector<512x384xf32>
    %mul3A_170 = arith.constant 0.176776692 : f32
    %mul3A_171 = vector.broadcast %mul3A_170 : f32 to vector<512x384xf32>
    %mul3A_172 = arith.mulf %dot_general3A_169, %mul3A_171 : vector<512x384xf32>
    %exp3A_173 = math.exp %mul3A_172 : vector<512x384xf32>
    %reduce_sum3A_174 = arith.constant dense<0.000000e+00> : vector<512xf32>
    %reduce_sum3A_175 = vector.multi_reduction <add>, %exp3A_173, %reduce_sum3A_174 [1] : vector<512x384xf32> to vector<512xf32>
    %broadcast_in_dim3A_176 = vector.shape_cast %reduce_sum3A_175 : vector<512xf32> to vector<512x1xf32>
    %div3A_177 = arith.constant 1.000000e+00 : f32
    %div3A_178 = vector.broadcast %div3A_177 : f32 to vector<512x1xf32>
    %div3A_179 = arith.divf %div3A_178, %broadcast_in_dim3A_176 : vector<512x1xf32>
    %dot_general3A_180 = arith.constant dense<0.000000e+00> : vector<512x32xf32>
    %dot_general3A_181 = tpu.matmul %exp3A_173, %slice3A_167, %dot_general3A_180 {dimension_numbers = #tpu.dot_dimension_numbers<[1], [0], [0], [1], [0, 0, 1, 1], [], []>, transpose_lhs_hint = false} : vector<512x384xf32>, vector<384x32xf32>, vector<512x32xf32> -> vector<512x32xf32>
    %mul3A_182 = vector.broadcast %div3A_179 : vector<512x1xf32> to vector<512x32xf32>
    %mul3A_183 = arith.mulf %dot_general3A_181, %mul3A_182 : vector<512x32xf32>
    %concatenate3A_184 = tpu.concatenate %mul3A_50, %mul3A_69, %mul3A_88, %mul3A_107, %mul3A_126, %mul3A_145, %mul3A_164, %mul3A_183 in 1 : vector<512x32xf32>, vector<512x32xf32>, vector<512x32xf32>, vector<512x32xf32>, vector<512x32xf32>, vector<512x32xf32>, vector<512x32xf32>, vector<512x32xf32> -> vector<512x256xf32>
    %get3A_185 = arith.constant 0 : index
    %get3A_186 = arith.constant 0 : index
    %get3A_187 = vector.load %arg10[%get3A_185, %get3A_186] : memref<256x256xf32, #tpu.memory_space<vmem>>, vector<256x256xf32>
    %dot_general3A_188 = arith.constant dense<0.000000e+00> : vector<512x256xf32>
    %dot_general3A_189 = tpu.matmul %concatenate3A_184, %get3A_187, %dot_general3A_188 {dimension_numbers = #tpu.dot_dimension_numbers<[1], [1], [0], [0], [0, 0, 1, 0], [], []>, transpose_lhs_hint = false} : vector<512x256xf32>, vector<256x256xf32>, vector<512x256xf32> -> vector<512x256xf32>
    %get3A_190 = arith.constant 0 : index
    %get3A_191 = arith.constant 0 : index
    %get3A_192 = vector.load %arg11[%get3A_190, %get3A_191] : memref<1x256xf32, #tpu.memory_space<vmem>>, vector<1x256xf32>
    %add3A_193 = vector.broadcast %get3A_192 : vector<1x256xf32> to vector<512x256xf32>
    %add3A_194 = arith.addf %dot_general3A_189, %add3A_193 : vector<512x256xf32>
    %get3A_195 = arith.constant 0 : index
    %get3A_196 = arith.constant 0 : index
    %get3A_197 = vector.load %arg12[%get3A_195, %get3A_196] : memref<1x256xf32, #tpu.memory_space<vmem>>, vector<1x256xf32>
    %get3A_198 = arith.constant 0 : index
    %get3A_199 = arith.constant 0 : index
    %get3A_200 = vector.load %arg13[%get3A_198, %get3A_199] : memref<1x256xf32, #tpu.memory_space<vmem>>, vector<1x256xf32>
    %reduce_sum3A_201 = arith.constant dense<0.000000e+00> : vector<512xf32>
    %reduce_sum3A_202 = vector.multi_reduction <add>, %add3A_194, %reduce_sum3A_201 [1] : vector<512x256xf32> to vector<512xf32>
    %broadcast_in_dim3A_203 = vector.shape_cast %reduce_sum3A_202 : vector<512xf32> to vector<512x1xf32>
    %div3A_204 = arith.constant 2.560000e+02 : f32
    %div3A_205 = vector.broadcast %div3A_204 : f32 to vector<512x1xf32>
    %div3A_206 = arith.divf %broadcast_in_dim3A_203, %div3A_205 : vector<512x1xf32>
    %sub3A = vector.broadcast %div3A_206 : vector<512x1xf32> to vector<512x256xf32>
    %sub3A_207 = arith.subf %add3A_194, %sub3A : vector<512x256xf32>
    %integer_pow3A = arith.mulf %sub3A_207, %sub3A_207 : vector<512x256xf32>
    %reduce_sum3A_208 = arith.constant dense<0.000000e+00> : vector<512xf32>
    %reduce_sum3A_209 = vector.multi_reduction <add>, %integer_pow3A, %reduce_sum3A_208 [1] : vector<512x256xf32> to vector<512xf32>
    %broadcast_in_dim3A_210 = vector.shape_cast %reduce_sum3A_209 : vector<512xf32> to vector<512x1xf32>
    %div3A_211 = arith.constant 2.560000e+02 : f32
    %div3A_212 = vector.broadcast %div3A_211 : f32 to vector<512x1xf32>
    %div3A_213 = arith.divf %broadcast_in_dim3A_210, %div3A_212 : vector<512x1xf32>
    %sub3A_214 = vector.broadcast %div3A_206 : vector<512x1xf32> to vector<512x256xf32>
    %sub3A_215 = arith.subf %add3A_194, %sub3A_214 : vector<512x256xf32>
    %add3A_216 = arith.constant 9.99999974E-6 : f32
    %add3A_217 = vector.broadcast %add3A_216 : f32 to vector<512x1xf32>
    %add3A_218 = arith.addf %div3A_213, %add3A_217 : vector<512x1xf32>
    %sqrt3A = math.sqrt %add3A_218 : vector<512x1xf32>
    %div3A_219 = vector.broadcast %sqrt3A : vector<512x1xf32> to vector<512x256xf32>
    %div3A_220 = arith.divf %sub3A_215, %div3A_219 : vector<512x256xf32>
    %mul3A_221 = vector.broadcast %get3A_197 : vector<1x256xf32> to vector<512x256xf32>
    %mul3A_222 = arith.mulf %div3A_220, %mul3A_221 : vector<512x256xf32>
    %add3A_223 = vector.broadcast %get3A_200 : vector<1x256xf32> to vector<512x256xf32>
    %add3A_224 = arith.addf %mul3A_222, %add3A_223 : vector<512x256xf32>
    %get3A_225 = arith.constant 0 : index
    %get3A_226 = arith.constant 0 : index
    %get3A_227 = vector.load %arg14[%get3A_225, %get3A_226] : memref<1024x256xf32, #tpu.memory_space<vmem>>, vector<1024x256xf32>
    %dot_general3A_228 = arith.constant dense<0.000000e+00> : vector<512x1024xf32>
    %dot_general3A_229 = tpu.matmul %add3A_224, %get3A_227, %dot_general3A_228 {dimension_numbers = #tpu.dot_dimension_numbers<[1], [1], [0], [0], [0, 0, 1, 0], [], []>, transpose_lhs_hint = false} : vector<512x256xf32>, vector<1024x256xf32>, vector<512x1024xf32> -> vector<512x1024xf32>
    %get3A_230 = arith.constant 0 : index
    %get3A_231 = arith.constant 0 : index
    %get3A_232 = vector.load %arg15[%get3A_230, %get3A_231] : memref<1x1024xf32, #tpu.memory_space<vmem>>, vector<1x1024xf32>
    %add3A_233 = vector.broadcast %get3A_232 : vector<1x1024xf32> to vector<512x1024xf32>
    %add3A_234 = arith.addf %dot_general3A_229, %add3A_233 : vector<512x1024xf32>
    %logistic3A = arith.negf %add3A_234 : vector<512x1024xf32>
    %logistic3A_235 = math.exp %logistic3A : vector<512x1024xf32>
    %logistic3A_236 = arith.constant 1.000000e+00 : f32
    %logistic3A_237 = vector.broadcast %logistic3A_236 : f32 to vector<512x1024xf32>
    %logistic3A_238 = arith.addf %logistic3A_237, %logistic3A_235 : vector<512x1024xf32>
    %logistic3A_239 = arith.divf %logistic3A_237, %logistic3A_238 : vector<512x1024xf32>
    %mul3A_240 = arith.mulf %add3A_234, %logistic3A_239 : vector<512x1024xf32>
    %get3A_241 = arith.constant 0 : index
    %get3A_242 = arith.constant 0 : index
    %get3A_243 = vector.load %arg16[%get3A_241, %get3A_242] : memref<256x1024xf32, #tpu.memory_space<vmem>>, vector<256x1024xf32>
    %dot_general3A_244 = arith.constant dense<0.000000e+00> : vector<512x256xf32>
    %dot_general3A_245 = tpu.matmul %mul3A_240, %get3A_243, %dot_general3A_244 {dimension_numbers = #tpu.dot_dimension_numbers<[1], [1], [0], [0], [0, 0, 1, 0], [], []>, transpose_lhs_hint = false} : vector<512x1024xf32>, vector<256x1024xf32>, vector<512x256xf32> -> vector<512x256xf32>
    %get3A_246 = arith.constant 0 : index
    %get3A_247 = arith.constant 0 : index
    %get3A_248 = vector.load %arg17[%get3A_246, %get3A_247] : memref<1x256xf32, #tpu.memory_space<vmem>>, vector<1x256xf32>
    %add3A_249 = vector.broadcast %get3A_248 : vector<1x256xf32> to vector<512x256xf32>
    %add3A_250 = arith.addf %dot_general3A_245, %add3A_249 : vector<512x256xf32>
    %add3A_251 = arith.addf %add3A_250, %add3A_194 : vector<512x256xf32>
    %add3A_252 = arith.addf %concatenate3A, %add3A_251 : vector<512x256xf32>
    %slice3A_253 = vector.extract_strided_slice %add3A_252 {offsets = [0, 0], sizes = [512, 128], strides = [1, 1]} : vector<512x256xf32> to vector<512x128xf32>
    %swap3A = arith.constant 0 : index
    %swap3A_254 = arith.constant 0 : index
    %swap3A_255 = vector.load %arg18[%swap3A, %swap3A_254] : memref<512x128xf32, #tpu.memory_space<vmem>>, vector<512x128xf32>
    tpu.vector_store %arg18[%swap3A, %swap3A_254], %slice3A_253 {strides = array<i32>} : memref<512x128xf32, #tpu.memory_space<vmem>>, vector<512x128xf32>,
    %slice3A_256 = vector.extract_strided_slice %add3A_252 {offsets = [0, 128], sizes = [512, 128], strides = [1, 1]} : vector<512x256xf32> to vector<512x128xf32>
    %swap3A_257 = arith.constant 0 : index
    %swap3A_258 = arith.constant 0 : index
    %swap3A_259 = vector.load %arg19[%swap3A_257, %swap3A_258] : memref<512x128xf32, #tpu.memory_space<vmem>>, vector<512x128xf32>
    tpu.vector_store %arg19[%swap3A_257, %swap3A_258], %slice3A_256 {strides = array<i32>} : memref<512x128xf32, #tpu.memory_space<vmem>>, vector<512x128xf32>,
    return
  }
  func.func @transform_0(%arg0: i32) -> (i32, i32) {
    %c0_i32 = arith.constant 0 : i32
    %c0_i32_0 = arith.constant 0 : i32
    return %arg0, %c0_i32 : i32, i32
  }
  func.func @transform_1(%arg0: i32) -> (i32, i32) {
    %c0_i32 = arith.constant 0 : i32
    %c0_i32_0 = arith.constant 0 : i32
    return %arg0, %c0_i32 : i32, i32
  }
  func.func @transform_2(%arg0: i32) -> (i32, i32, i32) {
    %c0_i32 = arith.constant 0 : i32
    %c0_i32_0 = arith.constant 0 : i32
    %c0_i32_1 = arith.constant 0 : i32
    return %arg0, %c0_i32, %c0_i32_0 : i32, i32, i32
  }
  func.func @transform_3(%arg0: i32) -> (i32, i32) {
    %c0_i32 = arith.constant 0 : i32
    %c0_i32_0 = arith.constant 0 : i32
    %c0_i32_1 = arith.constant 0 : i32
    return %c0_i32, %c0_i32_0 : i32, i32
  }
  func.func @transform_4(%arg0: i32) -> (i32, i32) {
    %c0_i32 = arith.constant 0 : i32
    %c0_i32_0 = arith.constant 0 : i32
    %c0_i32_1 = arith.constant 0 : i32
    return %c0_i32, %c0_i32_0 : i32, i32
  }
  func.func @transform_5(%arg0: i32) -> (i32, i32) {
    %c0_i32 = arith.constant 0 : i32
    %c0_i32_0 = arith.constant 0 : i32
    %c0_i32_1 = arith.constant 0 : i32
    return %c0_i32, %c0_i32_0 : i32, i32
  }
  func.func @transform_6(%arg0: i32) -> (i32, i32) {
    %c0_i32 = arith.constant 0 : i32
    %c0_i32_0 = arith.constant 0 : i32
    %c0_i32_1 = arith.constant 0 : i32
    return %c0_i32, %c0_i32_0 : i32, i32
  }
  func.func @transform_7(%arg0: i32) -> (i32, i32) {
    %c0_i32 = arith.constant 0 : i32
    %c0_i32_0 = arith.constant 0 : i32
    %c0_i32_1 = arith.constant 0 : i32
    return %c0_i32, %c0_i32_0 : i32, i32
  }
  func.func @transform_8(%arg0: i32) -> (i32, i32) {
    %c0_i32 = arith.constant 0 : i32
    %c0_i32_0 = arith.constant 0 : i32
    %c0_i32_1 = arith.constant 0 : i32
    return %c0_i32, %c0_i32_0 : i32, i32
  }
  func.func @transform_9(%arg0: i32) -> (i32, i32) {
    %c0_i32 = arith.constant 0 : i32
    %c0_i32_0 = arith.constant 0 : i32
    %c0_i32_1 = arith.constant 0 : i32
    return %c0_i32, %c0_i32_0 : i32, i32
  }
  func.func @transform_10(%arg0: i32) -> (i32, i32) {
    %c0_i32 = arith.constant 0 : i32
    %c0_i32_0 = arith.constant 0 : i32
    %c0_i32_1 = arith.constant 0 : i32
    return %c0_i32, %c0_i32_0 : i32, i32
  }
  func.func @transform_11(%arg0: i32) -> (i32, i32) {
    %c0_i32 = arith.constant 0 : i32
    %c0_i32_0 = arith.constant 0 : i32
    %c0_i32_1 = arith.constant 0 : i32
    return %c0_i32, %c0_i32_0 : i32, i32
  }
  func.func @transform_12(%arg0: i32) -> (i32, i32) {
    %c0_i32 = arith.constant 0 : i32
    %c0_i32_0 = arith.constant 0 : i32
    %c0_i32_1 = arith.constant 0 : i32
    return %c0_i32, %c0_i32_0 : i32, i32
  }
  func.func @transform_13(%arg0: i32) -> (i32, i32) {
    %c0_i32 = arith.constant 0 : i32
    %c0_i32_0 = arith.constant 0 : i32
    %c0_i32_1 = arith.constant 0 : i32
    return %c0_i32, %c0_i32_0 : i32, i32
  }
  func.func @transform_14(%arg0: i32) -> (i32, i32) {
    %c0_i32 = arith.constant 0 : i32
    %c0_i32_0 = arith.constant 0 : i32
    %c0_i32_1 = arith.constant 0 : i32
    return %c0_i32, %c0_i32_0 : i32, i32
  }
  func.func @transform_15(%arg0: i32) -> (i32, i32) {
    %c0_i32 = arith.constant 0 : i32
    %c0_i32_0 = arith.constant 0 : i32
    %c0_i32_1 = arith.constant 0 : i32
    return %c0_i32, %c0_i32_0 : i32, i32
  }
  func.func @transform_16(%arg0: i32) -> (i32, i32) {
    %c0_i32 = arith.constant 0 : i32
    %c0_i32_0 = arith.constant 0 : i32
    %c0_i32_1 = arith.constant 0 : i32
    return %c0_i32, %c0_i32_0 : i32, i32
  }
  func.func @transform_17(%arg0: i32) -> (i32, i32) {
    %c0_i32 = arith.constant 0 : i32
    %c0_i32_0 = arith.constant 0 : i32
    return %arg0, %c0_i32 : i32, i32
  }
  func.func @transform_18(%arg0: i32) -> (i32, i32) {
    %c0_i32 = arith.constant 0 : i32
    %c0_i32_0 = arith.constant 0 : i32
    return %arg0, %c0_i32 : i32, i32
  }
}

module attributes {stable_mosaic.version = 14 : i64} {
  func.func @_cross_body(%arg0: i32, %arg1: memref<256x128xf32, #tpu.memory_space<vmem>>, %arg2: memref<256x128xf32, #tpu.memory_space<vmem>>, %arg3: memref<1x384x256xf32, #tpu.memory_space<vmem>>, %arg4: memref<256x256xf32, #tpu.memory_space<vmem>>, %arg5: memref<1x256xf32, #tpu.memory_space<vmem>>, %arg6: memref<256x256xf32, #tpu.memory_space<vmem>>, %arg7: memref<1x256xf32, #tpu.memory_space<vmem>>, %arg8: memref<256x256xf32, #tpu.memory_space<vmem>>, %arg9: memref<1x256xf32, #tpu.memory_space<vmem>>, %arg10: memref<256x256xf32, #tpu.memory_space<vmem>>, %arg11: memref<1x256xf32, #tpu.memory_space<vmem>>, %arg12: memref<1x256xf32, #tpu.memory_space<vmem>>, %arg13: memref<1x256xf32, #tpu.memory_space<vmem>>, %arg14: memref<1024x256xf32, #tpu.memory_space<vmem>>, %arg15: memref<1x1024xf32, #tpu.memory_space<vmem>>, %arg16: memref<256x1024xf32, #tpu.memory_space<vmem>>, %arg17: memref<1x256xf32, #tpu.memory_space<vmem>>, %arg18: memref<256x128xf32, #tpu.memory_space<vmem>>, %arg19: memref<256x128xf32, #tpu.memory_space<vmem>>) attributes {dimension_semantics = [#tpu.dimension_semantics<arbitrary>], iteration_bounds = array<i64: 8>, scalar_prefetch = 0 : i64, scratch_operands = 0 : i64, tpu.core_type = #tpu.core_type<tc>, window_params = [{transform_indices = @transform_0, window_bounds = array<i64: 256, 128>}, {transform_indices = @transform_1, window_bounds = array<i64: 256, 128>}, {transform_indices = @transform_2, window_bounds = array<i64: 1, 384, 256>}, {pipeline_mode = #tpu.pipeline_mode<synchronous>, transform_indices = @transform_3, window_bounds = array<i64: 256, 256>}, {pipeline_mode = #tpu.pipeline_mode<synchronous>, transform_indices = @transform_4, window_bounds = array<i64: 1, 256>}, {pipeline_mode = #tpu.pipeline_mode<synchronous>, transform_indices = @transform_5, window_bounds = array<i64: 256, 256>}, {pipeline_mode = #tpu.pipeline_mode<synchronous>, transform_indices = @transform_6, window_bounds = array<i64: 1, 256>}, {pipeline_mode = #tpu.pipeline_mode<synchronous>, transform_indices = @transform_7, window_bounds = array<i64: 256, 256>}, {pipeline_mode = #tpu.pipeline_mode<synchronous>, transform_indices = @transform_8, window_bounds = array<i64: 1, 256>}, {pipeline_mode = #tpu.pipeline_mode<synchronous>, transform_indices = @transform_9, window_bounds = array<i64: 256, 256>}, {pipeline_mode = #tpu.pipeline_mode<synchronous>, transform_indices = @transform_10, window_bounds = array<i64: 1, 256>}, {pipeline_mode = #tpu.pipeline_mode<synchronous>, transform_indices = @transform_11, window_bounds = array<i64: 1, 256>}, {pipeline_mode = #tpu.pipeline_mode<synchronous>, transform_indices = @transform_12, window_bounds = array<i64: 1, 256>}, {pipeline_mode = #tpu.pipeline_mode<synchronous>, transform_indices = @transform_13, window_bounds = array<i64: 1024, 256>}, {pipeline_mode = #tpu.pipeline_mode<synchronous>, transform_indices = @transform_14, window_bounds = array<i64: 1, 1024>}, {pipeline_mode = #tpu.pipeline_mode<synchronous>, transform_indices = @transform_15, window_bounds = array<i64: 256, 1024>}, {pipeline_mode = #tpu.pipeline_mode<synchronous>, transform_indices = @transform_16, window_bounds = array<i64: 1, 256>}, {transform_indices = @transform_17, window_bounds = array<i64: 256, 128>}, {transform_indices = @transform_18, window_bounds = array<i64: 256, 128>}]} {
    %get3A = arith.constant 0 : index
    %get3A_0 = arith.constant 0 : index
    %get3A_1 = vector.load %arg1[%get3A, %get3A_0] : memref<256x128xf32, #tpu.memory_space<vmem>>, vector<256x128xf32>
    %get3A_2 = arith.constant 0 : index
    %get3A_3 = arith.constant 0 : index
    %get3A_4 = vector.load %arg2[%get3A_2, %get3A_3] : memref<256x128xf32, #tpu.memory_space<vmem>>, vector<256x128xf32>
    %concatenate3A = tpu.concatenate %get3A_1, %get3A_4 in 1 : vector<256x128xf32>, vector<256x128xf32> -> vector<256x256xf32>
    %get3A_5 = arith.constant 0 : index
    %get3A_6 = arith.constant 0 : index
    %get3A_7 = arith.constant 0 : index
    %get3A_8 = vector.load %arg3[%get3A_5, %get3A_6, %get3A_7] : memref<1x384x256xf32, #tpu.memory_space<vmem>>, vector<1x384x256xf32>
    %get3A_9 = vector.shape_cast %get3A_8 : vector<1x384x256xf32> to vector<384x256xf32>
    %get3A_10 = arith.constant 0 : index
    %get3A_11 = arith.constant 0 : index
    %get3A_12 = vector.load %arg4[%get3A_10, %get3A_11] : memref<256x256xf32, #tpu.memory_space<vmem>>, vector<256x256xf32>
    %dot_general3A = arith.constant dense<0.000000e+00> : vector<256x256xf32>
    %dot_general3A_13 = tpu.matmul %concatenate3A, %get3A_12, %dot_general3A {dimension_numbers = #tpu.dot_dimension_numbers<[1], [1], [0], [0], [0, 0, 1, 0], [], []>, transpose_lhs_hint = false} : vector<256x256xf32>, vector<256x256xf32>, vector<256x256xf32> -> vector<256x256xf32>
    %get3A_14 = arith.constant 0 : index
    %get3A_15 = arith.constant 0 : index
    %get3A_16 = vector.load %arg5[%get3A_14, %get3A_15] : memref<1x256xf32, #tpu.memory_space<vmem>>, vector<1x256xf32>
    %add3A = vector.broadcast %get3A_16 : vector<1x256xf32> to vector<256x256xf32>
    %add3A_17 = arith.addf %dot_general3A_13, %add3A : vector<256x256xf32>
    %get3A_18 = arith.constant 0 : index
    %get3A_19 = arith.constant 0 : index
    %get3A_20 = vector.load %arg6[%get3A_18, %get3A_19] : memref<256x256xf32, #tpu.memory_space<vmem>>, vector<256x256xf32>
    %dot_general3A_21 = arith.constant dense<0.000000e+00> : vector<384x256xf32>
    %dot_general3A_22 = tpu.matmul %get3A_9, %get3A_20, %dot_general3A_21 {dimension_numbers = #tpu.dot_dimension_numbers<[1], [1], [0], [0], [0, 0, 1, 0], [], []>, transpose_lhs_hint = false} : vector<384x256xf32>, vector<256x256xf32>, vector<384x256xf32> -> vector<384x256xf32>
    %get3A_23 = arith.constant 0 : index
    %get3A_24 = arith.constant 0 : index
    %get3A_25 = vector.load %arg7[%get3A_23, %get3A_24] : memref<1x256xf32, #tpu.memory_space<vmem>>, vector<1x256xf32>
    %add3A_26 = vector.broadcast %get3A_25 : vector<1x256xf32> to vector<384x256xf32>
    %add3A_27 = arith.addf %dot_general3A_22, %add3A_26 : vector<384x256xf32>
    %get3A_28 = arith.constant 0 : index
    %get3A_29 = arith.constant 0 : index
    %get3A_30 = vector.load %arg8[%get3A_28, %get3A_29] : memref<256x256xf32, #tpu.memory_space<vmem>>, vector<256x256xf32>
    %dot_general3A_31 = arith.constant dense<0.000000e+00> : vector<384x256xf32>
    %dot_general3A_32 = tpu.matmul %get3A_9, %get3A_30, %dot_general3A_31 {dimension_numbers = #tpu.dot_dimension_numbers<[1], [1], [0], [0], [0, 0, 1, 0], [], []>, transpose_lhs_hint = false} : vector<384x256xf32>, vector<256x256xf32>, vector<384x256xf32> -> vector<384x256xf32>
    %get3A_33 = arith.constant 0 : index
    %get3A_34 = arith.constant 0 : index
    %get3A_35 = vector.load %arg9[%get3A_33, %get3A_34] : memref<1x256xf32, #tpu.memory_space<vmem>>, vector<1x256xf32>
    %add3A_36 = vector.broadcast %get3A_35 : vector<1x256xf32> to vector<384x256xf32>
    %add3A_37 = arith.addf %dot_general3A_32, %add3A_36 : vector<384x256xf32>
    %slice3A = vector.extract_strided_slice %add3A_17 {offsets = [0, 0], sizes = [256, 32], strides = [1, 1]} : vector<256x256xf32> to vector<256x32xf32>
    %slice3A_38 = vector.extract_strided_slice %add3A_27 {offsets = [0, 0], sizes = [384, 32], strides = [1, 1]} : vector<384x256xf32> to vector<384x32xf32>
    %slice3A_39 = vector.extract_strided_slice %add3A_37 {offsets = [0, 0], sizes = [384, 32], strides = [1, 1]} : vector<384x256xf32> to vector<384x32xf32>
    %dot_general3A_40 = arith.constant dense<0.000000e+00> : vector<256x384xf32>
    %dot_general3A_41 = tpu.matmul %slice3A, %slice3A_38, %dot_general3A_40 {dimension_numbers = #tpu.dot_dimension_numbers<[1], [1], [0], [0], [0, 0, 1, 0], [], []>, transpose_lhs_hint = false} : vector<256x32xf32>, vector<384x32xf32>, vector<256x384xf32> -> vector<256x384xf32>
    %mul3A = arith.constant 0.176776692 : f32
    %mul3A_42 = vector.broadcast %mul3A : f32 to vector<256x384xf32>
    %mul3A_43 = arith.mulf %dot_general3A_41, %mul3A_42 : vector<256x384xf32>
    %exp3A = math.exp %mul3A_43 : vector<256x384xf32>
    %reduce_sum3A = arith.constant dense<0.000000e+00> : vector<256xf32>
    %reduce_sum3A_44 = vector.multi_reduction <add>, %exp3A, %reduce_sum3A [1] : vector<256x384xf32> to vector<256xf32>
    %broadcast_in_dim3A = vector.shape_cast %reduce_sum3A_44 : vector<256xf32> to vector<256x1xf32>
    %div3A = arith.constant 1.000000e+00 : f32
    %div3A_45 = vector.broadcast %div3A : f32 to vector<256x1xf32>
    %div3A_46 = arith.divf %div3A_45, %broadcast_in_dim3A : vector<256x1xf32>
    %dot_general3A_47 = arith.constant dense<0.000000e+00> : vector<256x32xf32>
    %dot_general3A_48 = tpu.matmul %exp3A, %slice3A_39, %dot_general3A_47 {dimension_numbers = #tpu.dot_dimension_numbers<[1], [0], [0], [1], [0, 0, 1, 1], [], []>, transpose_lhs_hint = false} : vector<256x384xf32>, vector<384x32xf32>, vector<256x32xf32> -> vector<256x32xf32>
    %mul3A_49 = vector.broadcast %div3A_46 : vector<256x1xf32> to vector<256x32xf32>
    %mul3A_50 = arith.mulf %dot_general3A_48, %mul3A_49 : vector<256x32xf32>
    %slice3A_51 = vector.extract_strided_slice %add3A_17 {offsets = [0, 32], sizes = [256, 32], strides = [1, 1]} : vector<256x256xf32> to vector<256x32xf32>
    %slice3A_52 = vector.extract_strided_slice %add3A_27 {offsets = [0, 32], sizes = [384, 32], strides = [1, 1]} : vector<384x256xf32> to vector<384x32xf32>
    %slice3A_53 = vector.extract_strided_slice %add3A_37 {offsets = [0, 32], sizes = [384, 32], strides = [1, 1]} : vector<384x256xf32> to vector<384x32xf32>
    %dot_general3A_54 = arith.constant dense<0.000000e+00> : vector<256x384xf32>
    %dot_general3A_55 = tpu.matmul %slice3A_51, %slice3A_52, %dot_general3A_54 {dimension_numbers = #tpu.dot_dimension_numbers<[1], [1], [0], [0], [0, 0, 1, 0], [], []>, transpose_lhs_hint = false} : vector<256x32xf32>, vector<384x32xf32>, vector<256x384xf32> -> vector<256x384xf32>
    %mul3A_56 = arith.constant 0.176776692 : f32
    %mul3A_57 = vector.broadcast %mul3A_56 : f32 to vector<256x384xf32>
    %mul3A_58 = arith.mulf %dot_general3A_55, %mul3A_57 : vector<256x384xf32>
    %exp3A_59 = math.exp %mul3A_58 : vector<256x384xf32>
    %reduce_sum3A_60 = arith.constant dense<0.000000e+00> : vector<256xf32>
    %reduce_sum3A_61 = vector.multi_reduction <add>, %exp3A_59, %reduce_sum3A_60 [1] : vector<256x384xf32> to vector<256xf32>
    %broadcast_in_dim3A_62 = vector.shape_cast %reduce_sum3A_61 : vector<256xf32> to vector<256x1xf32>
    %div3A_63 = arith.constant 1.000000e+00 : f32
    %div3A_64 = vector.broadcast %div3A_63 : f32 to vector<256x1xf32>
    %div3A_65 = arith.divf %div3A_64, %broadcast_in_dim3A_62 : vector<256x1xf32>
    %dot_general3A_66 = arith.constant dense<0.000000e+00> : vector<256x32xf32>
    %dot_general3A_67 = tpu.matmul %exp3A_59, %slice3A_53, %dot_general3A_66 {dimension_numbers = #tpu.dot_dimension_numbers<[1], [0], [0], [1], [0, 0, 1, 1], [], []>, transpose_lhs_hint = false} : vector<256x384xf32>, vector<384x32xf32>, vector<256x32xf32> -> vector<256x32xf32>
    %mul3A_68 = vector.broadcast %div3A_65 : vector<256x1xf32> to vector<256x32xf32>
    %mul3A_69 = arith.mulf %dot_general3A_67, %mul3A_68 : vector<256x32xf32>
    %slice3A_70 = vector.extract_strided_slice %add3A_17 {offsets = [0, 64], sizes = [256, 32], strides = [1, 1]} : vector<256x256xf32> to vector<256x32xf32>
    %slice3A_71 = vector.extract_strided_slice %add3A_27 {offsets = [0, 64], sizes = [384, 32], strides = [1, 1]} : vector<384x256xf32> to vector<384x32xf32>
    %slice3A_72 = vector.extract_strided_slice %add3A_37 {offsets = [0, 64], sizes = [384, 32], strides = [1, 1]} : vector<384x256xf32> to vector<384x32xf32>
    %dot_general3A_73 = arith.constant dense<0.000000e+00> : vector<256x384xf32>
    %dot_general3A_74 = tpu.matmul %slice3A_70, %slice3A_71, %dot_general3A_73 {dimension_numbers = #tpu.dot_dimension_numbers<[1], [1], [0], [0], [0, 0, 1, 0], [], []>, transpose_lhs_hint = false} : vector<256x32xf32>, vector<384x32xf32>, vector<256x384xf32> -> vector<256x384xf32>
    %mul3A_75 = arith.constant 0.176776692 : f32
    %mul3A_76 = vector.broadcast %mul3A_75 : f32 to vector<256x384xf32>
    %mul3A_77 = arith.mulf %dot_general3A_74, %mul3A_76 : vector<256x384xf32>
    %exp3A_78 = math.exp %mul3A_77 : vector<256x384xf32>
    %reduce_sum3A_79 = arith.constant dense<0.000000e+00> : vector<256xf32>
    %reduce_sum3A_80 = vector.multi_reduction <add>, %exp3A_78, %reduce_sum3A_79 [1] : vector<256x384xf32> to vector<256xf32>
    %broadcast_in_dim3A_81 = vector.shape_cast %reduce_sum3A_80 : vector<256xf32> to vector<256x1xf32>
    %div3A_82 = arith.constant 1.000000e+00 : f32
    %div3A_83 = vector.broadcast %div3A_82 : f32 to vector<256x1xf32>
    %div3A_84 = arith.divf %div3A_83, %broadcast_in_dim3A_81 : vector<256x1xf32>
    %dot_general3A_85 = arith.constant dense<0.000000e+00> : vector<256x32xf32>
    %dot_general3A_86 = tpu.matmul %exp3A_78, %slice3A_72, %dot_general3A_85 {dimension_numbers = #tpu.dot_dimension_numbers<[1], [0], [0], [1], [0, 0, 1, 1], [], []>, transpose_lhs_hint = false} : vector<256x384xf32>, vector<384x32xf32>, vector<256x32xf32> -> vector<256x32xf32>
    %mul3A_87 = vector.broadcast %div3A_84 : vector<256x1xf32> to vector<256x32xf32>
    %mul3A_88 = arith.mulf %dot_general3A_86, %mul3A_87 : vector<256x32xf32>
    %slice3A_89 = vector.extract_strided_slice %add3A_17 {offsets = [0, 96], sizes = [256, 32], strides = [1, 1]} : vector<256x256xf32> to vector<256x32xf32>
    %slice3A_90 = vector.extract_strided_slice %add3A_27 {offsets = [0, 96], sizes = [384, 32], strides = [1, 1]} : vector<384x256xf32> to vector<384x32xf32>
    %slice3A_91 = vector.extract_strided_slice %add3A_37 {offsets = [0, 96], sizes = [384, 32], strides = [1, 1]} : vector<384x256xf32> to vector<384x32xf32>
    %dot_general3A_92 = arith.constant dense<0.000000e+00> : vector<256x384xf32>
    %dot_general3A_93 = tpu.matmul %slice3A_89, %slice3A_90, %dot_general3A_92 {dimension_numbers = #tpu.dot_dimension_numbers<[1], [1], [0], [0], [0, 0, 1, 0], [], []>, transpose_lhs_hint = false} : vector<256x32xf32>, vector<384x32xf32>, vector<256x384xf32> -> vector<256x384xf32>
    %mul3A_94 = arith.constant 0.176776692 : f32
    %mul3A_95 = vector.broadcast %mul3A_94 : f32 to vector<256x384xf32>
    %mul3A_96 = arith.mulf %dot_general3A_93, %mul3A_95 : vector<256x384xf32>
    %exp3A_97 = math.exp %mul3A_96 : vector<256x384xf32>
    %reduce_sum3A_98 = arith.constant dense<0.000000e+00> : vector<256xf32>
    %reduce_sum3A_99 = vector.multi_reduction <add>, %exp3A_97, %reduce_sum3A_98 [1] : vector<256x384xf32> to vector<256xf32>
    %broadcast_in_dim3A_100 = vector.shape_cast %reduce_sum3A_99 : vector<256xf32> to vector<256x1xf32>
    %div3A_101 = arith.constant 1.000000e+00 : f32
    %div3A_102 = vector.broadcast %div3A_101 : f32 to vector<256x1xf32>
    %div3A_103 = arith.divf %div3A_102, %broadcast_in_dim3A_100 : vector<256x1xf32>
    %dot_general3A_104 = arith.constant dense<0.000000e+00> : vector<256x32xf32>
    %dot_general3A_105 = tpu.matmul %exp3A_97, %slice3A_91, %dot_general3A_104 {dimension_numbers = #tpu.dot_dimension_numbers<[1], [0], [0], [1], [0, 0, 1, 1], [], []>, transpose_lhs_hint = false} : vector<256x384xf32>, vector<384x32xf32>, vector<256x32xf32> -> vector<256x32xf32>
    %mul3A_106 = vector.broadcast %div3A_103 : vector<256x1xf32> to vector<256x32xf32>
    %mul3A_107 = arith.mulf %dot_general3A_105, %mul3A_106 : vector<256x32xf32>
    %slice3A_108 = vector.extract_strided_slice %add3A_17 {offsets = [0, 128], sizes = [256, 32], strides = [1, 1]} : vector<256x256xf32> to vector<256x32xf32>
    %slice3A_109 = vector.extract_strided_slice %add3A_27 {offsets = [0, 128], sizes = [384, 32], strides = [1, 1]} : vector<384x256xf32> to vector<384x32xf32>
    %slice3A_110 = vector.extract_strided_slice %add3A_37 {offsets = [0, 128], sizes = [384, 32], strides = [1, 1]} : vector<384x256xf32> to vector<384x32xf32>
    %dot_general3A_111 = arith.constant dense<0.000000e+00> : vector<256x384xf32>
    %dot_general3A_112 = tpu.matmul %slice3A_108, %slice3A_109, %dot_general3A_111 {dimension_numbers = #tpu.dot_dimension_numbers<[1], [1], [0], [0], [0, 0, 1, 0], [], []>, transpose_lhs_hint = false} : vector<256x32xf32>, vector<384x32xf32>, vector<256x384xf32> -> vector<256x384xf32>
    %mul3A_113 = arith.constant 0.176776692 : f32
    %mul3A_114 = vector.broadcast %mul3A_113 : f32 to vector<256x384xf32>
    %mul3A_115 = arith.mulf %dot_general3A_112, %mul3A_114 : vector<256x384xf32>
    %exp3A_116 = math.exp %mul3A_115 : vector<256x384xf32>
    %reduce_sum3A_117 = arith.constant dense<0.000000e+00> : vector<256xf32>
    %reduce_sum3A_118 = vector.multi_reduction <add>, %exp3A_116, %reduce_sum3A_117 [1] : vector<256x384xf32> to vector<256xf32>
    %broadcast_in_dim3A_119 = vector.shape_cast %reduce_sum3A_118 : vector<256xf32> to vector<256x1xf32>
    %div3A_120 = arith.constant 1.000000e+00 : f32
    %div3A_121 = vector.broadcast %div3A_120 : f32 to vector<256x1xf32>
    %div3A_122 = arith.divf %div3A_121, %broadcast_in_dim3A_119 : vector<256x1xf32>
    %dot_general3A_123 = arith.constant dense<0.000000e+00> : vector<256x32xf32>
    %dot_general3A_124 = tpu.matmul %exp3A_116, %slice3A_110, %dot_general3A_123 {dimension_numbers = #tpu.dot_dimension_numbers<[1], [0], [0], [1], [0, 0, 1, 1], [], []>, transpose_lhs_hint = false} : vector<256x384xf32>, vector<384x32xf32>, vector<256x32xf32> -> vector<256x32xf32>
    %mul3A_125 = vector.broadcast %div3A_122 : vector<256x1xf32> to vector<256x32xf32>
    %mul3A_126 = arith.mulf %dot_general3A_124, %mul3A_125 : vector<256x32xf32>
    %slice3A_127 = vector.extract_strided_slice %add3A_17 {offsets = [0, 160], sizes = [256, 32], strides = [1, 1]} : vector<256x256xf32> to vector<256x32xf32>
    %slice3A_128 = vector.extract_strided_slice %add3A_27 {offsets = [0, 160], sizes = [384, 32], strides = [1, 1]} : vector<384x256xf32> to vector<384x32xf32>
    %slice3A_129 = vector.extract_strided_slice %add3A_37 {offsets = [0, 160], sizes = [384, 32], strides = [1, 1]} : vector<384x256xf32> to vector<384x32xf32>
    %dot_general3A_130 = arith.constant dense<0.000000e+00> : vector<256x384xf32>
    %dot_general3A_131 = tpu.matmul %slice3A_127, %slice3A_128, %dot_general3A_130 {dimension_numbers = #tpu.dot_dimension_numbers<[1], [1], [0], [0], [0, 0, 1, 0], [], []>, transpose_lhs_hint = false} : vector<256x32xf32>, vector<384x32xf32>, vector<256x384xf32> -> vector<256x384xf32>
    %mul3A_132 = arith.constant 0.176776692 : f32
    %mul3A_133 = vector.broadcast %mul3A_132 : f32 to vector<256x384xf32>
    %mul3A_134 = arith.mulf %dot_general3A_131, %mul3A_133 : vector<256x384xf32>
    %exp3A_135 = math.exp %mul3A_134 : vector<256x384xf32>
    %reduce_sum3A_136 = arith.constant dense<0.000000e+00> : vector<256xf32>
    %reduce_sum3A_137 = vector.multi_reduction <add>, %exp3A_135, %reduce_sum3A_136 [1] : vector<256x384xf32> to vector<256xf32>
    %broadcast_in_dim3A_138 = vector.shape_cast %reduce_sum3A_137 : vector<256xf32> to vector<256x1xf32>
    %div3A_139 = arith.constant 1.000000e+00 : f32
    %div3A_140 = vector.broadcast %div3A_139 : f32 to vector<256x1xf32>
    %div3A_141 = arith.divf %div3A_140, %broadcast_in_dim3A_138 : vector<256x1xf32>
    %dot_general3A_142 = arith.constant dense<0.000000e+00> : vector<256x32xf32>
    %dot_general3A_143 = tpu.matmul %exp3A_135, %slice3A_129, %dot_general3A_142 {dimension_numbers = #tpu.dot_dimension_numbers<[1], [0], [0], [1], [0, 0, 1, 1], [], []>, transpose_lhs_hint = false} : vector<256x384xf32>, vector<384x32xf32>, vector<256x32xf32> -> vector<256x32xf32>
    %mul3A_144 = vector.broadcast %div3A_141 : vector<256x1xf32> to vector<256x32xf32>
    %mul3A_145 = arith.mulf %dot_general3A_143, %mul3A_144 : vector<256x32xf32>
    %slice3A_146 = vector.extract_strided_slice %add3A_17 {offsets = [0, 192], sizes = [256, 32], strides = [1, 1]} : vector<256x256xf32> to vector<256x32xf32>
    %slice3A_147 = vector.extract_strided_slice %add3A_27 {offsets = [0, 192], sizes = [384, 32], strides = [1, 1]} : vector<384x256xf32> to vector<384x32xf32>
    %slice3A_148 = vector.extract_strided_slice %add3A_37 {offsets = [0, 192], sizes = [384, 32], strides = [1, 1]} : vector<384x256xf32> to vector<384x32xf32>
    %dot_general3A_149 = arith.constant dense<0.000000e+00> : vector<256x384xf32>
    %dot_general3A_150 = tpu.matmul %slice3A_146, %slice3A_147, %dot_general3A_149 {dimension_numbers = #tpu.dot_dimension_numbers<[1], [1], [0], [0], [0, 0, 1, 0], [], []>, transpose_lhs_hint = false} : vector<256x32xf32>, vector<384x32xf32>, vector<256x384xf32> -> vector<256x384xf32>
    %mul3A_151 = arith.constant 0.176776692 : f32
    %mul3A_152 = vector.broadcast %mul3A_151 : f32 to vector<256x384xf32>
    %mul3A_153 = arith.mulf %dot_general3A_150, %mul3A_152 : vector<256x384xf32>
    %exp3A_154 = math.exp %mul3A_153 : vector<256x384xf32>
    %reduce_sum3A_155 = arith.constant dense<0.000000e+00> : vector<256xf32>
    %reduce_sum3A_156 = vector.multi_reduction <add>, %exp3A_154, %reduce_sum3A_155 [1] : vector<256x384xf32> to vector<256xf32>
    %broadcast_in_dim3A_157 = vector.shape_cast %reduce_sum3A_156 : vector<256xf32> to vector<256x1xf32>
    %div3A_158 = arith.constant 1.000000e+00 : f32
    %div3A_159 = vector.broadcast %div3A_158 : f32 to vector<256x1xf32>
    %div3A_160 = arith.divf %div3A_159, %broadcast_in_dim3A_157 : vector<256x1xf32>
    %dot_general3A_161 = arith.constant dense<0.000000e+00> : vector<256x32xf32>
    %dot_general3A_162 = tpu.matmul %exp3A_154, %slice3A_148, %dot_general3A_161 {dimension_numbers = #tpu.dot_dimension_numbers<[1], [0], [0], [1], [0, 0, 1, 1], [], []>, transpose_lhs_hint = false} : vector<256x384xf32>, vector<384x32xf32>, vector<256x32xf32> -> vector<256x32xf32>
    %mul3A_163 = vector.broadcast %div3A_160 : vector<256x1xf32> to vector<256x32xf32>
    %mul3A_164 = arith.mulf %dot_general3A_162, %mul3A_163 : vector<256x32xf32>
    %slice3A_165 = vector.extract_strided_slice %add3A_17 {offsets = [0, 224], sizes = [256, 32], strides = [1, 1]} : vector<256x256xf32> to vector<256x32xf32>
    %slice3A_166 = vector.extract_strided_slice %add3A_27 {offsets = [0, 224], sizes = [384, 32], strides = [1, 1]} : vector<384x256xf32> to vector<384x32xf32>
    %slice3A_167 = vector.extract_strided_slice %add3A_37 {offsets = [0, 224], sizes = [384, 32], strides = [1, 1]} : vector<384x256xf32> to vector<384x32xf32>
    %dot_general3A_168 = arith.constant dense<0.000000e+00> : vector<256x384xf32>
    %dot_general3A_169 = tpu.matmul %slice3A_165, %slice3A_166, %dot_general3A_168 {dimension_numbers = #tpu.dot_dimension_numbers<[1], [1], [0], [0], [0, 0, 1, 0], [], []>, transpose_lhs_hint = false} : vector<256x32xf32>, vector<384x32xf32>, vector<256x384xf32> -> vector<256x384xf32>
    %mul3A_170 = arith.constant 0.176776692 : f32
    %mul3A_171 = vector.broadcast %mul3A_170 : f32 to vector<256x384xf32>
    %mul3A_172 = arith.mulf %dot_general3A_169, %mul3A_171 : vector<256x384xf32>
    %exp3A_173 = math.exp %mul3A_172 : vector<256x384xf32>
    %reduce_sum3A_174 = arith.constant dense<0.000000e+00> : vector<256xf32>
    %reduce_sum3A_175 = vector.multi_reduction <add>, %exp3A_173, %reduce_sum3A_174 [1] : vector<256x384xf32> to vector<256xf32>
    %broadcast_in_dim3A_176 = vector.shape_cast %reduce_sum3A_175 : vector<256xf32> to vector<256x1xf32>
    %div3A_177 = arith.constant 1.000000e+00 : f32
    %div3A_178 = vector.broadcast %div3A_177 : f32 to vector<256x1xf32>
    %div3A_179 = arith.divf %div3A_178, %broadcast_in_dim3A_176 : vector<256x1xf32>
    %dot_general3A_180 = arith.constant dense<0.000000e+00> : vector<256x32xf32>
    %dot_general3A_181 = tpu.matmul %exp3A_173, %slice3A_167, %dot_general3A_180 {dimension_numbers = #tpu.dot_dimension_numbers<[1], [0], [0], [1], [0, 0, 1, 1], [], []>, transpose_lhs_hint = false} : vector<256x384xf32>, vector<384x32xf32>, vector<256x32xf32> -> vector<256x32xf32>
    %mul3A_182 = vector.broadcast %div3A_179 : vector<256x1xf32> to vector<256x32xf32>
    %mul3A_183 = arith.mulf %dot_general3A_181, %mul3A_182 : vector<256x32xf32>
    %concatenate3A_184 = tpu.concatenate %mul3A_50, %mul3A_69, %mul3A_88, %mul3A_107, %mul3A_126, %mul3A_145, %mul3A_164, %mul3A_183 in 1 : vector<256x32xf32>, vector<256x32xf32>, vector<256x32xf32>, vector<256x32xf32>, vector<256x32xf32>, vector<256x32xf32>, vector<256x32xf32>, vector<256x32xf32> -> vector<256x256xf32>
    %get3A_185 = arith.constant 0 : index
    %get3A_186 = arith.constant 0 : index
    %get3A_187 = vector.load %arg10[%get3A_185, %get3A_186] : memref<256x256xf32, #tpu.memory_space<vmem>>, vector<256x256xf32>
    %dot_general3A_188 = arith.constant dense<0.000000e+00> : vector<256x256xf32>
    %dot_general3A_189 = tpu.matmul %concatenate3A_184, %get3A_187, %dot_general3A_188 {dimension_numbers = #tpu.dot_dimension_numbers<[1], [1], [0], [0], [0, 0, 1, 0], [], []>, transpose_lhs_hint = false} : vector<256x256xf32>, vector<256x256xf32>, vector<256x256xf32> -> vector<256x256xf32>
    %get3A_190 = arith.constant 0 : index
    %get3A_191 = arith.constant 0 : index
    %get3A_192 = vector.load %arg11[%get3A_190, %get3A_191] : memref<1x256xf32, #tpu.memory_space<vmem>>, vector<1x256xf32>
    %add3A_193 = vector.broadcast %get3A_192 : vector<1x256xf32> to vector<256x256xf32>
    %add3A_194 = arith.addf %dot_general3A_189, %add3A_193 : vector<256x256xf32>
    %get3A_195 = arith.constant 0 : index
    %get3A_196 = arith.constant 0 : index
    %get3A_197 = vector.load %arg12[%get3A_195, %get3A_196] : memref<1x256xf32, #tpu.memory_space<vmem>>, vector<1x256xf32>
    %get3A_198 = arith.constant 0 : index
    %get3A_199 = arith.constant 0 : index
    %get3A_200 = vector.load %arg13[%get3A_198, %get3A_199] : memref<1x256xf32, #tpu.memory_space<vmem>>, vector<1x256xf32>
    %reduce_sum3A_201 = arith.constant dense<0.000000e+00> : vector<256xf32>
    %reduce_sum3A_202 = vector.multi_reduction <add>, %add3A_194, %reduce_sum3A_201 [1] : vector<256x256xf32> to vector<256xf32>
    %broadcast_in_dim3A_203 = vector.shape_cast %reduce_sum3A_202 : vector<256xf32> to vector<256x1xf32>
    %div3A_204 = arith.constant 2.560000e+02 : f32
    %div3A_205 = vector.broadcast %div3A_204 : f32 to vector<256x1xf32>
    %div3A_206 = arith.divf %broadcast_in_dim3A_203, %div3A_205 : vector<256x1xf32>
    %sub3A = vector.broadcast %div3A_206 : vector<256x1xf32> to vector<256x256xf32>
    %sub3A_207 = arith.subf %add3A_194, %sub3A : vector<256x256xf32>
    %integer_pow3A = arith.mulf %sub3A_207, %sub3A_207 : vector<256x256xf32>
    %reduce_sum3A_208 = arith.constant dense<0.000000e+00> : vector<256xf32>
    %reduce_sum3A_209 = vector.multi_reduction <add>, %integer_pow3A, %reduce_sum3A_208 [1] : vector<256x256xf32> to vector<256xf32>
    %broadcast_in_dim3A_210 = vector.shape_cast %reduce_sum3A_209 : vector<256xf32> to vector<256x1xf32>
    %div3A_211 = arith.constant 2.560000e+02 : f32
    %div3A_212 = vector.broadcast %div3A_211 : f32 to vector<256x1xf32>
    %div3A_213 = arith.divf %broadcast_in_dim3A_210, %div3A_212 : vector<256x1xf32>
    %sub3A_214 = vector.broadcast %div3A_206 : vector<256x1xf32> to vector<256x256xf32>
    %sub3A_215 = arith.subf %add3A_194, %sub3A_214 : vector<256x256xf32>
    %add3A_216 = arith.constant 9.99999974E-6 : f32
    %add3A_217 = vector.broadcast %add3A_216 : f32 to vector<256x1xf32>
    %add3A_218 = arith.addf %div3A_213, %add3A_217 : vector<256x1xf32>
    %sqrt3A = math.sqrt %add3A_218 : vector<256x1xf32>
    %div3A_219 = vector.broadcast %sqrt3A : vector<256x1xf32> to vector<256x256xf32>
    %div3A_220 = arith.divf %sub3A_215, %div3A_219 : vector<256x256xf32>
    %mul3A_221 = vector.broadcast %get3A_197 : vector<1x256xf32> to vector<256x256xf32>
    %mul3A_222 = arith.mulf %div3A_220, %mul3A_221 : vector<256x256xf32>
    %add3A_223 = vector.broadcast %get3A_200 : vector<1x256xf32> to vector<256x256xf32>
    %add3A_224 = arith.addf %mul3A_222, %add3A_223 : vector<256x256xf32>
    %get3A_225 = arith.constant 0 : index
    %get3A_226 = arith.constant 0 : index
    %get3A_227 = vector.load %arg14[%get3A_225, %get3A_226] : memref<1024x256xf32, #tpu.memory_space<vmem>>, vector<1024x256xf32>
    %dot_general3A_228 = arith.constant dense<0.000000e+00> : vector<256x1024xf32>
    %dot_general3A_229 = tpu.matmul %add3A_224, %get3A_227, %dot_general3A_228 {dimension_numbers = #tpu.dot_dimension_numbers<[1], [1], [0], [0], [0, 0, 1, 0], [], []>, transpose_lhs_hint = false} : vector<256x256xf32>, vector<1024x256xf32>, vector<256x1024xf32> -> vector<256x1024xf32>
    %get3A_230 = arith.constant 0 : index
    %get3A_231 = arith.constant 0 : index
    %get3A_232 = vector.load %arg15[%get3A_230, %get3A_231] : memref<1x1024xf32, #tpu.memory_space<vmem>>, vector<1x1024xf32>
    %add3A_233 = vector.broadcast %get3A_232 : vector<1x1024xf32> to vector<256x1024xf32>
    %add3A_234 = arith.addf %dot_general3A_229, %add3A_233 : vector<256x1024xf32>
    %logistic3A = arith.negf %add3A_234 : vector<256x1024xf32>
    %logistic3A_235 = math.exp %logistic3A : vector<256x1024xf32>
    %logistic3A_236 = arith.constant 1.000000e+00 : f32
    %logistic3A_237 = vector.broadcast %logistic3A_236 : f32 to vector<256x1024xf32>
    %logistic3A_238 = arith.addf %logistic3A_237, %logistic3A_235 : vector<256x1024xf32>
    %logistic3A_239 = arith.divf %logistic3A_237, %logistic3A_238 : vector<256x1024xf32>
    %mul3A_240 = arith.mulf %add3A_234, %logistic3A_239 : vector<256x1024xf32>
    %get3A_241 = arith.constant 0 : index
    %get3A_242 = arith.constant 0 : index
    %get3A_243 = vector.load %arg16[%get3A_241, %get3A_242] : memref<256x1024xf32, #tpu.memory_space<vmem>>, vector<256x1024xf32>
    %dot_general3A_244 = arith.constant dense<0.000000e+00> : vector<256x256xf32>
    %dot_general3A_245 = tpu.matmul %mul3A_240, %get3A_243, %dot_general3A_244 {dimension_numbers = #tpu.dot_dimension_numbers<[1], [1], [0], [0], [0, 0, 1, 0], [], []>, transpose_lhs_hint = false} : vector<256x1024xf32>, vector<256x1024xf32>, vector<256x256xf32> -> vector<256x256xf32>
    %get3A_246 = arith.constant 0 : index
    %get3A_247 = arith.constant 0 : index
    %get3A_248 = vector.load %arg17[%get3A_246, %get3A_247] : memref<1x256xf32, #tpu.memory_space<vmem>>, vector<1x256xf32>
    %add3A_249 = vector.broadcast %get3A_248 : vector<1x256xf32> to vector<256x256xf32>
    %add3A_250 = arith.addf %dot_general3A_245, %add3A_249 : vector<256x256xf32>
    %add3A_251 = arith.addf %add3A_250, %add3A_194 : vector<256x256xf32>
    %add3A_252 = arith.addf %concatenate3A, %add3A_251 : vector<256x256xf32>
    %slice3A_253 = vector.extract_strided_slice %add3A_252 {offsets = [0, 0], sizes = [256, 128], strides = [1, 1]} : vector<256x256xf32> to vector<256x128xf32>
    %swap3A = arith.constant 0 : index
    %swap3A_254 = arith.constant 0 : index
    %swap3A_255 = vector.load %arg18[%swap3A, %swap3A_254] : memref<256x128xf32, #tpu.memory_space<vmem>>, vector<256x128xf32>
    tpu.vector_store %arg18[%swap3A, %swap3A_254], %slice3A_253 {strides = array<i32>} : memref<256x128xf32, #tpu.memory_space<vmem>>, vector<256x128xf32>,
    %slice3A_256 = vector.extract_strided_slice %add3A_252 {offsets = [0, 128], sizes = [256, 128], strides = [1, 1]} : vector<256x256xf32> to vector<256x128xf32>
    %swap3A_257 = arith.constant 0 : index
    %swap3A_258 = arith.constant 0 : index
    %swap3A_259 = vector.load %arg19[%swap3A_257, %swap3A_258] : memref<256x128xf32, #tpu.memory_space<vmem>>, vector<256x128xf32>
    tpu.vector_store %arg19[%swap3A_257, %swap3A_258], %slice3A_256 {strides = array<i32>} : memref<256x128xf32, #tpu.memory_space<vmem>>, vector<256x128xf32>,
    return
  }
  func.func @transform_0(%arg0: i32) -> (i32, i32) {
    %c0_i32 = arith.constant 0 : i32
    %c0_i32_0 = arith.constant 0 : i32
    return %arg0, %c0_i32 : i32, i32
  }
  func.func @transform_1(%arg0: i32) -> (i32, i32) {
    %c0_i32 = arith.constant 0 : i32
    %c0_i32_0 = arith.constant 0 : i32
    return %arg0, %c0_i32 : i32, i32
  }
  func.func @transform_2(%arg0: i32) -> (i32, i32, i32) {
    %c0_i32 = arith.constant 0 : i32
    %c0_i32_0 = arith.constant 0 : i32
    %c0_i32_1 = arith.constant 0 : i32
    return %arg0, %c0_i32, %c0_i32_0 : i32, i32, i32
  }
  func.func @transform_3(%arg0: i32) -> (i32, i32) {
    %c0_i32 = arith.constant 0 : i32
    %c0_i32_0 = arith.constant 0 : i32
    %c0_i32_1 = arith.constant 0 : i32
    return %c0_i32, %c0_i32_0 : i32, i32
  }
  func.func @transform_4(%arg0: i32) -> (i32, i32) {
    %c0_i32 = arith.constant 0 : i32
    %c0_i32_0 = arith.constant 0 : i32
    %c0_i32_1 = arith.constant 0 : i32
    return %c0_i32, %c0_i32_0 : i32, i32
  }
  func.func @transform_5(%arg0: i32) -> (i32, i32) {
    %c0_i32 = arith.constant 0 : i32
    %c0_i32_0 = arith.constant 0 : i32
    %c0_i32_1 = arith.constant 0 : i32
    return %c0_i32, %c0_i32_0 : i32, i32
  }
  func.func @transform_6(%arg0: i32) -> (i32, i32) {
    %c0_i32 = arith.constant 0 : i32
    %c0_i32_0 = arith.constant 0 : i32
    %c0_i32_1 = arith.constant 0 : i32
    return %c0_i32, %c0_i32_0 : i32, i32
  }
  func.func @transform_7(%arg0: i32) -> (i32, i32) {
    %c0_i32 = arith.constant 0 : i32
    %c0_i32_0 = arith.constant 0 : i32
    %c0_i32_1 = arith.constant 0 : i32
    return %c0_i32, %c0_i32_0 : i32, i32
  }
  func.func @transform_8(%arg0: i32) -> (i32, i32) {
    %c0_i32 = arith.constant 0 : i32
    %c0_i32_0 = arith.constant 0 : i32
    %c0_i32_1 = arith.constant 0 : i32
    return %c0_i32, %c0_i32_0 : i32, i32
  }
  func.func @transform_9(%arg0: i32) -> (i32, i32) {
    %c0_i32 = arith.constant 0 : i32
    %c0_i32_0 = arith.constant 0 : i32
    %c0_i32_1 = arith.constant 0 : i32
    return %c0_i32, %c0_i32_0 : i32, i32
  }
  func.func @transform_10(%arg0: i32) -> (i32, i32) {
    %c0_i32 = arith.constant 0 : i32
    %c0_i32_0 = arith.constant 0 : i32
    %c0_i32_1 = arith.constant 0 : i32
    return %c0_i32, %c0_i32_0 : i32, i32
  }
  func.func @transform_11(%arg0: i32) -> (i32, i32) {
    %c0_i32 = arith.constant 0 : i32
    %c0_i32_0 = arith.constant 0 : i32
    %c0_i32_1 = arith.constant 0 : i32
    return %c0_i32, %c0_i32_0 : i32, i32
  }
  func.func @transform_12(%arg0: i32) -> (i32, i32) {
    %c0_i32 = arith.constant 0 : i32
    %c0_i32_0 = arith.constant 0 : i32
    %c0_i32_1 = arith.constant 0 : i32
    return %c0_i32, %c0_i32_0 : i32, i32
  }
  func.func @transform_13(%arg0: i32) -> (i32, i32) {
    %c0_i32 = arith.constant 0 : i32
    %c0_i32_0 = arith.constant 0 : i32
    %c0_i32_1 = arith.constant 0 : i32
    return %c0_i32, %c0_i32_0 : i32, i32
  }
  func.func @transform_14(%arg0: i32) -> (i32, i32) {
    %c0_i32 = arith.constant 0 : i32
    %c0_i32_0 = arith.constant 0 : i32
    %c0_i32_1 = arith.constant 0 : i32
    return %c0_i32, %c0_i32_0 : i32, i32
  }
  func.func @transform_15(%arg0: i32) -> (i32, i32) {
    %c0_i32 = arith.constant 0 : i32
    %c0_i32_0 = arith.constant 0 : i32
    %c0_i32_1 = arith.constant 0 : i32
    return %c0_i32, %c0_i32_0 : i32, i32
  }
  func.func @transform_16(%arg0: i32) -> (i32, i32) {
    %c0_i32 = arith.constant 0 : i32
    %c0_i32_0 = arith.constant 0 : i32
    %c0_i32_1 = arith.constant 0 : i32
    return %c0_i32, %c0_i32_0 : i32, i32
  }
  func.func @transform_17(%arg0: i32) -> (i32, i32) {
    %c0_i32 = arith.constant 0 : i32
    %c0_i32_0 = arith.constant 0 : i32
    return %arg0, %c0_i32 : i32, i32
  }
  func.func @transform_18(%arg0: i32) -> (i32, i32) {
    %c0_i32 = arith.constant 0 : i32
    %c0_i32_0 = arith.constant 0 : i32
    return %arg0, %c0_i32 : i32, i32
  }
}

module attributes {stable_mosaic.version = 14 : i64} {
  func.func @_proj_body(%arg0: i32, %arg1: i32, %arg2: memref<256x128xf32, #tpu.memory_space<vmem>>, %arg3: memref<256x128xf32, #tpu.memory_space<vmem>>, %arg4: memref<768x256xf32, #tpu.memory_space<vmem>>, %arg5: memref<1x768x256xf32, #tpu.memory_space<vmem>>) attributes {dimension_semantics = [#tpu.dimension_semantics<arbitrary>, #tpu.dimension_semantics<arbitrary>], iteration_bounds = array<i64: 8, 1>, scalar_prefetch = 0 : i64, scratch_operands = 0 : i64, tpu.core_type = #tpu.core_type<tc>, window_params = [{transform_indices = @transform_0, window_bounds = array<i64: 256, 128>}, {transform_indices = @transform_1, window_bounds = array<i64: 256, 128>}, {pipeline_mode = #tpu.pipeline_mode<synchronous>, transform_indices = @transform_2, window_bounds = array<i64: 768, 256>}, {transform_indices = @transform_3, window_bounds = array<i64: 1, 768, 256>}]} {
    %get3A = arith.constant 0 : index
    %get3A_0 = arith.constant 0 : index
    %get3A_1 = vector.load %arg2[%get3A, %get3A_0] : memref<256x128xf32, #tpu.memory_space<vmem>>, vector<256x128xf32>
    %get3A_2 = arith.constant 0 : index
    %get3A_3 = arith.constant 0 : index
    %get3A_4 = vector.load %arg3[%get3A_2, %get3A_3] : memref<256x128xf32, #tpu.memory_space<vmem>>, vector<256x128xf32>
    %concatenate3A = tpu.concatenate %get3A_1, %get3A_4 in 1 : vector<256x128xf32>, vector<256x128xf32> -> vector<256x256xf32>
    %get3A_5 = arith.constant 0 : index
    %get3A_6 = arith.constant 0 : index
    %get3A_7 = vector.load %arg4[%get3A_5, %get3A_6] : memref<768x256xf32, #tpu.memory_space<vmem>>, vector<768x256xf32>
    %dot_general3A = arith.constant dense<0.000000e+00> : vector<768x256xf32>
    %dot_general3A_8 = tpu.matmul %get3A_7, %concatenate3A, %dot_general3A {dimension_numbers = #tpu.dot_dimension_numbers<[1], [1], [0], [0], [0, 0, 1, 0], [], []>, transpose_lhs_hint = false} : vector<768x256xf32>, vector<256x256xf32>, vector<768x256xf32> -> vector<768x256xf32>
    %swap3A = arith.constant 0 : index
    %swap3A_9 = arith.constant 0 : index
    %swap3A_10 = arith.constant 0 : index
    %swap3A_11 = vector.load %arg5[%swap3A, %swap3A_9, %swap3A_10] : memref<1x768x256xf32, #tpu.memory_space<vmem>>, vector<1x768x256xf32>
    %swap3A_12 = vector.shape_cast %swap3A_11 : vector<1x768x256xf32> to vector<768x256xf32>
    %swap3A_13 = vector.shape_cast %dot_general3A_8 : vector<768x256xf32> to vector<1x768x256xf32>
    tpu.vector_store %arg5[%swap3A, %swap3A_9, %swap3A_10], %swap3A_13 {strides = array<i32>} : memref<1x768x256xf32, #tpu.memory_space<vmem>>, vector<1x768x256xf32>,
    return
  }
  func.func @transform_0(%arg0: i32, %arg1: i32) -> (i32, i32) {
    %mul3A = arith.constant 1 : i32
    %mul3A_0 = arith.muli %arg0, %mul3A : i32
    %add3A = arith.addi %mul3A_0, %arg1 : i32
    %c0_i32 = arith.constant 0 : i32
    %c0_i32_1 = arith.constant 0 : i32
    return %add3A, %c0_i32 : i32, i32
  }
  func.func @transform_1(%arg0: i32, %arg1: i32) -> (i32, i32) {
    %mul3A = arith.constant 1 : i32
    %mul3A_0 = arith.muli %arg0, %mul3A : i32
    %add3A = arith.addi %mul3A_0, %arg1 : i32
    %c0_i32 = arith.constant 0 : i32
    %c0_i32_1 = arith.constant 0 : i32
    return %add3A, %c0_i32 : i32, i32
  }
  func.func @transform_2(%arg0: i32, %arg1: i32) -> (i32, i32) {
    %c0_i32 = arith.constant 0 : i32
    %c0_i32_0 = arith.constant 0 : i32
    %c0_i32_1 = arith.constant 0 : i32
    return %c0_i32, %c0_i32_0 : i32, i32
  }
  func.func @transform_3(%arg0: i32, %arg1: i32) -> (i32, i32, i32) {
    %c0_i32 = arith.constant 0 : i32
    %c0_i32_0 = arith.constant 0 : i32
    return %arg0, %c0_i32, %arg1 : i32, i32, i32
  }
}

module attributes {stable_mosaic.version = 14 : i64} {
  func.func @_proj_body(%arg0: i32, %arg1: i32, %arg2: memref<1024x128xf32, #tpu.memory_space<vmem>>, %arg3: memref<1024x128xf32, #tpu.memory_space<vmem>>, %arg4: memref<192x256xf32, #tpu.memory_space<vmem>>, %arg5: memref<1x192x1024xf32, #tpu.memory_space<vmem>>) attributes {dimension_semantics = [#tpu.dimension_semantics<arbitrary>, #tpu.dimension_semantics<arbitrary>], iteration_bounds = array<i64: 8, 4>, scalar_prefetch = 0 : i64, scratch_operands = 0 : i64, tpu.core_type = #tpu.core_type<tc>, window_params = [{transform_indices = @transform_0, window_bounds = array<i64: 1024, 128>}, {transform_indices = @transform_1, window_bounds = array<i64: 1024, 128>}, {pipeline_mode = #tpu.pipeline_mode<synchronous>, transform_indices = @transform_2, window_bounds = array<i64: 192, 256>}, {transform_indices = @transform_3, window_bounds = array<i64: 1, 192, 1024>}]} {
    %get3A = arith.constant 0 : index
    %get3A_0 = arith.constant 0 : index
    %get3A_1 = vector.load %arg2[%get3A, %get3A_0] : memref<1024x128xf32, #tpu.memory_space<vmem>>, vector<1024x128xf32>
    %get3A_2 = arith.constant 0 : index
    %get3A_3 = arith.constant 0 : index
    %get3A_4 = vector.load %arg3[%get3A_2, %get3A_3] : memref<1024x128xf32, #tpu.memory_space<vmem>>, vector<1024x128xf32>
    %concatenate3A = tpu.concatenate %get3A_1, %get3A_4 in 1 : vector<1024x128xf32>, vector<1024x128xf32> -> vector<1024x256xf32>
    %get3A_5 = arith.constant 0 : index
    %get3A_6 = arith.constant 0 : index
    %get3A_7 = vector.load %arg4[%get3A_5, %get3A_6] : memref<192x256xf32, #tpu.memory_space<vmem>>, vector<192x256xf32>
    %dot_general3A = arith.constant dense<0.000000e+00> : vector<192x1024xf32>
    %dot_general3A_8 = tpu.matmul %get3A_7, %concatenate3A, %dot_general3A {dimension_numbers = #tpu.dot_dimension_numbers<[1], [1], [0], [0], [0, 0, 1, 0], [], []>, transpose_lhs_hint = false} : vector<192x256xf32>, vector<1024x256xf32>, vector<192x1024xf32> -> vector<192x1024xf32>
    %swap3A = arith.constant 0 : index
    %swap3A_9 = arith.constant 0 : index
    %swap3A_10 = arith.constant 0 : index
    %swap3A_11 = vector.load %arg5[%swap3A, %swap3A_9, %swap3A_10] : memref<1x192x1024xf32, #tpu.memory_space<vmem>>, vector<1x192x1024xf32>
    %swap3A_12 = vector.shape_cast %swap3A_11 : vector<1x192x1024xf32> to vector<192x1024xf32>
    %swap3A_13 = vector.shape_cast %dot_general3A_8 : vector<192x1024xf32> to vector<1x192x1024xf32>
    tpu.vector_store %arg5[%swap3A, %swap3A_9, %swap3A_10], %swap3A_13 {strides = array<i32>} : memref<1x192x1024xf32, #tpu.memory_space<vmem>>, vector<1x192x1024xf32>,
    return
  }
  func.func @transform_0(%arg0: i32, %arg1: i32) -> (i32, i32) {
    %mul3A = arith.constant 4 : i32
    %mul3A_0 = arith.muli %arg0, %mul3A : i32
    %add3A = arith.addi %mul3A_0, %arg1 : i32
    %c0_i32 = arith.constant 0 : i32
    %c0_i32_1 = arith.constant 0 : i32
    return %add3A, %c0_i32 : i32, i32
  }
  func.func @transform_1(%arg0: i32, %arg1: i32) -> (i32, i32) {
    %mul3A = arith.constant 4 : i32
    %mul3A_0 = arith.muli %arg0, %mul3A : i32
    %add3A = arith.addi %mul3A_0, %arg1 : i32
    %c0_i32 = arith.constant 0 : i32
    %c0_i32_1 = arith.constant 0 : i32
    return %add3A, %c0_i32 : i32, i32
  }
  func.func @transform_2(%arg0: i32, %arg1: i32) -> (i32, i32) {
    %c0_i32 = arith.constant 0 : i32
    %c0_i32_0 = arith.constant 0 : i32
    %c0_i32_1 = arith.constant 0 : i32
    return %c0_i32, %c0_i32_0 : i32, i32
  }
  func.func @transform_3(%arg0: i32, %arg1: i32) -> (i32, i32, i32) {
    %c0_i32 = arith.constant 0 : i32
    %c0_i32_0 = arith.constant 0 : i32
    return %arg0, %c0_i32, %arg1 : i32, i32, i32
  }
}

module attributes {stable_mosaic.version = 14 : i64} {
  func.func @_proj_body(%arg0: i32, %arg1: i32, %arg2: memref<1024x128xf32, #tpu.memory_space<vmem>>, %arg3: memref<1024x128xf32, #tpu.memory_space<vmem>>, %arg4: memref<384x256xf32, #tpu.memory_space<vmem>>, %arg5: memref<1x384x1024xf32, #tpu.memory_space<vmem>>) attributes {dimension_semantics = [#tpu.dimension_semantics<arbitrary>, #tpu.dimension_semantics<arbitrary>], iteration_bounds = array<i64: 8, 1>, scalar_prefetch = 0 : i64, scratch_operands = 0 : i64, tpu.core_type = #tpu.core_type<tc>, window_params = [{transform_indices = @transform_0, window_bounds = array<i64: 1024, 128>}, {transform_indices = @transform_1, window_bounds = array<i64: 1024, 128>}, {pipeline_mode = #tpu.pipeline_mode<synchronous>, transform_indices = @transform_2, window_bounds = array<i64: 384, 256>}, {transform_indices = @transform_3, window_bounds = array<i64: 1, 384, 1024>}]} {
    %get3A = arith.constant 0 : index
    %get3A_0 = arith.constant 0 : index
    %get3A_1 = vector.load %arg2[%get3A, %get3A_0] : memref<1024x128xf32, #tpu.memory_space<vmem>>, vector<1024x128xf32>
    %get3A_2 = arith.constant 0 : index
    %get3A_3 = arith.constant 0 : index
    %get3A_4 = vector.load %arg3[%get3A_2, %get3A_3] : memref<1024x128xf32, #tpu.memory_space<vmem>>, vector<1024x128xf32>
    %concatenate3A = tpu.concatenate %get3A_1, %get3A_4 in 1 : vector<1024x128xf32>, vector<1024x128xf32> -> vector<1024x256xf32>
    %get3A_5 = arith.constant 0 : index
    %get3A_6 = arith.constant 0 : index
    %get3A_7 = vector.load %arg4[%get3A_5, %get3A_6] : memref<384x256xf32, #tpu.memory_space<vmem>>, vector<384x256xf32>
    %dot_general3A = arith.constant dense<0.000000e+00> : vector<384x1024xf32>
    %dot_general3A_8 = tpu.matmul %get3A_7, %concatenate3A, %dot_general3A {dimension_numbers = #tpu.dot_dimension_numbers<[1], [1], [0], [0], [0, 0, 1, 0], [], []>, transpose_lhs_hint = false} : vector<384x256xf32>, vector<1024x256xf32>, vector<384x1024xf32> -> vector<384x1024xf32>
    %swap3A = arith.constant 0 : index
    %swap3A_9 = arith.constant 0 : index
    %swap3A_10 = arith.constant 0 : index
    %swap3A_11 = vector.load %arg5[%swap3A, %swap3A_9, %swap3A_10] : memref<1x384x1024xf32, #tpu.memory_space<vmem>>, vector<1x384x1024xf32>
    %swap3A_12 = vector.shape_cast %swap3A_11 : vector<1x384x1024xf32> to vector<384x1024xf32>
    %swap3A_13 = vector.shape_cast %dot_general3A_8 : vector<384x1024xf32> to vector<1x384x1024xf32>
    tpu.vector_store %arg5[%swap3A, %swap3A_9, %swap3A_10], %swap3A_13 {strides = array<i32>} : memref<1x384x1024xf32, #tpu.memory_space<vmem>>, vector<1x384x1024xf32>,
    return
  }
  func.func @transform_0(%arg0: i32, %arg1: i32) -> (i32, i32) {
    %mul3A = arith.constant 1 : i32
    %mul3A_0 = arith.muli %arg0, %mul3A : i32
    %add3A = arith.addi %mul3A_0, %arg1 : i32
    %c0_i32 = arith.constant 0 : i32
    %c0_i32_1 = arith.constant 0 : i32
    return %add3A, %c0_i32 : i32, i32
  }
  func.func @transform_1(%arg0: i32, %arg1: i32) -> (i32, i32) {
    %mul3A = arith.constant 1 : i32
    %mul3A_0 = arith.muli %arg0, %mul3A : i32
    %add3A = arith.addi %mul3A_0, %arg1 : i32
    %c0_i32 = arith.constant 0 : i32
    %c0_i32_1 = arith.constant 0 : i32
    return %add3A, %c0_i32 : i32, i32
  }
  func.func @transform_2(%arg0: i32, %arg1: i32) -> (i32, i32) {
    %c0_i32 = arith.constant 0 : i32
    %c0_i32_0 = arith.constant 0 : i32
    %c0_i32_1 = arith.constant 0 : i32
    return %c0_i32, %c0_i32_0 : i32, i32
  }
  func.func @transform_3(%arg0: i32, %arg1: i32) -> (i32, i32, i32) {
    %c0_i32 = arith.constant 0 : i32
    %c0_i32_0 = arith.constant 0 : i32
    return %arg0, %c0_i32, %arg1 : i32, i32, i32
  }
}

</mosaic_0001>

<sc_bundles>
// kernel: kernel.17.cloned.1.call-start
scs
__scs_entry_jumppad:
0x0: {  	(pc) =	sbr.rel $0x88, $3  }
0x1: {  	(tag) =	ssettag $0x0;
	lr =	simm.s32 $0x1  }
0x2: {  	[smem:$0x3F7E] =	sst lr;
	_ =	strace $0xD0000000  }
0x3: {  	_ = 	snop  }
0x4: {  	_ = 	snop  }
0x5: {  	_ = 	snop  }
0x6: {  	_ = 	snop  }
0x7: {  	_ = 	snop  }
__scs_overlays_trampoline_lowered:
0x8: {  	[smem:$0x3F8D] =	sst s0  }
0x9: {  	[smem:$0x3F8E] =	sst s1  }
0xa: {  	[smem:$0x3F8F] =	sst s2  }
0xb: {  	[smem:$0x3F90] =	sst s3  }
0xc: {  	[smem:$0x3F91] =	sst s4  }
0xd: {  	[smem:$0x3F92] =	sst s5  }
0xe: {  	[smem:$0x3F93] =	sst s6  }
0xf: {  	[smem:$0x3F94] =	sst s7  }
0x10: {  	[smem:$0x3F95] =	sst s8  }
0x11: {  	[smem:$0x3F96] =	sst s9;
	s0 =	simm.s32 @!p0 $0x0  }
0x12: {  	s1 =	sld [smem:$0x3F7C];
	s0 =	simm.s32 @p0 $0x1  }
0x13: {  	[smem:$0x3F97] =	sst s0;
	s0 =	simm.s32 @!p1 $0x0  }
0x14: {  	s2 =	sld [smem:$0x3F7B];
	s0 =	simm.s32 @p1 $0x1  }
0x15: {  	[smem:$0x3F98] =	sst s0;
	s0 =	simm.s32 @!p2 $0x0  }
0x16: {  	s3 =	sld [smem:$0x3FDB];
	s0 =	simm.s32 @p2 $0x1  }
0x17: {  	s4 =	simm.s32 $0x1BF5;
	[smem:$0x3F9A] =	sst s0  }
0x18: {  	s0 =	sld [smem:$0x3F7D];
	_ =	swait.ge [sflag:s4], $0x0  }
0x19: {  	s7 =	sld [smem:$0x3F7E]  }
0x1a: {  	s8 =	sadd.s32 $0xFFFFE003, lr  }
0x1b: {  	s9 =	sadd.s32 $0xFFFFFEF7, lr;
	s5 =	simm.s32 $0xFFFFFFFF;
	p2 =	slt.u32 s8, $0xFFFFF086  }
0x1c: {  	p1 =	slt.u32 s9, $0xF7A;
	s5 =	simm.s32 @!p2 $0x0  }
0x1d: {  	s5 =	simm.s32 @p1 $0x1;
	p0 =	seq.s32 s7, s2  }
0x1e: {  	s7 =	smul.u32 @!p0 $0xF7A, s2;
	p2 =	seq.s32 @!p0 s5, $0x0  }
0x1f: {  	s9 =	smul.u32 $0xF7A, s1;
	s8 =	simm.s32 @!p0 $0x1BF5;
	p2 =	por !p2, p0  }
0x20: {  	[sflag:s8] =	ssyncset.s32 @!p0 $0xFFFFF086;
	s6 =	sadd.s32 @!p0 s3, s7;
	s7 =	simm.s32 @!p0 $0x108  }
0x21: {  	s3 =	sadd.s32 s3, s9;
	s6 =	sadd.s32 @!p0 $0x88, s6;
	s7 =	simm.s32 @p2 $0x1082  }
0x22: {  	[simem:s7], [sflag:s8] =	dma.local @!p0 [hbm:s6], $0xF7A  }
0x23: {  	s9 =	sor.u32 $0xD0000000, s2;
	s6 =	simm.s32 $0x108;
	_ =	swait.ge @!p0 [sflag:s8], $0x0  }
0x24: {  	s3 =	sadd.s32 $0x88, s3;
	s6 =	simm.s32 @!p1 $0x1082;
	[sflag:s4] =	ssyncset.s32 $0xFFFFF086  }
0x25: {  	[simem:s6], [sflag:s4] =	dma.local [hbm:s3], $0xF7A  }
0x26: {  	[smem:$0x3F7E] =	sst s1;
	(tag) =	ssettag s2;
	_ =	strace s9  }
0x27: {  	s1 =	sld [smem:$0x3F8E]  }
0x28: {  	s2 =	sld [smem:$0x3F8F]  }
0x29: {  	s4 =	sld [smem:$0x3F91]  }
0x2a: {  	p0 =	seq.s32 s5, $0x0;
	s5 =	sld [smem:$0x3F92]  }
0x2b: {  	s6 =	sld [smem:$0x3F93]  }
0x2c: {  	s7 =	sld [smem:$0x3F94]  }
0x2d: {  	s3 =	simm.s32 $0x108;
	s8 =	sld [smem:$0x3F95]  }
0x2e: {  	s3 =	simm.s32 @!p0 $0x1082;
	s9 =	sld [smem:$0x3F96]  }
0x2f: {  	lr =	sadd.s32 s0, s3;
	s0 =	sld [smem:$0x3F8D]  }
0x30: {  	s3 =	sld [smem:$0x3F90]  }
0x31: {  	[smem:$0x3F99] =	sst s10  }
0x32: {  	s10 =	sld [smem:$0x3F97];
	_ =	sdelay $0x3  }
0x33: {  	p0 =	seq.s32 s10, $0x1;
	s10 =	sld [smem:$0x3F99];
	_ =	sdelay $0x3  }
0x34: {  	[smem:$0x3F99] =	sst s10  }
0x35: {  	s10 =	sld [smem:$0x3F98];
	_ =	sdelay $0x3  }
0x36: {  	p1 =	seq.s32 s10, $0x1;
	s10 =	sld [smem:$0x3F99];
	_ =	sdelay $0x3  }
0x37: {  	[smem:$0x3F99] =	sst s10  }
0x38: {  	s10 =	sld [smem:$0x3F9A]  }
0x39: {  	_ = 	snop;
	(pc) =	sbr.ind lr, $3  }
0x3a: {  	_ = 	snop  }
0x3b: {  	_ = 	snop  }
0x3c: {  	p2 =	seq.s32 s10, $0x1;
	s10 =	sld [smem:$0x3F99]  }
0x3d: {  	_ =	shalt  }
0x3e: {  	_ =	shalt  }
0x3f: {  	_ =	shalt  }
0x40: {  	_ =	shalt  }
0x41: {  	_ =	shalt  }
0x42: {  	_ =	shalt  }
0x43: {  	_ =	shalt  }
0x44: {  	_ =	shalt  }
0x45: {  	_ =	shalt  }
0x46: {  	_ =	shalt  }
0x47: {  	_ =	shalt  }
0x48: {  	_ =	shalt  }
0x49: {  	_ =	shalt  }
0x4a: {  	_ =	shalt  }
0x4b: {  	_ =	shalt  }
0x4c: {  	_ =	shalt  }
0x4d: {  	_ =	shalt  }
0x4e: {  	_ =	shalt  }
0x4f: {  	_ =	shalt  }
0x50: {  	_ =	shalt  }
0x51: {  	_ =	shalt  }
0x52: {  	_ =	shalt  }
0x53: {  	_ =	shalt  }
0x54: {  	_ =	shalt  }
0x55: {  	_ =	shalt  }
0x56: {  	_ =	shalt  }
0x57: {  	_ =	shalt  }
0x58: {  	_ =	shalt  }
0x59: {  	_ =	shalt  }
0x5a: {  	_ =	shalt  }
0x5b: {  	_ =	shalt  }
0x5c: {  	_ =	shalt  }
0x5d: {  	_ =	shalt  }
0x5e: {  	_ =	shalt  }
0x5f: {  	_ =	shalt  }
0x60: {  	_ =	shalt  }
0x61: {  	_ =	shalt  }
0x62: {  	_ =	shalt  }
0x63: {  	_ =	shalt  }
0x64: {  	_ =	shalt  }
0x65: {  	_ =	shalt  }
0x66: {  	_ =	shalt  }
0x67: {  	_ =	shalt  }
0x68: {  	_ =	shalt  }
0x69: {  	_ =	shalt  }
0x6a: {  	_ =	shalt  }
0x6b: {  	_ =	shalt  }
0x6c: {  	_ =	shalt  }
0x6d: {  	_ =	shalt  }
0x6e: {  	_ =	shalt  }
0x6f: {  	_ =	shalt  }
0x70: {  	_ =	shalt  }
0x71: {  	_ =	shalt  }
0x72: {  	_ =	shalt  }
0x73: {  	_ =	shalt  }
0x74: {  	_ =	shalt  }
0x75: {  	_ =	shalt  }
0x76: {  	_ =	shalt  }
0x77: {  	_ =	shalt  }
0x78: {  	_ =	shalt  }
0x79: {  	_ =	shalt  }
0x7a: {  	_ =	shalt  }
0x7b: {  	_ =	shalt  }
0x7c: {  	_ =	shalt  }
0x7d: {  	_ =	shalt  }
0x7e: {  	_ =	shalt  }
0x7f: {  	_ =	shalt  }
0x80: {  	_ =	shalt  }
0x81: {  	_ =	shalt  }
0x82: {  	_ =	shalt  }
0x83: {  	_ =	shalt  }
0x84: {  	_ =	shalt  }
0x85: {  	_ =	shalt  }
0x86: {  	_ =	shalt  }
0x87: {  	_ =	shalt  }
.Lfunc_end0:
.L_simem_size_0:
called_computation_lowered:
.L_overlay_start_0:
0x88: {  	s2 =	sld [smem:$0x3FD9]  }
0x89: {  	s3 =	sld [smem:$0x3FFE];
	_ =	sdelay $0x1  }
0x8a: {  	s1 =	srdreg.scid  }
0x8b: {  	s0 =	sand.u32 $0x1, s1  }
0x8c: {  	s14 =	sshll.u32 s0, $0xA;
	s2 =	sadd.s32 s3, s2  }
0x8d: {  	s2 =	sadd.s32 s2, s14  }
0x8e: {  	[smem:$0x3FA5] =	sst s2  }
0x8f: {  	_ = 	snop  }
0x90: {  	s2 =	sld [smem:$0x3FD0];
	_ =	sdelay $0x2  }
0x91: {  	s15 =	simm.s32 $0xA;
	s4 =	simm.s32 $0x10  }
0x92: {  	[smem:s4], [sflag:s15] =	dma.local [hbm:s2], $0x1  }
0x93: {  	_ =	swait.eq [sflag:s15], $0x1  }
0x94: {  	s16 =	sld [smem:$0x10];
	[sflag:s15] =	ssyncset.done $0x0  }
0x95: {  	s17 =	sld [smem:$0x11];
	[sflag:s15] =	ssyncadd.s32 $0xFFFFFFFF  }
0x96: {  	s18 =	sld [smem:$0x12];
	(tm) =	ssettm $0x1  }
0x97: {  	s5 =	sld [smem:$0x3FFB];
	_ =	sdelay $0x3  }
0x98: {  	_ =	strace s5  }
0x99: {  	s5 =	sld [smem:$0x3FFC];
	_ =	sdelay $0x3  }
0x9a: {  	_ =	strace s5  }
0x9b: {  	s5 =	sld [smem:$0x3FFD];
	_ =	sdelay $0x3  }
0x9c: {  	_ =	strace s5  }
0x9d: {  	_ =	strace $0x8FFFFFFF  }
0x9e: {  	s19 =	sld [smem:$0x3FDB];
	_ =	sdelay $0x1  }
0x9f: {  	s6 =	simm.s32 $_scs_section_size  }
0xa0: {  	s7 =	simm.s32 $_size__tile_overlayer_lowered;
	s8 =	simm.s32 $_tile_overlayer_lowered  }
0xa1: {  	s22 =	simm.s32 $0x1BFF;
	s21 =	sshll.u32 s8, $0x1;
	s5 =	sadd.s32 s6, s19  }
0xa2: {  	s9 =	simm.s32 $0x0;
	s20 =	sshll.u32 s7, $0x1;
	s7 =	sadd.s32 s21, s5  }
0xa3: {  	[timem:s9], [sflag:s22] =	dma.local [hbm:s7], s20  }
0xa4: {  	_ =	swait.ge [sflag:s22], s20  }
0xa5: {  	s6 =	ssub.s32 $0x0, s20;
	[sflag:s22] =	ssyncset.done $0x0  }
0xa6: {  	[sflag:s22] =	ssyncadd.s32 s6;
	_ =	sdelay $0x1  }
0xa7: {  	s23 =	simm.s32 $0x1B8B  }
0xa8: {  	_ =	swait.ge [sflag:s23], $0x1  }
0xa9: {  	[sflag:s23] =	ssyncset.done $0x0  }
0xaa: {  	s25 =	simm.s32 $0x1B8E;
	s24 =	sld [smem:$0x3FFE];
	[sflag:s23] =	ssyncadd.s32 $0xFFFFFFFF  }
0xab: {  	s26 =	simm.s32 $execute0_lowered;
	[smem:$0x3FD2] =	sst s25  }
0xac: {  	s7 =	sshll.u32 s26, $0x1;
	_ =	strace $0x80000046;
	[dreg:$0x1] =	wrdreg $0xFFFFFFFF  }
0xad: {  	s28 =	simm.s32 $_size_execute0_lowered;
	s5 =	sadd.s32 s5, s7;
	[dreg:$0x0] =	wrdreg $0x0  }
0xae: {  	s7 =	sshll.u32 s28, $0x1;
	[dreg:$0x2] =	wrdreg s5  }
0xaf: {  	[dreg:$0x3] =	wrdreg s7  }
0xb0: {  	[dreg:$0x4] =	wrdreg $0xC0  }
0xb1: {  	_ =	task [dreg:s9], $0x5FFFF  }
0xb2: {  	[dreg:$0x1] =	wrdreg $0xFFFFFFFF  }
0xb3: {  	[dreg:$0x0] =	wrdreg $0x60  }
0xb4: {  	[dreg:$0x2] =	wrdreg s16  }
0xb5: {  	[dreg:$0x3] =	wrdreg s24  }
0xb6: {  	[dreg:$0x4] =	wrdreg s17  }
0xb7: {  	[dreg:$0x5] =	wrdreg s18  }
0xb8: {  	[dreg:$0x6] =	wrdreg $0x9  }
0xb9: {  	_ =	task.clear_ibuf [dreg:s9], $0x7FFFF;
	_ =	strace $0x90000046  }
0xba: {  	s29 =	simm.s32 $0x9;
	_ =	strace $0x80000048  }
0xbb: {  	_ =	swait.ge [sflag:s29], $0x1  }
0xbc: {  	[sflag:s29] =	ssyncadd.s32 $0xFFFFFFFF  }
0xbd: {  	_ =	strace $0x90000048  }
0xbe: {  	_ =	sfence  }
0xbf: {  	s30 =	sld [smem:$0x0];
	_ =	sdelay $0x2  }
0xc0: {  	s31 =	sshll.u32 s1, $0xD;
	s1 =	sshrl.u32 s1, $0x2  }
0xc1: {  	s3 =	sand.u32 $0x4000, s31;
	s1 =	sadd.s32 s1, s30  }
0xc2: {  	s0 =	sor.u32 s3, s0;
	s1 =	sshll.u32 s1, $0x11  }
0xc3: {  	s0 =	sor.u32 s1, s0  }
0xc4: {  	s0 =	sadd.s32 $0x8F2B, s0  }
0xc5: {  	[sflag:s0] =	ssyncadd.remote.s32 $0x1  }
0xc6: {  	_ =	sfence.sel $0xFFFF  }
0xc7: {  	[dreg:$0x0] =	wrdreg $0xFFFFFFFF;
	(pc) =	sbr.abs _section_cstart, $3  }
0xc8: {  	[dreg:$0x1] =	wrdreg $0xFFFFFFFF  }
0xc9: {  	_ =	task.clear_ibuf [dreg:s9], $0x2FFFF;
	_ =	strace $0x9FFFFFFF  }
0xca: {  	(tm) =	ssettm $0x7FFFFFFF  }
0xcb: {  	_ =	shalt  }
tec
execute0_lowered:
.L_overlay_start_1:
0x0: {  	(tag) =	ssettag $0x1  }
0x1: {  	s1 =	rddreg [dreg:$0x0]  }
0x2: {  	s2 =	srdreg.scid;
	s0 =	stileid.u32  }
0x3: {  	s26 =	rddreg [dreg:$0x1];
	s30 =	sand.u32 $0x1, s2;
	s5 =	sshll.u32 s0, $0x1  }
0x4: {  	s3 =	rddreg [dreg:$0x2];
	s28 =	sor.u32 s30, s5  }
0x5: {  	s25 =	rddreg [dreg:$0x3];
	s4 =	simm.s32 $0x0;
	s5 =	sshll.u32 s28, $0x2  }
0x6: {  	s8 =	simm.s32 $0x80;
	[smem:$0x7FF] =	sst s4;
	s17 =	sadd.s32 s5, s26  }
0x7: {  	_ =	strace $0x80000047;
	s5 =	simm.s32 $0x2;
	s6 =	sadd.s32 $0x89000, s17  }
0x8: {  	[tilespmem:s4], [sflag:$0x2] =	stream.linear.gather [hbm4b:s6+s4], $0x20, $0x38;
	[tilespmem:$0x5100] =	vst v63  }
0x9: {  	s9 =	simm.s32 $0x1;
	s7 =	sshrl.u32 s0, $0x1;
	_ =	swait.ge [sflag:s5], $0x20  }
0xa: {  	s10 =	smul.u32 $0x180, s7;
	s23 =	sshll.u32 s28, $0x5;
	[sflag:s5] =	ssyncset.done $0x0  }
0xb: {  	s7 =	simm.s32 $0x20;
	s11 =	sand.u32 $0x60, s23;
	[sflag:s5] =	ssyncadd.s32 $0xFFFFFFE0  }
0xc: {  	[tilespmem:s8], [sflag:$0x1] =	stream.indirect.gather [hbm4b:s1+s7], $0x80, s4, s7, $0xb8;
	[tilespmem:$0x5100] =	vst v63  }
0xd: {  	s10 =	sor.u32 s10, s11;
	_ =	swait.ge [sflag:s9], $0x1000  }
0xe: {  	s19 =	sadd.s32 $0xB9A00, s26;
	s20 =	sshll.u32 s10, $0x4;
	[sflag:s9] =	ssyncset.done $0x0  }
0xf: {  	s10 =	sadd.s32 s19, s20;
	[sflag:s9] =	ssyncadd.s32 $0xFFFFF000  }
0x10: {  	[hbm4b:s10+s4] =	stream.linear.scatter [tilespmem:s8], [sflag:$0x2], $0x1000, $0x38;
	[tilespmem:$0x5100] =	vst v63  }
0x11: {  	_ =	swait.ge [sflag:s5], $0x1000  }
0x12: {  	[sflag:s5] =	ssyncset.done $0x0  }
0x13: {  	s11 =	sadd.s32 $0x9000, s26;
	[sflag:s5] =	ssyncadd.s32 $0xFFFFF000  }
0x14: {  	[tilespmem:s8], [sflag:$0x1] =	stream.indirect.gather [hbm4b:s11+s7], $0x80, s4, s7, $0xb8;
	[tilespmem:$0x5100] =	vst v63  }
0x15: {  	_ =	swait.ge [sflag:s9], $0x1000  }
0x16: {  	s21 =	sadd.s32 $0xC5A00, s26;
	[sflag:s9] =	ssyncset.done $0x0  }
0x17: {  	s12 =	sadd.s32 s21, s20;
	[sflag:s9] =	ssyncadd.s32 $0xFFFFF000  }
0x18: {  	[hbm4b:s12+s4] =	stream.linear.scatter [tilespmem:s8], [sflag:$0x2], $0x1000, $0x38;
	[tilespmem:$0x5100] =	vst v63  }
0x19: {  	_ =	swait.ge [sflag:s5], $0x1000  }
0x1a: {  	[sflag:s5] =	ssyncset.done $0x0  }
0x1b: {  	s13 =	sadd.s32 $0xA9400, s17;
	[sflag:s5] =	ssyncadd.s32 $0xFFFFF000  }
0x1c: {  	[tilespmem:s4], [sflag:$0x2] =	stream.linear.gather [hbm4b:s13+s4], $0x20, $0x38;
	[tilespmem:$0x5100] =	vst v63  }
0x1d: {  	_ =	swait.ge [sflag:s5], $0x20  }
0x1e: {  	[sflag:s5] =	ssyncset.done $0x0  }
0x1f: {  	[sflag:s5] =	ssyncadd.s32 $0xFFFFFFE0  }
0x20: {  	[tilespmem:s8], [sflag:$0x1] =	stream.indirect.gather [hbm4b:s3+s7], $0x80, s4, s7, $0xb8;
	[tilespmem:$0x5100] =	vst v63  }
0x21: {  	_ =	swait.ge [sflag:s9], $0x1000  }
0x22: {  	s16 =	sadd.s32 $0x800, s20;
	[sflag:s9] =	ssyncset.done $0x0  }
0x23: {  	s14 =	sadd.s32 s19, s16;
	[sflag:s9] =	ssyncadd.s32 $0xFFFFF000  }
0x24: {  	[hbm4b:s14+s4] =	stream.linear.scatter [tilespmem:s8], [sflag:$0x2], $0x1000, $0x38;
	[tilespmem:$0x5100] =	vst v63  }
0x25: {  	_ =	swait.ge [sflag:s5], $0x1000  }
0x26: {  	[sflag:s5] =	ssyncset.done $0x0  }
0x27: {  	s15 =	sadd.s32 $0x89400, s26;
	[sflag:s5] =	ssyncadd.s32 $0xFFFFF000  }
0x28: {  	[tilespmem:s8], [sflag:$0x1] =	stream.indirect.gather [hbm4b:s15+s7], $0x80, s4, s7, $0xb8;
	[tilespmem:$0x5100] =	vst v63  }
0x29: {  	_ =	swait.ge [sflag:s9], $0x1000  }
0x2a: {  	[sflag:s9] =	ssyncset.done $0x0  }
0x2b: {  	s16 =	sadd.s32 s21, s16;
	[sflag:s9] =	ssyncadd.s32 $0xFFFFF000  }
0x2c: {  	[hbm4b:s16+s4] =	stream.linear.scatter [tilespmem:s8], [sflag:$0x2], $0x1000, $0x38;
	[tilespmem:$0x5100] =	vst v63  }
0x2d: {  	_ =	swait.ge [sflag:s5], $0x1000  }
0x2e: {  	[sflag:s5] =	ssyncset.done $0x0  }
0x2f: {  	s17 =	sadd.s32 $0xB9600, s17;
	[sflag:s5] =	ssyncadd.s32 $0xFFFFF000  }
0x30: {  	[tilespmem:s4], [sflag:$0x2] =	stream.linear.gather [hbm4b:s17+s4], $0x20, $0x38;
	[tilespmem:$0x5100] =	vst v63  }
0x31: {  	_ =	swait.ge [sflag:s5], $0x20  }
0x32: {  	[sflag:s5] =	ssyncset.done $0x0  }
0x33: {  	s18 =	sadd.s32 $0xA9600, s26;
	[sflag:s5] =	ssyncadd.s32 $0xFFFFFFE0  }
0x34: {  	[tilespmem:s8], [sflag:$0x1] =	stream.indirect.gather [hbm4b:s18+s7], $0x80, s4, s7, $0xb8;
	[tilespmem:$0x5100] =	vst v63  }
0x35: {  	_ =	swait.ge [sflag:s9], $0x1000  }
0x36: {  	s22 =	sadd.s32 $0x1000, s20;
	[sflag:s9] =	ssyncset.done $0x0  }
0x37: {  	s19 =	sadd.s32 s19, s22;
	[sflag:s9] =	ssyncadd.s32 $0xFFFFF000  }
0x38: {  	[hbm4b:s19+s4] =	stream.linear.scatter [tilespmem:s8], [sflag:$0x2], $0x1000, $0x38;
	[tilespmem:$0x5100] =	vst v63  }
0x39: {  	_ =	swait.ge [sflag:s5], $0x1000  }
0x3a: {  	[sflag:s5] =	ssyncset.done $0x0  }
0x3b: {  	s20 =	sadd.s32 $0xB1600, s26;
	[sflag:s5] =	ssyncadd.s32 $0xFFFFF000  }
0x3c: {  	[tilespmem:s8], [sflag:$0x1] =	stream.indirect.gather [hbm4b:s20+s7], $0x80, s4, s7, $0xb8;
	[tilespmem:$0x5100] =	vst v63  }
0x3d: {  	_ =	swait.ge [sflag:s9], $0x1000  }
0x3e: {  	[sflag:s9] =	ssyncset.done $0x0  }
0x3f: {  	s21 =	sadd.s32 s21, s22;
	[sflag:s9] =	ssyncadd.s32 $0xFFFFF000  }
0x40: {  	[hbm4b:s21+s4] =	stream.linear.scatter [tilespmem:s8], [sflag:$0x2], $0x1000, $0x38;
	[tilespmem:$0x5100] =	vst v63  }
0x41: {  	s24 =	sshll.u32 s28, $0x4;
	_ =	swait.ge [sflag:s5], $0x1000  }
0x42: {  	s29 =	sadd.s32 s24, s26;
	[sflag:s5] =	ssyncset.done $0x0  }
0x43: {  	s23 =	simm.s32 $0x1080;
	s22 =	sadd.s32 $0x89200, s29;
	[sflag:s5] =	ssyncadd.s32 $0xFFFFF000  }
0x44: {  	[tilespmem:s23], [sflag:$0x2] =	stream.linear.gather [hbm4b:s22+s4], $0x80, $0x38;
	[tilespmem:$0x5100] =	vst v63  }
0x45: {  	_ =	swait.ge [sflag:s5], $0x80  }
0x46: {  	[sflag:s5] =	ssyncset.done $0x0  }
0x47: {  	s24 =	simm.s32 $0x1100;
	[sflag:s5] =	ssyncadd.s32 $0xFFFFFF80  }
0x48: {  	[tilespmem:s24], [sflag:$0x1] =	stream.indirect.gather [hbm4b:s1+s8], $0x80, s23, s8, $0xb8;
	[tilespmem:$0x5100] =	vst v63  }
0x49: {  	_ =	swait.ge [sflag:s9], $0x4000  }
0x4a: {  	s28 =	sshll.u32 s28, $0xB;
	[sflag:s9] =	ssyncset.done $0x0  }
0x4b: {  	s25 =	sadd.s32 s25, s28;
	[sflag:s9] =	ssyncadd.s32 $0xFFFFC000  }
0x4c: {  	[hbm4b:s25+s4] =	stream.linear.scatter [tilespmem:s24], [sflag:$0x2], $0x4000, $0x38;
	[tilespmem:$0x5100] =	vst v63  }
0x4d: {  	_ =	swait.ge [sflag:s5], $0x4000  }
0x4e: {  	[sflag:s5] =	ssyncset.done $0x0  }
0x4f: {  	[sflag:s5] =	ssyncadd.s32 $0xFFFFC000  }
0x50: {  	[tilespmem:s24], [sflag:$0x1] =	stream.indirect.gather [hbm4b:s11+s8], $0x80, s23, s8, $0xb8;
	[tilespmem:$0x5100] =	vst v63  }
0x51: {  	_ =	swait.ge [sflag:s9], $0x4000  }
0x52: {  	s31 =	sadd.s32 s28, s26;
	[sflag:s9] =	ssyncset.done $0x0  }
0x53: {  	s26 =	sadd.s32 $0xD1A00, s31;
	[sflag:s9] =	ssyncadd.s32 $0xFFFFC000  }
0x54: {  	[hbm4b:s26+s4] =	stream.linear.scatter [tilespmem:s24], [sflag:$0x2], $0x4000, $0x38;
	[tilespmem:$0x5100] =	vst v63  }
0x55: {  	_ =	swait.ge [sflag:s5], $0x4000  }
0x56: {  	[sflag:s5] =	ssyncset.done $0x0  }
0x57: {  	s28 =	sadd.s32 $0xB9800, s29;
	[sflag:s5] =	ssyncadd.s32 $0xFFFFC000  }
0x58: {  	[tilespmem:s23], [sflag:$0x2] =	stream.linear.gather [hbm4b:s28+s4], $0x80, $0x38;
	[tilespmem:$0x5100] =	vst v63  }
0x59: {  	_ =	swait.ge [sflag:s5], $0x80  }
0x5a: {  	[sflag:s5] =	ssyncset.done $0x0  }
0x5b: {  	[sflag:s5] =	ssyncadd.s32 $0xFFFFFF80  }
0x5c: {  	[tilespmem:s24], [sflag:$0x1] =	stream.indirect.gather [hbm4b:s3+s8], $0x80, s23, s8, $0xb8;
	[tilespmem:$0x5100] =	vst v63  }
0x5d: {  	_ =	swait.ge [sflag:s9], $0x4000  }
0x5e: {  	[sflag:s9] =	ssyncset.done $0x0  }
0x5f: {  	s30 =	ssub.s32 $0x2, s30;
	s29 =	sadd.s32 $0xE1A00, s31;
	[sflag:s9] =	ssyncadd.s32 $0xFFFFC000  }
0x60: {  	[hbm4b:s29+s4] =	stream.linear.scatter [tilespmem:s24], [sflag:$0x2], $0x4000, $0x38;
	[tilespmem:$0x5100] =	vst v63  }
0x61: {  	s2 =	sshrl.u32 s30, $0x1;
	_ =	swait.ge [sflag:s5], $0x4000  }
0x62: {  	s2 =	ssub.s32 s30, s2;
	[sflag:s5] =	ssyncset.done $0x0  }
0x63: {  	s2 =	smax.u32 s2, $0x1;
	[sflag:s5] =	ssyncadd.s32 $0xFFFFC000  }
0x64: {  	[tilespmem:s24], [sflag:$0x1] =	stream.indirect.gather [hbm4b:s15+s8], $0x80, s23, s8, $0xb8;
	[tilespmem:$0x5100] =	vst v63  }
0x65: {  	p0 =	sne.s32 s2, $0x1;
	_ =	swait.ge [sflag:s9], $0x4000  }
.Ltmp0:
0x66: {  	[sflag:s9] =	ssyncset.done $0x0;
	(pc) =	sbr.rel @!p0 .LBB2_2-.Ltmp0, $4  }
0x67: {  	s30 =	sadd.s32 $0xF1A00, s31;
	[sflag:s9] =	ssyncadd.s32 $0xFFFFC000  }
0x68: {  	[hbm4b:s30+s4] =	stream.linear.scatter [tilespmem:s24], [sflag:$0x2], $0x4000, $0x38;
	[tilespmem:$0x5100] =	vst v63  }
0x69: {  	_ =	swait.ge [sflag:s5], $0x4000  }
0x6a: {  	s31 =	sadd.s32 $0xFFFFFFFF, s2;
	[sflag:s5] =	ssyncset.done $0x0  }
.LBB2_1:
0x6b: {  	p0 =	sne.s32 s31, $0x1;
	s31 =	sadd.s32 $0xFFFFFFFF, s31;
	[sflag:s5] =	ssyncadd.s32 $0xFFFFC000  }
0x6c: {  	[tilespmem:s4], [sflag:$0x2] =	stream.linear.gather [hbm4b:s6+s4], $0x20, $0x38;
	[tilespmem:$0x5100] =	vst v63  }
0x6d: {  	_ =	swait.ge [sflag:s5], $0x20  }
0x6e: {  	[sflag:s5] =	ssyncset.done $0x0  }
0x6f: {  	[sflag:s5] =	ssyncadd.s32 $0xFFFFFFE0  }
0x70: {  	[tilespmem:s8], [sflag:$0x1] =	stream.indirect.gather [hbm4b:s1+s7], $0x80, s4, s7, $0xb8;
	[tilespmem:$0x5100] =	vst v63  }
0x71: {  	_ =	swait.ge [sflag:s9], $0x1000  }
0x72: {  	[sflag:s9] =	ssyncset.done $0x0  }
0x73: {  	[sflag:s9] =	ssyncadd.s32 $0xFFFFF000  }
0x74: {  	[hbm4b:s10+s4] =	stream.linear.scatter [tilespmem:s8], [sflag:$0x2], $0x1000, $0x38;
	[tilespmem:$0x5100] =	vst v63  }
0x75: {  	_ =	swait.ge [sflag:s5], $0x1000  }
0x76: {  	[sflag:s5] =	ssyncset.done $0x0  }
0x77: {  	[sflag:s5] =	ssyncadd.s32 $0xFFFFF000  }
0x78: {  	[tilespmem:s8], [sflag:$0x1] =	stream.indirect.gather [hbm4b:s11+s7], $0x80, s4, s7, $0xb8;
	[tilespmem:$0x5100] =	vst v63  }
0x79: {  	_ =	swait.ge [sflag:s9], $0x1000  }
0x7a: {  	[sflag:s9] =	ssyncset.done $0x0  }
0x7b: {  	[sflag:s9] =	ssyncadd.s32 $0xFFFFF000  }
0x7c: {  	[hbm4b:s12+s4] =	stream.linear.scatter [tilespmem:s8], [sflag:$0x2], $0x1000, $0x38;
	[tilespmem:$0x5100] =	vst v63  }
0x7d: {  	_ =	swait.ge [sflag:s5], $0x1000  }
0x7e: {  	[sflag:s5] =	ssyncset.done $0x0  }
0x7f: {  	[sflag:s5] =	ssyncadd.s32 $0xFFFFF000  }
0x80: {  	[tilespmem:s4], [sflag:$0x2] =	stream.linear.gather [hbm4b:s13+s4], $0x20, $0x38;
	[tilespmem:$0x5100] =	vst v63  }
0x81: {  	_ =	swait.ge [sflag:s5], $0x20  }
0x82: {  	[sflag:s5] =	ssyncset.done $0x0  }
0x83: {  	[sflag:s5] =	ssyncadd.s32 $0xFFFFFFE0  }
0x84: {  	[tilespmem:s8], [sflag:$0x1] =	stream.indirect.gather [hbm4b:s3+s7], $0x80, s4, s7, $0xb8;
	[tilespmem:$0x5100] =	vst v63  }
0x85: {  	_ =	swait.ge [sflag:s9], $0x1000  }
0x86: {  	[sflag:s9] =	ssyncset.done $0x0  }
0x87: {  	[sflag:s9] =	ssyncadd.s32 $0xFFFFF000  }
0x88: {  	[hbm4b:s14+s4] =	stream.linear.scatter [tilespmem:s8], [sflag:$0x2], $0x1000, $0x38;
	[tilespmem:$0x5100] =	vst v63  }
0x89: {  	_ =	swait.ge [sflag:s5], $0x1000  }
0x8a: {  	[sflag:s5] =	ssyncset.done $0x0  }
0x8b: {  	[sflag:s5] =	ssyncadd.s32 $0xFFFFF000  }
0x8c: {  	[tilespmem:s8], [sflag:$0x1] =	stream.indirect.gather [hbm4b:s15+s7], $0x80, s4, s7, $0xb8;
	[tilespmem:$0x5100] =	vst v63  }
0x8d: {  	_ =	swait.ge [sflag:s9], $0x1000  }
0x8e: {  	[sflag:s9] =	ssyncset.done $0x0  }
0x8f: {  	[sflag:s9] =	ssyncadd.s32 $0xFFFFF000  }
0x90: {  	[hbm4b:s16+s4] =	stream.linear.scatter [tilespmem:s8], [sflag:$0x2], $0x1000, $0x38;
	[tilespmem:$0x5100] =	vst v63  }
0x91: {  	_ =	swait.ge [sflag:s5], $0x1000  }
0x92: {  	[sflag:s5] =	ssyncset.done $0x0  }
0x93: {  	[sflag:s5] =	ssyncadd.s32 $0xFFFFF000  }
0x94: {  	[tilespmem:s4], [sflag:$0x2] =	stream.linear.gather [hbm4b:s17+s4], $0x20, $0x38;
	[tilespmem:$0x5100] =	vst v63  }
0x95: {  	_ =	swait.ge [sflag:s5], $0x20  }
0x96: {  	[sflag:s5] =	ssyncset.done $0x0  }
0x97: {  	[sflag:s5] =	ssyncadd.s32 $0xFFFFFFE0  }
0x98: {  	[tilespmem:s8], [sflag:$0x1] =	stream.indirect.gather [hbm4b:s18+s7], $0x80, s4, s7, $0xb8;
	[tilespmem:$0x5100] =	vst v63  }
0x99: {  	_ =	swait.ge [sflag:s9], $0x1000  }
0x9a: {  	[sflag:s9] =	ssyncset.done $0x0  }
0x9b: {  	[sflag:s9] =	ssyncadd.s32 $0xFFFFF000  }
0x9c: {  	[hbm4b:s19+s4] =	stream.linear.scatter [tilespmem:s8], [sflag:$0x2], $0x1000, $0x38;
	[tilespmem:$0x5100] =	vst v63  }
0x9d: {  	_ =	swait.ge [sflag:s5], $0x1000  }
0x9e: {  	[sflag:s5] =	ssyncset.done $0x0  }
0x9f: {  	[sflag:s5] =	ssyncadd.s32 $0xFFFFF000  }
0xa0: {  	[tilespmem:s8], [sflag:$0x1] =	stream.indirect.gather [hbm4b:s20+s7], $0x80, s4, s7, $0xb8;
	[tilespmem:$0x5100] =	vst v63  }
0xa1: {  	_ =	swait.ge [sflag:s9], $0x1000  }
0xa2: {  	[sflag:s9] =	ssyncset.done $0x0  }
0xa3: {  	[sflag:s9] =	ssyncadd.s32 $0xFFFFF000  }
0xa4: {  	[hbm4b:s21+s4] =	stream.linear.scatter [tilespmem:s8], [sflag:$0x2], $0x1000, $0x38;
	[tilespmem:$0x5100] =	vst v63  }
0xa5: {  	_ =	swait.ge [sflag:s5], $0x1000  }
0xa6: {  	[sflag:s5] =	ssyncset.done $0x0  }
0xa7: {  	[sflag:s5] =	ssyncadd.s32 $0xFFFFF000  }
0xa8: {  	[tilespmem:s23], [sflag:$0x2] =	stream.linear.gather [hbm4b:s22+s4], $0x80, $0x38;
	[tilespmem:$0x5100] =	vst v63  }
0xa9: {  	_ =	swait.ge [sflag:s5], $0x80  }
0xaa: {  	[sflag:s5] =	ssyncset.done $0x0  }
0xab: {  	[sflag:s5] =	ssyncadd.s32 $0xFFFFFF80  }
0xac: {  	[tilespmem:s24], [sflag:$0x1] =	stream.indirect.gather [hbm4b:s1+s8], $0x80, s23, s8, $0xb8;
	[tilespmem:$0x5100] =	vst v63  }
0xad: {  	_ =	swait.ge [sflag:s9], $0x4000  }
0xae: {  	[sflag:s9] =	ssyncset.done $0x0  }
0xaf: {  	[sflag:s9] =	ssyncadd.s32 $0xFFFFC000  }
0xb0: {  	[hbm4b:s25+s4] =	stream.linear.scatter [tilespmem:s24], [sflag:$0x2], $0x4000, $0x38;
	[tilespmem:$0x5100] =	vst v63  }
0xb1: {  	_ =	swait.ge [sflag:s5], $0x4000  }
0xb2: {  	[sflag:s5] =	ssyncset.done $0x0  }
0xb3: {  	[sflag:s5] =	ssyncadd.s32 $0xFFFFC000  }
0xb4: {  	[tilespmem:s24], [sflag:$0x1] =	stream.indirect.gather [hbm4b:s11+s8], $0x80, s23, s8, $0xb8;
	[tilespmem:$0x5100] =	vst v63  }
0xb5: {  	_ =	swait.ge [sflag:s9], $0x4000  }
0xb6: {  	[sflag:s9] =	ssyncset.done $0x0  }
0xb7: {  	[sflag:s9] =	ssyncadd.s32 $0xFFFFC000  }
0xb8: {  	[hbm4b:s26+s4] =	stream.linear.scatter [tilespmem:s24], [sflag:$0x2], $0x4000, $0x38;
	[tilespmem:$0x5100] =	vst v63  }
0xb9: {  	_ =	swait.ge [sflag:s5], $0x4000  }
0xba: {  	[sflag:s5] =	ssyncset.done $0x0  }
0xbb: {  	[sflag:s5] =	ssyncadd.s32 $0xFFFFC000  }
0xbc: {  	[tilespmem:s23], [sflag:$0x2] =	stream.linear.gather [hbm4b:s28+s4], $0x80, $0x38;
	[tilespmem:$0x5100] =	vst v63  }
0xbd: {  	_ =	swait.ge [sflag:s5], $0x80  }
0xbe: {  	[sflag:s5] =	ssyncset.done $0x0  }
0xbf: {  	[sflag:s5] =	ssyncadd.s32 $0xFFFFFF80  }
0xc0: {  	[tilespmem:s24], [sflag:$0x1] =	stream.indirect.gather [hbm4b:s3+s8], $0x80, s23, s8, $0xb8;
	[tilespmem:$0x5100] =	vst v63  }
0xc1: {  	_ =	swait.ge [sflag:s9], $0x4000  }
0xc2: {  	[sflag:s9] =	ssyncset.done $0x0  }
0xc3: {  	[sflag:s9] =	ssyncadd.s32 $0xFFFFC000  }
0xc4: {  	[hbm4b:s29+s4] =	stream.linear.scatter [tilespmem:s24], [sflag:$0x2], $0x4000, $0x38;
	[tilespmem:$0x5100] =	vst v63  }
0xc5: {  	_ =	swait.ge [sflag:s5], $0x4000  }
0xc6: {  	[sflag:s5] =	ssyncset.done $0x0  }
0xc7: {  	[sflag:s5] =	ssyncadd.s32 $0xFFFFC000  }
0xc8: {  	[tilespmem:s24], [sflag:$0x1] =	stream.indirect.gather [hbm4b:s15+s8], $0x80, s23, s8, $0xb8;
	[tilespmem:$0x5100] =	vst v63  }
0xc9: {  	_ =	swait.ge [sflag:s9], $0x4000  }
.Ltmp1:
0xca: {  	[sflag:s9] =	ssyncset.done $0x0;
	(pc) =	sbr.rel @p0 .LBB2_1-.Ltmp1, $4  }
0xcb: {  	[sflag:s9] =	ssyncadd.s32 $0xFFFFC000  }
0xcc: {  	[hbm4b:s30+s4] =	stream.linear.scatter [tilespmem:s24], [sflag:$0x2], $0x4000, $0x38;
	[tilespmem:$0x5100] =	vst v63  }
0xcd: {  	_ =	swait.ge [sflag:s5], $0x4000  }
0xce: {  	[sflag:s5] =	ssyncset.done $0x0  }
.LBB2_2:
0xcf: {  	[sflag:s5] =	ssyncadd.s32 $0xFFFFC000  }
0xd0: {  	_ =	sfence.sel $0x180000  }
0xd1: {  	[bflag:$0x0] =	sbarrier.arrive $0xFFFF  }
0xd2: {  	_ =	strace $0x90000047  }
0xd3: {  	[bflag:$0x2] =	sbarrier.arrive $0xFFFF  }
0xd4: {  	p0 =	sne.s32 s0, $0x0;
	s0 =	rddreg [dreg:$0x4]  }
0xd5: {  	s0 =	sadd.s32 @!p0 $0x100000, s0  }
0xd6: {  	[sflag:s0] =	ssyncadd.tile.s32 @!p0 $0x1;
	_ =	shalt  }
.Lfunc_end2:
_tile_overlayer_lowered:
.L_overlay_start_2:
0xd7: {  	(tag) =	ssettag $0x2  }
0xd8: {  	s0 =	rddreg [dreg:$0x0];
	s2 =	stileid.u32  }
0xd9: {  	s1 =	rddreg [dreg:$0x1];
	p0 =	sne.s32 s2, $0x0  }
0xda: {  	s3 =	rddreg [dreg:$0x2];
	[bflag:$0x3] =	sbarrier.arrive $0xFFFF;
	s2 =	simm.s32 @!p0 $0x1C02  }
0xdb: {  	[timem:s3], [sflag:s2] =	dma.local @!p0 [hbm:s0], s1  }
0xdc: {  	s0 =	simm.s32 @!p0 $0x2  }
0xdd: {  	_ =	swait.ge @!p0 [sflag:s0], s1  }
0xde: {  	s1 =	ssub.s32 @!p0 $0x0, s1;
	[sflag:s0] =	ssyncset.done @!p0 $0x0  }
0xdf: {  	[sflag:s0] =	ssyncadd.s32 @!p0 s1  }
0xe0: {  	[bflag:$0x3] =	sbarrier.arrive $0xFFFF  }
0xe1: {  	_ =	shalt  }

// kernel: kernel.20.cloned.1.call-start
scs
__scs_entry_jumppad:
0x0: {  	(pc) =	sbr.rel $0x88, $3  }
0x1: {  	(tag) =	ssettag $0x0;
	lr =	simm.s32 $0x1  }
0x2: {  	[smem:$0x3F7E] =	sst lr;
	_ =	strace $0xD0000000  }
0x3: {  	_ = 	snop  }
0x4: {  	_ = 	snop  }
0x5: {  	_ = 	snop  }
0x6: {  	_ = 	snop  }
0x7: {  	_ = 	snop  }
__scs_overlays_trampoline_lowered:
0x8: {  	[smem:$0x3F8D] =	sst s0  }
0x9: {  	[smem:$0x3F8E] =	sst s1  }
0xa: {  	[smem:$0x3F8F] =	sst s2  }
0xb: {  	[smem:$0x3F90] =	sst s3  }
0xc: {  	[smem:$0x3F91] =	sst s4  }
0xd: {  	[smem:$0x3F92] =	sst s5  }
0xe: {  	[smem:$0x3F93] =	sst s6  }
0xf: {  	[smem:$0x3F94] =	sst s7  }
0x10: {  	[smem:$0x3F95] =	sst s8  }
0x11: {  	[smem:$0x3F96] =	sst s9;
	s0 =	simm.s32 @!p0 $0x0  }
0x12: {  	s1 =	sld [smem:$0x3F7C];
	s0 =	simm.s32 @p0 $0x1  }
0x13: {  	[smem:$0x3F97] =	sst s0;
	s0 =	simm.s32 @!p1 $0x0  }
0x14: {  	s2 =	sld [smem:$0x3F7B];
	s0 =	simm.s32 @p1 $0x1  }
0x15: {  	[smem:$0x3F98] =	sst s0;
	s0 =	simm.s32 @!p2 $0x0  }
0x16: {  	s3 =	sld [smem:$0x3FDB];
	s0 =	simm.s32 @p2 $0x1  }
0x17: {  	s4 =	simm.s32 $0x1BF5;
	[smem:$0x3F9A] =	sst s0  }
0x18: {  	s0 =	sld [smem:$0x3F7D];
	_ =	swait.ge [sflag:s4], $0x0  }
0x19: {  	s7 =	sld [smem:$0x3F7E]  }
0x1a: {  	s8 =	sadd.s32 $0xFFFFE003, lr  }
0x1b: {  	s9 =	sadd.s32 $0xFFFFFEF7, lr;
	s5 =	simm.s32 $0xFFFFFFFF;
	p2 =	slt.u32 s8, $0xFFFFF086  }
0x1c: {  	p1 =	slt.u32 s9, $0xF7A;
	s5 =	simm.s32 @!p2 $0x0  }
0x1d: {  	s5 =	simm.s32 @p1 $0x1;
	p0 =	seq.s32 s7, s2  }
0x1e: {  	s7 =	smul.u32 @!p0 $0xF7A, s2;
	p2 =	seq.s32 @!p0 s5, $0x0  }
0x1f: {  	s9 =	smul.u32 $0xF7A, s1;
	s8 =	simm.s32 @!p0 $0x1BF5;
	p2 =	por !p2, p0  }
0x20: {  	[sflag:s8] =	ssyncset.s32 @!p0 $0xFFFFF086;
	s6 =	sadd.s32 @!p0 s3, s7;
	s7 =	simm.s32 @!p0 $0x108  }
0x21: {  	s3 =	sadd.s32 s3, s9;
	s6 =	sadd.s32 @!p0 $0x88, s6;
	s7 =	simm.s32 @p2 $0x1082  }
0x22: {  	[simem:s7], [sflag:s8] =	dma.local @!p0 [hbm:s6], $0xF7A  }
0x23: {  	s9 =	sor.u32 $0xD0000000, s2;
	s6 =	simm.s32 $0x108;
	_ =	swait.ge @!p0 [sflag:s8], $0x0  }
0x24: {  	s3 =	sadd.s32 $0x88, s3;
	s6 =	simm.s32 @!p1 $0x1082;
	[sflag:s4] =	ssyncset.s32 $0xFFFFF086  }
0x25: {  	[simem:s6], [sflag:s4] =	dma.local [hbm:s3], $0xF7A  }
0x26: {  	[smem:$0x3F7E] =	sst s1;
	(tag) =	ssettag s2;
	_ =	strace s9  }
0x27: {  	s1 =	sld [smem:$0x3F8E]  }
0x28: {  	s2 =	sld [smem:$0x3F8F]  }
0x29: {  	s4 =	sld [smem:$0x3F91]  }
0x2a: {  	p0 =	seq.s32 s5, $0x0;
	s5 =	sld [smem:$0x3F92]  }
0x2b: {  	s6 =	sld [smem:$0x3F93]  }
0x2c: {  	s7 =	sld [smem:$0x3F94]  }
0x2d: {  	s3 =	simm.s32 $0x108;
	s8 =	sld [smem:$0x3F95]  }
0x2e: {  	s3 =	simm.s32 @!p0 $0x1082;
	s9 =	sld [smem:$0x3F96]  }
0x2f: {  	lr =	sadd.s32 s0, s3;
	s0 =	sld [smem:$0x3F8D]  }
0x30: {  	s3 =	sld [smem:$0x3F90]  }
0x31: {  	[smem:$0x3F99] =	sst s10  }
0x32: {  	s10 =	sld [smem:$0x3F97];
	_ =	sdelay $0x3  }
0x33: {  	p0 =	seq.s32 s10, $0x1;
	s10 =	sld [smem:$0x3F99];
	_ =	sdelay $0x3  }
0x34: {  	[smem:$0x3F99] =	sst s10  }
0x35: {  	s10 =	sld [smem:$0x3F98];
	_ =	sdelay $0x3  }
0x36: {  	p1 =	seq.s32 s10, $0x1;
	s10 =	sld [smem:$0x3F99];
	_ =	sdelay $0x3  }
0x37: {  	[smem:$0x3F99] =	sst s10  }
0x38: {  	s10 =	sld [smem:$0x3F9A]  }
0x39: {  	_ = 	snop;
	(pc) =	sbr.ind lr, $3  }
0x3a: {  	_ = 	snop  }
0x3b: {  	_ = 	snop  }
0x3c: {  	p2 =	seq.s32 s10, $0x1;
	s10 =	sld [smem:$0x3F99]  }
0x3d: {  	_ =	shalt  }
0x3e: {  	_ =	shalt  }
0x3f: {  	_ =	shalt  }
0x40: {  	_ =	shalt  }
0x41: {  	_ =	shalt  }
0x42: {  	_ =	shalt  }
0x43: {  	_ =	shalt  }
0x44: {  	_ =	shalt  }
0x45: {  	_ =	shalt  }
0x46: {  	_ =	shalt  }
0x47: {  	_ =	shalt  }
0x48: {  	_ =	shalt  }
0x49: {  	_ =	shalt  }
0x4a: {  	_ =	shalt  }
0x4b: {  	_ =	shalt  }
0x4c: {  	_ =	shalt  }
0x4d: {  	_ =	shalt  }
0x4e: {  	_ =	shalt  }
0x4f: {  	_ =	shalt  }
0x50: {  	_ =	shalt  }
0x51: {  	_ =	shalt  }
0x52: {  	_ =	shalt  }
0x53: {  	_ =	shalt  }
0x54: {  	_ =	shalt  }
0x55: {  	_ =	shalt  }
0x56: {  	_ =	shalt  }
0x57: {  	_ =	shalt  }
0x58: {  	_ =	shalt  }
0x59: {  	_ =	shalt  }
0x5a: {  	_ =	shalt  }
0x5b: {  	_ =	shalt  }
0x5c: {  	_ =	shalt  }
0x5d: {  	_ =	shalt  }
0x5e: {  	_ =	shalt  }
0x5f: {  	_ =	shalt  }
0x60: {  	_ =	shalt  }
0x61: {  	_ =	shalt  }
0x62: {  	_ =	shalt  }
0x63: {  	_ =	shalt  }
0x64: {  	_ =	shalt  }
0x65: {  	_ =	shalt  }
0x66: {  	_ =	shalt  }
0x67: {  	_ =	shalt  }
0x68: {  	_ =	shalt  }
0x69: {  	_ =	shalt  }
0x6a: {  	_ =	shalt  }
0x6b: {  	_ =	shalt  }
0x6c: {  	_ =	shalt  }
0x6d: {  	_ =	shalt  }
0x6e: {  	_ =	shalt  }
0x6f: {  	_ =	shalt  }
0x70: {  	_ =	shalt  }
0x71: {  	_ =	shalt  }
0x72: {  	_ =	shalt  }
0x73: {  	_ =	shalt  }
0x74: {  	_ =	shalt  }
0x75: {  	_ =	shalt  }
0x76: {  	_ =	shalt  }
0x77: {  	_ =	shalt  }
0x78: {  	_ =	shalt  }
0x79: {  	_ =	shalt  }
0x7a: {  	_ =	shalt  }
0x7b: {  	_ =	shalt  }
0x7c: {  	_ =	shalt  }
0x7d: {  	_ =	shalt  }
0x7e: {  	_ =	shalt  }
0x7f: {  	_ =	shalt  }
0x80: {  	_ =	shalt  }
0x81: {  	_ =	shalt  }
0x82: {  	_ =	shalt  }
0x83: {  	_ =	shalt  }
0x84: {  	_ =	shalt  }
0x85: {  	_ =	shalt  }
0x86: {  	_ =	shalt  }
0x87: {  	_ =	shalt  }
.Lfunc_end0:
.L_simem_size_0:
called_computation.1_lowered:
.L_overlay_start_0:
0x88: {  	s2 =	sld [smem:$0x3FD9]  }
0x89: {  	s3 =	sld [smem:$0x3FFE];
	_ =	sdelay $0x1  }
0x8a: {  	s1 =	srdreg.scid  }
0x8b: {  	s0 =	sand.u32 $0x1, s1  }
0x8c: {  	s14 =	sshll.u32 s0, $0xA;
	s2 =	sadd.s32 s3, s2  }
0x8d: {  	s2 =	sadd.s32 s2, s14  }
0x8e: {  	[smem:$0x3FA5] =	sst s2  }
0x8f: {  	_ = 	snop  }
0x90: {  	s2 =	sld [smem:$0x3FD0];
	_ =	sdelay $0x2  }
0x91: {  	s15 =	simm.s32 $0xA;
	s4 =	simm.s32 $0x10  }
0x92: {  	[smem:s4], [sflag:s15] =	dma.local [hbm:s2], $0x1  }
0x93: {  	_ =	swait.eq [sflag:s15], $0x1  }
0x94: {  	[sflag:s15] =	ssyncset.done $0x0  }
0x95: {  	s16 =	sld [smem:$0x10];
	[sflag:s15] =	ssyncadd.s32 $0xFFFFFFFF  }
0x96: {  	s17 =	sld [smem:$0x11];
	(tm) =	ssettm $0x1  }
0x97: {  	s18 =	sld [smem:$0x3FFB];
	_ =	sdelay $0x3  }
0x98: {  	_ =	strace s18  }
0x99: {  	s4 =	sld [smem:$0x3FFC];
	_ =	sdelay $0x3  }
0x9a: {  	_ =	strace s4  }
0x9b: {  	s4 =	sld [smem:$0x3FFD];
	_ =	sdelay $0x3  }
0x9c: {  	_ =	strace s4  }
0x9d: {  	_ =	strace $0x8FFFFFFF  }
0x9e: {  	s19 =	sld [smem:$0x3FDB];
	_ =	sdelay $0x1  }
0x9f: {  	s5 =	simm.s32 $_scs_section_size  }
0xa0: {  	s6 =	simm.s32 $_size__tile_overlayer_lowered;
	s7 =	simm.s32 $_tile_overlayer_lowered  }
0xa1: {  	s22 =	simm.s32 $0x1BFF;
	s21 =	sshll.u32 s7, $0x1;
	s4 =	sadd.s32 s5, s19  }
0xa2: {  	s8 =	simm.s32 $0x0;
	s20 =	sshll.u32 s6, $0x1;
	s6 =	sadd.s32 s21, s4  }
0xa3: {  	[timem:s8], [sflag:s22] =	dma.local [hbm:s6], s20  }
0xa4: {  	_ =	swait.ge [sflag:s22], s20  }
0xa5: {  	s5 =	ssub.s32 $0x0, s20;
	[sflag:s22] =	ssyncset.done $0x0  }
0xa6: {  	[sflag:s22] =	ssyncadd.s32 s5;
	_ =	sdelay $0x1  }
0xa7: {  	s23 =	simm.s32 $0x1B8B  }
0xa8: {  	_ =	swait.ge [sflag:s23], $0x1  }
0xa9: {  	[sflag:s23] =	ssyncset.done $0x0  }
0xaa: {  	s25 =	simm.s32 $0x1B8E;
	s24 =	sld [smem:$0x3FFE];
	[sflag:s23] =	ssyncadd.s32 $0xFFFFFFFF  }
0xab: {  	s26 =	simm.s32 $execute0_lowered;
	[smem:$0x3FD2] =	sst s25  }
0xac: {  	s6 =	sshll.u32 s26, $0x1;
	_ =	strace $0x80000049;
	[dreg:$0x1] =	wrdreg $0xFFFFFFFF  }
0xad: {  	s28 =	simm.s32 $_size_execute0_lowered;
	s4 =	sadd.s32 s4, s6;
	[dreg:$0x0] =	wrdreg $0x0  }
0xae: {  	s6 =	sshll.u32 s28, $0x1;
	[dreg:$0x2] =	wrdreg s4  }
0xaf: {  	[dreg:$0x3] =	wrdreg s6  }
0xb0: {  	[dreg:$0x4] =	wrdreg $0xC0  }
0xb1: {  	_ =	task [dreg:s8], $0x5FFFF  }
0xb2: {  	[dreg:$0x1] =	wrdreg $0xFFFFFFFF  }
0xb3: {  	[dreg:$0x0] =	wrdreg $0x60  }
0xb4: {  	[dreg:$0x2] =	wrdreg s16  }
0xb5: {  	[dreg:$0x3] =	wrdreg s24  }
0xb6: {  	[dreg:$0x4] =	wrdreg s17  }
0xb7: {  	[dreg:$0x5] =	wrdreg $0x9  }
0xb8: {  	_ =	task.clear_ibuf [dreg:s8], $0x6FFFF;
	_ =	strace $0x90000049  }
0xb9: {  	s29 =	simm.s32 $0x9;
	_ =	strace $0x8000004B  }
0xba: {  	_ =	swait.ge [sflag:s29], $0x1  }
0xbb: {  	[sflag:s29] =	ssyncadd.s32 $0xFFFFFFFF  }
0xbc: {  	_ =	strace $0x9000004B  }
0xbd: {  	_ =	sfence  }
0xbe: {  	s30 =	sld [smem:$0x0];
	_ =	sdelay $0x2  }
0xbf: {  	s31 =	sshll.u32 s1, $0xD;
	s1 =	sshrl.u32 s1, $0x2  }
0xc0: {  	s3 =	sand.u32 $0x4000, s31;
	s1 =	sadd.s32 s1, s30  }
0xc1: {  	s0 =	sor.u32 s3, s0;
	s1 =	sshll.u32 s1, $0x11  }
0xc2: {  	s0 =	sor.u32 s1, s0  }
0xc3: {  	s0 =	sadd.s32 $0x8F2B, s0  }
0xc4: {  	[sflag:s0] =	ssyncadd.remote.s32 $0x1  }
0xc5: {  	_ =	sfence.sel $0xFFFF  }
0xc6: {  	[dreg:$0x0] =	wrdreg $0xFFFFFFFF;
	(pc) =	sbr.abs _section_cstart, $3  }
0xc7: {  	[dreg:$0x1] =	wrdreg $0xFFFFFFFF  }
0xc8: {  	_ =	task.clear_ibuf [dreg:s8], $0x2FFFF;
	_ =	strace $0x9FFFFFFF  }
0xc9: {  	(tm) =	ssettm $0x7FFFFFFF  }
tec
execute0_lowered:
.L_overlay_start_1:
0x0: {  	(tag) =	ssettag $0x1  }
0x1: {  	s1 =	rddreg [dreg:$0x0]  }
0x2: {  	s5 =	rddreg [dreg:$0x1];
	s2 =	srdreg.scid  }
0x3: {  	s0 =	rddreg [dreg:$0x2];
	s19 =	stileid.u32;
	s7 =	sand.u32 $0x1, s2  }
0x4: {  	s2 =	simm.s32 $0x0;
	s4 =	sshll.u32 s19, $0xE;
	s3 =	sshll.u32 s7, $0x12  }
0x5: {  	[smem:$0x7FF] =	sst s2;
	s6 =	sor.u32 s4, s3  }
0x6: {  	_ =	strace $0x8000004A;
	s3 =	sadd.s32 $0xF9A00, s5;
	s4 =	sadd.s32 s1, s6  }
0x7: {  	s26 =	sadd.s32 s3, s6;
	s8 =	sor.u32 $0x800, s6;
	[dreg:$0x4] =	wrdreg s4  }
0x8: {  	[dreg:$0x5] =	wrdreg s26;
	s9 =	sadd.s32 s1, s8  }
0x9: {  	s10 =	sadd.s32 s3, s8;
	s4 =	sadd.s32 $0x179A00, s5;
	[dreg:$0x6] =	wrdreg s9  }
0xa: {  	s9 =	sor.u32 $0x1000, s6;
	[dreg:$0x7] =	wrdreg s10;
	s24 =	sadd.s32 s4, s6  }
0xb: {  	p0 =	por $0x0, $0x0;
	s11 =	sadd.s32 s1, s9;
	[dreg:$0x15] =	wrdreg s24  }
0xc: {  	s10 =	sor.u32 $0x1800, s6;
	s12 =	sadd.s32 s3, s9;
	[dreg:$0x8] =	wrdreg s11  }
0xd: {  	s13 =	sadd.s32 s1, s10;
	s14 =	sadd.s32 s3, s10;
	[dreg:$0x9] =	wrdreg s12  }
0xe: {  	s24 =	ssub.s32 $0x2, s7;
	[dreg:$0xa] =	wrdreg s13;
	s11 =	sor.u32 $0x2000, s6  }
0xf: {  	[dreg:$0xb] =	wrdreg s14;
	s12 =	sor.u32 $0x2800, s6;
	s15 =	sadd.s32 s1, s11  }
0x10: {  	s13 =	sor.u32 $0x3000, s6;
	s16 =	sadd.s32 s3, s11;
	[dreg:$0xc] =	wrdreg s15  }
0x11: {  	s14 =	sadd.s32 $0x9000, s5;
	s17 =	sadd.s32 s1, s12;
	[dreg:$0xd] =	wrdreg s16  }
0x12: {  	s18 =	sadd.s32 s3, s12;
	s20 =	sadd.s32 s1, s13;
	[dreg:$0xe] =	wrdreg s17  }
0x13: {  	s21 =	sadd.s32 s3, s13;
	s23 =	sadd.s32 s14, s6;
	[dreg:$0xf] =	wrdreg s18  }
0x14: {  	s26 =	sadd.s32 s14, s8;
	s31 =	sadd.s32 s14, s12;
	[dreg:$0x10] =	wrdreg s20  }
0x15: {  	s30 =	sadd.s32 s4, s12;
	s29 =	sadd.s32 s14, s13;
	[dreg:$0x11] =	wrdreg s21  }
0x16: {  	s28 =	sadd.s32 s4, s13;
	s15 =	sor.u32 $0x3800, s6;
	[dreg:$0x14] =	wrdreg s23  }
0x17: {  	s16 =	sadd.s32 $0x89400, s5;
	[dreg:$0x16] =	wrdreg s26;
	s20 =	sadd.s32 s14, s9  }
0x18: {  	s17 =	sshll.u32 s7, $0xB;
	s21 =	sadd.s32 s4, s9;
	[dreg:$0x18] =	wrdreg s20  }
0x19: {  	s18 =	sshll.u32 s19, $0x7;
	s23 =	sadd.s32 s4, s10;
	[dreg:$0x19] =	wrdreg s21  }
0x1a: {  	s26 =	sshrl.u32 s24, $0x1;
	s1 =	sadd.s32 s1, s15;
	[dreg:$0x1b] =	wrdreg s23  }
0x1b: {  	s19 =	sshll.u32 s19, $0xC;
	s22 =	sadd.s32 s3, s15;
	[dreg:$0x12] =	wrdreg s1  }
0x1c: {  	s25 =	sor.u32 s18, s17;
	s18 =	sadd.s32 s4, s8;
	[dreg:$0x13] =	wrdreg s22  }
0x1d: {  	s17 =	sshrl.u32 s25, $0x3;
	[dreg:$0x17] =	wrdreg s18;
	s6 =	sshll.u32 s25, $0x4  }
0x1e: {  	s22 =	sadd.s32 s14, s10;
	s25 =	sadd.s32 s14, s11;
	s11 =	sadd.s32 s4, s11  }
0x1f: {  	s10 =	ssub.s32 s24, s26;
	s18 =	sshll.u32 s7, $0x10;
	s26 =	sadd.s32 s14, s15  }
0x20: {  	s8 =	sadd.s32 s17, s5;
	s9 =	sadd.s32 s6, s5;
	[dreg:$0x1a] =	wrdreg s22  }
0x21: {  	s6 =	sadd.s32 $0x1F9A00, s5;
	[dreg:$0x1c] =	wrdreg s25;
	s5 =	sadd.s32 $0x219A00, s5  }
0x22: {  	[dreg:$0x1d] =	wrdreg s11;
	s25 =	sadd.s32 s4, s15;
	s1 =	sor.u32 s19, s18  }
0x23: {  	s20 =	smax.u32 s10, $0x1;
	s10 =	simm.s32 $0x2;
	s11 =	simm.s32 $0x80  }
0x24: {  	s24 =	sadd.s32 s0, s1;
	s23 =	sadd.s32 s6, s1;
	s7 =	sor.u32 $0x800, s1  }
0x25: {  	s19 =	sadd.s32 s16, s1;
	s18 =	sadd.s32 s5, s1;
	p1 =	sne.s32 s20, $0x1  }
.Ltmp0:
0x26: {  	s13 =	sadd.s32 $0x89200, s8;
	s15 =	sadd.s32 $0xB9A00, s9;
	(pc) =	sbr.rel @!p1 .LBB2_3-.Ltmp0, $4  }
0x27: {  	s14 =	sadd.s32 $0xC9A00, s9;
	s12 =	sadd.s32 $0xD9A00, s9;
	s1 =	rddreg [dreg:$0x4]  }
0x28: {  	s22 =	sadd.s32 s0, s7;
	s21 =	sadd.s32 s6, s7;
	s17 =	sadd.s32 s16, s7  }
0x29: {  	s16 =	sadd.s32 s5, s7;
	s7 =	sadd.s32 $0xB9800, s8;
	s8 =	sadd.s32 $0xE9A00, s9  }
0x2a: {  	s0 =	sadd.s32 $0xFFFFFFFF, s20;
	s20 =	simm.s32 $0x4080;
	s9 =	simm.s32 $0x1  }
0x2b: {  	[tilespmem:s20], [sflag:$0x2] =	stream.linear.gather [hbm4b:s1+s2], $0x4000, $0x38;
	[tilespmem:$0x8080] =	vst v63  }
0x2c: {  	_ =	swait.ge [sflag:s10], $0x4000  }
0x2d: {  	[sflag:s10] =	ssyncset.done $0x0  }
0x2e: {  	s1 =	rddreg [dreg:$0x5];
	[sflag:s10] =	ssyncadd.s32 $0xFFFFC000  }
0x2f: {  	[hbm4b:s1+s2] =	stream.linear.scatter [tilespmem:s20], [sflag:$0x2], $0x4000, $0x38;
	[tilespmem:$0x8080] =	vst v63  }
0x30: {  	_ =	swait.ge [sflag:s10], $0x4000  }
0x31: {  	[sflag:s10] =	ssyncset.done $0x0  }
0x32: {  	s1 =	rddreg [dreg:$0x6];
	[sflag:s10] =	ssyncadd.s32 $0xFFFFC000  }
0x33: {  	[tilespmem:s20], [sflag:$0x2] =	stream.linear.gather [hbm4b:s1+s2], $0x4000, $0x38;
	[tilespmem:$0x8080] =	vst v63  }
0x34: {  	_ =	swait.ge [sflag:s10], $0x4000  }
0x35: {  	[sflag:s10] =	ssyncset.done $0x0  }
0x36: {  	s1 =	rddreg [dreg:$0x7];
	[sflag:s10] =	ssyncadd.s32 $0xFFFFC000  }
0x37: {  	[hbm4b:s1+s2] =	stream.linear.scatter [tilespmem:s20], [sflag:$0x2], $0x4000, $0x38;
	[tilespmem:$0x8080] =	vst v63  }
0x38: {  	_ =	swait.ge [sflag:s10], $0x4000  }
0x39: {  	[sflag:s10] =	ssyncset.done $0x0  }
0x3a: {  	s1 =	rddreg [dreg:$0x8];
	[sflag:s10] =	ssyncadd.s32 $0xFFFFC000  }
0x3b: {  	[tilespmem:s20], [sflag:$0x2] =	stream.linear.gather [hbm4b:s1+s2], $0x4000, $0x38;
	[tilespmem:$0x8080] =	vst v63  }
0x3c: {  	_ =	swait.ge [sflag:s10], $0x4000  }
0x3d: {  	[sflag:s10] =	ssyncset.done $0x0  }
0x3e: {  	s1 =	rddreg [dreg:$0x9];
	[sflag:s10] =	ssyncadd.s32 $0xFFFFC000  }
0x3f: {  	[hbm4b:s1+s2] =	stream.linear.scatter [tilespmem:s20], [sflag:$0x2], $0x4000, $0x38;
	[tilespmem:$0x8080] =	vst v63  }
0x40: {  	_ =	swait.ge [sflag:s10], $0x4000  }
0x41: {  	[sflag:s10] =	ssyncset.done $0x0  }
0x42: {  	s1 =	rddreg [dreg:$0xa];
	[sflag:s10] =	ssyncadd.s32 $0xFFFFC000  }
0x43: {  	[tilespmem:s20], [sflag:$0x2] =	stream.linear.gather [hbm4b:s1+s2], $0x4000, $0x38;
	[tilespmem:$0x8080] =	vst v63  }
0x44: {  	_ =	swait.ge [sflag:s10], $0x4000  }
0x45: {  	[sflag:s10] =	ssyncset.done $0x0  }
0x46: {  	s1 =	rddreg [dreg:$0xb];
	[sflag:s10] =	ssyncadd.s32 $0xFFFFC000  }
0x47: {  	[hbm4b:s1+s2] =	stream.linear.scatter [tilespmem:s20], [sflag:$0x2], $0x4000, $0x38;
	[tilespmem:$0x8080] =	vst v63  }
0x48: {  	_ =	swait.ge [sflag:s10], $0x4000  }
0x49: {  	[sflag:s10] =	ssyncset.done $0x0  }
0x4a: {  	s1 =	rddreg [dreg:$0xc];
	[sflag:s10] =	ssyncadd.s32 $0xFFFFC000  }
0x4b: {  	[tilespmem:s20], [sflag:$0x2] =	stream.linear.gather [hbm4b:s1+s2], $0x4000, $0x38;
	[tilespmem:$0x8080] =	vst v63  }
0x4c: {  	_ =	swait.ge [sflag:s10], $0x4000  }
0x4d: {  	[sflag:s10] =	ssyncset.done $0x0  }
0x4e: {  	s1 =	rddreg [dreg:$0xd];
	[sflag:s10] =	ssyncadd.s32 $0xFFFFC000  }
0x4f: {  	[hbm4b:s1+s2] =	stream.linear.scatter [tilespmem:s20], [sflag:$0x2], $0x4000, $0x38;
	[tilespmem:$0x8080] =	vst v63  }
0x50: {  	_ =	swait.ge [sflag:s10], $0x4000  }
0x51: {  	[sflag:s10] =	ssyncset.done $0x0  }
0x52: {  	s1 =	rddreg [dreg:$0xe];
	[sflag:s10] =	ssyncadd.s32 $0xFFFFC000  }
0x53: {  	[tilespmem:s20], [sflag:$0x2] =	stream.linear.gather [hbm4b:s1+s2], $0x4000, $0x38;
	[tilespmem:$0x8080] =	vst v63  }
0x54: {  	_ =	swait.ge [sflag:s10], $0x4000  }
0x55: {  	[sflag:s10] =	ssyncset.done $0x0  }
0x56: {  	s1 =	rddreg [dreg:$0xf];
	[sflag:s10] =	ssyncadd.s32 $0xFFFFC000  }
0x57: {  	[hbm4b:s1+s2] =	stream.linear.scatter [tilespmem:s20], [sflag:$0x2], $0x4000, $0x38;
	[tilespmem:$0x8080] =	vst v63  }
0x58: {  	_ =	swait.ge [sflag:s10], $0x4000  }
0x59: {  	[sflag:s10] =	ssyncset.done $0x0  }
0x5a: {  	s1 =	rddreg [dreg:$0x10];
	[sflag:s10] =	ssyncadd.s32 $0xFFFFC000  }
0x5b: {  	[tilespmem:s20], [sflag:$0x2] =	stream.linear.gather [hbm4b:s1+s2], $0x4000, $0x38;
	[tilespmem:$0x8080] =	vst v63  }
0x5c: {  	_ =	swait.ge [sflag:s10], $0x4000  }
0x5d: {  	[sflag:s10] =	ssyncset.done $0x0  }
0x5e: {  	s1 =	rddreg [dreg:$0x11];
	[sflag:s10] =	ssyncadd.s32 $0xFFFFC000  }
0x5f: {  	[hbm4b:s1+s2] =	stream.linear.scatter [tilespmem:s20], [sflag:$0x2], $0x4000, $0x38;
	[tilespmem:$0x8080] =	vst v63  }
0x60: {  	_ =	swait.ge [sflag:s10], $0x4000  }
0x61: {  	[sflag:s10] =	ssyncset.done $0x0  }
0x62: {  	s1 =	rddreg [dreg:$0x12];
	[sflag:s10] =	ssyncadd.s32 $0xFFFFC000  }
0x63: {  	[tilespmem:s20], [sflag:$0x2] =	stream.linear.gather [hbm4b:s1+s2], $0x4000, $0x38;
	[tilespmem:$0x8080] =	vst v63  }
0x64: {  	_ =	swait.ge [sflag:s10], $0x4000  }
0x65: {  	[sflag:s10] =	ssyncset.done $0x0  }
0x66: {  	s1 =	rddreg [dreg:$0x13];
	[sflag:s10] =	ssyncadd.s32 $0xFFFFC000  }
0x67: {  	[hbm4b:s1+s2] =	stream.linear.scatter [tilespmem:s20], [sflag:$0x2], $0x4000, $0x38;
	[tilespmem:$0x8080] =	vst v63  }
0x68: {  	_ =	swait.ge [sflag:s10], $0x4000  }
0x69: {  	[sflag:s10] =	ssyncset.done $0x0  }
0x6a: {  	s1 =	rddreg [dreg:$0x14];
	[sflag:s10] =	ssyncadd.s32 $0xFFFFC000  }
0x6b: {  	[tilespmem:s20], [sflag:$0x2] =	stream.linear.gather [hbm4b:s1+s2], $0x4000, $0x38;
	[tilespmem:$0x8080] =	vst v63  }
0x6c: {  	_ =	swait.ge [sflag:s10], $0x4000  }
0x6d: {  	[sflag:s10] =	ssyncset.done $0x0  }
0x6e: {  	s1 =	rddreg [dreg:$0x15];
	[sflag:s10] =	ssyncadd.s32 $0xFFFFC000  }
0x6f: {  	[hbm4b:s1+s2] =	stream.linear.scatter [tilespmem:s20], [sflag:$0x2], $0x4000, $0x38;
	[tilespmem:$0x8080] =	vst v63  }
0x70: {  	_ =	swait.ge [sflag:s10], $0x4000  }
0x71: {  	[sflag:s10] =	ssyncset.done $0x0  }
0x72: {  	s1 =	rddreg [dreg:$0x16];
	[sflag:s10] =	ssyncadd.s32 $0xFFFFC000  }
0x73: {  	[tilespmem:s20], [sflag:$0x2] =	stream.linear.gather [hbm4b:s1+s2], $0x4000, $0x38;
	[tilespmem:$0x8080] =	vst v63  }
0x74: {  	_ =	swait.ge [sflag:s10], $0x4000  }
0x75: {  	[sflag:s10] =	ssyncset.done $0x0  }
0x76: {  	s1 =	rddreg [dreg:$0x17];
	[sflag:s10] =	ssyncadd.s32 $0xFFFFC000  }
0x77: {  	[hbm4b:s1+s2] =	stream.linear.scatter [tilespmem:s20], [sflag:$0x2], $0x4000, $0x38;
	[tilespmem:$0x8080] =	vst v63  }
0x78: {  	_ =	swait.ge [sflag:s10], $0x4000  }
0x79: {  	[sflag:s10] =	ssyncset.done $0x0  }
0x7a: {  	s1 =	rddreg [dreg:$0x18];
	[sflag:s10] =	ssyncadd.s32 $0xFFFFC000  }
0x7b: {  	[tilespmem:s20], [sflag:$0x2] =	stream.linear.gather [hbm4b:s1+s2], $0x4000, $0x38;
	[tilespmem:$0x8080] =	vst v63  }
0x7c: {  	_ =	swait.ge [sflag:s10], $0x4000  }
0x7d: {  	[sflag:s10] =	ssyncset.done $0x0  }
0x7e: {  	s1 =	rddreg [dreg:$0x19];
	[sflag:s10] =	ssyncadd.s32 $0xFFFFC000  }
0x7f: {  	[hbm4b:s1+s2] =	stream.linear.scatter [tilespmem:s20], [sflag:$0x2], $0x4000, $0x38;
	[tilespmem:$0x8080] =	vst v63  }
0x80: {  	_ =	swait.ge [sflag:s10], $0x4000  }
0x81: {  	[sflag:s10] =	ssyncset.done $0x0  }
0x82: {  	s1 =	rddreg [dreg:$0x1a];
	[sflag:s10] =	ssyncadd.s32 $0xFFFFC000  }
0x83: {  	[tilespmem:s20], [sflag:$0x2] =	stream.linear.gather [hbm4b:s1+s2], $0x4000, $0x38;
	[tilespmem:$0x8080] =	vst v63  }
0x84: {  	_ =	swait.ge [sflag:s10], $0x4000  }
0x85: {  	[sflag:s10] =	ssyncset.done $0x0  }
0x86: {  	s1 =	rddreg [dreg:$0x1b];
	[sflag:s10] =	ssyncadd.s32 $0xFFFFC000  }
0x87: {  	[hbm4b:s1+s2] =	stream.linear.scatter [tilespmem:s20], [sflag:$0x2], $0x4000, $0x38;
	[tilespmem:$0x8080] =	vst v63  }
0x88: {  	_ =	swait.ge [sflag:s10], $0x4000  }
0x89: {  	[sflag:s10] =	ssyncset.done $0x0  }
0x8a: {  	s1 =	rddreg [dreg:$0x1c];
	[sflag:s10] =	ssyncadd.s32 $0xFFFFC000  }
0x8b: {  	[tilespmem:s20], [sflag:$0x2] =	stream.linear.gather [hbm4b:s1+s2], $0x4000, $0x38;
	[tilespmem:$0x8080] =	vst v63  }
0x8c: {  	_ =	swait.ge [sflag:s10], $0x4000  }
0x8d: {  	[sflag:s10] =	ssyncset.done $0x0  }
0x8e: {  	s1 =	rddreg [dreg:$0x1d];
	[sflag:s10] =	ssyncadd.s32 $0xFFFFC000  }
0x8f: {  	[hbm4b:s1+s2] =	stream.linear.scatter [tilespmem:s20], [sflag:$0x2], $0x4000, $0x38;
	[tilespmem:$0x8080] =	vst v63  }
0x90: {  	_ =	swait.ge [sflag:s10], $0x4000  }
0x91: {  	[sflag:s10] =	ssyncset.done $0x0  }
0x92: {  	[sflag:s10] =	ssyncadd.s32 $0xFFFFC000  }
0x93: {  	[tilespmem:s20], [sflag:$0x2] =	stream.linear.gather [hbm4b:s31+s2], $0x4000, $0x38;
	[tilespmem:$0x8080] =	vst v63  }
0x94: {  	_ =	swait.ge [sflag:s10], $0x4000  }
0x95: {  	[sflag:s10] =	ssyncset.done $0x0  }
0x96: {  	[sflag:s10] =	ssyncadd.s32 $0xFFFFC000  }
0x97: {  	[hbm4b:s30+s2] =	stream.linear.scatter [tilespmem:s20], [sflag:$0x2], $0x4000, $0x38;
	[tilespmem:$0x8080] =	vst v63  }
0x98: {  	_ =	swait.ge [sflag:s10], $0x4000  }
0x99: {  	[sflag:s10] =	ssyncset.done $0x0  }
0x9a: {  	[sflag:s10] =	ssyncadd.s32 $0xFFFFC000  }
0x9b: {  	[tilespmem:s20], [sflag:$0x2] =	stream.linear.gather [hbm4b:s29+s2], $0x4000, $0x38;
	[tilespmem:$0x8080] =	vst v63  }
0x9c: {  	_ =	swait.ge [sflag:s10], $0x4000  }
0x9d: {  	[sflag:s10] =	ssyncset.done $0x0  }
0x9e: {  	[sflag:s10] =	ssyncadd.s32 $0xFFFFC000  }
0x9f: {  	[hbm4b:s28+s2] =	stream.linear.scatter [tilespmem:s20], [sflag:$0x2], $0x4000, $0x38;
	[tilespmem:$0x8080] =	vst v63  }
0xa0: {  	_ =	swait.ge [sflag:s10], $0x4000  }
0xa1: {  	[sflag:s10] =	ssyncset.done $0x0  }
0xa2: {  	[sflag:s10] =	ssyncadd.s32 $0xFFFFC000  }
0xa3: {  	[tilespmem:s20], [sflag:$0x2] =	stream.linear.gather [hbm4b:s26+s2], $0x4000, $0x38;
	[tilespmem:$0x8080] =	vst v63  }
0xa4: {  	_ =	swait.ge [sflag:s10], $0x4000  }
0xa5: {  	[sflag:s10] =	ssyncset.done $0x0  }
0xa6: {  	[sflag:s10] =	ssyncadd.s32 $0xFFFFC000  }
0xa7: {  	[hbm4b:s25+s2] =	stream.linear.scatter [tilespmem:s20], [sflag:$0x2], $0x4000, $0x38;
	[tilespmem:$0x8080] =	vst v63  }
0xa8: {  	_ =	swait.ge [sflag:s10], $0x4000  }
0xa9: {  	[sflag:s10] =	ssyncset.done $0x0  }
0xaa: {  	[sflag:s10] =	ssyncadd.s32 $0xFFFFC000  }
0xab: {  	[tilespmem:s20], [sflag:$0x2] =	stream.linear.gather [hbm4b:s24+s2], $0x4000, $0x38;
	[tilespmem:$0x8080] =	vst v63  }
0xac: {  	_ =	swait.ge [sflag:s10], $0x4000  }
0xad: {  	[sflag:s10] =	ssyncset.done $0x0  }
0xae: {  	[sflag:s10] =	ssyncadd.s32 $0xFFFFC000  }
0xaf: {  	[hbm4b:s23+s2] =	stream.linear.scatter [tilespmem:s20], [sflag:$0x2], $0x4000, $0x38;
	[tilespmem:$0x8080] =	vst v63  }
0xb0: {  	_ =	swait.ge [sflag:s10], $0x4000  }
0xb1: {  	[sflag:s10] =	ssyncset.done $0x0  }
0xb2: {  	[sflag:s10] =	ssyncadd.s32 $0xFFFFC000  }
0xb3: {  	[tilespmem:s20], [sflag:$0x2] =	stream.linear.gather [hbm4b:s22+s2], $0x4000, $0x38;
	[tilespmem:$0x8080] =	vst v63  }
0xb4: {  	_ =	swait.ge [sflag:s10], $0x4000  }
0xb5: {  	[sflag:s10] =	ssyncset.done $0x0  }
0xb6: {  	[sflag:s10] =	ssyncadd.s32 $0xFFFFC000  }
0xb7: {  	[hbm4b:s21+s2] =	stream.linear.scatter [tilespmem:s20], [sflag:$0x2], $0x4000, $0x38;
	[tilespmem:$0x8080] =	vst v63  }
0xb8: {  	_ =	swait.ge [sflag:s10], $0x4000  }
0xb9: {  	[sflag:s10] =	ssyncset.done $0x0  }
0xba: {  	[sflag:s10] =	ssyncadd.s32 $0xFFFFC000  }
0xbb: {  	[tilespmem:s20], [sflag:$0x2] =	stream.linear.gather [hbm4b:s19+s2], $0x4000, $0x38;
	[tilespmem:$0x8080] =	vst v63  }
0xbc: {  	_ =	swait.ge [sflag:s10], $0x4000  }
0xbd: {  	[sflag:s10] =	ssyncset.done $0x0  }
0xbe: {  	[sflag:s10] =	ssyncadd.s32 $0xFFFFC000  }
0xbf: {  	[hbm4b:s18+s2] =	stream.linear.scatter [tilespmem:s20], [sflag:$0x2], $0x4000, $0x38;
	[tilespmem:$0x8080] =	vst v63  }
0xc0: {  	_ =	swait.ge [sflag:s10], $0x4000  }
0xc1: {  	[sflag:s10] =	ssyncset.done $0x0  }
0xc2: {  	[sflag:s10] =	ssyncadd.s32 $0xFFFFC000  }
0xc3: {  	[tilespmem:s20], [sflag:$0x2] =	stream.linear.gather [hbm4b:s17+s2], $0x4000, $0x38;
	[tilespmem:$0x8080] =	vst v63  }
0xc4: {  	_ =	swait.ge [sflag:s10], $0x4000  }
0xc5: {  	[sflag:s10] =	ssyncset.done $0x0  }
0xc6: {  	[sflag:s10] =	ssyncadd.s32 $0xFFFFC000  }
0xc7: {  	[hbm4b:s16+s2] =	stream.linear.scatter [tilespmem:s20], [sflag:$0x2], $0x4000, $0x38;
	[tilespmem:$0x8080] =	vst v63  }
0xc8: {  	_ =	swait.ge [sflag:s10], $0x4000  }
0xc9: {  	[sflag:s10] =	ssyncset.done $0x0  }
0xca: {  	[sflag:s10] =	ssyncadd.s32 $0xFFFFC000  }
0xcb: {  	[bflag:$0x0] =	sbarrier.arrive $0xFFFF  }
0xcc: {  	[tilespmem:s2], [sflag:$0x2] =	stream.linear.gather [hbm4b:s13+s2], $0x80, $0x38;
	[tilespmem:$0x8080] =	vst v63  }
0xcd: {  	_ =	swait.ge [sflag:s10], $0x80  }
0xce: {  	[sflag:s10] =	ssyncset.done $0x0  }
0xcf: {  	[sflag:s10] =	ssyncadd.s32 $0xFFFFFF80  }
0xd0: {  	[tilespmem:s11], [sflag:$0x2] =	stream.linear.gather [hbm4b:s15+s2], $0x4000, $0x38;
	[tilespmem:$0x8080] =	vst v63  }
0xd1: {  	_ =	swait.ge [sflag:s10], $0x4000  }
0xd2: {  	[sflag:s10] =	ssyncset.done $0x0  }
0xd3: {  	[sflag:s10] =	ssyncadd.s32 $0xFFFFC000  }
0xd4: {  	[hbm4b:s3+s11] =	stream.indirect.scatter [tilespmem:s11], [sflag:$0x1], $0x80, s2, s11, $0xb8;
	[tilespmem:$0x8080] =	vst v63  }
0xd5: {  	_ =	swait.ge [sflag:s9], $0x4000  }
0xd6: {  	[sflag:s9] =	ssyncset.done $0x0  }
0xd7: {  	[sflag:s9] =	ssyncadd.s32 $0xFFFFC000  }
0xd8: {  	[tilespmem:s2], [sflag:$0x2] =	stream.linear.gather [hbm4b:s13+s2], $0x80, $0x38;
	[tilespmem:$0x8080] =	vst v63  }
0xd9: {  	_ =	swait.ge [sflag:s10], $0x80  }
0xda: {  	[sflag:s10] =	ssyncset.done $0x0  }
0xdb: {  	[sflag:s10] =	ssyncadd.s32 $0xFFFFFF80  }
0xdc: {  	[tilespmem:s11], [sflag:$0x2] =	stream.linear.gather [hbm4b:s14+s2], $0x4000, $0x38;
	[tilespmem:$0x8080] =	vst v63  }
0xdd: {  	_ =	swait.ge [sflag:s10], $0x4000  }
0xde: {  	[sflag:s10] =	ssyncset.done $0x0  }
0xdf: {  	[sflag:s10] =	ssyncadd.s32 $0xFFFFC000  }
0xe0: {  	[hbm4b:s4+s11] =	stream.indirect.scatter [tilespmem:s11], [sflag:$0x1], $0x80, s2, s11, $0xb8;
	[tilespmem:$0x8080] =	vst v63  }
0xe1: {  	_ =	swait.ge [sflag:s9], $0x4000  }
0xe2: {  	[sflag:s9] =	ssyncset.done $0x0  }
0xe3: {  	[sflag:s9] =	ssyncadd.s32 $0xFFFFC000  }
0xe4: {  	[tilespmem:s2], [sflag:$0x2] =	stream.linear.gather [hbm4b:s7+s2], $0x80, $0x38;
	[tilespmem:$0x8080] =	vst v63  }
0xe5: {  	_ =	swait.ge [sflag:s10], $0x80  }
0xe6: {  	[sflag:s10] =	ssyncset.done $0x0  }
0xe7: {  	[sflag:s10] =	ssyncadd.s32 $0xFFFFFF80  }
0xe8: {  	[tilespmem:s11], [sflag:$0x2] =	stream.linear.gather [hbm4b:s12+s2], $0x4000, $0x38;
	[tilespmem:$0x8080] =	vst v63  }
0xe9: {  	_ =	swait.ge [sflag:s10], $0x4000  }
0xea: {  	[sflag:s10] =	ssyncset.done $0x0  }
0xeb: {  	[sflag:s10] =	ssyncadd.s32 $0xFFFFC000  }
0xec: {  	[hbm4b:s6+s11] =	stream.indirect.scatter [tilespmem:s11], [sflag:$0x1], $0x80, s2, s11, $0xb8;
	[tilespmem:$0x8080] =	vst v63  }
0xed: {  	_ =	swait.ge [sflag:s9], $0x4000  }
0xee: {  	[sflag:s9] =	ssyncset.done $0x0  }
0xef: {  	[sflag:s9] =	ssyncadd.s32 $0xFFFFC000  }
0xf0: {  	[tilespmem:s2], [sflag:$0x2] =	stream.linear.gather [hbm4b:s7+s2], $0x80, $0x38;
	[tilespmem:$0x8080] =	vst v63  }
0xf1: {  	_ =	swait.ge [sflag:s10], $0x80  }
0xf2: {  	[sflag:s10] =	ssyncset.done $0x0  }
0xf3: {  	[sflag:s10] =	ssyncadd.s32 $0xFFFFFF80  }
0xf4: {  	[tilespmem:s11], [sflag:$0x2] =	stream.linear.gather [hbm4b:s8+s2], $0x4000, $0x38;
	[tilespmem:$0x8080] =	vst v63  }
0xf5: {  	p1 =	sne.s32 s0, $0x1;
	_ =	swait.ge [sflag:s10], $0x4000  }
.Ltmp1:
0xf6: {  	[sflag:s10] =	ssyncset.done $0x0;
	(pc) =	sbr.rel @!p1 .LBB2_3-.Ltmp1, $4  }
0xf7: {  	[sflag:s10] =	ssyncadd.s32 $0xFFFFC000  }
0xf8: {  	[hbm4b:s5+s11] =	stream.indirect.scatter [tilespmem:s11], [sflag:$0x1], $0x80, s2, s11, $0xb8;
	[tilespmem:$0x8080] =	vst v63  }
0xf9: {  	s0 =	sadd.s32 $0xFFFFFFFF, s0;
	_ =	swait.ge [sflag:s9], $0x4000  }
0xfa: {  	p0 =	por $0x1, $0x1;
	s1 =	rddreg [dreg:$0x4];
	[sflag:s9] =	ssyncset.done $0x0  }
.LBB2_2:
0xfb: {  	[sflag:s9] =	ssyncadd.s32 $0xFFFFC000  }
0xfc: {  	[tilespmem:s20], [sflag:$0x2] =	stream.linear.gather [hbm4b:s1+s2], $0x4000, $0x38;
	[tilespmem:$0x8080] =	vst v63  }
0xfd: {  	_ =	swait.ge [sflag:s10], $0x4000  }
0xfe: {  	[sflag:s10] =	ssyncset.done $0x0  }
0xff: {  	s1 =	rddreg [dreg:$0x5];
	[sflag:s10] =	ssyncadd.s32 $0xFFFFC000  }
0x100: {  	[hbm4b:s1+s2] =	stream.linear.scatter [tilespmem:s20], [sflag:$0x2], $0x4000, $0x38;
	[tilespmem:$0x8080] =	vst v63  }
0x101: {  	_ =	swait.ge [sflag:s10], $0x4000  }
0x102: {  	[sflag:s10] =	ssyncset.done $0x0  }
0x103: {  	s1 =	rddreg [dreg:$0x6];
	[sflag:s10] =	ssyncadd.s32 $0xFFFFC000  }
0x104: {  	[tilespmem:s20], [sflag:$0x2] =	stream.linear.gather [hbm4b:s1+s2], $0x4000, $0x38;
	[tilespmem:$0x8080] =	vst v63  }
0x105: {  	_ =	swait.ge [sflag:s10], $0x4000  }
0x106: {  	[sflag:s10] =	ssyncset.done $0x0  }
0x107: {  	s1 =	rddreg [dreg:$0x7];
	[sflag:s10] =	ssyncadd.s32 $0xFFFFC000  }
0x108: {  	[hbm4b:s1+s2] =	stream.linear.scatter [tilespmem:s20], [sflag:$0x2], $0x4000, $0x38;
	[tilespmem:$0x8080] =	vst v63  }
0x109: {  	_ =	swait.ge [sflag:s10], $0x4000  }
0x10a: {  	[sflag:s10] =	ssyncset.done $0x0  }
0x10b: {  	s1 =	rddreg [dreg:$0x8];
	[sflag:s10] =	ssyncadd.s32 $0xFFFFC000  }
0x10c: {  	[tilespmem:s20], [sflag:$0x2] =	stream.linear.gather [hbm4b:s1+s2], $0x4000, $0x38;
	[tilespmem:$0x8080] =	vst v63  }
0x10d: {  	_ =	swait.ge [sflag:s10], $0x4000  }
0x10e: {  	[sflag:s10] =	ssyncset.done $0x0  }
0x10f: {  	s1 =	rddreg [dreg:$0x9];
	[sflag:s10] =	ssyncadd.s32 $0xFFFFC000  }
0x110: {  	[hbm4b:s1+s2] =	stream.linear.scatter [tilespmem:s20], [sflag:$0x2], $0x4000, $0x38;
	[tilespmem:$0x8080] =	vst v63  }
0x111: {  	_ =	swait.ge [sflag:s10], $0x4000  }
0x112: {  	[sflag:s10] =	ssyncset.done $0x0  }
0x113: {  	s1 =	rddreg [dreg:$0xa];
	[sflag:s10] =	ssyncadd.s32 $0xFFFFC000  }
0x114: {  	[tilespmem:s20], [sflag:$0x2] =	stream.linear.gather [hbm4b:s1+s2], $0x4000, $0x38;
	[tilespmem:$0x8080] =	vst v63  }
0x115: {  	_ =	swait.ge [sflag:s10], $0x4000  }
0x116: {  	[sflag:s10] =	ssyncset.done $0x0  }
0x117: {  	s1 =	rddreg [dreg:$0xb];
	[sflag:s10] =	ssyncadd.s32 $0xFFFFC000  }
0x118: {  	[hbm4b:s1+s2] =	stream.linear.scatter [tilespmem:s20], [sflag:$0x2], $0x4000, $0x38;
	[tilespmem:$0x8080] =	vst v63  }
0x119: {  	_ =	swait.ge [sflag:s10], $0x4000  }
0x11a: {  	[sflag:s10] =	ssyncset.done $0x0  }
0x11b: {  	s1 =	rddreg [dreg:$0xc];
	[sflag:s10] =	ssyncadd.s32 $0xFFFFC000  }
0x11c: {  	[tilespmem:s20], [sflag:$0x2] =	stream.linear.gather [hbm4b:s1+s2], $0x4000, $0x38;
	[tilespmem:$0x8080] =	vst v63  }
0x11d: {  	_ =	swait.ge [sflag:s10], $0x4000  }
0x11e: {  	[sflag:s10] =	ssyncset.done $0x0  }
0x11f: {  	s1 =	rddreg [dreg:$0xd];
	[sflag:s10] =	ssyncadd.s32 $0xFFFFC000  }
0x120: {  	[hbm4b:s1+s2] =	stream.linear.scatter [tilespmem:s20], [sflag:$0x2], $0x4000, $0x38;
	[tilespmem:$0x8080] =	vst v63  }
0x121: {  	_ =	swait.ge [sflag:s10], $0x4000  }
0x122: {  	[sflag:s10] =	ssyncset.done $0x0  }
0x123: {  	s1 =	rddreg [dreg:$0xe];
	[sflag:s10] =	ssyncadd.s32 $0xFFFFC000  }
0x124: {  	[tilespmem:s20], [sflag:$0x2] =	stream.linear.gather [hbm4b:s1+s2], $0x4000, $0x38;
	[tilespmem:$0x8080] =	vst v63  }
0x125: {  	_ =	swait.ge [sflag:s10], $0x4000  }
0x126: {  	[sflag:s10] =	ssyncset.done $0x0  }
0x127: {  	s1 =	rddreg [dreg:$0xf];
	[sflag:s10] =	ssyncadd.s32 $0xFFFFC000  }
0x128: {  	[hbm4b:s1+s2] =	stream.linear.scatter [tilespmem:s20], [sflag:$0x2], $0x4000, $0x38;
	[tilespmem:$0x8080] =	vst v63  }
0x129: {  	_ =	swait.ge [sflag:s10], $0x4000  }
0x12a: {  	[sflag:s10] =	ssyncset.done $0x0  }
0x12b: {  	s1 =	rddreg [dreg:$0x10];
	[sflag:s10] =	ssyncadd.s32 $0xFFFFC000  }
0x12c: {  	[tilespmem:s20], [sflag:$0x2] =	stream.linear.gather [hbm4b:s1+s2], $0x4000, $0x38;
	[tilespmem:$0x8080] =	vst v63  }
0x12d: {  	_ =	swait.ge [sflag:s10], $0x4000  }
0x12e: {  	[sflag:s10] =	ssyncset.done $0x0  }
0x12f: {  	s1 =	rddreg [dreg:$0x11];
	[sflag:s10] =	ssyncadd.s32 $0xFFFFC000  }
0x130: {  	[hbm4b:s1+s2] =	stream.linear.scatter [tilespmem:s20], [sflag:$0x2], $0x4000, $0x38;
	[tilespmem:$0x8080] =	vst v63  }
0x131: {  	_ =	swait.ge [sflag:s10], $0x4000  }
0x132: {  	[sflag:s10] =	ssyncset.done $0x0  }
0x133: {  	s1 =	rddreg [dreg:$0x12];
	[sflag:s10] =	ssyncadd.s32 $0xFFFFC000  }
0x134: {  	[tilespmem:s20], [sflag:$0x2] =	stream.linear.gather [hbm4b:s1+s2], $0x4000, $0x38;
	[tilespmem:$0x8080] =	vst v63  }
0x135: {  	_ =	swait.ge [sflag:s10], $0x4000  }
0x136: {  	[sflag:s10] =	ssyncset.done $0x0  }
0x137: {  	s1 =	rddreg [dreg:$0x13];
	[sflag:s10] =	ssyncadd.s32 $0xFFFFC000  }
0x138: {  	[hbm4b:s1+s2] =	stream.linear.scatter [tilespmem:s20], [sflag:$0x2], $0x4000, $0x38;
	[tilespmem:$0x8080] =	vst v63  }
0x139: {  	_ =	swait.ge [sflag:s10], $0x4000  }
0x13a: {  	[sflag:s10] =	ssyncset.done $0x0  }
0x13b: {  	s1 =	rddreg [dreg:$0x14];
	[sflag:s10] =	ssyncadd.s32 $0xFFFFC000  }
0x13c: {  	[tilespmem:s20], [sflag:$0x2] =	stream.linear.gather [hbm4b:s1+s2], $0x4000, $0x38;
	[tilespmem:$0x8080] =	vst v63  }
0x13d: {  	_ =	swait.ge [sflag:s10], $0x4000  }
0x13e: {  	[sflag:s10] =	ssyncset.done $0x0  }
0x13f: {  	s1 =	rddreg [dreg:$0x15];
	[sflag:s10] =	ssyncadd.s32 $0xFFFFC000  }
0x140: {  	[hbm4b:s1+s2] =	stream.linear.scatter [tilespmem:s20], [sflag:$0x2], $0x4000, $0x38;
	[tilespmem:$0x8080] =	vst v63  }
0x141: {  	_ =	swait.ge [sflag:s10], $0x4000  }
0x142: {  	[sflag:s10] =	ssyncset.done $0x0  }
0x143: {  	s1 =	rddreg [dreg:$0x16];
	[sflag:s10] =	ssyncadd.s32 $0xFFFFC000  }
0x144: {  	[tilespmem:s20], [sflag:$0x2] =	stream.linear.gather [hbm4b:s1+s2], $0x4000, $0x38;
	[tilespmem:$0x8080] =	vst v63  }
0x145: {  	_ =	swait.ge [sflag:s10], $0x4000  }
0x146: {  	[sflag:s10] =	ssyncset.done $0x0  }
0x147: {  	s1 =	rddreg [dreg:$0x17];
	[sflag:s10] =	ssyncadd.s32 $0xFFFFC000  }
0x148: {  	[hbm4b:s1+s2] =	stream.linear.scatter [tilespmem:s20], [sflag:$0x2], $0x4000, $0x38;
	[tilespmem:$0x8080] =	vst v63  }
0x149: {  	_ =	swait.ge [sflag:s10], $0x4000  }
0x14a: {  	[sflag:s10] =	ssyncset.done $0x0  }
0x14b: {  	s1 =	rddreg [dreg:$0x18];
	[sflag:s10] =	ssyncadd.s32 $0xFFFFC000  }
0x14c: {  	[tilespmem:s20], [sflag:$0x2] =	stream.linear.gather [hbm4b:s1+s2], $0x4000, $0x38;
	[tilespmem:$0x8080] =	vst v63  }
0x14d: {  	_ =	swait.ge [sflag:s10], $0x4000  }
0x14e: {  	[sflag:s10] =	ssyncset.done $0x0  }
0x14f: {  	s1 =	rddreg [dreg:$0x19];
	[sflag:s10] =	ssyncadd.s32 $0xFFFFC000  }
0x150: {  	[hbm4b:s1+s2] =	stream.linear.scatter [tilespmem:s20], [sflag:$0x2], $0x4000, $0x38;
	[tilespmem:$0x8080] =	vst v63  }
0x151: {  	_ =	swait.ge [sflag:s10], $0x4000  }
0x152: {  	[sflag:s10] =	ssyncset.done $0x0  }
0x153: {  	s1 =	rddreg [dreg:$0x1a];
	[sflag:s10] =	ssyncadd.s32 $0xFFFFC000  }
0x154: {  	[tilespmem:s20], [sflag:$0x2] =	stream.linear.gather [hbm4b:s1+s2], $0x4000, $0x38;
	[tilespmem:$0x8080] =	vst v63  }
0x155: {  	_ =	swait.ge [sflag:s10], $0x4000  }
0x156: {  	[sflag:s10] =	ssyncset.done $0x0  }
0x157: {  	s1 =	rddreg [dreg:$0x1b];
	[sflag:s10] =	ssyncadd.s32 $0xFFFFC000  }
0x158: {  	[hbm4b:s1+s2] =	stream.linear.scatter [tilespmem:s20], [sflag:$0x2], $0x4000, $0x38;
	[tilespmem:$0x8080] =	vst v63  }
0x159: {  	_ =	swait.ge [sflag:s10], $0x4000  }
0x15a: {  	[sflag:s10] =	ssyncset.done $0x0  }
0x15b: {  	s1 =	rddreg [dreg:$0x1c];
	[sflag:s10] =	ssyncadd.s32 $0xFFFFC000  }
0x15c: {  	[tilespmem:s20], [sflag:$0x2] =	stream.linear.gather [hbm4b:s1+s2], $0x4000, $0x38;
	[tilespmem:$0x8080] =	vst v63  }
0x15d: {  	_ =	swait.ge [sflag:s10], $0x4000  }
0x15e: {  	[sflag:s10] =	ssyncset.done $0x0  }
0x15f: {  	s1 =	rddreg [dreg:$0x1d];
	[sflag:s10] =	ssyncadd.s32 $0xFFFFC000  }
0x160: {  	[hbm4b:s1+s2] =	stream.linear.scatter [tilespmem:s20], [sflag:$0x2], $0x4000, $0x38;
	[tilespmem:$0x8080] =	vst v63  }
0x161: {  	_ =	swait.ge [sflag:s10], $0x4000  }
0x162: {  	[sflag:s10] =	ssyncset.done $0x0  }
0x163: {  	[sflag:s10] =	ssyncadd.s32 $0xFFFFC000  }
0x164: {  	[tilespmem:s20], [sflag:$0x2] =	stream.linear.gather [hbm4b:s31+s2], $0x4000, $0x38;
	[tilespmem:$0x8080] =	vst v63  }
0x165: {  	_ =	swait.ge [sflag:s10], $0x4000  }
0x166: {  	[sflag:s10] =	ssyncset.done $0x0  }
0x167: {  	[sflag:s10] =	ssyncadd.s32 $0xFFFFC000  }
0x168: {  	[hbm4b:s30+s2] =	stream.linear.scatter [tilespmem:s20], [sflag:$0x2], $0x4000, $0x38;
	[tilespmem:$0x8080] =	vst v63  }
0x169: {  	_ =	swait.ge [sflag:s10], $0x4000  }
0x16a: {  	[sflag:s10] =	ssyncset.done $0x0  }
0x16b: {  	[sflag:s10] =	ssyncadd.s32 $0xFFFFC000  }
0x16c: {  	[tilespmem:s20], [sflag:$0x2] =	stream.linear.gather [hbm4b:s29+s2], $0x4000, $0x38;
	[tilespmem:$0x8080] =	vst v63  }
0x16d: {  	_ =	swait.ge [sflag:s10], $0x4000  }
0x16e: {  	[sflag:s10] =	ssyncset.done $0x0  }
0x16f: {  	[sflag:s10] =	ssyncadd.s32 $0xFFFFC000  }
0x170: {  	[hbm4b:s28+s2] =	stream.linear.scatter [tilespmem:s20], [sflag:$0x2], $0x4000, $0x38;
	[tilespmem:$0x8080] =	vst v63  }
0x171: {  	_ =	swait.ge [sflag:s10], $0x4000  }
0x172: {  	[sflag:s10] =	ssyncset.done $0x0  }
0x173: {  	[sflag:s10] =	ssyncadd.s32 $0xFFFFC000  }
0x174: {  	[tilespmem:s20], [sflag:$0x2] =	stream.linear.gather [hbm4b:s26+s2], $0x4000, $0x38;
	[tilespmem:$0x8080] =	vst v63  }
0x175: {  	_ =	swait.ge [sflag:s10], $0x4000  }
0x176: {  	[sflag:s10] =	ssyncset.done $0x0  }
0x177: {  	[sflag:s10] =	ssyncadd.s32 $0xFFFFC000  }
0x178: {  	[hbm4b:s25+s2] =	stream.linear.scatter [tilespmem:s20], [sflag:$0x2], $0x4000, $0x38;
	[tilespmem:$0x8080] =	vst v63  }
0x179: {  	_ =	swait.ge [sflag:s10], $0x4000  }
0x17a: {  	[sflag:s10] =	ssyncset.done $0x0  }
0x17b: {  	[sflag:s10] =	ssyncadd.s32 $0xFFFFC000  }
0x17c: {  	[tilespmem:s20], [sflag:$0x2] =	stream.linear.gather [hbm4b:s24+s2], $0x4000, $0x38;
	[tilespmem:$0x8080] =	vst v63  }
0x17d: {  	_ =	swait.ge [sflag:s10], $0x4000  }
0x17e: {  	[sflag:s10] =	ssyncset.done $0x0  }
0x17f: {  	[sflag:s10] =	ssyncadd.s32 $0xFFFFC000  }
0x180: {  	[hbm4b:s23+s2] =	stream.linear.scatter [tilespmem:s20], [sflag:$0x2], $0x4000, $0x38;
	[tilespmem:$0x8080] =	vst v63  }
0x181: {  	_ =	swait.ge [sflag:s10], $0x4000  }
0x182: {  	[sflag:s10] =	ssyncset.done $0x0  }
0x183: {  	[sflag:s10] =	ssyncadd.s32 $0xFFFFC000  }
0x184: {  	[tilespmem:s20], [sflag:$0x2] =	stream.linear.gather [hbm4b:s22+s2], $0x4000, $0x38;
	[tilespmem:$0x8080] =	vst v63  }
0x185: {  	_ =	swait.ge [sflag:s10], $0x4000  }
0x186: {  	[sflag:s10] =	ssyncset.done $0x0  }
0x187: {  	[sflag:s10] =	ssyncadd.s32 $0xFFFFC000  }
0x188: {  	[hbm4b:s21+s2] =	stream.linear.scatter [tilespmem:s20], [sflag:$0x2], $0x4000, $0x38;
	[tilespmem:$0x8080] =	vst v63  }
0x189: {  	_ =	swait.ge [sflag:s10], $0x4000  }
0x18a: {  	[sflag:s10] =	ssyncset.done $0x0  }
0x18b: {  	[sflag:s10] =	ssyncadd.s32 $0xFFFFC000  }
0x18c: {  	[tilespmem:s20], [sflag:$0x2] =	stream.linear.gather [hbm4b:s19+s2], $0x4000, $0x38;
	[tilespmem:$0x8080] =	vst v63  }
0x18d: {  	_ =	swait.ge [sflag:s10], $0x4000  }
0x18e: {  	[sflag:s10] =	ssyncset.done $0x0  }
0x18f: {  	[sflag:s10] =	ssyncadd.s32 $0xFFFFC000  }
0x190: {  	[hbm4b:s18+s2] =	stream.linear.scatter [tilespmem:s20], [sflag:$0x2], $0x4000, $0x38;
	[tilespmem:$0x8080] =	vst v63  }
0x191: {  	_ =	swait.ge [sflag:s10], $0x4000  }
0x192: {  	[sflag:s10] =	ssyncset.done $0x0  }
0x193: {  	[sflag:s10] =	ssyncadd.s32 $0xFFFFC000  }
0x194: {  	[tilespmem:s20], [sflag:$0x2] =	stream.linear.gather [hbm4b:s17+s2], $0x4000, $0x38;
	[tilespmem:$0x8080] =	vst v63  }
0x195: {  	_ =	swait.ge [sflag:s10], $0x4000  }
0x196: {  	[sflag:s10] =	ssyncset.done $0x0  }
0x197: {  	[sflag:s10] =	ssyncadd.s32 $0xFFFFC000  }
0x198: {  	[hbm4b:s16+s2] =	stream.linear.scatter [tilespmem:s20], [sflag:$0x2], $0x4000, $0x38;
	[tilespmem:$0x8080] =	vst v63  }
0x199: {  	_ =	swait.ge [sflag:s10], $0x4000  }
0x19a: {  	[sflag:s10] =	ssyncset.done $0x0  }
0x19b: {  	[sflag:s10] =	ssyncadd.s32 $0xFFFFC000  }
0x19c: {  	[bflag:$0x0] =	sbarrier.arrive $0xFFFF  }
0x19d: {  	[tilespmem:s2], [sflag:$0x2] =	stream.linear.gather [hbm4b:s13+s2], $0x80, $0x38;
	[tilespmem:$0x8080] =	vst v63  }
0x19e: {  	_ =	swait.ge [sflag:s10], $0x80  }
0x19f: {  	[sflag:s10] =	ssyncset.done $0x0  }
0x1a0: {  	[sflag:s10] =	ssyncadd.s32 $0xFFFFFF80  }
0x1a1: {  	[tilespmem:s11], [sflag:$0x2] =	stream.linear.gather [hbm4b:s15+s2], $0x4000, $0x38;
	[tilespmem:$0x8080] =	vst v63  }
0x1a2: {  	_ =	swait.ge [sflag:s10], $0x4000  }
0x1a3: {  	[sflag:s10] =	ssyncset.done $0x0  }
0x1a4: {  	[sflag:s10] =	ssyncadd.s32 $0xFFFFC000  }
0x1a5: {  	[hbm4b:s3+s11] =	stream.indirect.scatter [tilespmem:s11], [sflag:$0x1], $0x80, s2, s11, $0xb8;
	[tilespmem:$0x8080] =	vst v63  }
0x1a6: {  	_ =	swait.ge [sflag:s9], $0x4000  }
0x1a7: {  	[sflag:s9] =	ssyncset.done $0x0  }
0x1a8: {  	[sflag:s9] =	ssyncadd.s32 $0xFFFFC000  }
0x1a9: {  	[tilespmem:s2], [sflag:$0x2] =	stream.linear.gather [hbm4b:s13+s2], $0x80, $0x38;
	[tilespmem:$0x8080] =	vst v63  }
0x1aa: {  	_ =	swait.ge [sflag:s10], $0x80  }
0x1ab: {  	[sflag:s10] =	ssyncset.done $0x0  }
0x1ac: {  	[sflag:s10] =	ssyncadd.s32 $0xFFFFFF80  }
0x1ad: {  	[tilespmem:s11], [sflag:$0x2] =	stream.linear.gather [hbm4b:s14+s2], $0x4000, $0x38;
	[tilespmem:$0x8080] =	vst v63  }
0x1ae: {  	_ =	swait.ge [sflag:s10], $0x4000  }
0x1af: {  	[sflag:s10] =	ssyncset.done $0x0  }
0x1b0: {  	[sflag:s10] =	ssyncadd.s32 $0xFFFFC000  }
0x1b1: {  	[hbm4b:s4+s11] =	stream.indirect.scatter [tilespmem:s11], [sflag:$0x1], $0x80, s2, s11, $0xb8;
	[tilespmem:$0x8080] =	vst v63  }
0x1b2: {  	_ =	swait.ge [sflag:s9], $0x4000  }
0x1b3: {  	[sflag:s9] =	ssyncset.done $0x0  }
0x1b4: {  	[sflag:s9] =	ssyncadd.s32 $0xFFFFC000  }
0x1b5: {  	[tilespmem:s2], [sflag:$0x2] =	stream.linear.gather [hbm4b:s7+s2], $0x80, $0x38;
	[tilespmem:$0x8080] =	vst v63  }
0x1b6: {  	_ =	swait.ge [sflag:s10], $0x80  }
0x1b7: {  	[sflag:s10] =	ssyncset.done $0x0  }
0x1b8: {  	[sflag:s10] =	ssyncadd.s32 $0xFFFFFF80  }
0x1b9: {  	[tilespmem:s11], [sflag:$0x2] =	stream.linear.gather [hbm4b:s12+s2], $0x4000, $0x38;
	[tilespmem:$0x8080] =	vst v63  }
0x1ba: {  	_ =	swait.ge [sflag:s10], $0x4000  }
0x1bb: {  	[sflag:s10] =	ssyncset.done $0x0  }
0x1bc: {  	[sflag:s10] =	ssyncadd.s32 $0xFFFFC000  }
0x1bd: {  	[hbm4b:s6+s11] =	stream.indirect.scatter [tilespmem:s11], [sflag:$0x1], $0x80, s2, s11, $0xb8;
	[tilespmem:$0x8080] =	vst v63  }
0x1be: {  	_ =	swait.ge [sflag:s9], $0x4000  }
0x1bf: {  	[sflag:s9] =	ssyncset.done $0x0  }
0x1c0: {  	[sflag:s9] =	ssyncadd.s32 $0xFFFFC000  }
0x1c1: {  	[tilespmem:s2], [sflag:$0x2] =	stream.linear.gather [hbm4b:s7+s2], $0x80, $0x38;
	[tilespmem:$0x8080] =	vst v63  }
0x1c2: {  	_ =	swait.ge [sflag:s10], $0x80  }
0x1c3: {  	[sflag:s10] =	ssyncset.done $0x0  }
0x1c4: {  	[sflag:s10] =	ssyncadd.s32 $0xFFFFFF80  }
0x1c5: {  	[tilespmem:s11], [sflag:$0x2] =	stream.linear.gather [hbm4b:s8+s2], $0x4000, $0x38;
	[tilespmem:$0x8080] =	vst v63  }
0x1c6: {  	p1 =	sne.s32 s0, $0x1;
	_ =	swait.ge [sflag:s10], $0x4000  }
.Ltmp2:
0x1c7: {  	[sflag:s10] =	ssyncset.done $0x0;
	(pc) =	sbr.rel @p1 .LBB2_2-.Ltmp2, $4  }
0x1c8: {  	[sflag:s10] =	ssyncadd.s32 $0xFFFFC000  }
0x1c9: {  	[hbm4b:s5+s11] =	stream.indirect.scatter [tilespmem:s11], [sflag:$0x1], $0x80, s2, s11, $0xb8;
	[tilespmem:$0x8080] =	vst v63  }
0x1ca: {  	_ =	swait.ge [sflag:s9], $0x4000  }
0x1cb: {  	s0 =	sadd.s32 $0xFFFFFFFF, s0;
	s1 =	rddreg [dreg:$0x4];
	[sflag:s9] =	ssyncset.done $0x0  }
.LBB2_3:
0x1cc: {  	[sflag:s9] =	ssyncadd.s32 @p0 $0xFFFFC000  }
0x1cd: {  	[tilespmem:s20], [sflag:$0x2] =	stream.linear.gather [hbm4b:s1+s2], $0x4000, $0x38;
	[tilespmem:$0x8080] =	vst v63  }
0x1ce: {  	_ =	swait.ge [sflag:s10], $0x4000  }
0x1cf: {  	[sflag:s10] =	ssyncset.done $0x0  }
0x1d0: {  	s0 =	rddreg [dreg:$0x5];
	[sflag:s10] =	ssyncadd.s32 $0xFFFFC000  }
0x1d1: {  	[hbm4b:s0+s2] =	stream.linear.scatter [tilespmem:s20], [sflag:$0x2], $0x4000, $0x38;
	[tilespmem:$0x8080] =	vst v63  }
0x1d2: {  	_ =	swait.ge [sflag:s10], $0x4000  }
0x1d3: {  	[sflag:s10] =	ssyncset.done $0x0  }
0x1d4: {  	s1 =	rddreg [dreg:$0x6];
	[sflag:s10] =	ssyncadd.s32 $0xFFFFC000  }
0x1d5: {  	[tilespmem:s20], [sflag:$0x2] =	stream.linear.gather [hbm4b:s1+s2], $0x4000, $0x38;
	[tilespmem:$0x8080] =	vst v63  }
0x1d6: {  	_ =	swait.ge [sflag:s10], $0x4000  }
0x1d7: {  	[sflag:s10] =	ssyncset.done $0x0  }
0x1d8: {  	s1 =	rddreg [dreg:$0x7];
	[sflag:s10] =	ssyncadd.s32 $0xFFFFC000  }
0x1d9: {  	[hbm4b:s1+s2] =	stream.linear.scatter [tilespmem:s20], [sflag:$0x2], $0x4000, $0x38;
	[tilespmem:$0x8080] =	vst v63  }
0x1da: {  	_ =	swait.ge [sflag:s10], $0x4000  }
0x1db: {  	[sflag:s10] =	ssyncset.done $0x0  }
0x1dc: {  	s1 =	rddreg [dreg:$0x8];
	[sflag:s10] =	ssyncadd.s32 $0xFFFFC000  }
0x1dd: {  	[tilespmem:s20], [sflag:$0x2] =	stream.linear.gather [hbm4b:s1+s2], $0x4000, $0x38;
	[tilespmem:$0x8080] =	vst v63  }
0x1de: {  	_ =	swait.ge [sflag:s10], $0x4000  }
0x1df: {  	[sflag:s10] =	ssyncset.done $0x0  }
0x1e0: {  	s1 =	rddreg [dreg:$0x9];
	[sflag:s10] =	ssyncadd.s32 $0xFFFFC000  }
0x1e1: {  	[hbm4b:s1+s2] =	stream.linear.scatter [tilespmem:s20], [sflag:$0x2], $0x4000, $0x38;
	[tilespmem:$0x8080] =	vst v63  }
0x1e2: {  	_ =	swait.ge [sflag:s10], $0x4000  }
0x1e3: {  	[sflag:s10] =	ssyncset.done $0x0  }
0x1e4: {  	s1 =	rddreg [dreg:$0xa];
	[sflag:s10] =	ssyncadd.s32 $0xFFFFC000  }
0x1e5: {  	[tilespmem:s20], [sflag:$0x2] =	stream.linear.gather [hbm4b:s1+s2], $0x4000, $0x38;
	[tilespmem:$0x8080] =	vst v63  }
0x1e6: {  	_ =	swait.ge [sflag:s10], $0x4000  }
0x1e7: {  	[sflag:s10] =	ssyncset.done $0x0  }
0x1e8: {  	s1 =	rddreg [dreg:$0xb];
	[sflag:s10] =	ssyncadd.s32 $0xFFFFC000  }
0x1e9: {  	[hbm4b:s1+s2] =	stream.linear.scatter [tilespmem:s20], [sflag:$0x2], $0x4000, $0x38;
	[tilespmem:$0x8080] =	vst v63  }
0x1ea: {  	_ =	swait.ge [sflag:s10], $0x4000  }
0x1eb: {  	[sflag:s10] =	ssyncset.done $0x0  }
0x1ec: {  	s1 =	rddreg [dreg:$0xc];
	[sflag:s10] =	ssyncadd.s32 $0xFFFFC000  }
0x1ed: {  	[tilespmem:s20], [sflag:$0x2] =	stream.linear.gather [hbm4b:s1+s2], $0x4000, $0x38;
	[tilespmem:$0x8080] =	vst v63  }
0x1ee: {  	_ =	swait.ge [sflag:s10], $0x4000  }
0x1ef: {  	[sflag:s10] =	ssyncset.done $0x0  }
0x1f0: {  	s1 =	rddreg [dreg:$0xd];
	[sflag:s10] =	ssyncadd.s32 $0xFFFFC000  }
0x1f1: {  	[hbm4b:s1+s2] =	stream.linear.scatter [tilespmem:s20], [sflag:$0x2], $0x4000, $0x38;
	[tilespmem:$0x8080] =	vst v63  }
0x1f2: {  	_ =	swait.ge [sflag:s10], $0x4000  }
0x1f3: {  	[sflag:s10] =	ssyncset.done $0x0  }
0x1f4: {  	s1 =	rddreg [dreg:$0xe];
	[sflag:s10] =	ssyncadd.s32 $0xFFFFC000  }
0x1f5: {  	[tilespmem:s20], [sflag:$0x2] =	stream.linear.gather [hbm4b:s1+s2], $0x4000, $0x38;
	[tilespmem:$0x8080] =	vst v63  }
0x1f6: {  	_ =	swait.ge [sflag:s10], $0x4000  }
0x1f7: {  	[sflag:s10] =	ssyncset.done $0x0  }
0x1f8: {  	s1 =	rddreg [dreg:$0xf];
	[sflag:s10] =	ssyncadd.s32 $0xFFFFC000  }
0x1f9: {  	[hbm4b:s1+s2] =	stream.linear.scatter [tilespmem:s20], [sflag:$0x2], $0x4000, $0x38;
	[tilespmem:$0x8080] =	vst v63  }
0x1fa: {  	_ =	swait.ge [sflag:s10], $0x4000  }
0x1fb: {  	[sflag:s10] =	ssyncset.done $0x0  }
0x1fc: {  	s1 =	rddreg [dreg:$0x10];
	[sflag:s10] =	ssyncadd.s32 $0xFFFFC000  }
0x1fd: {  	[tilespmem:s20], [sflag:$0x2] =	stream.linear.gather [hbm4b:s1+s2], $0x4000, $0x38;
	[tilespmem:$0x8080] =	vst v63  }
0x1fe: {  	_ =	swait.ge [sflag:s10], $0x4000  }
0x1ff: {  	[sflag:s10] =	ssyncset.done $0x0  }
0x200: {  	s1 =	rddreg [dreg:$0x11];
	[sflag:s10] =	ssyncadd.s32 $0xFFFFC000  }
0x201: {  	[hbm4b:s1+s2] =	stream.linear.scatter [tilespmem:s20], [sflag:$0x2], $0x4000, $0x38;
	[tilespmem:$0x8080] =	vst v63  }
0x202: {  	_ =	swait.ge [sflag:s10], $0x4000  }
0x203: {  	[sflag:s10] =	ssyncset.done $0x0  }
0x204: {  	s1 =	rddreg [dreg:$0x12];
	[sflag:s10] =	ssyncadd.s32 $0xFFFFC000  }
0x205: {  	[tilespmem:s20], [sflag:$0x2] =	stream.linear.gather [hbm4b:s1+s2], $0x4000, $0x38;
	[tilespmem:$0x8080] =	vst v63  }
0x206: {  	_ =	swait.ge [sflag:s10], $0x4000  }
0x207: {  	[sflag:s10] =	ssyncset.done $0x0  }
0x208: {  	s1 =	rddreg [dreg:$0x13];
	[sflag:s10] =	ssyncadd.s32 $0xFFFFC000  }
0x209: {  	[hbm4b:s1+s2] =	stream.linear.scatter [tilespmem:s20], [sflag:$0x2], $0x4000, $0x38;
	[tilespmem:$0x8080] =	vst v63  }
0x20a: {  	_ =	swait.ge [sflag:s10], $0x4000  }
0x20b: {  	[sflag:s10] =	ssyncset.done $0x0  }
0x20c: {  	s1 =	rddreg [dreg:$0x14];
	[sflag:s10] =	ssyncadd.s32 $0xFFFFC000  }
0x20d: {  	[tilespmem:s20], [sflag:$0x2] =	stream.linear.gather [hbm4b:s1+s2], $0x4000, $0x38;
	[tilespmem:$0x8080] =	vst v63  }
0x20e: {  	_ =	swait.ge [sflag:s10], $0x4000  }
0x20f: {  	[sflag:s10] =	ssyncset.done $0x0  }
0x210: {  	s1 =	rddreg [dreg:$0x15];
	[sflag:s10] =	ssyncadd.s32 $0xFFFFC000  }
0x211: {  	[hbm4b:s1+s2] =	stream.linear.scatter [tilespmem:s20], [sflag:$0x2], $0x4000, $0x38;
	[tilespmem:$0x8080] =	vst v63  }
0x212: {  	_ =	swait.ge [sflag:s10], $0x4000  }
0x213: {  	[sflag:s10] =	ssyncset.done $0x0  }
0x214: {  	s1 =	rddreg [dreg:$0x16];
	[sflag:s10] =	ssyncadd.s32 $0xFFFFC000  }
0x215: {  	[tilespmem:s20], [sflag:$0x2] =	stream.linear.gather [hbm4b:s1+s2], $0x4000, $0x38;
	[tilespmem:$0x8080] =	vst v63  }
0x216: {  	_ =	swait.ge [sflag:s10], $0x4000  }
0x217: {  	[sflag:s10] =	ssyncset.done $0x0  }
0x218: {  	s1 =	rddreg [dreg:$0x17];
	[sflag:s10] =	ssyncadd.s32 $0xFFFFC000  }
0x219: {  	[hbm4b:s1+s2] =	stream.linear.scatter [tilespmem:s20], [sflag:$0x2], $0x4000, $0x38;
	[tilespmem:$0x8080] =	vst v63  }
0x21a: {  	_ =	swait.ge [sflag:s10], $0x4000  }
0x21b: {  	[sflag:s10] =	ssyncset.done $0x0  }
0x21c: {  	s1 =	rddreg [dreg:$0x18];
	[sflag:s10] =	ssyncadd.s32 $0xFFFFC000  }
0x21d: {  	[tilespmem:s20], [sflag:$0x2] =	stream.linear.gather [hbm4b:s1+s2], $0x4000, $0x38;
	[tilespmem:$0x8080] =	vst v63  }
0x21e: {  	_ =	swait.ge [sflag:s10], $0x4000  }
0x21f: {  	[sflag:s10] =	ssyncset.done $0x0  }
0x220: {  	s1 =	rddreg [dreg:$0x19];
	[sflag:s10] =	ssyncadd.s32 $0xFFFFC000  }
0x221: {  	[hbm4b:s1+s2] =	stream.linear.scatter [tilespmem:s20], [sflag:$0x2], $0x4000, $0x38;
	[tilespmem:$0x8080] =	vst v63  }
0x222: {  	_ =	swait.ge [sflag:s10], $0x4000  }
0x223: {  	[sflag:s10] =	ssyncset.done $0x0  }
0x224: {  	s1 =	rddreg [dreg:$0x1a];
	[sflag:s10] =	ssyncadd.s32 $0xFFFFC000  }
0x225: {  	[tilespmem:s20], [sflag:$0x2] =	stream.linear.gather [hbm4b:s1+s2], $0x4000, $0x38;
	[tilespmem:$0x8080] =	vst v63  }
0x226: {  	_ =	swait.ge [sflag:s10], $0x4000  }
0x227: {  	[sflag:s10] =	ssyncset.done $0x0  }
0x228: {  	s1 =	rddreg [dreg:$0x1b];
	[sflag:s10] =	ssyncadd.s32 $0xFFFFC000  }
0x229: {  	[hbm4b:s1+s2] =	stream.linear.scatter [tilespmem:s20], [sflag:$0x2], $0x4000, $0x38;
	[tilespmem:$0x8080] =	vst v63  }
0x22a: {  	_ =	swait.ge [sflag:s10], $0x4000  }
0x22b: {  	[sflag:s10] =	ssyncset.done $0x0  }
0x22c: {  	s1 =	rddreg [dreg:$0x1c];
	[sflag:s10] =	ssyncadd.s32 $0xFFFFC000  }
0x22d: {  	[tilespmem:s20], [sflag:$0x2] =	stream.linear.gather [hbm4b:s1+s2], $0x4000, $0x38;
	[tilespmem:$0x8080] =	vst v63  }
0x22e: {  	_ =	swait.ge [sflag:s10], $0x4000  }
0x22f: {  	[sflag:s10] =	ssyncset.done $0x0  }
0x230: {  	s1 =	rddreg [dreg:$0x1d];
	[sflag:s10] =	ssyncadd.s32 $0xFFFFC000  }
0x231: {  	[hbm4b:s1+s2] =	stream.linear.scatter [tilespmem:s20], [sflag:$0x2], $0x4000, $0x38;
	[tilespmem:$0x8080] =	vst v63  }
0x232: {  	_ =	swait.ge [sflag:s10], $0x4000  }
0x233: {  	[sflag:s10] =	ssyncset.done $0x0  }
0x234: {  	[sflag:s10] =	ssyncadd.s32 $0xFFFFC000  }
0x235: {  	[tilespmem:s20], [sflag:$0x2] =	stream.linear.gather [hbm4b:s31+s2], $0x4000, $0x38;
	[tilespmem:$0x8080] =	vst v63  }
0x236: {  	_ =	swait.ge [sflag:s10], $0x4000  }
0x237: {  	[sflag:s10] =	ssyncset.done $0x0  }
0x238: {  	[sflag:s10] =	ssyncadd.s32 $0xFFFFC000  }
0x239: {  	[hbm4b:s30+s2] =	stream.linear.scatter [tilespmem:s20], [sflag:$0x2], $0x4000, $0x38;
	[tilespmem:$0x8080] =	vst v63  }
0x23a: {  	_ =	swait.ge [sflag:s10], $0x4000  }
0x23b: {  	[sflag:s10] =	ssyncset.done $0x0  }
0x23c: {  	[sflag:s10] =	ssyncadd.s32 $0xFFFFC000  }
0x23d: {  	[tilespmem:s20], [sflag:$0x2] =	stream.linear.gather [hbm4b:s29+s2], $0x4000, $0x38;
	[tilespmem:$0x8080] =	vst v63  }
0x23e: {  	_ =	swait.ge [sflag:s10], $0x4000  }
0x23f: {  	[sflag:s10] =	ssyncset.done $0x0  }
0x240: {  	[sflag:s10] =	ssyncadd.s32 $0xFFFFC000  }
0x241: {  	[hbm4b:s28+s2] =	stream.linear.scatter [tilespmem:s20], [sflag:$0x2], $0x4000, $0x38;
	[tilespmem:$0x8080] =	vst v63  }
0x242: {  	_ =	swait.ge [sflag:s10], $0x4000  }
0x243: {  	[sflag:s10] =	ssyncset.done $0x0  }
0x244: {  	[sflag:s10] =	ssyncadd.s32 $0xFFFFC000  }
0x245: {  	[tilespmem:s20], [sflag:$0x2] =	stream.linear.gather [hbm4b:s26+s2], $0x4000, $0x38;
	[tilespmem:$0x8080] =	vst v63  }
0x246: {  	_ =	swait.ge [sflag:s10], $0x4000  }
0x247: {  	[sflag:s10] =	ssyncset.done $0x0  }
0x248: {  	[sflag:s10] =	ssyncadd.s32 $0xFFFFC000  }
0x249: {  	[hbm4b:s25+s2] =	stream.linear.scatter [tilespmem:s20], [sflag:$0x2], $0x4000, $0x38;
	[tilespmem:$0x8080] =	vst v63  }
0x24a: {  	_ =	swait.ge [sflag:s10], $0x4000  }
0x24b: {  	[sflag:s10] =	ssyncset.done $0x0  }
0x24c: {  	[sflag:s10] =	ssyncadd.s32 $0xFFFFC000  }
0x24d: {  	[tilespmem:s20], [sflag:$0x2] =	stream.linear.gather [hbm4b:s24+s2], $0x4000, $0x38;
	[tilespmem:$0x8080] =	vst v63  }
0x24e: {  	_ =	swait.ge [sflag:s10], $0x4000  }
0x24f: {  	[sflag:s10] =	ssyncset.done $0x0  }
0x250: {  	[sflag:s10] =	ssyncadd.s32 $0xFFFFC000  }
0x251: {  	[hbm4b:s23+s2] =	stream.linear.scatter [tilespmem:s20], [sflag:$0x2], $0x4000, $0x38;
	[tilespmem:$0x8080] =	vst v63  }
0x252: {  	_ =	swait.ge [sflag:s10], $0x4000  }
0x253: {  	[sflag:s10] =	ssyncset.done $0x0  }
0x254: {  	[sflag:s10] =	ssyncadd.s32 $0xFFFFC000  }
0x255: {  	[tilespmem:s20], [sflag:$0x2] =	stream.linear.gather [hbm4b:s22+s2], $0x4000, $0x38;
	[tilespmem:$0x8080] =	vst v63  }
0x256: {  	_ =	swait.ge [sflag:s10], $0x4000  }
0x257: {  	[sflag:s10] =	ssyncset.done $0x0  }
0x258: {  	[sflag:s10] =	ssyncadd.s32 $0xFFFFC000  }
0x259: {  	[hbm4b:s21+s2] =	stream.linear.scatter [tilespmem:s20], [sflag:$0x2], $0x4000, $0x38;
	[tilespmem:$0x8080] =	vst v63  }
0x25a: {  	_ =	swait.ge [sflag:s10], $0x4000  }
0x25b: {  	[sflag:s10] =	ssyncset.done $0x0  }
0x25c: {  	[sflag:s10] =	ssyncadd.s32 $0xFFFFC000  }
0x25d: {  	[tilespmem:s20], [sflag:$0x2] =	stream.linear.gather [hbm4b:s19+s2], $0x4000, $0x38;
	[tilespmem:$0x8080] =	vst v63  }
0x25e: {  	_ =	swait.ge [sflag:s10], $0x4000  }
0x25f: {  	[sflag:s10] =	ssyncset.done $0x0  }
0x260: {  	[sflag:s10] =	ssyncadd.s32 $0xFFFFC000  }
0x261: {  	[hbm4b:s18+s2] =	stream.linear.scatter [tilespmem:s20], [sflag:$0x2], $0x4000, $0x38;
	[tilespmem:$0x8080] =	vst v63  }
0x262: {  	_ =	swait.ge [sflag:s10], $0x4000  }
0x263: {  	[sflag:s10] =	ssyncset.done $0x0  }
0x264: {  	[sflag:s10] =	ssyncadd.s32 $0xFFFFC000  }
0x265: {  	[tilespmem:s20], [sflag:$0x2] =	stream.linear.gather [hbm4b:s17+s2], $0x4000, $0x38;
	[tilespmem:$0x8080] =	vst v63  }
0x266: {  	_ =	swait.ge [sflag:s10], $0x4000  }
0x267: {  	[sflag:s10] =	ssyncset.done $0x0  }
0x268: {  	[sflag:s10] =	ssyncadd.s32 $0xFFFFC000  }
0x269: {  	[hbm4b:s16+s2] =	stream.linear.scatter [tilespmem:s20], [sflag:$0x2], $0x4000, $0x38;
	[tilespmem:$0x8080] =	vst v63  }
0x26a: {  	_ =	swait.ge [sflag:s10], $0x4000  }
0x26b: {  	[sflag:s10] =	ssyncset.done $0x0  }
0x26c: {  	[sflag:s10] =	ssyncadd.s32 $0xFFFFC000  }
0x26d: {  	[bflag:$0x0] =	sbarrier.arrive $0xFFFF  }
0x26e: {  	[tilespmem:s2], [sflag:$0x2] =	stream.linear.gather [hbm4b:s13+s2], $0x80, $0x38;
	[tilespmem:$0x8080] =	vst v63  }
0x26f: {  	_ =	swait.ge [sflag:s10], $0x80  }
0x270: {  	[sflag:s10] =	ssyncset.done $0x0  }
0x271: {  	[sflag:s10] =	ssyncadd.s32 $0xFFFFFF80  }
0x272: {  	[tilespmem:s11], [sflag:$0x2] =	stream.linear.gather [hbm4b:s15+s2], $0x4000, $0x38;
	[tilespmem:$0x8080] =	vst v63  }
0x273: {  	_ =	swait.ge [sflag:s10], $0x4000  }
0x274: {  	[sflag:s10] =	ssyncset.done $0x0  }
0x275: {  	[sflag:s10] =	ssyncadd.s32 $0xFFFFC000  }
0x276: {  	[hbm4b:s3+s11] =	stream.indirect.scatter [tilespmem:s11], [sflag:$0x1], $0x80, s2, s11, $0xb8;
	[tilespmem:$0x8080] =	vst v63  }
0x277: {  	_ =	swait.ge [sflag:s9], $0x4000  }
0x278: {  	[sflag:s9] =	ssyncset.done $0x0  }
0x279: {  	[sflag:s9] =	ssyncadd.s32 $0xFFFFC000  }
0x27a: {  	[tilespmem:s2], [sflag:$0x2] =	stream.linear.gather [hbm4b:s13+s2], $0x80, $0x38;
	[tilespmem:$0x8080] =	vst v63  }
0x27b: {  	_ =	swait.ge [sflag:s10], $0x80  }
0x27c: {  	[sflag:s10] =	ssyncset.done $0x0  }
0x27d: {  	[sflag:s10] =	ssyncadd.s32 $0xFFFFFF80  }
0x27e: {  	[tilespmem:s11], [sflag:$0x2] =	stream.linear.gather [hbm4b:s14+s2], $0x4000, $0x38;
	[tilespmem:$0x8080] =	vst v63  }
0x27f: {  	_ =	swait.ge [sflag:s10], $0x4000  }
0x280: {  	[sflag:s10] =	ssyncset.done $0x0  }
0x281: {  	[sflag:s10] =	ssyncadd.s32 $0xFFFFC000  }
0x282: {  	[hbm4b:s4+s11] =	stream.indirect.scatter [tilespmem:s11], [sflag:$0x1], $0x80, s2, s11, $0xb8;
	[tilespmem:$0x8080] =	vst v63  }
0x283: {  	_ =	swait.ge [sflag:s9], $0x4000  }
0x284: {  	[sflag:s9] =	ssyncset.done $0x0  }
0x285: {  	[sflag:s9] =	ssyncadd.s32 $0xFFFFC000  }
0x286: {  	[tilespmem:s2], [sflag:$0x2] =	stream.linear.gather [hbm4b:s7+s2], $0x80, $0x38;
	[tilespmem:$0x8080] =	vst v63  }
0x287: {  	_ =	swait.ge [sflag:s10], $0x80  }
0x288: {  	[sflag:s10] =	ssyncset.done $0x0  }
0x289: {  	[sflag:s10] =	ssyncadd.s32 $0xFFFFFF80  }
0x28a: {  	[tilespmem:s11], [sflag:$0x2] =	stream.linear.gather [hbm4b:s12+s2], $0x4000, $0x38;
	[tilespmem:$0x8080] =	vst v63  }
0x28b: {  	_ =	swait.ge [sflag:s10], $0x4000  }
0x28c: {  	[sflag:s10] =	ssyncset.done $0x0  }
0x28d: {  	[sflag:s10] =	ssyncadd.s32 $0xFFFFC000  }
0x28e: {  	[hbm4b:s6+s11] =	stream.indirect.scatter [tilespmem:s11], [sflag:$0x1], $0x80, s2, s11, $0xb8;
	[tilespmem:$0x8080] =	vst v63  }
0x28f: {  	_ =	swait.ge [sflag:s9], $0x4000  }
0x290: {  	[sflag:s9] =	ssyncset.done $0x0  }
0x291: {  	[sflag:s9] =	ssyncadd.s32 $0xFFFFC000  }
0x292: {  	[tilespmem:s2], [sflag:$0x2] =	stream.linear.gather [hbm4b:s7+s2], $0x80, $0x38;
	[tilespmem:$0x8080] =	vst v63  }
0x293: {  	_ =	swait.ge [sflag:s10], $0x80  }
0x294: {  	[sflag:s10] =	ssyncset.done $0x0  }
0x295: {  	[sflag:s10] =	ssyncadd.s32 $0xFFFFFF80  }
0x296: {  	[tilespmem:s11], [sflag:$0x2] =	stream.linear.gather [hbm4b:s8+s2], $0x4000, $0x38;
	[tilespmem:$0x8080] =	vst v63  }
0x297: {  	_ =	swait.ge [sflag:s10], $0x4000  }
0x298: {  	[sflag:s10] =	ssyncset.done $0x0  }
0x299: {  	[sflag:s10] =	ssyncadd.s32 $0xFFFFC000  }
0x29a: {  	[hbm4b:s5+s11] =	stream.indirect.scatter [tilespmem:s11], [sflag:$0x1], $0x80, s2, s11, $0xb8;
	[tilespmem:$0x8080] =	vst v63  }
0x29b: {  	_ =	swait.ge [sflag:s9], $0x4000  }
0x29c: {  	[sflag:s9] =	ssyncset.done $0x0  }
0x29d: {  	[sflag:s9] =	ssyncadd.s32 $0xFFFFC000  }
0x29e: {  	_ =	sfence.sel $0x180000  }
0x29f: {  	[bflag:$0x0] =	sbarrier.arrive $0xFFFF  }
0x2a0: {  	_ =	strace $0x9000004A  }
0x2a1: {  	s31 =	stileid.u32;
	[bflag:$0x2] =	sbarrier.arrive $0xFFFF  }
0x2a2: {  	p0 =	sne.s32 s31, $0x0;
	s0 =	rddreg [dreg:$0x3]  }
0x2a3: {  	s0 =	sadd.s32 @!p0 $0x100000, s0  }
0x2a4: {  	[sflag:s0] =	ssyncadd.tile.s32 @!p0 $0x1;
	_ =	shalt  }
.Lfunc_end2:
_tile_overlayer_lowered:
.L_overlay_start_2:
0x2a5: {  	(tag) =	ssettag $0x2  }
0x2a6: {  	s0 =	rddreg [dreg:$0x0];
	s2 =	stileid.u32  }
0x2a7: {  	s1 =	rddreg [dreg:$0x1];
	p0 =	sne.s32 s2, $0x0  }
0x2a8: {  	s3 =	rddreg [dreg:$0x2];
	[bflag:$0x3] =	sbarrier.arrive $0xFFFF;
	s2 =	simm.s32 @!p0 $0x1C02  }
0x2a9: {  	[timem:s3], [sflag:s2] =	dma.local @!p0 [hbm:s0], s1  }
0x2aa: {  	s0 =	simm.s32 @!p0 $0x2  }
0x2ab: {  	_ =	swait.ge @!p0 [sflag:s0], s1  }
0x2ac: {  	s1 =	ssub.s32 @!p0 $0x0, s1;
	[sflag:s0] =	ssyncset.done @!p0 $0x0  }
0x2ad: {  	[sflag:s0] =	ssyncadd.s32 @!p0 s1  }
0x2ae: {  	[bflag:$0x3] =	sbarrier.arrive $0xFFFF  }
0x2af: {  	_ =	shalt  }

</sc_bundles>
